<compile_context>
chip_gen: v7x
topology: tpu7x:2x2x1
jax: 0.10.2.dev20260603
libtpu: 0.0.44.dev20260713+nightly
codegen_flags: <defaults>
</compile_context>

<pallas_src>
import functools

import jax
import jax.numpy as jnp
from jax import lax
from jax.experimental import pallas as pl
from jax.experimental.pallas import tpu as pltpu
from jax.experimental.pallas import tpu_sc as plsc

USERS = 1000000
USERS_PAD = 1000064
DIM = 64
B = 16384

NC = 2
NS = 16
NW = NC * NS
LANES = 16

N_SCAN = B // LANES
CHUNK_U = 512
CHUNK_SH = 9
N_CHUNKS = (USERS + CHUNK_U - 1) // CHUNK_U
K_REAL = (N_CHUNKS + NW - 1) // NW
K_MAX = K_REAL + (K_REAL % 2)
LAST_U0 = USERS_PAD - CHUNK_U
CAP = 24
STAGE_CAP = 112
OUT_ROWS = B + 16


@functools.lru_cache(maxsize=1)
def _build():
  mesh = plsc.VectorSubcoreMesh(core_axis_name="c", subcore_axis_name="s")

  @functools.partial(
      pl.kernel,
      mesh=mesh,
      compiler_params=pltpu.CompilerParams(
          use_tc_tiling_on_sc=True, needs_layout_passes=False),
      out_type=jax.ShapeDtypeStruct((OUT_ROWS, 2 * DIM), jnp.float32),
      scratch_types=[
          pltpu.VMEM((B,), jnp.int32),
          pltpu.VMEM((B,), jnp.int32),
          pltpu.VMEM((B,), jnp.int32),
          pltpu.VMEM((K_MAX * CAP + LANES,), jnp.int32),
          pltpu.VMEM((DIM,), jnp.int32),
          pltpu.VMEM((DIM, CHUNK_U), jnp.float32),
          pltpu.VMEM((DIM, CHUNK_U), jnp.float32),
          pltpu.VMEM((STAGE_CAP, 2 * DIM), jnp.float32),
          pltpu.VMEM((STAGE_CAP,), jnp.int32),
          pltpu.SemaphoreType.DMA,
          pltpu.SemaphoreType.DMA,
          pltpu.SemaphoreType.DMA,
      ],
  )
  def gather_kernel(idx_hbm, tab_hbm, out_hbm, xv, b_list, ovf_b, bkt_v,
                    cnt_v, chunk_a, chunk_b, stage_v, bstage_v,
                    sem_a, sem_b, sem_out):
    wid = lax.axis_index("s") * NC + lax.axis_index("c")
    pltpu.sync_copy(idx_hbm, xv)

    lanes = lax.iota(jnp.int32, LANES)
    one_v = jnp.full((LANES,), 1, jnp.int32)
    zero_v = jnp.zeros((LANES,), jnp.int32)
    dump_v = jnp.full((LANES,), B, jnp.int32)
    wid_v = one_v * wid

    def u0_of(k):
      c = jnp.minimum(k * NW + wid, N_CHUNKS - 1)
      return pl.multiple_of(jnp.minimum(c * CHUNK_U, LAST_U0), 128)

    def issue(k, buf, sem):
      @pl.when(k < K_REAL)
      def _():
        pltpu.async_copy(tab_hbm.at[:, pl.ds(u0_of(k), CHUNK_U)], buf, sem)

    issue(jnp.int32(0), chunk_a, sem_a)
    issue(jnp.int32(1), chunk_b, sem_b)

    def scan_grp(g, off_v):
      v_u = xv[pl.ds(g * LANES, LANES)]
      mine = ((v_u >> CHUNK_SH) & (NW - 1)) == wid_v
      mine_i = mine.astype(jnp.int32)
      pos = off_v + plsc.cumsum(mine_i) - mine_i
      plsc.store_scatter(b_list, [pos], g * LANES + lanes, mask=mine)
      return off_v + plsc.all_reduce_population_count(mine)

    np_v = lax.fori_loop(0, N_SCAN, scan_grp, zero_v)
    n_pairs = jnp.max(np_v)
    n_grp = (n_pairs + LANES - 1) // LANES

    for r in range(DIM // LANES):
      cnt_v[pl.ds(r * LANES, LANES)] = zero_v

    def bucket_grp(m, ovf_off_v):
      valid = (m * LANES + lanes) < np_v
      v_b = b_list[pl.ds(m * LANES, LANES)]
      v_u = plsc.load_gather(xv, [v_b], mask=valid)
      k_of = v_u >> (CHUNK_SH + 5)
      for qi in range(LANES):
        m_one = valid & (lanes == qi)
        cnt = plsc.load_gather(cnt_v, [k_of], mask=m_one)
        in_cap = cnt < CAP
        plsc.store_scatter(bkt_v, [k_of * CAP + cnt], v_b,
                           mask=m_one & in_cap)
        plsc.store_scatter(cnt_v, [k_of], cnt + 1, mask=m_one & in_cap)
        spill = m_one & ~in_cap
        plsc.store_scatter(ovf_b, [ovf_off_v], v_b, mask=spill)
        ovf_off_v = ovf_off_v + plsc.all_reduce_population_count(spill)
      return ovf_off_v

    ovf_v = lax.fori_loop(0, n_grp, bucket_grp, zero_v)
    n_ovf = jnp.max(ovf_v)

    for r in range(STAGE_CAP // LANES):
      bstage_v[pl.ds(r * LANES, LANES)] = dump_v

    def extract_grp(v_b, hit, u0_v, off_v, chunk):
      v_u = plsc.load_gather(xv, [v_b], mask=hit)
      hit = hit & (v_u >= u0_v) & (v_u < u0_v + CHUNK_U)
      hit_i = hit.astype(jnp.int32)
      pos = off_v + plsc.cumsum(hit_i) - hit_i
      u_loc = jnp.where(hit, v_u - u0_v, zero_v)
      for q in range(DIM):
        q1_v = one_v * q
        val = plsc.load_gather(chunk, [q1_v, u_loc], mask=hit)
        plsc.store_scatter(stage_v, [pos, q1_v], val, mask=hit)
      plsc.store_scatter(bstage_v, [pos], v_b, mask=hit)
      off2 = off_v + plsc.all_reduce_population_count(hit)
      need_flush = jnp.max(off2) > STAGE_CAP - LANES

      @pl.when(need_flush)
      def _():
        pltpu.async_copy(stage_v, out_hbm.at[bstage_v], sem_out).wait()
        for r in range(STAGE_CAP // LANES):
          bstage_v[pl.ds(r * LANES, LANES)] = dump_v

      return jnp.where(need_flush, zero_v, off2)

    def process(k, off_v, chunk, sem):
      u0 = u0_of(k)

      @pl.when(k < K_REAL)
      def _():
        pltpu.make_async_copy(
            tab_hbm.at[:, pl.ds(u0, CHUNK_U)], chunk, sem).wait()

      u0_v = one_v * u0
      cnt_k = plsc.load_gather(cnt_v, [one_v * k])
      base = k * CAP
      for g in range(2):
        sub = lanes + g * LANES
        hit = sub < jnp.minimum(cnt_k, jnp.full((LANES,), CAP, jnp.int32))
        has = jnp.max(jnp.where(hit, one_v, zero_v)) > 0

        def body(off_in, hit=hit, g=g):
          v_b = bkt_v[pl.ds(base + g * LANES, LANES)]
          return extract_grp(v_b, hit, u0_v, off_in, chunk)

        off_v = lax.cond(has, body, lambda c: c, off_v)
      return off_v

    def kk_body(kk, off_v):
      k0 = kk * 2
      off_v = process(k0, off_v, chunk_a, sem_a)
      issue(k0 + 2, chunk_a, sem_a)
      off_v = process(k0 + 1, off_v, chunk_b, sem_b)
      issue(k0 + 3, chunk_b, sem_b)
      return off_v

    off_v = lax.fori_loop(0, K_MAX // 2, kk_body, zero_v)

    @pl.when(jnp.max(off_v) > 0)
    def _():
      pltpu.async_copy(stage_v, out_hbm.at[bstage_v], sem_out).wait()
      for r in range(STAGE_CAP // LANES):
        bstage_v[pl.ds(r * LANES, LANES)] = dump_v

    @pl.when(n_ovf > 0)
    def _():
      n_og = (n_ovf + LANES - 1) // LANES

      def ovf_chunk(k, off_v):
        u0 = u0_of(k)
        pltpu.async_copy(
            tab_hbm.at[:, pl.ds(u0, CHUNK_U)], chunk_a, sem_a).wait()
        u0_v = one_v * u0

        def ovf_grp(m, off_in):
          valid = (m * LANES + lanes) < ovf_v
          v_b = ovf_b[pl.ds(m * LANES, LANES)]
          return extract_grp(v_b, valid, u0_v, off_in, chunk_a)

        return lax.fori_loop(0, n_og, ovf_grp, off_v)

      off3 = lax.fori_loop(0, K_REAL, ovf_chunk, zero_v)

      @pl.when(jnp.max(off3) > 0)
      def _():
        pltpu.async_copy(stage_v, out_hbm.at[bstage_v], sem_out).wait()

  return gather_kernel


def kernel(x, table):
  xi = x.astype(jnp.int32)
  wide = _build()(xi, table.T)
  return wide[:B, :DIM]

# --- scband reference (transcript-rebuilt; emitter-appended) ---
"""Pipeline reference for scband-user-embedding-18322330485360 (READ-ONLY COPY).

The authoritative reference and input builder live on the scoring server;
editing this copy changes nothing except your own understanding.
"""

import jax, jax.numpy as jnp
import numpy as np

USER_COUNT = 1000000
EMBED_DIM = 64
BATCH = 16384

def setup_inputs(seed: int = 0) -> dict:
    key = jax.random.key(seed)
    k_idx, k_tab = jax.random.split(key)
    x = jax.random.randint(k_idx, (BATCH,), 0, USER_COUNT, dtype=jnp.int64 if jax.config.jax_enable_x64 else jnp.int32)
    # nn.Embedding default init: N(0, 1)
    table = jax.random.normal(k_tab, (USER_COUNT, EMBED_DIM), dtype=jnp.float32)
    return {"x": x, "table": table}

def reference(x, table):
    # UserEmbedding.forward: self.user_emb(x) -> gather rows
    return jnp.take(table, x, axis=0)

if __name__ == "__main__":
    import jax
    _d = setup_inputs()
    print(jax.jit(kernel)(*tuple(_d.values())))

</pallas_src>

<mosaic_0001>
#map = affine_map<(d0, d1) -> (0)>
#map1 = affine_map<(d0, d1) -> (0, 0)>
module attributes {stable_mosaic.version = 14 : i64} {
  func.func @gather_kernel(%arg0: i32, %arg1: i32, %arg2: memref<16384xi32, #tpu.memory_space<hbm>>, %arg3: memref<64x1000000xf32, #tpu.memory_space<hbm>>, %arg4: memref<16400x128xf32, #tpu.memory_space<hbm>>, %arg5: memref<16384xi32, #tpu.memory_space<vmem>>, %arg6: memref<16384xi32, #tpu.memory_space<vmem>>, %arg7: memref<16384xi32, #tpu.memory_space<vmem>>, %arg8: memref<1504xi32, #tpu.memory_space<vmem>>, %arg9: memref<64xi32, #tpu.memory_space<vmem>>, %arg10: memref<64x512xf32, #tpu.memory_space<vmem>>, %arg11: memref<64x512xf32, #tpu.memory_space<vmem>>, %arg12: memref<112x128xf32, #tpu.memory_space<vmem>>, %arg13: memref<112xi32, #tpu.memory_space<vmem>>, %arg14: memref<!tpu.dma_semaphore, #tpu.memory_space<semaphore_mem>>, %arg15: memref<!tpu.dma_semaphore, #tpu.memory_space<semaphore_mem>>, %arg16: memref<!tpu.dma_semaphore, #tpu.memory_space<semaphore_mem>>) attributes {dimension_semantics = [#tpu.dimension_semantics<core_parallel>, #tpu.dimension_semantics<subcore_parallel>], iteration_bounds = array<i64: 2, 16>, scalar_prefetch = 0 : i64, scratch_operands = 12 : i64, tpu.core_type = #tpu.core_type<sc_vector_subcore>, window_params = [{transform_indices = #map}, {transform_indices = #map1}, {transform_indices = #map1}]} {
    %mul3A = arith.constant 2 : i32
    %mul3A_0 = arith.muli %arg1, %mul3A : i32
    %add3A = arith.addi %mul3A_0, %arg0 : i32
    "tpu.region"() ({
      %run_scoped3A = tpu.sem_alloc : memref<!tpu.dma_semaphore, #tpu.memory_space<semaphore_mem>>
      tpu.enqueue_dma source(%arg2 : memref<16384xi32, #tpu.memory_space<hbm>>) target(%arg5 : memref<16384xi32, #tpu.memory_space<vmem>>) target_semaphore(%run_scoped3A : memref<!tpu.dma_semaphore, #tpu.memory_space<semaphore_mem>>)
      tpu.wait_dma2 semaphore(%run_scoped3A : memref<!tpu.dma_semaphore, #tpu.memory_space<semaphore_mem>>) src(%arg2 : memref<16384xi32, #tpu.memory_space<hbm>>) dst(%arg5 : memref<16384xi32, #tpu.memory_space<vmem>>)
      tpu.yield
    }) : () -> ()
    %iota3A = tpu.iota {dimensions = array<i32: 0>} : vector<16xi32>
    %broadcast_in_dim3A = arith.constant 1 : i32
    %broadcast_in_dim3A_1 = vector.broadcast %broadcast_in_dim3A : i32 to vector<16xi32>
    %broadcast_in_dim3A_2 = arith.constant 0 : i32
    %broadcast_in_dim3A_3 = vector.broadcast %broadcast_in_dim3A_2 : i32 to vector<16xi32>
    %broadcast_in_dim3A_4 = arith.constant 16384 : i32
    %broadcast_in_dim3A_5 = vector.broadcast %broadcast_in_dim3A_4 : i32 to vector<16xi32>
    %mul3A_6 = vector.broadcast %add3A : i32 to vector<16xi32>
    %mul3A_7 = arith.muli %broadcast_in_dim3A_1, %mul3A_6 : vector<16xi32>
    %lt3A = arith.constant 0 : i32
    %lt3A_8 = arith.constant 62 : i32
    %lt3A_9 = arith.cmpi slt, %lt3A, %lt3A_8 : i32
    %convert_element_type3A = arith.extui %lt3A_9 : i1 to i32
    %cond3A = arith.constant 0 : i32
    %cond3A_10 = arith.constant 0 : i32
    %cond3A_11 = arith.cmpi ne, %convert_element_type3A, %cond3A_10 : i32
    scf.if %cond3A_11 {
      %mul3A_113 = arith.constant 32 : i32
      %mul3A_114 = arith.muli %cond3A, %mul3A_113 : i32
      %add3A_115 = arith.addi %mul3A_114, %add3A : i32
      %min3A = arith.constant 1953 : i32
      %min3A_116 = arith.minsi %add3A_115, %min3A : i32
      %mul3A_117 = arith.constant 512 : i32
      %mul3A_118 = arith.muli %min3A_116, %mul3A_117 : i32
      %min3A_119 = arith.constant 999552 : i32
      %min3A_120 = arith.minsi %mul3A_118, %min3A_119 : i32
      %multiple_of3A = tpu.assume_multiple %min3A_120, 128 : i32
      %dma_start3A = arith.constant 0 : i32
      %dma_start3A_121 = tpu.memref_slice %arg3[%dma_start3A, %multiple_of3A] : memref<64x1000000xf32, #tpu.memory_space<hbm>> -> memref<64x512xf32, #tpu.memory_space<hbm>>
      %dma_start3A_122 = arith.constant 0 : i32
      %dma_start3A_123 = tpu.memref_slice %arg3[%dma_start3A_122, %multiple_of3A] : memref<64x1000000xf32, #tpu.memory_space<hbm>> -> memref<64x512xf32, #tpu.memory_space<hbm>>
      tpu.enqueue_dma source(%dma_start3A_123 : memref<64x512xf32, #tpu.memory_space<hbm>>) target(%arg10 : memref<64x512xf32, #tpu.memory_space<vmem>>) target_semaphore(%arg14 : memref<!tpu.dma_semaphore, #tpu.memory_space<semaphore_mem>>)
    } else {
    }
    %lt3A_12 = arith.constant 1 : i32
    %lt3A_13 = arith.constant 62 : i32
    %lt3A_14 = arith.cmpi slt, %lt3A_12, %lt3A_13 : i32
    %convert_element_type3A_15 = arith.extui %lt3A_14 : i1 to i32
    %cond3A_16 = arith.constant 1 : i32
    %cond3A_17 = arith.constant 0 : i32
    %cond3A_18 = arith.cmpi ne, %convert_element_type3A_15, %cond3A_17 : i32
    scf.if %cond3A_18 {
      %mul3A_113 = arith.constant 32 : i32
      %mul3A_114 = arith.muli %cond3A_16, %mul3A_113 : i32
      %add3A_115 = arith.addi %mul3A_114, %add3A : i32
      %min3A = arith.constant 1953 : i32
      %min3A_116 = arith.minsi %add3A_115, %min3A : i32
      %mul3A_117 = arith.constant 512 : i32
      %mul3A_118 = arith.muli %min3A_116, %mul3A_117 : i32
      %min3A_119 = arith.constant 999552 : i32
      %min3A_120 = arith.minsi %mul3A_118, %min3A_119 : i32
      %multiple_of3A = tpu.assume_multiple %min3A_120, 128 : i32
      %dma_start3A = arith.constant 0 : i32
      %dma_start3A_121 = tpu.memref_slice %arg3[%dma_start3A, %multiple_of3A] : memref<64x1000000xf32, #tpu.memory_space<hbm>> -> memref<64x512xf32, #tpu.memory_space<hbm>>
      %dma_start3A_122 = arith.constant 0 : i32
      %dma_start3A_123 = tpu.memref_slice %arg3[%dma_start3A_122, %multiple_of3A] : memref<64x1000000xf32, #tpu.memory_space<hbm>> -> memref<64x512xf32, #tpu.memory_space<hbm>>
      tpu.enqueue_dma source(%dma_start3A_123 : memref<64x512xf32, #tpu.memory_space<hbm>>) target(%arg11 : memref<64x512xf32, #tpu.memory_space<vmem>>) target_semaphore(%arg15 : memref<!tpu.dma_semaphore, #tpu.memory_space<semaphore_mem>>)
    } else {
    }
    %scan3A = arith.constant 0 : i32
    %scan3A_19 = arith.constant 1024 : i32
    %scan3A_20 = arith.addi %scan3A, %scan3A_19 : i32
    %scan3A_21 = arith.constant 1 : i32
    %scan3A_22 = scf.for %scan3A_113 = %scan3A to %scan3A_20 step %scan3A_21 iter_args(%scan3A_114 = %broadcast_in_dim3A_3) -> (vector<16xi32>)  : i32 {
      %mul3A_115 = arith.constant 16 : i32
      %mul3A_116 = arith.muli %scan3A_113, %mul3A_115 : i32
      %get3A = arith.index_cast %mul3A_116 : i32 to index
      %get3A_117 = tpu.vector_load %arg5[%get3A] {strides = array<i32>} : memref<16384xi32, #tpu.memory_space<vmem>>, vector<16xi32>,
      %shift_right_arithmetic3A = arith.constant 9 : i32
      %shift_right_arithmetic3A_118 = vector.broadcast %shift_right_arithmetic3A : i32 to vector<16xi32>
      %shift_right_arithmetic3A_119 = arith.shrsi %get3A_117, %shift_right_arithmetic3A_118 : vector<16xi32>
      %and3A_120 = arith.constant 31 : i32
      %and3A_121 = vector.broadcast %and3A_120 : i32 to vector<16xi32>
      %and3A_122 = arith.andi %shift_right_arithmetic3A_119, %and3A_121 : vector<16xi32>
      %eq3A = arith.cmpi eq, %and3A_122, %mul3A_7 : vector<16xi32>
      %convert_element_type3A_123 = arith.extui %eq3A : vector<16xi1> to vector<16xi32>
      %broadcast_in_dim3A_124 = arith.constant true
      %broadcast_in_dim3A_125 = vector.broadcast %broadcast_in_dim3A_124 : i1 to vector<16xi1>
      %masked_cumsum3A = tpu.scan <sum>, %convert_element_type3A_123 masked %broadcast_in_dim3A_125 : vector<16xi32>, vector<16xi1> -> vector<16xi32>
      %add3A_126 = arith.addi %scan3A_114, %masked_cumsum3A : vector<16xi32>
      %sub3A_127 = arith.subi %add3A_126, %convert_element_type3A_123 : vector<16xi32>
      %mul3A_128 = arith.constant 16 : i32
      %mul3A_129 = arith.muli %scan3A_113, %mul3A_128 : i32
      %add3A_130 = vector.broadcast %mul3A_129 : i32 to vector<16xi32>
      %add3A_131 = arith.addi %add3A_130, %iota3A : vector<16xi32>
      tpu.vector_store_idx %arg6[%sub3A_127], %add3A_131 masked %eq3A : memref<16384xi32, #tpu.memory_space<vmem>>[vector<16xi32>], vector<16xi32>, vector<16xi1>
      %all_reduce_population_count3A = tpu.all_reduce %eq3A {dim = 0 : i64, kind = #tpu.reduction_kind<sum>} : vector<16xi1> -> vector<16xi32>
      %add3A_132 = arith.addi %scan3A_114, %all_reduce_population_count3A : vector<16xi32>
      scf.yield %add3A_132 : vector<16xi32>
    }
    %scan3A_23 = arith.constant 1024 : i32
    %reduce_max3A = arith.constant true
    %reduce_max3A_24 = vector.broadcast %reduce_max3A : i1 to vector<16xi1>
    %reduce_max3A_25 = arith.constant -2147483648 : i32
    %reduce_max3A_26 = vector.broadcast %reduce_max3A_25 : i32 to vector<16xi32>
    %reduce_max3A_27 = arith.xori %scan3A_22, %reduce_max3A_26 : vector<16xi32>
    %reduce_max3A_28 = tpu.scan <max>, %reduce_max3A_27 masked %reduce_max3A_24 : vector<16xi32>, vector<16xi1> -> vector<16xi32>
    %reduce_max3A_29 = arith.xori %reduce_max3A_28, %reduce_max3A_26 : vector<16xi32>
    %reduce_max3A_30 = vector.extract %reduce_max3A_29[15] : i32 from vector<16xi32>
    %add3A_31 = arith.constant 16 : i32
    %add3A_32 = arith.addi %reduce_max3A_30, %add3A_31 : i32
    %sub3A = arith.constant 1 : i32
    %sub3A_33 = arith.subi %add3A_32, %sub3A : i32
    %jit3A = arith.constant 16 : i32
    %div3A = arith.divsi %sub3A_33, %jit3A : i32
    %sign3A = arith.constant 0 : i32
    %sign3A_34 = arith.cmpi sgt, %sub3A_33, %sign3A : i32
    %sign3A_35 = arith.extui %sign3A_34 : i1 to i32
    %sign3A_36 = arith.constant 0 : i32
    %sign3A_37 = arith.cmpi slt, %sub3A_33, %sign3A_36 : i32
    %sign3A_38 = arith.extui %sign3A_37 : i1 to i32
    %sign3A_39 = arith.subi %sign3A_35, %sign3A_38 : i32
    %sign3A_40 = arith.constant 0 : i32
    %sign3A_41 = arith.cmpi sgt, %jit3A, %sign3A_40 : i32
    %sign3A_42 = arith.extui %sign3A_41 : i1 to i32
    %sign3A_43 = arith.constant 0 : i32
    %sign3A_44 = arith.cmpi slt, %jit3A, %sign3A_43 : i32
    %sign3A_45 = arith.extui %sign3A_44 : i1 to i32
    %sign3A_46 = arith.subi %sign3A_42, %sign3A_45 : i32
    %ne3A = arith.cmpi ne, %sign3A_39, %sign3A_46 : i32
    %rem3A = arith.remsi %sub3A_33, %jit3A : i32
    %ne3A_47 = arith.constant 0 : i32
    %ne3A_48 = arith.cmpi ne, %rem3A, %ne3A_47 : i32
    %and3A = arith.andi %ne3A, %ne3A_48 : i1
    %sub3A_49 = arith.constant 1 : i32
    %sub3A_50 = arith.subi %div3A, %sub3A_49 : i32
    %select_n3A = arith.select %and3A, %sub3A_50, %div3A : i32
    %swap3A = arith.constant 0 : index
    %swap3A_51 = tpu.vector_load %arg9[%swap3A] {strides = array<i32>} : memref<64xi32, #tpu.memory_space<vmem>>, vector<16xi32>,
    tpu.vector_store %arg9[%swap3A], %broadcast_in_dim3A_3 {strides = array<i32>} : memref<64xi32, #tpu.memory_space<vmem>>, vector<16xi32>,
    %swap3A_52 = arith.constant 16 : index
    %swap3A_53 = tpu.vector_load %arg9[%swap3A_52] {strides = array<i32>} : memref<64xi32, #tpu.memory_space<vmem>>, vector<16xi32>,
    tpu.vector_store %arg9[%swap3A_52], %broadcast_in_dim3A_3 {strides = array<i32>} : memref<64xi32, #tpu.memory_space<vmem>>, vector<16xi32>,
    %swap3A_54 = arith.constant 32 : index
    %swap3A_55 = tpu.vector_load %arg9[%swap3A_54] {strides = array<i32>} : memref<64xi32, #tpu.memory_space<vmem>>, vector<16xi32>,
    tpu.vector_store %arg9[%swap3A_54], %broadcast_in_dim3A_3 {strides = array<i32>} : memref<64xi32, #tpu.memory_space<vmem>>, vector<16xi32>,
    %swap3A_56 = arith.constant 48 : index
    %swap3A_57 = tpu.vector_load %arg9[%swap3A_56] {strides = array<i32>} : memref<64xi32, #tpu.memory_space<vmem>>, vector<16xi32>,
    tpu.vector_store %arg9[%swap3A_56], %broadcast_in_dim3A_3 {strides = array<i32>} : memref<64xi32, #tpu.memory_space<vmem>>, vector<16xi32>,
    %while3A = arith.constant 0 : i32
    %while3A_58 = arith.subi %select_n3A, %while3A : i32
    %while3A_59 = arith.addi %while3A, %while3A_58 : i32
    %while3A_60 = arith.constant 1 : i32
    %while3A_61 = arith.divsi %while3A_58, %while3A_60 : i32
    %while3A_62 = arith.muli %while3A_61, %while3A_60 : i32
    %while3A_63 = arith.addi %while3A, %while3A_62 : i32
    %while3A_64 = arith.constant 1 : i32
    %while3A_65 = scf.for %while3A_113 = %while3A to %while3A_63 step %while3A_64 iter_args(%while3A_114 = %broadcast_in_dim3A_3) -> (vector<16xi32>)  : i32 {
      %mul3A_115 = arith.constant 16 : i32
      %mul3A_116 = arith.muli %while3A_113, %mul3A_115 : i32
      %add3A_117 = vector.broadcast %mul3A_116 : i32 to vector<16xi32>
      %add3A_118 = arith.addi %add3A_117, %iota3A : vector<16xi32>
      %lt3A_119 = arith.cmpi slt, %add3A_118, %scan3A_22 : vector<16xi32>
      %mul3A_120 = arith.constant 16 : i32
      %mul3A_121 = arith.muli %while3A_113, %mul3A_120 : i32
      %get3A = arith.index_cast %mul3A_121 : i32 to index
      %get3A_122 = tpu.vector_load %arg6[%get3A] {strides = array<i32>} : memref<16384xi32, #tpu.memory_space<vmem>>, vector<16xi32>,
      %gather3A = tpu.vector_load_idx %arg5[%get3A_122] masked %lt3A_119 : memref<16384xi32, #tpu.memory_space<vmem>>[vector<16xi32>], vector<16xi32>, vector<16xi1>
      %shift_right_arithmetic3A = arith.constant 14 : i32
      %shift_right_arithmetic3A_123 = vector.broadcast %shift_right_arithmetic3A : i32 to vector<16xi32>
      %shift_right_arithmetic3A_124 = arith.shrsi %gather3A, %shift_right_arithmetic3A_123 : vector<16xi32>
      %eq3A = arith.constant 0 : i32
      %eq3A_125 = vector.broadcast %eq3A : i32 to vector<16xi32>
      %eq3A_126 = arith.cmpi eq, %iota3A, %eq3A_125 : vector<16xi32>
      %and3A_127 = arith.andi %lt3A_119, %eq3A_126 : vector<16xi1>
      %gather3A_128 = tpu.vector_load_idx %arg9[%shift_right_arithmetic3A_124] masked %and3A_127 : memref<64xi32, #tpu.memory_space<vmem>>[vector<16xi32>], vector<16xi32>, vector<16xi1>
      %lt3A_129 = arith.constant 24 : i32
      %lt3A_130 = vector.broadcast %lt3A_129 : i32 to vector<16xi32>
      %lt3A_131 = arith.cmpi slt, %gather3A_128, %lt3A_130 : vector<16xi32>
      %mul3A_132 = arith.constant 24 : i32
      %mul3A_133 = vector.broadcast %mul3A_132 : i32 to vector<16xi32>
      %mul3A_134 = arith.muli %shift_right_arithmetic3A_124, %mul3A_133 : vector<16xi32>
      %add3A_135 = arith.addi %mul3A_134, %gather3A_128 : vector<16xi32>
      %and3A_136 = arith.andi %and3A_127, %lt3A_131 : vector<16xi1>
      tpu.vector_store_idx %arg8[%add3A_135], %get3A_122 masked %and3A_136 : memref<1504xi32, #tpu.memory_space<vmem>>[vector<16xi32>], vector<16xi32>, vector<16xi1>
      %add3A_137 = arith.constant 1 : i32
      %add3A_138 = vector.broadcast %add3A_137 : i32 to vector<16xi32>
      %add3A_139 = arith.addi %gather3A_128, %add3A_138 : vector<16xi32>
      %and3A_140 = arith.andi %and3A_127, %lt3A_131 : vector<16xi1>
      tpu.vector_store_idx %arg9[%shift_right_arithmetic3A_124], %add3A_139 masked %and3A_140 : memref<64xi32, #tpu.memory_space<vmem>>[vector<16xi32>], vector<16xi32>, vector<16xi1>
      %not3A = arith.constant dense<true> : vector<16xi1>
      %not3A_141 = arith.xori %lt3A_131, %not3A : vector<16xi1>
      %and3A_142 = arith.andi %and3A_127, %not3A_141 : vector<16xi1>
      tpu.vector_store_idx %arg7[%while3A_114], %get3A_122 masked %and3A_142 : memref<16384xi32, #tpu.memory_space<vmem>>[vector<16xi32>], vector<16xi32>, vector<16xi1>
      %all_reduce_population_count3A = tpu.all_reduce %and3A_142 {dim = 0 : i64, kind = #tpu.reduction_kind<sum>} : vector<16xi1> -> vector<16xi32>
      %add3A_143 = arith.addi %while3A_114, %all_reduce_population_count3A : vector<16xi32>
      %eq3A_144 = arith.constant 1 : i32
      %eq3A_145 = vector.broadcast %eq3A_144 : i32 to vector<16xi32>
      %eq3A_146 = arith.cmpi eq, %iota3A, %eq3A_145 : vector<16xi32>
      %and3A_147 = arith.andi %lt3A_119, %eq3A_146 : vector<16xi1>
      %gather3A_148 = tpu.vector_load_idx %arg9[%shift_right_arithmetic3A_124] masked %and3A_147 : memref<64xi32, #tpu.memory_space<vmem>>[vector<16xi32>], vector<16xi32>, vector<16xi1>
      %lt3A_149 = arith.constant 24 : i32
      %lt3A_150 = vector.broadcast %lt3A_149 : i32 to vector<16xi32>
      %lt3A_151 = arith.cmpi slt, %gather3A_148, %lt3A_150 : vector<16xi32>
      %mul3A_152 = arith.constant 24 : i32
      %mul3A_153 = vector.broadcast %mul3A_152 : i32 to vector<16xi32>
      %mul3A_154 = arith.muli %shift_right_arithmetic3A_124, %mul3A_153 : vector<16xi32>
      %add3A_155 = arith.addi %mul3A_154, %gather3A_148 : vector<16xi32>
      %and3A_156 = arith.andi %and3A_147, %lt3A_151 : vector<16xi1>
      tpu.vector_store_idx %arg8[%add3A_155], %get3A_122 masked %and3A_156 : memref<1504xi32, #tpu.memory_space<vmem>>[vector<16xi32>], vector<16xi32>, vector<16xi1>
      %add3A_157 = arith.constant 1 : i32
      %add3A_158 = vector.broadcast %add3A_157 : i32 to vector<16xi32>
      %add3A_159 = arith.addi %gather3A_148, %add3A_158 : vector<16xi32>
      %and3A_160 = arith.andi %and3A_147, %lt3A_151 : vector<16xi1>
      tpu.vector_store_idx %arg9[%shift_right_arithmetic3A_124], %add3A_159 masked %and3A_160 : memref<64xi32, #tpu.memory_space<vmem>>[vector<16xi32>], vector<16xi32>, vector<16xi1>
      %not3A_161 = arith.constant dense<true> : vector<16xi1>
      %not3A_162 = arith.xori %lt3A_151, %not3A_161 : vector<16xi1>
      %and3A_163 = arith.andi %and3A_147, %not3A_162 : vector<16xi1>
      tpu.vector_store_idx %arg7[%add3A_143], %get3A_122 masked %and3A_163 : memref<16384xi32, #tpu.memory_space<vmem>>[vector<16xi32>], vector<16xi32>, vector<16xi1>
      %all_reduce_population_count3A_164 = tpu.all_reduce %and3A_163 {dim = 0 : i64, kind = #tpu.reduction_kind<sum>} : vector<16xi1> -> vector<16xi32>
      %add3A_165 = arith.addi %add3A_143, %all_reduce_population_count3A_164 : vector<16xi32>
      %eq3A_166 = arith.constant 2 : i32
      %eq3A_167 = vector.broadcast %eq3A_166 : i32 to vector<16xi32>
      %eq3A_168 = arith.cmpi eq, %iota3A, %eq3A_167 : vector<16xi32>
      %and3A_169 = arith.andi %lt3A_119, %eq3A_168 : vector<16xi1>
      %gather3A_170 = tpu.vector_load_idx %arg9[%shift_right_arithmetic3A_124] masked %and3A_169 : memref<64xi32, #tpu.memory_space<vmem>>[vector<16xi32>], vector<16xi32>, vector<16xi1>
      %lt3A_171 = arith.constant 24 : i32
      %lt3A_172 = vector.broadcast %lt3A_171 : i32 to vector<16xi32>
      %lt3A_173 = arith.cmpi slt, %gather3A_170, %lt3A_172 : vector<16xi32>
      %mul3A_174 = arith.constant 24 : i32
      %mul3A_175 = vector.broadcast %mul3A_174 : i32 to vector<16xi32>
      %mul3A_176 = arith.muli %shift_right_arithmetic3A_124, %mul3A_175 : vector<16xi32>
      %add3A_177 = arith.addi %mul3A_176, %gather3A_170 : vector<16xi32>
      %and3A_178 = arith.andi %and3A_169, %lt3A_173 : vector<16xi1>
      tpu.vector_store_idx %arg8[%add3A_177], %get3A_122 masked %and3A_178 : memref<1504xi32, #tpu.memory_space<vmem>>[vector<16xi32>], vector<16xi32>, vector<16xi1>
      %add3A_179 = arith.constant 1 : i32
      %add3A_180 = vector.broadcast %add3A_179 : i32 to vector<16xi32>
      %add3A_181 = arith.addi %gather3A_170, %add3A_180 : vector<16xi32>
      %and3A_182 = arith.andi %and3A_169, %lt3A_173 : vector<16xi1>
      tpu.vector_store_idx %arg9[%shift_right_arithmetic3A_124], %add3A_181 masked %and3A_182 : memref<64xi32, #tpu.memory_space<vmem>>[vector<16xi32>], vector<16xi32>, vector<16xi1>
      %not3A_183 = arith.constant dense<true> : vector<16xi1>
      %not3A_184 = arith.xori %lt3A_173, %not3A_183 : vector<16xi1>
      %and3A_185 = arith.andi %and3A_169, %not3A_184 : vector<16xi1>
      tpu.vector_store_idx %arg7[%add3A_165], %get3A_122 masked %and3A_185 : memref<16384xi32, #tpu.memory_space<vmem>>[vector<16xi32>], vector<16xi32>, vector<16xi1>
      %all_reduce_population_count3A_186 = tpu.all_reduce %and3A_185 {dim = 0 : i64, kind = #tpu.reduction_kind<sum>} : vector<16xi1> -> vector<16xi32>
      %add3A_187 = arith.addi %add3A_165, %all_reduce_population_count3A_186 : vector<16xi32>
      %eq3A_188 = arith.constant 3 : i32
      %eq3A_189 = vector.broadcast %eq3A_188 : i32 to vector<16xi32>
      %eq3A_190 = arith.cmpi eq, %iota3A, %eq3A_189 : vector<16xi32>
      %and3A_191 = arith.andi %lt3A_119, %eq3A_190 : vector<16xi1>
      %gather3A_192 = tpu.vector_load_idx %arg9[%shift_right_arithmetic3A_124] masked %and3A_191 : memref<64xi32, #tpu.memory_space<vmem>>[vector<16xi32>], vector<16xi32>, vector<16xi1>
      %lt3A_193 = arith.constant 24 : i32
      %lt3A_194 = vector.broadcast %lt3A_193 : i32 to vector<16xi32>
      %lt3A_195 = arith.cmpi slt, %gather3A_192, %lt3A_194 : vector<16xi32>
      %mul3A_196 = arith.constant 24 : i32
      %mul3A_197 = vector.broadcast %mul3A_196 : i32 to vector<16xi32>
      %mul3A_198 = arith.muli %shift_right_arithmetic3A_124, %mul3A_197 : vector<16xi32>
      %add3A_199 = arith.addi %mul3A_198, %gather3A_192 : vector<16xi32>
      %and3A_200 = arith.andi %and3A_191, %lt3A_195 : vector<16xi1>
      tpu.vector_store_idx %arg8[%add3A_199], %get3A_122 masked %and3A_200 : memref<1504xi32, #tpu.memory_space<vmem>>[vector<16xi32>], vector<16xi32>, vector<16xi1>
      %add3A_201 = arith.constant 1 : i32
      %add3A_202 = vector.broadcast %add3A_201 : i32 to vector<16xi32>
      %add3A_203 = arith.addi %gather3A_192, %add3A_202 : vector<16xi32>
      %and3A_204 = arith.andi %and3A_191, %lt3A_195 : vector<16xi1>
      tpu.vector_store_idx %arg9[%shift_right_arithmetic3A_124], %add3A_203 masked %and3A_204 : memref<64xi32, #tpu.memory_space<vmem>>[vector<16xi32>], vector<16xi32>, vector<16xi1>
      %not3A_205 = arith.constant dense<true> : vector<16xi1>
      %not3A_206 = arith.xori %lt3A_195, %not3A_205 : vector<16xi1>
      %and3A_207 = arith.andi %and3A_191, %not3A_206 : vector<16xi1>
      tpu.vector_store_idx %arg7[%add3A_187], %get3A_122 masked %and3A_207 : memref<16384xi32, #tpu.memory_space<vmem>>[vector<16xi32>], vector<16xi32>, vector<16xi1>
      %all_reduce_population_count3A_208 = tpu.all_reduce %and3A_207 {dim = 0 : i64, kind = #tpu.reduction_kind<sum>} : vector<16xi1> -> vector<16xi32>
      %add3A_209 = arith.addi %add3A_187, %all_reduce_population_count3A_208 : vector<16xi32>
      %eq3A_210 = arith.constant 4 : i32
      %eq3A_211 = vector.broadcast %eq3A_210 : i32 to vector<16xi32>
      %eq3A_212 = arith.cmpi eq, %iota3A, %eq3A_211 : vector<16xi32>
      %and3A_213 = arith.andi %lt3A_119, %eq3A_212 : vector<16xi1>
      %gather3A_214 = tpu.vector_load_idx %arg9[%shift_right_arithmetic3A_124] masked %and3A_213 : memref<64xi32, #tpu.memory_space<vmem>>[vector<16xi32>], vector<16xi32>, vector<16xi1>
      %lt3A_215 = arith.constant 24 : i32
      %lt3A_216 = vector.broadcast %lt3A_215 : i32 to vector<16xi32>
      %lt3A_217 = arith.cmpi slt, %gather3A_214, %lt3A_216 : vector<16xi32>
      %mul3A_218 = arith.constant 24 : i32
      %mul3A_219 = vector.broadcast %mul3A_218 : i32 to vector<16xi32>
      %mul3A_220 = arith.muli %shift_right_arithmetic3A_124, %mul3A_219 : vector<16xi32>
      %add3A_221 = arith.addi %mul3A_220, %gather3A_214 : vector<16xi32>
      %and3A_222 = arith.andi %and3A_213, %lt3A_217 : vector<16xi1>
      tpu.vector_store_idx %arg8[%add3A_221], %get3A_122 masked %and3A_222 : memref<1504xi32, #tpu.memory_space<vmem>>[vector<16xi32>], vector<16xi32>, vector<16xi1>
      %add3A_223 = arith.constant 1 : i32
      %add3A_224 = vector.broadcast %add3A_223 : i32 to vector<16xi32>
      %add3A_225 = arith.addi %gather3A_214, %add3A_224 : vector<16xi32>
      %and3A_226 = arith.andi %and3A_213, %lt3A_217 : vector<16xi1>
      tpu.vector_store_idx %arg9[%shift_right_arithmetic3A_124], %add3A_225 masked %and3A_226 : memref<64xi32, #tpu.memory_space<vmem>>[vector<16xi32>], vector<16xi32>, vector<16xi1>
      %not3A_227 = arith.constant dense<true> : vector<16xi1>
      %not3A_228 = arith.xori %lt3A_217, %not3A_227 : vector<16xi1>
      %and3A_229 = arith.andi %and3A_213, %not3A_228 : vector<16xi1>
      tpu.vector_store_idx %arg7[%add3A_209], %get3A_122 masked %and3A_229 : memref<16384xi32, #tpu.memory_space<vmem>>[vector<16xi32>], vector<16xi32>, vector<16xi1>
      %all_reduce_population_count3A_230 = tpu.all_reduce %and3A_229 {dim = 0 : i64, kind = #tpu.reduction_kind<sum>} : vector<16xi1> -> vector<16xi32>
      %add3A_231 = arith.addi %add3A_209, %all_reduce_population_count3A_230 : vector<16xi32>
      %eq3A_232 = arith.constant 5 : i32
      %eq3A_233 = vector.broadcast %eq3A_232 : i32 to vector<16xi32>
      %eq3A_234 = arith.cmpi eq, %iota3A, %eq3A_233 : vector<16xi32>
      %and3A_235 = arith.andi %lt3A_119, %eq3A_234 : vector<16xi1>
      %gather3A_236 = tpu.vector_load_idx %arg9[%shift_right_arithmetic3A_124] masked %and3A_235 : memref<64xi32, #tpu.memory_space<vmem>>[vector<16xi32>], vector<16xi32>, vector<16xi1>
      %lt3A_237 = arith.constant 24 : i32
      %lt3A_238 = vector.broadcast %lt3A_237 : i32 to vector<16xi32>
      %lt3A_239 = arith.cmpi slt, %gather3A_236, %lt3A_238 : vector<16xi32>
      %mul3A_240 = arith.constant 24 : i32
      %mul3A_241 = vector.broadcast %mul3A_240 : i32 to vector<16xi32>
      %mul3A_242 = arith.muli %shift_right_arithmetic3A_124, %mul3A_241 : vector<16xi32>
      %add3A_243 = arith.addi %mul3A_242, %gather3A_236 : vector<16xi32>
      %and3A_244 = arith.andi %and3A_235, %lt3A_239 : vector<16xi1>
      tpu.vector_store_idx %arg8[%add3A_243], %get3A_122 masked %and3A_244 : memref<1504xi32, #tpu.memory_space<vmem>>[vector<16xi32>], vector<16xi32>, vector<16xi1>
      %add3A_245 = arith.constant 1 : i32
      %add3A_246 = vector.broadcast %add3A_245 : i32 to vector<16xi32>
      %add3A_247 = arith.addi %gather3A_236, %add3A_246 : vector<16xi32>
      %and3A_248 = arith.andi %and3A_235, %lt3A_239 : vector<16xi1>
      tpu.vector_store_idx %arg9[%shift_right_arithmetic3A_124], %add3A_247 masked %and3A_248 : memref<64xi32, #tpu.memory_space<vmem>>[vector<16xi32>], vector<16xi32>, vector<16xi1>
      %not3A_249 = arith.constant dense<true> : vector<16xi1>
      %not3A_250 = arith.xori %lt3A_239, %not3A_249 : vector<16xi1>
      %and3A_251 = arith.andi %and3A_235, %not3A_250 : vector<16xi1>
      tpu.vector_store_idx %arg7[%add3A_231], %get3A_122 masked %and3A_251 : memref<16384xi32, #tpu.memory_space<vmem>>[vector<16xi32>], vector<16xi32>, vector<16xi1>
      %all_reduce_population_count3A_252 = tpu.all_reduce %and3A_251 {dim = 0 : i64, kind = #tpu.reduction_kind<sum>} : vector<16xi1> -> vector<16xi32>
      %add3A_253 = arith.addi %add3A_231, %all_reduce_population_count3A_252 : vector<16xi32>
      %eq3A_254 = arith.constant 6 : i32
      %eq3A_255 = vector.broadcast %eq3A_254 : i32 to vector<16xi32>
      %eq3A_256 = arith.cmpi eq, %iota3A, %eq3A_255 : vector<16xi32>
      %and3A_257 = arith.andi %lt3A_119, %eq3A_256 : vector<16xi1>
      %gather3A_258 = tpu.vector_load_idx %arg9[%shift_right_arithmetic3A_124] masked %and3A_257 : memref<64xi32, #tpu.memory_space<vmem>>[vector<16xi32>], vector<16xi32>, vector<16xi1>
      %lt3A_259 = arith.constant 24 : i32
      %lt3A_260 = vector.broadcast %lt3A_259 : i32 to vector<16xi32>
      %lt3A_261 = arith.cmpi slt, %gather3A_258, %lt3A_260 : vector<16xi32>
      %mul3A_262 = arith.constant 24 : i32
      %mul3A_263 = vector.broadcast %mul3A_262 : i32 to vector<16xi32>
      %mul3A_264 = arith.muli %shift_right_arithmetic3A_124, %mul3A_263 : vector<16xi32>
      %add3A_265 = arith.addi %mul3A_264, %gather3A_258 : vector<16xi32>
      %and3A_266 = arith.andi %and3A_257, %lt3A_261 : vector<16xi1>
      tpu.vector_store_idx %arg8[%add3A_265], %get3A_122 masked %and3A_266 : memref<1504xi32, #tpu.memory_space<vmem>>[vector<16xi32>], vector<16xi32>, vector<16xi1>
      %add3A_267 = arith.constant 1 : i32
      %add3A_268 = vector.broadcast %add3A_267 : i32 to vector<16xi32>
      %add3A_269 = arith.addi %gather3A_258, %add3A_268 : vector<16xi32>
      %and3A_270 = arith.andi %and3A_257, %lt3A_261 : vector<16xi1>
      tpu.vector_store_idx %arg9[%shift_right_arithmetic3A_124], %add3A_269 masked %and3A_270 : memref<64xi32, #tpu.memory_space<vmem>>[vector<16xi32>], vector<16xi32>, vector<16xi1>
      %not3A_271 = arith.constant dense<true> : vector<16xi1>
      %not3A_272 = arith.xori %lt3A_261, %not3A_271 : vector<16xi1>
      %and3A_273 = arith.andi %and3A_257, %not3A_272 : vector<16xi1>
      tpu.vector_store_idx %arg7[%add3A_253], %get3A_122 masked %and3A_273 : memref<16384xi32, #tpu.memory_space<vmem>>[vector<16xi32>], vector<16xi32>, vector<16xi1>
      %all_reduce_population_count3A_274 = tpu.all_reduce %and3A_273 {dim = 0 : i64, kind = #tpu.reduction_kind<sum>} : vector<16xi1> -> vector<16xi32>
      %add3A_275 = arith.addi %add3A_253, %all_reduce_population_count3A_274 : vector<16xi32>
      %eq3A_276 = arith.constant 7 : i32
      %eq3A_277 = vector.broadcast %eq3A_276 : i32 to vector<16xi32>
      %eq3A_278 = arith.cmpi eq, %iota3A, %eq3A_277 : vector<16xi32>
      %and3A_279 = arith.andi %lt3A_119, %eq3A_278 : vector<16xi1>
      %gather3A_280 = tpu.vector_load_idx %arg9[%shift_right_arithmetic3A_124] masked %and3A_279 : memref<64xi32, #tpu.memory_space<vmem>>[vector<16xi32>], vector<16xi32>, vector<16xi1>
      %lt3A_281 = arith.constant 24 : i32
      %lt3A_282 = vector.broadcast %lt3A_281 : i32 to vector<16xi32>
      %lt3A_283 = arith.cmpi slt, %gather3A_280, %lt3A_282 : vector<16xi32>
      %mul3A_284 = arith.constant 24 : i32
      %mul3A_285 = vector.broadcast %mul3A_284 : i32 to vector<16xi32>
      %mul3A_286 = arith.muli %shift_right_arithmetic3A_124, %mul3A_285 : vector<16xi32>
      %add3A_287 = arith.addi %mul3A_286, %gather3A_280 : vector<16xi32>
      %and3A_288 = arith.andi %and3A_279, %lt3A_283 : vector<16xi1>
      tpu.vector_store_idx %arg8[%add3A_287], %get3A_122 masked %and3A_288 : memref<1504xi32, #tpu.memory_space<vmem>>[vector<16xi32>], vector<16xi32>, vector<16xi1>
      %add3A_289 = arith.constant 1 : i32
      %add3A_290 = vector.broadcast %add3A_289 : i32 to vector<16xi32>
      %add3A_291 = arith.addi %gather3A_280, %add3A_290 : vector<16xi32>
      %and3A_292 = arith.andi %and3A_279, %lt3A_283 : vector<16xi1>
      tpu.vector_store_idx %arg9[%shift_right_arithmetic3A_124], %add3A_291 masked %and3A_292 : memref<64xi32, #tpu.memory_space<vmem>>[vector<16xi32>], vector<16xi32>, vector<16xi1>
      %not3A_293 = arith.constant dense<true> : vector<16xi1>
      %not3A_294 = arith.xori %lt3A_283, %not3A_293 : vector<16xi1>
      %and3A_295 = arith.andi %and3A_279, %not3A_294 : vector<16xi1>
      tpu.vector_store_idx %arg7[%add3A_275], %get3A_122 masked %and3A_295 : memref<16384xi32, #tpu.memory_space<vmem>>[vector<16xi32>], vector<16xi32>, vector<16xi1>
      %all_reduce_population_count3A_296 = tpu.all_reduce %and3A_295 {dim = 0 : i64, kind = #tpu.reduction_kind<sum>} : vector<16xi1> -> vector<16xi32>
      %add3A_297 = arith.addi %add3A_275, %all_reduce_population_count3A_296 : vector<16xi32>
      %eq3A_298 = arith.constant 8 : i32
      %eq3A_299 = vector.broadcast %eq3A_298 : i32 to vector<16xi32>
      %eq3A_300 = arith.cmpi eq, %iota3A, %eq3A_299 : vector<16xi32>
      %and3A_301 = arith.andi %lt3A_119, %eq3A_300 : vector<16xi1>
      %gather3A_302 = tpu.vector_load_idx %arg9[%shift_right_arithmetic3A_124] masked %and3A_301 : memref<64xi32, #tpu.memory_space<vmem>>[vector<16xi32>], vector<16xi32>, vector<16xi1>
      %lt3A_303 = arith.constant 24 : i32
      %lt3A_304 = vector.broadcast %lt3A_303 : i32 to vector<16xi32>
      %lt3A_305 = arith.cmpi slt, %gather3A_302, %lt3A_304 : vector<16xi32>
      %mul3A_306 = arith.constant 24 : i32
      %mul3A_307 = vector.broadcast %mul3A_306 : i32 to vector<16xi32>
      %mul3A_308 = arith.muli %shift_right_arithmetic3A_124, %mul3A_307 : vector<16xi32>
      %add3A_309 = arith.addi %mul3A_308, %gather3A_302 : vector<16xi32>
      %and3A_310 = arith.andi %and3A_301, %lt3A_305 : vector<16xi1>
      tpu.vector_store_idx %arg8[%add3A_309], %get3A_122 masked %and3A_310 : memref<1504xi32, #tpu.memory_space<vmem>>[vector<16xi32>], vector<16xi32>, vector<16xi1>
      %add3A_311 = arith.constant 1 : i32
      %add3A_312 = vector.broadcast %add3A_311 : i32 to vector<16xi32>
      %add3A_313 = arith.addi %gather3A_302, %add3A_312 : vector<16xi32>
      %and3A_314 = arith.andi %and3A_301, %lt3A_305 : vector<16xi1>
      tpu.vector_store_idx %arg9[%shift_right_arithmetic3A_124], %add3A_313 masked %and3A_314 : memref<64xi32, #tpu.memory_space<vmem>>[vector<16xi32>], vector<16xi32>, vector<16xi1>
      %not3A_315 = arith.constant dense<true> : vector<16xi1>
      %not3A_316 = arith.xori %lt3A_305, %not3A_315 : vector<16xi1>
      %and3A_317 = arith.andi %and3A_301, %not3A_316 : vector<16xi1>
      tpu.vector_store_idx %arg7[%add3A_297], %get3A_122 masked %and3A_317 : memref<16384xi32, #tpu.memory_space<vmem>>[vector<16xi32>], vector<16xi32>, vector<16xi1>
      %all_reduce_population_count3A_318 = tpu.all_reduce %and3A_317 {dim = 0 : i64, kind = #tpu.reduction_kind<sum>} : vector<16xi1> -> vector<16xi32>
      %add3A_319 = arith.addi %add3A_297, %all_reduce_population_count3A_318 : vector<16xi32>
      %eq3A_320 = arith.constant 9 : i32
      %eq3A_321 = vector.broadcast %eq3A_320 : i32 to vector<16xi32>
      %eq3A_322 = arith.cmpi eq, %iota3A, %eq3A_321 : vector<16xi32>
      %and3A_323 = arith.andi %lt3A_119, %eq3A_322 : vector<16xi1>
      %gather3A_324 = tpu.vector_load_idx %arg9[%shift_right_arithmetic3A_124] masked %and3A_323 : memref<64xi32, #tpu.memory_space<vmem>>[vector<16xi32>], vector<16xi32>, vector<16xi1>
      %lt3A_325 = arith.constant 24 : i32
      %lt3A_326 = vector.broadcast %lt3A_325 : i32 to vector<16xi32>
      %lt3A_327 = arith.cmpi slt, %gather3A_324, %lt3A_326 : vector<16xi32>
      %mul3A_328 = arith.constant 24 : i32
      %mul3A_329 = vector.broadcast %mul3A_328 : i32 to vector<16xi32>
      %mul3A_330 = arith.muli %shift_right_arithmetic3A_124, %mul3A_329 : vector<16xi32>
      %add3A_331 = arith.addi %mul3A_330, %gather3A_324 : vector<16xi32>
      %and3A_332 = arith.andi %and3A_323, %lt3A_327 : vector<16xi1>
      tpu.vector_store_idx %arg8[%add3A_331], %get3A_122 masked %and3A_332 : memref<1504xi32, #tpu.memory_space<vmem>>[vector<16xi32>], vector<16xi32>, vector<16xi1>
      %add3A_333 = arith.constant 1 : i32
      %add3A_334 = vector.broadcast %add3A_333 : i32 to vector<16xi32>
      %add3A_335 = arith.addi %gather3A_324, %add3A_334 : vector<16xi32>
      %and3A_336 = arith.andi %and3A_323, %lt3A_327 : vector<16xi1>
      tpu.vector_store_idx %arg9[%shift_right_arithmetic3A_124], %add3A_335 masked %and3A_336 : memref<64xi32, #tpu.memory_space<vmem>>[vector<16xi32>], vector<16xi32>, vector<16xi1>
      %not3A_337 = arith.constant dense<true> : vector<16xi1>
      %not3A_338 = arith.xori %lt3A_327, %not3A_337 : vector<16xi1>
      %and3A_339 = arith.andi %and3A_323, %not3A_338 : vector<16xi1>
      tpu.vector_store_idx %arg7[%add3A_319], %get3A_122 masked %and3A_339 : memref<16384xi32, #tpu.memory_space<vmem>>[vector<16xi32>], vector<16xi32>, vector<16xi1>
      %all_reduce_population_count3A_340 = tpu.all_reduce %and3A_339 {dim = 0 : i64, kind = #tpu.reduction_kind<sum>} : vector<16xi1> -> vector<16xi32>
      %add3A_341 = arith.addi %add3A_319, %all_reduce_population_count3A_340 : vector<16xi32>
      %eq3A_342 = arith.constant 10 : i32
      %eq3A_343 = vector.broadcast %eq3A_342 : i32 to vector<16xi32>
      %eq3A_344 = arith.cmpi eq, %iota3A, %eq3A_343 : vector<16xi32>
      %and3A_345 = arith.andi %lt3A_119, %eq3A_344 : vector<16xi1>
      %gather3A_346 = tpu.vector_load_idx %arg9[%shift_right_arithmetic3A_124] masked %and3A_345 : memref<64xi32, #tpu.memory_space<vmem>>[vector<16xi32>], vector<16xi32>, vector<16xi1>
      %lt3A_347 = arith.constant 24 : i32
      %lt3A_348 = vector.broadcast %lt3A_347 : i32 to vector<16xi32>
      %lt3A_349 = arith.cmpi slt, %gather3A_346, %lt3A_348 : vector<16xi32>
      %mul3A_350 = arith.constant 24 : i32
      %mul3A_351 = vector.broadcast %mul3A_350 : i32 to vector<16xi32>
      %mul3A_352 = arith.muli %shift_right_arithmetic3A_124, %mul3A_351 : vector<16xi32>
      %add3A_353 = arith.addi %mul3A_352, %gather3A_346 : vector<16xi32>
      %and3A_354 = arith.andi %and3A_345, %lt3A_349 : vector<16xi1>
      tpu.vector_store_idx %arg8[%add3A_353], %get3A_122 masked %and3A_354 : memref<1504xi32, #tpu.memory_space<vmem>>[vector<16xi32>], vector<16xi32>, vector<16xi1>
      %add3A_355 = arith.constant 1 : i32
      %add3A_356 = vector.broadcast %add3A_355 : i32 to vector<16xi32>
      %add3A_357 = arith.addi %gather3A_346, %add3A_356 : vector<16xi32>
      %and3A_358 = arith.andi %and3A_345, %lt3A_349 : vector<16xi1>
      tpu.vector_store_idx %arg9[%shift_right_arithmetic3A_124], %add3A_357 masked %and3A_358 : memref<64xi32, #tpu.memory_space<vmem>>[vector<16xi32>], vector<16xi32>, vector<16xi1>
      %not3A_359 = arith.constant dense<true> : vector<16xi1>
      %not3A_360 = arith.xori %lt3A_349, %not3A_359 : vector<16xi1>
      %and3A_361 = arith.andi %and3A_345, %not3A_360 : vector<16xi1>
      tpu.vector_store_idx %arg7[%add3A_341], %get3A_122 masked %and3A_361 : memref<16384xi32, #tpu.memory_space<vmem>>[vector<16xi32>], vector<16xi32>, vector<16xi1>
      %all_reduce_population_count3A_362 = tpu.all_reduce %and3A_361 {dim = 0 : i64, kind = #tpu.reduction_kind<sum>} : vector<16xi1> -> vector<16xi32>
      %add3A_363 = arith.addi %add3A_341, %all_reduce_population_count3A_362 : vector<16xi32>
      %eq3A_364 = arith.constant 11 : i32
      %eq3A_365 = vector.broadcast %eq3A_364 : i32 to vector<16xi32>
      %eq3A_366 = arith.cmpi eq, %iota3A, %eq3A_365 : vector<16xi32>
      %and3A_367 = arith.andi %lt3A_119, %eq3A_366 : vector<16xi1>
      %gather3A_368 = tpu.vector_load_idx %arg9[%shift_right_arithmetic3A_124] masked %and3A_367 : memref<64xi32, #tpu.memory_space<vmem>>[vector<16xi32>], vector<16xi32>, vector<16xi1>
      %lt3A_369 = arith.constant 24 : i32
      %lt3A_370 = vector.broadcast %lt3A_369 : i32 to vector<16xi32>
      %lt3A_371 = arith.cmpi slt, %gather3A_368, %lt3A_370 : vector<16xi32>
      %mul3A_372 = arith.constant 24 : i32
      %mul3A_373 = vector.broadcast %mul3A_372 : i32 to vector<16xi32>
      %mul3A_374 = arith.muli %shift_right_arithmetic3A_124, %mul3A_373 : vector<16xi32>
      %add3A_375 = arith.addi %mul3A_374, %gather3A_368 : vector<16xi32>
      %and3A_376 = arith.andi %and3A_367, %lt3A_371 : vector<16xi1>
      tpu.vector_store_idx %arg8[%add3A_375], %get3A_122 masked %and3A_376 : memref<1504xi32, #tpu.memory_space<vmem>>[vector<16xi32>], vector<16xi32>, vector<16xi1>
      %add3A_377 = arith.constant 1 : i32
      %add3A_378 = vector.broadcast %add3A_377 : i32 to vector<16xi32>
      %add3A_379 = arith.addi %gather3A_368, %add3A_378 : vector<16xi32>
      %and3A_380 = arith.andi %and3A_367, %lt3A_371 : vector<16xi1>
      tpu.vector_store_idx %arg9[%shift_right_arithmetic3A_124], %add3A_379 masked %and3A_380 : memref<64xi32, #tpu.memory_space<vmem>>[vector<16xi32>], vector<16xi32>, vector<16xi1>
      %not3A_381 = arith.constant dense<true> : vector<16xi1>
      %not3A_382 = arith.xori %lt3A_371, %not3A_381 : vector<16xi1>
      %and3A_383 = arith.andi %and3A_367, %not3A_382 : vector<16xi1>
      tpu.vector_store_idx %arg7[%add3A_363], %get3A_122 masked %and3A_383 : memref<16384xi32, #tpu.memory_space<vmem>>[vector<16xi32>], vector<16xi32>, vector<16xi1>
      %all_reduce_population_count3A_384 = tpu.all_reduce %and3A_383 {dim = 0 : i64, kind = #tpu.reduction_kind<sum>} : vector<16xi1> -> vector<16xi32>
      %add3A_385 = arith.addi %add3A_363, %all_reduce_population_count3A_384 : vector<16xi32>
      %eq3A_386 = arith.constant 12 : i32
      %eq3A_387 = vector.broadcast %eq3A_386 : i32 to vector<16xi32>
      %eq3A_388 = arith.cmpi eq, %iota3A, %eq3A_387 : vector<16xi32>
      %and3A_389 = arith.andi %lt3A_119, %eq3A_388 : vector<16xi1>
      %gather3A_390 = tpu.vector_load_idx %arg9[%shift_right_arithmetic3A_124] masked %and3A_389 : memref<64xi32, #tpu.memory_space<vmem>>[vector<16xi32>], vector<16xi32>, vector<16xi1>
      %lt3A_391 = arith.constant 24 : i32
      %lt3A_392 = vector.broadcast %lt3A_391 : i32 to vector<16xi32>
      %lt3A_393 = arith.cmpi slt, %gather3A_390, %lt3A_392 : vector<16xi32>
      %mul3A_394 = arith.constant 24 : i32
      %mul3A_395 = vector.broadcast %mul3A_394 : i32 to vector<16xi32>
      %mul3A_396 = arith.muli %shift_right_arithmetic3A_124, %mul3A_395 : vector<16xi32>
      %add3A_397 = arith.addi %mul3A_396, %gather3A_390 : vector<16xi32>
      %and3A_398 = arith.andi %and3A_389, %lt3A_393 : vector<16xi1>
      tpu.vector_store_idx %arg8[%add3A_397], %get3A_122 masked %and3A_398 : memref<1504xi32, #tpu.memory_space<vmem>>[vector<16xi32>], vector<16xi32>, vector<16xi1>
      %add3A_399 = arith.constant 1 : i32
      %add3A_400 = vector.broadcast %add3A_399 : i32 to vector<16xi32>
      %add3A_401 = arith.addi %gather3A_390, %add3A_400 : vector<16xi32>
      %and3A_402 = arith.andi %and3A_389, %lt3A_393 : vector<16xi1>
      tpu.vector_store_idx %arg9[%shift_right_arithmetic3A_124], %add3A_401 masked %and3A_402 : memref<64xi32, #tpu.memory_space<vmem>>[vector<16xi32>], vector<16xi32>, vector<16xi1>
      %not3A_403 = arith.constant dense<true> : vector<16xi1>
      %not3A_404 = arith.xori %lt3A_393, %not3A_403 : vector<16xi1>
      %and3A_405 = arith.andi %and3A_389, %not3A_404 : vector<16xi1>
      tpu.vector_store_idx %arg7[%add3A_385], %get3A_122 masked %and3A_405 : memref<16384xi32, #tpu.memory_space<vmem>>[vector<16xi32>], vector<16xi32>, vector<16xi1>
      %all_reduce_population_count3A_406 = tpu.all_reduce %and3A_405 {dim = 0 : i64, kind = #tpu.reduction_kind<sum>} : vector<16xi1> -> vector<16xi32>
      %add3A_407 = arith.addi %add3A_385, %all_reduce_population_count3A_406 : vector<16xi32>
      %eq3A_408 = arith.constant 13 : i32
      %eq3A_409 = vector.broadcast %eq3A_408 : i32 to vector<16xi32>
      %eq3A_410 = arith.cmpi eq, %iota3A, %eq3A_409 : vector<16xi32>
      %and3A_411 = arith.andi %lt3A_119, %eq3A_410 : vector<16xi1>
      %gather3A_412 = tpu.vector_load_idx %arg9[%shift_right_arithmetic3A_124] masked %and3A_411 : memref<64xi32, #tpu.memory_space<vmem>>[vector<16xi32>], vector<16xi32>, vector<16xi1>
      %lt3A_413 = arith.constant 24 : i32
      %lt3A_414 = vector.broadcast %lt3A_413 : i32 to vector<16xi32>
      %lt3A_415 = arith.cmpi slt, %gather3A_412, %lt3A_414 : vector<16xi32>
      %mul3A_416 = arith.constant 24 : i32
      %mul3A_417 = vector.broadcast %mul3A_416 : i32 to vector<16xi32>
      %mul3A_418 = arith.muli %shift_right_arithmetic3A_124, %mul3A_417 : vector<16xi32>
      %add3A_419 = arith.addi %mul3A_418, %gather3A_412 : vector<16xi32>
      %and3A_420 = arith.andi %and3A_411, %lt3A_415 : vector<16xi1>
      tpu.vector_store_idx %arg8[%add3A_419], %get3A_122 masked %and3A_420 : memref<1504xi32, #tpu.memory_space<vmem>>[vector<16xi32>], vector<16xi32>, vector<16xi1>
      %add3A_421 = arith.constant 1 : i32
      %add3A_422 = vector.broadcast %add3A_421 : i32 to vector<16xi32>
      %add3A_423 = arith.addi %gather3A_412, %add3A_422 : vector<16xi32>
      %and3A_424 = arith.andi %and3A_411, %lt3A_415 : vector<16xi1>
      tpu.vector_store_idx %arg9[%shift_right_arithmetic3A_124], %add3A_423 masked %and3A_424 : memref<64xi32, #tpu.memory_space<vmem>>[vector<16xi32>], vector<16xi32>, vector<16xi1>
      %not3A_425 = arith.constant dense<true> : vector<16xi1>
      %not3A_426 = arith.xori %lt3A_415, %not3A_425 : vector<16xi1>
      %and3A_427 = arith.andi %and3A_411, %not3A_426 : vector<16xi1>
      tpu.vector_store_idx %arg7[%add3A_407], %get3A_122 masked %and3A_427 : memref<16384xi32, #tpu.memory_space<vmem>>[vector<16xi32>], vector<16xi32>, vector<16xi1>
      %all_reduce_population_count3A_428 = tpu.all_reduce %and3A_427 {dim = 0 : i64, kind = #tpu.reduction_kind<sum>} : vector<16xi1> -> vector<16xi32>
      %add3A_429 = arith.addi %add3A_407, %all_reduce_population_count3A_428 : vector<16xi32>
      %eq3A_430 = arith.constant 14 : i32
      %eq3A_431 = vector.broadcast %eq3A_430 : i32 to vector<16xi32>
      %eq3A_432 = arith.cmpi eq, %iota3A, %eq3A_431 : vector<16xi32>
      %and3A_433 = arith.andi %lt3A_119, %eq3A_432 : vector<16xi1>
      %gather3A_434 = tpu.vector_load_idx %arg9[%shift_right_arithmetic3A_124] masked %and3A_433 : memref<64xi32, #tpu.memory_space<vmem>>[vector<16xi32>], vector<16xi32>, vector<16xi1>
      %lt3A_435 = arith.constant 24 : i32
      %lt3A_436 = vector.broadcast %lt3A_435 : i32 to vector<16xi32>
      %lt3A_437 = arith.cmpi slt, %gather3A_434, %lt3A_436 : vector<16xi32>
      %mul3A_438 = arith.constant 24 : i32
      %mul3A_439 = vector.broadcast %mul3A_438 : i32 to vector<16xi32>
      %mul3A_440 = arith.muli %shift_right_arithmetic3A_124, %mul3A_439 : vector<16xi32>
      %add3A_441 = arith.addi %mul3A_440, %gather3A_434 : vector<16xi32>
      %and3A_442 = arith.andi %and3A_433, %lt3A_437 : vector<16xi1>
      tpu.vector_store_idx %arg8[%add3A_441], %get3A_122 masked %and3A_442 : memref<1504xi32, #tpu.memory_space<vmem>>[vector<16xi32>], vector<16xi32>, vector<16xi1>
      %add3A_443 = arith.constant 1 : i32
      %add3A_444 = vector.broadcast %add3A_443 : i32 to vector<16xi32>
      %add3A_445 = arith.addi %gather3A_434, %add3A_444 : vector<16xi32>
      %and3A_446 = arith.andi %and3A_433, %lt3A_437 : vector<16xi1>
      tpu.vector_store_idx %arg9[%shift_right_arithmetic3A_124], %add3A_445 masked %and3A_446 : memref<64xi32, #tpu.memory_space<vmem>>[vector<16xi32>], vector<16xi32>, vector<16xi1>
      %not3A_447 = arith.constant dense<true> : vector<16xi1>
      %not3A_448 = arith.xori %lt3A_437, %not3A_447 : vector<16xi1>
      %and3A_449 = arith.andi %and3A_433, %not3A_448 : vector<16xi1>
      tpu.vector_store_idx %arg7[%add3A_429], %get3A_122 masked %and3A_449 : memref<16384xi32, #tpu.memory_space<vmem>>[vector<16xi32>], vector<16xi32>, vector<16xi1>
      %all_reduce_population_count3A_450 = tpu.all_reduce %and3A_449 {dim = 0 : i64, kind = #tpu.reduction_kind<sum>} : vector<16xi1> -> vector<16xi32>
      %add3A_451 = arith.addi %add3A_429, %all_reduce_population_count3A_450 : vector<16xi32>
      %eq3A_452 = arith.constant 15 : i32
      %eq3A_453 = vector.broadcast %eq3A_452 : i32 to vector<16xi32>
      %eq3A_454 = arith.cmpi eq, %iota3A, %eq3A_453 : vector<16xi32>
      %and3A_455 = arith.andi %lt3A_119, %eq3A_454 : vector<16xi1>
      %gather3A_456 = tpu.vector_load_idx %arg9[%shift_right_arithmetic3A_124] masked %and3A_455 : memref<64xi32, #tpu.memory_space<vmem>>[vector<16xi32>], vector<16xi32>, vector<16xi1>
      %lt3A_457 = arith.constant 24 : i32
      %lt3A_458 = vector.broadcast %lt3A_457 : i32 to vector<16xi32>
      %lt3A_459 = arith.cmpi slt, %gather3A_456, %lt3A_458 : vector<16xi32>
      %mul3A_460 = arith.constant 24 : i32
      %mul3A_461 = vector.broadcast %mul3A_460 : i32 to vector<16xi32>
      %mul3A_462 = arith.muli %shift_right_arithmetic3A_124, %mul3A_461 : vector<16xi32>
      %add3A_463 = arith.addi %mul3A_462, %gather3A_456 : vector<16xi32>
      %and3A_464 = arith.andi %and3A_455, %lt3A_459 : vector<16xi1>
      tpu.vector_store_idx %arg8[%add3A_463], %get3A_122 masked %and3A_464 : memref<1504xi32, #tpu.memory_space<vmem>>[vector<16xi32>], vector<16xi32>, vector<16xi1>
      %add3A_465 = arith.constant 1 : i32
      %add3A_466 = vector.broadcast %add3A_465 : i32 to vector<16xi32>
      %add3A_467 = arith.addi %gather3A_456, %add3A_466 : vector<16xi32>
      %and3A_468 = arith.andi %and3A_455, %lt3A_459 : vector<16xi1>
      tpu.vector_store_idx %arg9[%shift_right_arithmetic3A_124], %add3A_467 masked %and3A_468 : memref<64xi32, #tpu.memory_space<vmem>>[vector<16xi32>], vector<16xi32>, vector<16xi1>
      %not3A_469 = arith.constant dense<true> : vector<16xi1>
      %not3A_470 = arith.xori %lt3A_459, %not3A_469 : vector<16xi1>
      %and3A_471 = arith.andi %and3A_455, %not3A_470 : vector<16xi1>
      tpu.vector_store_idx %arg7[%add3A_451], %get3A_122 masked %and3A_471 : memref<16384xi32, #tpu.memory_space<vmem>>[vector<16xi32>], vector<16xi32>, vector<16xi1>
      %all_reduce_population_count3A_472 = tpu.all_reduce %and3A_471 {dim = 0 : i64, kind = #tpu.reduction_kind<sum>} : vector<16xi1> -> vector<16xi32>
      %add3A_473 = arith.addi %add3A_451, %all_reduce_population_count3A_472 : vector<16xi32>
      scf.yield %add3A_473 : vector<16xi32>
    }
    %while3A_66 = arith.constant 1 : i32
    %while3A_67 = scf.for %while3A_113 = %while3A_63 to %while3A_59 step %while3A_66 iter_args(%while3A_114 = %while3A_65) -> (vector<16xi32>)  : i32 {
      %mul3A_115 = arith.constant 16 : i32
      %mul3A_116 = arith.muli %while3A_113, %mul3A_115 : i32
      %add3A_117 = vector.broadcast %mul3A_116 : i32 to vector<16xi32>
      %add3A_118 = arith.addi %add3A_117, %iota3A : vector<16xi32>
      %lt3A_119 = arith.cmpi slt, %add3A_118, %scan3A_22 : vector<16xi32>
      %mul3A_120 = arith.constant 16 : i32
      %mul3A_121 = arith.muli %while3A_113, %mul3A_120 : i32
      %get3A = arith.index_cast %mul3A_121 : i32 to index
      %get3A_122 = tpu.vector_load %arg6[%get3A] {strides = array<i32>} : memref<16384xi32, #tpu.memory_space<vmem>>, vector<16xi32>,
      %gather3A = tpu.vector_load_idx %arg5[%get3A_122] masked %lt3A_119 : memref<16384xi32, #tpu.memory_space<vmem>>[vector<16xi32>], vector<16xi32>, vector<16xi1>
      %shift_right_arithmetic3A = arith.constant 14 : i32
      %shift_right_arithmetic3A_123 = vector.broadcast %shift_right_arithmetic3A : i32 to vector<16xi32>
      %shift_right_arithmetic3A_124 = arith.shrsi %gather3A, %shift_right_arithmetic3A_123 : vector<16xi32>
      %eq3A = arith.constant 0 : i32
      %eq3A_125 = vector.broadcast %eq3A : i32 to vector<16xi32>
      %eq3A_126 = arith.cmpi eq, %iota3A, %eq3A_125 : vector<16xi32>
      %and3A_127 = arith.andi %lt3A_119, %eq3A_126 : vector<16xi1>
      %gather3A_128 = tpu.vector_load_idx %arg9[%shift_right_arithmetic3A_124] masked %and3A_127 : memref<64xi32, #tpu.memory_space<vmem>>[vector<16xi32>], vector<16xi32>, vector<16xi1>
      %lt3A_129 = arith.constant 24 : i32
      %lt3A_130 = vector.broadcast %lt3A_129 : i32 to vector<16xi32>
      %lt3A_131 = arith.cmpi slt, %gather3A_128, %lt3A_130 : vector<16xi32>
      %mul3A_132 = arith.constant 24 : i32
      %mul3A_133 = vector.broadcast %mul3A_132 : i32 to vector<16xi32>
      %mul3A_134 = arith.muli %shift_right_arithmetic3A_124, %mul3A_133 : vector<16xi32>
      %add3A_135 = arith.addi %mul3A_134, %gather3A_128 : vector<16xi32>
      %and3A_136 = arith.andi %and3A_127, %lt3A_131 : vector<16xi1>
      tpu.vector_store_idx %arg8[%add3A_135], %get3A_122 masked %and3A_136 : memref<1504xi32, #tpu.memory_space<vmem>>[vector<16xi32>], vector<16xi32>, vector<16xi1>
      %add3A_137 = arith.constant 1 : i32
      %add3A_138 = vector.broadcast %add3A_137 : i32 to vector<16xi32>
      %add3A_139 = arith.addi %gather3A_128, %add3A_138 : vector<16xi32>
      %and3A_140 = arith.andi %and3A_127, %lt3A_131 : vector<16xi1>
      tpu.vector_store_idx %arg9[%shift_right_arithmetic3A_124], %add3A_139 masked %and3A_140 : memref<64xi32, #tpu.memory_space<vmem>>[vector<16xi32>], vector<16xi32>, vector<16xi1>
      %not3A = arith.constant dense<true> : vector<16xi1>
      %not3A_141 = arith.xori %lt3A_131, %not3A : vector<16xi1>
      %and3A_142 = arith.andi %and3A_127, %not3A_141 : vector<16xi1>
      tpu.vector_store_idx %arg7[%while3A_114], %get3A_122 masked %and3A_142 : memref<16384xi32, #tpu.memory_space<vmem>>[vector<16xi32>], vector<16xi32>, vector<16xi1>
      %all_reduce_population_count3A = tpu.all_reduce %and3A_142 {dim = 0 : i64, kind = #tpu.reduction_kind<sum>} : vector<16xi1> -> vector<16xi32>
      %add3A_143 = arith.addi %while3A_114, %all_reduce_population_count3A : vector<16xi32>
      %eq3A_144 = arith.constant 1 : i32
      %eq3A_145 = vector.broadcast %eq3A_144 : i32 to vector<16xi32>
      %eq3A_146 = arith.cmpi eq, %iota3A, %eq3A_145 : vector<16xi32>
      %and3A_147 = arith.andi %lt3A_119, %eq3A_146 : vector<16xi1>
      %gather3A_148 = tpu.vector_load_idx %arg9[%shift_right_arithmetic3A_124] masked %and3A_147 : memref<64xi32, #tpu.memory_space<vmem>>[vector<16xi32>], vector<16xi32>, vector<16xi1>
      %lt3A_149 = arith.constant 24 : i32
      %lt3A_150 = vector.broadcast %lt3A_149 : i32 to vector<16xi32>
      %lt3A_151 = arith.cmpi slt, %gather3A_148, %lt3A_150 : vector<16xi32>
      %mul3A_152 = arith.constant 24 : i32
      %mul3A_153 = vector.broadcast %mul3A_152 : i32 to vector<16xi32>
      %mul3A_154 = arith.muli %shift_right_arithmetic3A_124, %mul3A_153 : vector<16xi32>
      %add3A_155 = arith.addi %mul3A_154, %gather3A_148 : vector<16xi32>
      %and3A_156 = arith.andi %and3A_147, %lt3A_151 : vector<16xi1>
      tpu.vector_store_idx %arg8[%add3A_155], %get3A_122 masked %and3A_156 : memref<1504xi32, #tpu.memory_space<vmem>>[vector<16xi32>], vector<16xi32>, vector<16xi1>
      %add3A_157 = arith.constant 1 : i32
      %add3A_158 = vector.broadcast %add3A_157 : i32 to vector<16xi32>
      %add3A_159 = arith.addi %gather3A_148, %add3A_158 : vector<16xi32>
      %and3A_160 = arith.andi %and3A_147, %lt3A_151 : vector<16xi1>
      tpu.vector_store_idx %arg9[%shift_right_arithmetic3A_124], %add3A_159 masked %and3A_160 : memref<64xi32, #tpu.memory_space<vmem>>[vector<16xi32>], vector<16xi32>, vector<16xi1>
      %not3A_161 = arith.constant dense<true> : vector<16xi1>
      %not3A_162 = arith.xori %lt3A_151, %not3A_161 : vector<16xi1>
      %and3A_163 = arith.andi %and3A_147, %not3A_162 : vector<16xi1>
      tpu.vector_store_idx %arg7[%add3A_143], %get3A_122 masked %and3A_163 : memref<16384xi32, #tpu.memory_space<vmem>>[vector<16xi32>], vector<16xi32>, vector<16xi1>
      %all_reduce_population_count3A_164 = tpu.all_reduce %and3A_163 {dim = 0 : i64, kind = #tpu.reduction_kind<sum>} : vector<16xi1> -> vector<16xi32>
      %add3A_165 = arith.addi %add3A_143, %all_reduce_population_count3A_164 : vector<16xi32>
      %eq3A_166 = arith.constant 2 : i32
      %eq3A_167 = vector.broadcast %eq3A_166 : i32 to vector<16xi32>
      %eq3A_168 = arith.cmpi eq, %iota3A, %eq3A_167 : vector<16xi32>
      %and3A_169 = arith.andi %lt3A_119, %eq3A_168 : vector<16xi1>
      %gather3A_170 = tpu.vector_load_idx %arg9[%shift_right_arithmetic3A_124] masked %and3A_169 : memref<64xi32, #tpu.memory_space<vmem>>[vector<16xi32>], vector<16xi32>, vector<16xi1>
      %lt3A_171 = arith.constant 24 : i32
      %lt3A_172 = vector.broadcast %lt3A_171 : i32 to vector<16xi32>
      %lt3A_173 = arith.cmpi slt, %gather3A_170, %lt3A_172 : vector<16xi32>
      %mul3A_174 = arith.constant 24 : i32
      %mul3A_175 = vector.broadcast %mul3A_174 : i32 to vector<16xi32>
      %mul3A_176 = arith.muli %shift_right_arithmetic3A_124, %mul3A_175 : vector<16xi32>
      %add3A_177 = arith.addi %mul3A_176, %gather3A_170 : vector<16xi32>
      %and3A_178 = arith.andi %and3A_169, %lt3A_173 : vector<16xi1>
      tpu.vector_store_idx %arg8[%add3A_177], %get3A_122 masked %and3A_178 : memref<1504xi32, #tpu.memory_space<vmem>>[vector<16xi32>], vector<16xi32>, vector<16xi1>
      %add3A_179 = arith.constant 1 : i32
      %add3A_180 = vector.broadcast %add3A_179 : i32 to vector<16xi32>
      %add3A_181 = arith.addi %gather3A_170, %add3A_180 : vector<16xi32>
      %and3A_182 = arith.andi %and3A_169, %lt3A_173 : vector<16xi1>
      tpu.vector_store_idx %arg9[%shift_right_arithmetic3A_124], %add3A_181 masked %and3A_182 : memref<64xi32, #tpu.memory_space<vmem>>[vector<16xi32>], vector<16xi32>, vector<16xi1>
      %not3A_183 = arith.constant dense<true> : vector<16xi1>
      %not3A_184 = arith.xori %lt3A_173, %not3A_183 : vector<16xi1>
      %and3A_185 = arith.andi %and3A_169, %not3A_184 : vector<16xi1>
      tpu.vector_store_idx %arg7[%add3A_165], %get3A_122 masked %and3A_185 : memref<16384xi32, #tpu.memory_space<vmem>>[vector<16xi32>], vector<16xi32>, vector<16xi1>
      %all_reduce_population_count3A_186 = tpu.all_reduce %and3A_185 {dim = 0 : i64, kind = #tpu.reduction_kind<sum>} : vector<16xi1> -> vector<16xi32>
      %add3A_187 = arith.addi %add3A_165, %all_reduce_population_count3A_186 : vector<16xi32>
      %eq3A_188 = arith.constant 3 : i32
      %eq3A_189 = vector.broadcast %eq3A_188 : i32 to vector<16xi32>
      %eq3A_190 = arith.cmpi eq, %iota3A, %eq3A_189 : vector<16xi32>
      %and3A_191 = arith.andi %lt3A_119, %eq3A_190 : vector<16xi1>
      %gather3A_192 = tpu.vector_load_idx %arg9[%shift_right_arithmetic3A_124] masked %and3A_191 : memref<64xi32, #tpu.memory_space<vmem>>[vector<16xi32>], vector<16xi32>, vector<16xi1>
      %lt3A_193 = arith.constant 24 : i32
      %lt3A_194 = vector.broadcast %lt3A_193 : i32 to vector<16xi32>
      %lt3A_195 = arith.cmpi slt, %gather3A_192, %lt3A_194 : vector<16xi32>
      %mul3A_196 = arith.constant 24 : i32
      %mul3A_197 = vector.broadcast %mul3A_196 : i32 to vector<16xi32>
      %mul3A_198 = arith.muli %shift_right_arithmetic3A_124, %mul3A_197 : vector<16xi32>
      %add3A_199 = arith.addi %mul3A_198, %gather3A_192 : vector<16xi32>
      %and3A_200 = arith.andi %and3A_191, %lt3A_195 : vector<16xi1>
      tpu.vector_store_idx %arg8[%add3A_199], %get3A_122 masked %and3A_200 : memref<1504xi32, #tpu.memory_space<vmem>>[vector<16xi32>], vector<16xi32>, vector<16xi1>
      %add3A_201 = arith.constant 1 : i32
      %add3A_202 = vector.broadcast %add3A_201 : i32 to vector<16xi32>
      %add3A_203 = arith.addi %gather3A_192, %add3A_202 : vector<16xi32>
      %and3A_204 = arith.andi %and3A_191, %lt3A_195 : vector<16xi1>
      tpu.vector_store_idx %arg9[%shift_right_arithmetic3A_124], %add3A_203 masked %and3A_204 : memref<64xi32, #tpu.memory_space<vmem>>[vector<16xi32>], vector<16xi32>, vector<16xi1>
      %not3A_205 = arith.constant dense<true> : vector<16xi1>
      %not3A_206 = arith.xori %lt3A_195, %not3A_205 : vector<16xi1>
      %and3A_207 = arith.andi %and3A_191, %not3A_206 : vector<16xi1>
      tpu.vector_store_idx %arg7[%add3A_187], %get3A_122 masked %and3A_207 : memref<16384xi32, #tpu.memory_space<vmem>>[vector<16xi32>], vector<16xi32>, vector<16xi1>
      %all_reduce_population_count3A_208 = tpu.all_reduce %and3A_207 {dim = 0 : i64, kind = #tpu.reduction_kind<sum>} : vector<16xi1> -> vector<16xi32>
      %add3A_209 = arith.addi %add3A_187, %all_reduce_population_count3A_208 : vector<16xi32>
      %eq3A_210 = arith.constant 4 : i32
      %eq3A_211 = vector.broadcast %eq3A_210 : i32 to vector<16xi32>
      %eq3A_212 = arith.cmpi eq, %iota3A, %eq3A_211 : vector<16xi32>
      %and3A_213 = arith.andi %lt3A_119, %eq3A_212 : vector<16xi1>
      %gather3A_214 = tpu.vector_load_idx %arg9[%shift_right_arithmetic3A_124] masked %and3A_213 : memref<64xi32, #tpu.memory_space<vmem>>[vector<16xi32>], vector<16xi32>, vector<16xi1>
      %lt3A_215 = arith.constant 24 : i32
      %lt3A_216 = vector.broadcast %lt3A_215 : i32 to vector<16xi32>
      %lt3A_217 = arith.cmpi slt, %gather3A_214, %lt3A_216 : vector<16xi32>
      %mul3A_218 = arith.constant 24 : i32
      %mul3A_219 = vector.broadcast %mul3A_218 : i32 to vector<16xi32>
      %mul3A_220 = arith.muli %shift_right_arithmetic3A_124, %mul3A_219 : vector<16xi32>
      %add3A_221 = arith.addi %mul3A_220, %gather3A_214 : vector<16xi32>
      %and3A_222 = arith.andi %and3A_213, %lt3A_217 : vector<16xi1>
      tpu.vector_store_idx %arg8[%add3A_221], %get3A_122 masked %and3A_222 : memref<1504xi32, #tpu.memory_space<vmem>>[vector<16xi32>], vector<16xi32>, vector<16xi1>
      %add3A_223 = arith.constant 1 : i32
      %add3A_224 = vector.broadcast %add3A_223 : i32 to vector<16xi32>
      %add3A_225 = arith.addi %gather3A_214, %add3A_224 : vector<16xi32>
      %and3A_226 = arith.andi %and3A_213, %lt3A_217 : vector<16xi1>
      tpu.vector_store_idx %arg9[%shift_right_arithmetic3A_124], %add3A_225 masked %and3A_226 : memref<64xi32, #tpu.memory_space<vmem>>[vector<16xi32>], vector<16xi32>, vector<16xi1>
      %not3A_227 = arith.constant dense<true> : vector<16xi1>
      %not3A_228 = arith.xori %lt3A_217, %not3A_227 : vector<16xi1>
      %and3A_229 = arith.andi %and3A_213, %not3A_228 : vector<16xi1>
      tpu.vector_store_idx %arg7[%add3A_209], %get3A_122 masked %and3A_229 : memref<16384xi32, #tpu.memory_space<vmem>>[vector<16xi32>], vector<16xi32>, vector<16xi1>
      %all_reduce_population_count3A_230 = tpu.all_reduce %and3A_229 {dim = 0 : i64, kind = #tpu.reduction_kind<sum>} : vector<16xi1> -> vector<16xi32>
      %add3A_231 = arith.addi %add3A_209, %all_reduce_population_count3A_230 : vector<16xi32>
      %eq3A_232 = arith.constant 5 : i32
      %eq3A_233 = vector.broadcast %eq3A_232 : i32 to vector<16xi32>
      %eq3A_234 = arith.cmpi eq, %iota3A, %eq3A_233 : vector<16xi32>
      %and3A_235 = arith.andi %lt3A_119, %eq3A_234 : vector<16xi1>
      %gather3A_236 = tpu.vector_load_idx %arg9[%shift_right_arithmetic3A_124] masked %and3A_235 : memref<64xi32, #tpu.memory_space<vmem>>[vector<16xi32>], vector<16xi32>, vector<16xi1>
      %lt3A_237 = arith.constant 24 : i32
      %lt3A_238 = vector.broadcast %lt3A_237 : i32 to vector<16xi32>
      %lt3A_239 = arith.cmpi slt, %gather3A_236, %lt3A_238 : vector<16xi32>
      %mul3A_240 = arith.constant 24 : i32
      %mul3A_241 = vector.broadcast %mul3A_240 : i32 to vector<16xi32>
      %mul3A_242 = arith.muli %shift_right_arithmetic3A_124, %mul3A_241 : vector<16xi32>
      %add3A_243 = arith.addi %mul3A_242, %gather3A_236 : vector<16xi32>
      %and3A_244 = arith.andi %and3A_235, %lt3A_239 : vector<16xi1>
      tpu.vector_store_idx %arg8[%add3A_243], %get3A_122 masked %and3A_244 : memref<1504xi32, #tpu.memory_space<vmem>>[vector<16xi32>], vector<16xi32>, vector<16xi1>
      %add3A_245 = arith.constant 1 : i32
      %add3A_246 = vector.broadcast %add3A_245 : i32 to vector<16xi32>
      %add3A_247 = arith.addi %gather3A_236, %add3A_246 : vector<16xi32>
      %and3A_248 = arith.andi %and3A_235, %lt3A_239 : vector<16xi1>
      tpu.vector_store_idx %arg9[%shift_right_arithmetic3A_124], %add3A_247 masked %and3A_248 : memref<64xi32, #tpu.memory_space<vmem>>[vector<16xi32>], vector<16xi32>, vector<16xi1>
      %not3A_249 = arith.constant dense<true> : vector<16xi1>
      %not3A_250 = arith.xori %lt3A_239, %not3A_249 : vector<16xi1>
      %and3A_251 = arith.andi %and3A_235, %not3A_250 : vector<16xi1>
      tpu.vector_store_idx %arg7[%add3A_231], %get3A_122 masked %and3A_251 : memref<16384xi32, #tpu.memory_space<vmem>>[vector<16xi32>], vector<16xi32>, vector<16xi1>
      %all_reduce_population_count3A_252 = tpu.all_reduce %and3A_251 {dim = 0 : i64, kind = #tpu.reduction_kind<sum>} : vector<16xi1> -> vector<16xi32>
      %add3A_253 = arith.addi %add3A_231, %all_reduce_population_count3A_252 : vector<16xi32>
      %eq3A_254 = arith.constant 6 : i32
      %eq3A_255 = vector.broadcast %eq3A_254 : i32 to vector<16xi32>
      %eq3A_256 = arith.cmpi eq, %iota3A, %eq3A_255 : vector<16xi32>
      %and3A_257 = arith.andi %lt3A_119, %eq3A_256 : vector<16xi1>
      %gather3A_258 = tpu.vector_load_idx %arg9[%shift_right_arithmetic3A_124] masked %and3A_257 : memref<64xi32, #tpu.memory_space<vmem>>[vector<16xi32>], vector<16xi32>, vector<16xi1>
      %lt3A_259 = arith.constant 24 : i32
      %lt3A_260 = vector.broadcast %lt3A_259 : i32 to vector<16xi32>
      %lt3A_261 = arith.cmpi slt, %gather3A_258, %lt3A_260 : vector<16xi32>
      %mul3A_262 = arith.constant 24 : i32
      %mul3A_263 = vector.broadcast %mul3A_262 : i32 to vector<16xi32>
      %mul3A_264 = arith.muli %shift_right_arithmetic3A_124, %mul3A_263 : vector<16xi32>
      %add3A_265 = arith.addi %mul3A_264, %gather3A_258 : vector<16xi32>
      %and3A_266 = arith.andi %and3A_257, %lt3A_261 : vector<16xi1>
      tpu.vector_store_idx %arg8[%add3A_265], %get3A_122 masked %and3A_266 : memref<1504xi32, #tpu.memory_space<vmem>>[vector<16xi32>], vector<16xi32>, vector<16xi1>
      %add3A_267 = arith.constant 1 : i32
      %add3A_268 = vector.broadcast %add3A_267 : i32 to vector<16xi32>
      %add3A_269 = arith.addi %gather3A_258, %add3A_268 : vector<16xi32>
      %and3A_270 = arith.andi %and3A_257, %lt3A_261 : vector<16xi1>
      tpu.vector_store_idx %arg9[%shift_right_arithmetic3A_124], %add3A_269 masked %and3A_270 : memref<64xi32, #tpu.memory_space<vmem>>[vector<16xi32>], vector<16xi32>, vector<16xi1>
      %not3A_271 = arith.constant dense<true> : vector<16xi1>
      %not3A_272 = arith.xori %lt3A_261, %not3A_271 : vector<16xi1>
      %and3A_273 = arith.andi %and3A_257, %not3A_272 : vector<16xi1>
      tpu.vector_store_idx %arg7[%add3A_253], %get3A_122 masked %and3A_273 : memref<16384xi32, #tpu.memory_space<vmem>>[vector<16xi32>], vector<16xi32>, vector<16xi1>
      %all_reduce_population_count3A_274 = tpu.all_reduce %and3A_273 {dim = 0 : i64, kind = #tpu.reduction_kind<sum>} : vector<16xi1> -> vector<16xi32>
      %add3A_275 = arith.addi %add3A_253, %all_reduce_population_count3A_274 : vector<16xi32>
      %eq3A_276 = arith.constant 7 : i32
      %eq3A_277 = vector.broadcast %eq3A_276 : i32 to vector<16xi32>
      %eq3A_278 = arith.cmpi eq, %iota3A, %eq3A_277 : vector<16xi32>
      %and3A_279 = arith.andi %lt3A_119, %eq3A_278 : vector<16xi1>
      %gather3A_280 = tpu.vector_load_idx %arg9[%shift_right_arithmetic3A_124] masked %and3A_279 : memref<64xi32, #tpu.memory_space<vmem>>[vector<16xi32>], vector<16xi32>, vector<16xi1>
      %lt3A_281 = arith.constant 24 : i32
      %lt3A_282 = vector.broadcast %lt3A_281 : i32 to vector<16xi32>
      %lt3A_283 = arith.cmpi slt, %gather3A_280, %lt3A_282 : vector<16xi32>
      %mul3A_284 = arith.constant 24 : i32
      %mul3A_285 = vector.broadcast %mul3A_284 : i32 to vector<16xi32>
      %mul3A_286 = arith.muli %shift_right_arithmetic3A_124, %mul3A_285 : vector<16xi32>
      %add3A_287 = arith.addi %mul3A_286, %gather3A_280 : vector<16xi32>
      %and3A_288 = arith.andi %and3A_279, %lt3A_283 : vector<16xi1>
      tpu.vector_store_idx %arg8[%add3A_287], %get3A_122 masked %and3A_288 : memref<1504xi32, #tpu.memory_space<vmem>>[vector<16xi32>], vector<16xi32>, vector<16xi1>
      %add3A_289 = arith.constant 1 : i32
      %add3A_290 = vector.broadcast %add3A_289 : i32 to vector<16xi32>
      %add3A_291 = arith.addi %gather3A_280, %add3A_290 : vector<16xi32>
      %and3A_292 = arith.andi %and3A_279, %lt3A_283 : vector<16xi1>
      tpu.vector_store_idx %arg9[%shift_right_arithmetic3A_124], %add3A_291 masked %and3A_292 : memref<64xi32, #tpu.memory_space<vmem>>[vector<16xi32>], vector<16xi32>, vector<16xi1>
      %not3A_293 = arith.constant dense<true> : vector<16xi1>
      %not3A_294 = arith.xori %lt3A_283, %not3A_293 : vector<16xi1>
      %and3A_295 = arith.andi %and3A_279, %not3A_294 : vector<16xi1>
      tpu.vector_store_idx %arg7[%add3A_275], %get3A_122 masked %and3A_295 : memref<16384xi32, #tpu.memory_space<vmem>>[vector<16xi32>], vector<16xi32>, vector<16xi1>
      %all_reduce_population_count3A_296 = tpu.all_reduce %and3A_295 {dim = 0 : i64, kind = #tpu.reduction_kind<sum>} : vector<16xi1> -> vector<16xi32>
      %add3A_297 = arith.addi %add3A_275, %all_reduce_population_count3A_296 : vector<16xi32>
      %eq3A_298 = arith.constant 8 : i32
      %eq3A_299 = vector.broadcast %eq3A_298 : i32 to vector<16xi32>
      %eq3A_300 = arith.cmpi eq, %iota3A, %eq3A_299 : vector<16xi32>
      %and3A_301 = arith.andi %lt3A_119, %eq3A_300 : vector<16xi1>
      %gather3A_302 = tpu.vector_load_idx %arg9[%shift_right_arithmetic3A_124] masked %and3A_301 : memref<64xi32, #tpu.memory_space<vmem>>[vector<16xi32>], vector<16xi32>, vector<16xi1>
      %lt3A_303 = arith.constant 24 : i32
      %lt3A_304 = vector.broadcast %lt3A_303 : i32 to vector<16xi32>
      %lt3A_305 = arith.cmpi slt, %gather3A_302, %lt3A_304 : vector<16xi32>
      %mul3A_306 = arith.constant 24 : i32
      %mul3A_307 = vector.broadcast %mul3A_306 : i32 to vector<16xi32>
      %mul3A_308 = arith.muli %shift_right_arithmetic3A_124, %mul3A_307 : vector<16xi32>
      %add3A_309 = arith.addi %mul3A_308, %gather3A_302 : vector<16xi32>
      %and3A_310 = arith.andi %and3A_301, %lt3A_305 : vector<16xi1>
      tpu.vector_store_idx %arg8[%add3A_309], %get3A_122 masked %and3A_310 : memref<1504xi32, #tpu.memory_space<vmem>>[vector<16xi32>], vector<16xi32>, vector<16xi1>
      %add3A_311 = arith.constant 1 : i32
      %add3A_312 = vector.broadcast %add3A_311 : i32 to vector<16xi32>
      %add3A_313 = arith.addi %gather3A_302, %add3A_312 : vector<16xi32>
      %and3A_314 = arith.andi %and3A_301, %lt3A_305 : vector<16xi1>
      tpu.vector_store_idx %arg9[%shift_right_arithmetic3A_124], %add3A_313 masked %and3A_314 : memref<64xi32, #tpu.memory_space<vmem>>[vector<16xi32>], vector<16xi32>, vector<16xi1>
      %not3A_315 = arith.constant dense<true> : vector<16xi1>
      %not3A_316 = arith.xori %lt3A_305, %not3A_315 : vector<16xi1>
      %and3A_317 = arith.andi %and3A_301, %not3A_316 : vector<16xi1>
      tpu.vector_store_idx %arg7[%add3A_297], %get3A_122 masked %and3A_317 : memref<16384xi32, #tpu.memory_space<vmem>>[vector<16xi32>], vector<16xi32>, vector<16xi1>
      %all_reduce_population_count3A_318 = tpu.all_reduce %and3A_317 {dim = 0 : i64, kind = #tpu.reduction_kind<sum>} : vector<16xi1> -> vector<16xi32>
      %add3A_319 = arith.addi %add3A_297, %all_reduce_population_count3A_318 : vector<16xi32>
      %eq3A_320 = arith.constant 9 : i32
      %eq3A_321 = vector.broadcast %eq3A_320 : i32 to vector<16xi32>
      %eq3A_322 = arith.cmpi eq, %iota3A, %eq3A_321 : vector<16xi32>
      %and3A_323 = arith.andi %lt3A_119, %eq3A_322 : vector<16xi1>
      %gather3A_324 = tpu.vector_load_idx %arg9[%shift_right_arithmetic3A_124] masked %and3A_323 : memref<64xi32, #tpu.memory_space<vmem>>[vector<16xi32>], vector<16xi32>, vector<16xi1>
      %lt3A_325 = arith.constant 24 : i32
      %lt3A_326 = vector.broadcast %lt3A_325 : i32 to vector<16xi32>
      %lt3A_327 = arith.cmpi slt, %gather3A_324, %lt3A_326 : vector<16xi32>
      %mul3A_328 = arith.constant 24 : i32
      %mul3A_329 = vector.broadcast %mul3A_328 : i32 to vector<16xi32>
      %mul3A_330 = arith.muli %shift_right_arithmetic3A_124, %mul3A_329 : vector<16xi32>
      %add3A_331 = arith.addi %mul3A_330, %gather3A_324 : vector<16xi32>
      %and3A_332 = arith.andi %and3A_323, %lt3A_327 : vector<16xi1>
      tpu.vector_store_idx %arg8[%add3A_331], %get3A_122 masked %and3A_332 : memref<1504xi32, #tpu.memory_space<vmem>>[vector<16xi32>], vector<16xi32>, vector<16xi1>
      %add3A_333 = arith.constant 1 : i32
      %add3A_334 = vector.broadcast %add3A_333 : i32 to vector<16xi32>
      %add3A_335 = arith.addi %gather3A_324, %add3A_334 : vector<16xi32>
      %and3A_336 = arith.andi %and3A_323, %lt3A_327 : vector<16xi1>
      tpu.vector_store_idx %arg9[%shift_right_arithmetic3A_124], %add3A_335 masked %and3A_336 : memref<64xi32, #tpu.memory_space<vmem>>[vector<16xi32>], vector<16xi32>, vector<16xi1>
      %not3A_337 = arith.constant dense<true> : vector<16xi1>
      %not3A_338 = arith.xori %lt3A_327, %not3A_337 : vector<16xi1>
      %and3A_339 = arith.andi %and3A_323, %not3A_338 : vector<16xi1>
      tpu.vector_store_idx %arg7[%add3A_319], %get3A_122 masked %and3A_339 : memref<16384xi32, #tpu.memory_space<vmem>>[vector<16xi32>], vector<16xi32>, vector<16xi1>
      %all_reduce_population_count3A_340 = tpu.all_reduce %and3A_339 {dim = 0 : i64, kind = #tpu.reduction_kind<sum>} : vector<16xi1> -> vector<16xi32>
      %add3A_341 = arith.addi %add3A_319, %all_reduce_population_count3A_340 : vector<16xi32>
      %eq3A_342 = arith.constant 10 : i32
      %eq3A_343 = vector.broadcast %eq3A_342 : i32 to vector<16xi32>
      %eq3A_344 = arith.cmpi eq, %iota3A, %eq3A_343 : vector<16xi32>
      %and3A_345 = arith.andi %lt3A_119, %eq3A_344 : vector<16xi1>
      %gather3A_346 = tpu.vector_load_idx %arg9[%shift_right_arithmetic3A_124] masked %and3A_345 : memref<64xi32, #tpu.memory_space<vmem>>[vector<16xi32>], vector<16xi32>, vector<16xi1>
      %lt3A_347 = arith.constant 24 : i32
      %lt3A_348 = vector.broadcast %lt3A_347 : i32 to vector<16xi32>
      %lt3A_349 = arith.cmpi slt, %gather3A_346, %lt3A_348 : vector<16xi32>
      %mul3A_350 = arith.constant 24 : i32
      %mul3A_351 = vector.broadcast %mul3A_350 : i32 to vector<16xi32>
      %mul3A_352 = arith.muli %shift_right_arithmetic3A_124, %mul3A_351 : vector<16xi32>
      %add3A_353 = arith.addi %mul3A_352, %gather3A_346 : vector<16xi32>
      %and3A_354 = arith.andi %and3A_345, %lt3A_349 : vector<16xi1>
      tpu.vector_store_idx %arg8[%add3A_353], %get3A_122 masked %and3A_354 : memref<1504xi32, #tpu.memory_space<vmem>>[vector<16xi32>], vector<16xi32>, vector<16xi1>
      %add3A_355 = arith.constant 1 : i32
      %add3A_356 = vector.broadcast %add3A_355 : i32 to vector<16xi32>
      %add3A_357 = arith.addi %gather3A_346, %add3A_356 : vector<16xi32>
      %and3A_358 = arith.andi %and3A_345, %lt3A_349 : vector<16xi1>
      tpu.vector_store_idx %arg9[%shift_right_arithmetic3A_124], %add3A_357 masked %and3A_358 : memref<64xi32, #tpu.memory_space<vmem>>[vector<16xi32>], vector<16xi32>, vector<16xi1>
      %not3A_359 = arith.constant dense<true> : vector<16xi1>
      %not3A_360 = arith.xori %lt3A_349, %not3A_359 : vector<16xi1>
      %and3A_361 = arith.andi %and3A_345, %not3A_360 : vector<16xi1>
      tpu.vector_store_idx %arg7[%add3A_341], %get3A_122 masked %and3A_361 : memref<16384xi32, #tpu.memory_space<vmem>>[vector<16xi32>], vector<16xi32>, vector<16xi1>
      %all_reduce_population_count3A_362 = tpu.all_reduce %and3A_361 {dim = 0 : i64, kind = #tpu.reduction_kind<sum>} : vector<16xi1> -> vector<16xi32>
      %add3A_363 = arith.addi %add3A_341, %all_reduce_population_count3A_362 : vector<16xi32>
      %eq3A_364 = arith.constant 11 : i32
      %eq3A_365 = vector.broadcast %eq3A_364 : i32 to vector<16xi32>
      %eq3A_366 = arith.cmpi eq, %iota3A, %eq3A_365 : vector<16xi32>
      %and3A_367 = arith.andi %lt3A_119, %eq3A_366 : vector<16xi1>
      %gather3A_368 = tpu.vector_load_idx %arg9[%shift_right_arithmetic3A_124] masked %and3A_367 : memref<64xi32, #tpu.memory_space<vmem>>[vector<16xi32>], vector<16xi32>, vector<16xi1>
      %lt3A_369 = arith.constant 24 : i32
      %lt3A_370 = vector.broadcast %lt3A_369 : i32 to vector<16xi32>
      %lt3A_371 = arith.cmpi slt, %gather3A_368, %lt3A_370 : vector<16xi32>
      %mul3A_372 = arith.constant 24 : i32
      %mul3A_373 = vector.broadcast %mul3A_372 : i32 to vector<16xi32>
      %mul3A_374 = arith.muli %shift_right_arithmetic3A_124, %mul3A_373 : vector<16xi32>
      %add3A_375 = arith.addi %mul3A_374, %gather3A_368 : vector<16xi32>
      %and3A_376 = arith.andi %and3A_367, %lt3A_371 : vector<16xi1>
      tpu.vector_store_idx %arg8[%add3A_375], %get3A_122 masked %and3A_376 : memref<1504xi32, #tpu.memory_space<vmem>>[vector<16xi32>], vector<16xi32>, vector<16xi1>
      %add3A_377 = arith.constant 1 : i32
      %add3A_378 = vector.broadcast %add3A_377 : i32 to vector<16xi32>
      %add3A_379 = arith.addi %gather3A_368, %add3A_378 : vector<16xi32>
      %and3A_380 = arith.andi %and3A_367, %lt3A_371 : vector<16xi1>
      tpu.vector_store_idx %arg9[%shift_right_arithmetic3A_124], %add3A_379 masked %and3A_380 : memref<64xi32, #tpu.memory_space<vmem>>[vector<16xi32>], vector<16xi32>, vector<16xi1>
      %not3A_381 = arith.constant dense<true> : vector<16xi1>
      %not3A_382 = arith.xori %lt3A_371, %not3A_381 : vector<16xi1>
      %and3A_383 = arith.andi %and3A_367, %not3A_382 : vector<16xi1>
      tpu.vector_store_idx %arg7[%add3A_363], %get3A_122 masked %and3A_383 : memref<16384xi32, #tpu.memory_space<vmem>>[vector<16xi32>], vector<16xi32>, vector<16xi1>
      %all_reduce_population_count3A_384 = tpu.all_reduce %and3A_383 {dim = 0 : i64, kind = #tpu.reduction_kind<sum>} : vector<16xi1> -> vector<16xi32>
      %add3A_385 = arith.addi %add3A_363, %all_reduce_population_count3A_384 : vector<16xi32>
      %eq3A_386 = arith.constant 12 : i32
      %eq3A_387 = vector.broadcast %eq3A_386 : i32 to vector<16xi32>
      %eq3A_388 = arith.cmpi eq, %iota3A, %eq3A_387 : vector<16xi32>
      %and3A_389 = arith.andi %lt3A_119, %eq3A_388 : vector<16xi1>
      %gather3A_390 = tpu.vector_load_idx %arg9[%shift_right_arithmetic3A_124] masked %and3A_389 : memref<64xi32, #tpu.memory_space<vmem>>[vector<16xi32>], vector<16xi32>, vector<16xi1>
      %lt3A_391 = arith.constant 24 : i32
      %lt3A_392 = vector.broadcast %lt3A_391 : i32 to vector<16xi32>
      %lt3A_393 = arith.cmpi slt, %gather3A_390, %lt3A_392 : vector<16xi32>
      %mul3A_394 = arith.constant 24 : i32
      %mul3A_395 = vector.broadcast %mul3A_394 : i32 to vector<16xi32>
      %mul3A_396 = arith.muli %shift_right_arithmetic3A_124, %mul3A_395 : vector<16xi32>
      %add3A_397 = arith.addi %mul3A_396, %gather3A_390 : vector<16xi32>
      %and3A_398 = arith.andi %and3A_389, %lt3A_393 : vector<16xi1>
      tpu.vector_store_idx %arg8[%add3A_397], %get3A_122 masked %and3A_398 : memref<1504xi32, #tpu.memory_space<vmem>>[vector<16xi32>], vector<16xi32>, vector<16xi1>
      %add3A_399 = arith.constant 1 : i32
      %add3A_400 = vector.broadcast %add3A_399 : i32 to vector<16xi32>
      %add3A_401 = arith.addi %gather3A_390, %add3A_400 : vector<16xi32>
      %and3A_402 = arith.andi %and3A_389, %lt3A_393 : vector<16xi1>
      tpu.vector_store_idx %arg9[%shift_right_arithmetic3A_124], %add3A_401 masked %and3A_402 : memref<64xi32, #tpu.memory_space<vmem>>[vector<16xi32>], vector<16xi32>, vector<16xi1>
      %not3A_403 = arith.constant dense<true> : vector<16xi1>
      %not3A_404 = arith.xori %lt3A_393, %not3A_403 : vector<16xi1>
      %and3A_405 = arith.andi %and3A_389, %not3A_404 : vector<16xi1>
      tpu.vector_store_idx %arg7[%add3A_385], %get3A_122 masked %and3A_405 : memref<16384xi32, #tpu.memory_space<vmem>>[vector<16xi32>], vector<16xi32>, vector<16xi1>
      %all_reduce_population_count3A_406 = tpu.all_reduce %and3A_405 {dim = 0 : i64, kind = #tpu.reduction_kind<sum>} : vector<16xi1> -> vector<16xi32>
      %add3A_407 = arith.addi %add3A_385, %all_reduce_population_count3A_406 : vector<16xi32>
      %eq3A_408 = arith.constant 13 : i32
      %eq3A_409 = vector.broadcast %eq3A_408 : i32 to vector<16xi32>
      %eq3A_410 = arith.cmpi eq, %iota3A, %eq3A_409 : vector<16xi32>
      %and3A_411 = arith.andi %lt3A_119, %eq3A_410 : vector<16xi1>
      %gather3A_412 = tpu.vector_load_idx %arg9[%shift_right_arithmetic3A_124] masked %and3A_411 : memref<64xi32, #tpu.memory_space<vmem>>[vector<16xi32>], vector<16xi32>, vector<16xi1>
      %lt3A_413 = arith.constant 24 : i32
      %lt3A_414 = vector.broadcast %lt3A_413 : i32 to vector<16xi32>
      %lt3A_415 = arith.cmpi slt, %gather3A_412, %lt3A_414 : vector<16xi32>
      %mul3A_416 = arith.constant 24 : i32
      %mul3A_417 = vector.broadcast %mul3A_416 : i32 to vector<16xi32>
      %mul3A_418 = arith.muli %shift_right_arithmetic3A_124, %mul3A_417 : vector<16xi32>
      %add3A_419 = arith.addi %mul3A_418, %gather3A_412 : vector<16xi32>
      %and3A_420 = arith.andi %and3A_411, %lt3A_415 : vector<16xi1>
      tpu.vector_store_idx %arg8[%add3A_419], %get3A_122 masked %and3A_420 : memref<1504xi32, #tpu.memory_space<vmem>>[vector<16xi32>], vector<16xi32>, vector<16xi1>
      %add3A_421 = arith.constant 1 : i32
      %add3A_422 = vector.broadcast %add3A_421 : i32 to vector<16xi32>
      %add3A_423 = arith.addi %gather3A_412, %add3A_422 : vector<16xi32>
      %and3A_424 = arith.andi %and3A_411, %lt3A_415 : vector<16xi1>
      tpu.vector_store_idx %arg9[%shift_right_arithmetic3A_124], %add3A_423 masked %and3A_424 : memref<64xi32, #tpu.memory_space<vmem>>[vector<16xi32>], vector<16xi32>, vector<16xi1>
      %not3A_425 = arith.constant dense<true> : vector<16xi1>
      %not3A_426 = arith.xori %lt3A_415, %not3A_425 : vector<16xi1>
      %and3A_427 = arith.andi %and3A_411, %not3A_426 : vector<16xi1>
      tpu.vector_store_idx %arg7[%add3A_407], %get3A_122 masked %and3A_427 : memref<16384xi32, #tpu.memory_space<vmem>>[vector<16xi32>], vector<16xi32>, vector<16xi1>
      %all_reduce_population_count3A_428 = tpu.all_reduce %and3A_427 {dim = 0 : i64, kind = #tpu.reduction_kind<sum>} : vector<16xi1> -> vector<16xi32>
      %add3A_429 = arith.addi %add3A_407, %all_reduce_population_count3A_428 : vector<16xi32>
      %eq3A_430 = arith.constant 14 : i32
      %eq3A_431 = vector.broadcast %eq3A_430 : i32 to vector<16xi32>
      %eq3A_432 = arith.cmpi eq, %iota3A, %eq3A_431 : vector<16xi32>
      %and3A_433 = arith.andi %lt3A_119, %eq3A_432 : vector<16xi1>
      %gather3A_434 = tpu.vector_load_idx %arg9[%shift_right_arithmetic3A_124] masked %and3A_433 : memref<64xi32, #tpu.memory_space<vmem>>[vector<16xi32>], vector<16xi32>, vector<16xi1>
      %lt3A_435 = arith.constant 24 : i32
      %lt3A_436 = vector.broadcast %lt3A_435 : i32 to vector<16xi32>
      %lt3A_437 = arith.cmpi slt, %gather3A_434, %lt3A_436 : vector<16xi32>
      %mul3A_438 = arith.constant 24 : i32
      %mul3A_439 = vector.broadcast %mul3A_438 : i32 to vector<16xi32>
      %mul3A_440 = arith.muli %shift_right_arithmetic3A_124, %mul3A_439 : vector<16xi32>
      %add3A_441 = arith.addi %mul3A_440, %gather3A_434 : vector<16xi32>
      %and3A_442 = arith.andi %and3A_433, %lt3A_437 : vector<16xi1>
      tpu.vector_store_idx %arg8[%add3A_441], %get3A_122 masked %and3A_442 : memref<1504xi32, #tpu.memory_space<vmem>>[vector<16xi32>], vector<16xi32>, vector<16xi1>
      %add3A_443 = arith.constant 1 : i32
      %add3A_444 = vector.broadcast %add3A_443 : i32 to vector<16xi32>
      %add3A_445 = arith.addi %gather3A_434, %add3A_444 : vector<16xi32>
      %and3A_446 = arith.andi %and3A_433, %lt3A_437 : vector<16xi1>
      tpu.vector_store_idx %arg9[%shift_right_arithmetic3A_124], %add3A_445 masked %and3A_446 : memref<64xi32, #tpu.memory_space<vmem>>[vector<16xi32>], vector<16xi32>, vector<16xi1>
      %not3A_447 = arith.constant dense<true> : vector<16xi1>
      %not3A_448 = arith.xori %lt3A_437, %not3A_447 : vector<16xi1>
      %and3A_449 = arith.andi %and3A_433, %not3A_448 : vector<16xi1>
      tpu.vector_store_idx %arg7[%add3A_429], %get3A_122 masked %and3A_449 : memref<16384xi32, #tpu.memory_space<vmem>>[vector<16xi32>], vector<16xi32>, vector<16xi1>
      %all_reduce_population_count3A_450 = tpu.all_reduce %and3A_449 {dim = 0 : i64, kind = #tpu.reduction_kind<sum>} : vector<16xi1> -> vector<16xi32>
      %add3A_451 = arith.addi %add3A_429, %all_reduce_population_count3A_450 : vector<16xi32>
      %eq3A_452 = arith.constant 15 : i32
      %eq3A_453 = vector.broadcast %eq3A_452 : i32 to vector<16xi32>
      %eq3A_454 = arith.cmpi eq, %iota3A, %eq3A_453 : vector<16xi32>
      %and3A_455 = arith.andi %lt3A_119, %eq3A_454 : vector<16xi1>
      %gather3A_456 = tpu.vector_load_idx %arg9[%shift_right_arithmetic3A_124] masked %and3A_455 : memref<64xi32, #tpu.memory_space<vmem>>[vector<16xi32>], vector<16xi32>, vector<16xi1>
      %lt3A_457 = arith.constant 24 : i32
      %lt3A_458 = vector.broadcast %lt3A_457 : i32 to vector<16xi32>
      %lt3A_459 = arith.cmpi slt, %gather3A_456, %lt3A_458 : vector<16xi32>
      %mul3A_460 = arith.constant 24 : i32
      %mul3A_461 = vector.broadcast %mul3A_460 : i32 to vector<16xi32>
      %mul3A_462 = arith.muli %shift_right_arithmetic3A_124, %mul3A_461 : vector<16xi32>
      %add3A_463 = arith.addi %mul3A_462, %gather3A_456 : vector<16xi32>
      %and3A_464 = arith.andi %and3A_455, %lt3A_459 : vector<16xi1>
      tpu.vector_store_idx %arg8[%add3A_463], %get3A_122 masked %and3A_464 : memref<1504xi32, #tpu.memory_space<vmem>>[vector<16xi32>], vector<16xi32>, vector<16xi1>
      %add3A_465 = arith.constant 1 : i32
      %add3A_466 = vector.broadcast %add3A_465 : i32 to vector<16xi32>
      %add3A_467 = arith.addi %gather3A_456, %add3A_466 : vector<16xi32>
      %and3A_468 = arith.andi %and3A_455, %lt3A_459 : vector<16xi1>
      tpu.vector_store_idx %arg9[%shift_right_arithmetic3A_124], %add3A_467 masked %and3A_468 : memref<64xi32, #tpu.memory_space<vmem>>[vector<16xi32>], vector<16xi32>, vector<16xi1>
      %not3A_469 = arith.constant dense<true> : vector<16xi1>
      %not3A_470 = arith.xori %lt3A_459, %not3A_469 : vector<16xi1>
      %and3A_471 = arith.andi %and3A_455, %not3A_470 : vector<16xi1>
      tpu.vector_store_idx %arg7[%add3A_451], %get3A_122 masked %and3A_471 : memref<16384xi32, #tpu.memory_space<vmem>>[vector<16xi32>], vector<16xi32>, vector<16xi1>
      %all_reduce_population_count3A_472 = tpu.all_reduce %and3A_471 {dim = 0 : i64, kind = #tpu.reduction_kind<sum>} : vector<16xi1> -> vector<16xi32>
      %add3A_473 = arith.addi %add3A_451, %all_reduce_population_count3A_472 : vector<16xi32>
      scf.yield %add3A_473 : vector<16xi32>
    }
    %reduce_max3A_68 = arith.constant true
    %reduce_max3A_69 = vector.broadcast %reduce_max3A_68 : i1 to vector<16xi1>
    %reduce_max3A_70 = arith.constant -2147483648 : i32
    %reduce_max3A_71 = vector.broadcast %reduce_max3A_70 : i32 to vector<16xi32>
    %reduce_max3A_72 = arith.xori %while3A_67, %reduce_max3A_71 : vector<16xi32>
    %reduce_max3A_73 = tpu.scan <max>, %reduce_max3A_72 masked %reduce_max3A_69 : vector<16xi32>, vector<16xi1> -> vector<16xi32>
    %reduce_max3A_74 = arith.xori %reduce_max3A_73, %reduce_max3A_71 : vector<16xi32>
    %reduce_max3A_75 = vector.extract %reduce_max3A_74[15] : i32 from vector<16xi32>
    %swap3A_76 = arith.constant 0 : index
    %swap3A_77 = tpu.vector_load %arg13[%swap3A_76] {strides = array<i32>} : memref<112xi32, #tpu.memory_space<vmem>>, vector<16xi32>,
    tpu.vector_store %arg13[%swap3A_76], %broadcast_in_dim3A_5 {strides = array<i32>} : memref<112xi32, #tpu.memory_space<vmem>>, vector<16xi32>,
    %swap3A_78 = arith.constant 16 : index
    %swap3A_79 = tpu.vector_load %arg13[%swap3A_78] {strides = array<i32>} : memref<112xi32, #tpu.memory_space<vmem>>, vector<16xi32>,
    tpu.vector_store %arg13[%swap3A_78], %broadcast_in_dim3A_5 {strides = array<i32>} : memref<112xi32, #tpu.memory_space<vmem>>, vector<16xi32>,
    %swap3A_80 = arith.constant 32 : index
    %swap3A_81 = tpu.vector_load %arg13[%swap3A_80] {strides = array<i32>} : memref<112xi32, #tpu.memory_space<vmem>>, vector<16xi32>,
    tpu.vector_store %arg13[%swap3A_80], %broadcast_in_dim3A_5 {strides = array<i32>} : memref<112xi32, #tpu.memory_space<vmem>>, vector<16xi32>,
    %swap3A_82 = arith.constant 48 : index
    %swap3A_83 = tpu.vector_load %arg13[%swap3A_82] {strides = array<i32>} : memref<112xi32, #tpu.memory_space<vmem>>, vector<16xi32>,
    tpu.vector_store %arg13[%swap3A_82], %broadcast_in_dim3A_5 {strides = array<i32>} : memref<112xi32, #tpu.memory_space<vmem>>, vector<16xi32>,
    %swap3A_84 = arith.constant 64 : index
    %swap3A_85 = tpu.vector_load %arg13[%swap3A_84] {strides = array<i32>} : memref<112xi32, #tpu.memory_space<vmem>>, vector<16xi32>,
    tpu.vector_store %arg13[%swap3A_84], %broadcast_in_dim3A_5 {strides = array<i32>} : memref<112xi32, #tpu.memory_space<vmem>>, vector<16xi32>,
    %swap3A_86 = arith.constant 80 : index
    %swap3A_87 = tpu.vector_load %arg13[%swap3A_86] {strides = array<i32>} : memref<112xi32, #tpu.memory_space<vmem>>, vector<16xi32>,
    tpu.vector_store %arg13[%swap3A_86], %broadcast_in_dim3A_5 {strides = array<i32>} : memref<112xi32, #tpu.memory_space<vmem>>, vector<16xi32>,
    %swap3A_88 = arith.constant 96 : index
    %swap3A_89 = tpu.vector_load %arg13[%swap3A_88] {strides = array<i32>} : memref<112xi32, #tpu.memory_space<vmem>>, vector<16xi32>,
    tpu.vector_store %arg13[%swap3A_88], %broadcast_in_dim3A_5 {strides = array<i32>} : memref<112xi32, #tpu.memory_space<vmem>>, vector<16xi32>,
    %scan3A_90 = arith.constant 0 : i32
    %scan3A_91 = arith.constant 31 : i32
    %scan3A_92 = arith.addi %scan3A_90, %scan3A_91 : i32
    %scan3A_93 = arith.constant 1 : i32
    %scan3A_94 = scf.for %scan3A_113 = %scan3A_90 to %scan3A_92 step %scan3A_93 iter_args(%scan3A_114 = %broadcast_in_dim3A_3) -> (vector<16xi32>)  : i32 {
      %mul3A_115 = arith.constant 2 : i32
      %mul3A_116 = arith.muli %scan3A_113, %mul3A_115 : i32
      %mul3A_117 = arith.constant 32 : i32
      %mul3A_118 = arith.muli %mul3A_116, %mul3A_117 : i32
      %add3A_119 = arith.addi %mul3A_118, %add3A : i32
      %min3A = arith.constant 1953 : i32
      %min3A_120 = arith.minsi %add3A_119, %min3A : i32
      %mul3A_121 = arith.constant 512 : i32
      %mul3A_122 = arith.muli %min3A_120, %mul3A_121 : i32
      %min3A_123 = arith.constant 999552 : i32
      %min3A_124 = arith.minsi %mul3A_122, %min3A_123 : i32
      %multiple_of3A = tpu.assume_multiple %min3A_124, 128 : i32
      %lt3A_125 = arith.constant 62 : i32
      %lt3A_126 = arith.cmpi slt, %mul3A_116, %lt3A_125 : i32
      %convert_element_type3A_127 = arith.extui %lt3A_126 : i1 to i32
      %cond3A_128 = arith.constant 0 : i32
      %cond3A_129 = arith.cmpi ne, %convert_element_type3A_127, %cond3A_128 : i32
      scf.if %cond3A_129 {
        %dma_wait3A = arith.constant 0 : i32
        %dma_wait3A_262 = tpu.memref_slice %arg3[%dma_wait3A, %multiple_of3A] : memref<64x1000000xf32, #tpu.memory_space<hbm>> -> memref<64x512xf32, #tpu.memory_space<hbm>>
        %dma_wait3A_263 = arith.constant 0 : i32
        %dma_wait3A_264 = tpu.memref_slice %arg3[%dma_wait3A_263, %multiple_of3A] : memref<64x1000000xf32, #tpu.memory_space<hbm>> -> memref<64x512xf32, #tpu.memory_space<hbm>>
        tpu.wait_dma2 semaphore(%arg14 : memref<!tpu.dma_semaphore, #tpu.memory_space<semaphore_mem>>) src(%dma_wait3A_264 : memref<64x512xf32, #tpu.memory_space<hbm>>) dst(%arg10 : memref<64x512xf32, #tpu.memory_space<vmem>>)
      } else {
      }
      %mul3A_130 = vector.broadcast %multiple_of3A : i32 to vector<16xi32>
      %mul3A_131 = arith.muli %broadcast_in_dim3A_1, %mul3A_130 : vector<16xi32>
      %mul3A_132 = vector.broadcast %mul3A_116 : i32 to vector<16xi32>
      %mul3A_133 = arith.muli %broadcast_in_dim3A_1, %mul3A_132 : vector<16xi32>
      %gather3A = tpu.vector_load_idx %arg9[%mul3A_133] : memref<64xi32, #tpu.memory_space<vmem>>[vector<16xi32>], vector<16xi32>,
      %mul3A_134 = arith.constant 24 : i32
      %mul3A_135 = arith.muli %mul3A_116, %mul3A_134 : i32
      %add3A_136 = arith.constant 0 : i32
      %add3A_137 = vector.broadcast %add3A_136 : i32 to vector<16xi32>
      %add3A_138 = arith.addi %iota3A, %add3A_137 : vector<16xi32>
      %broadcast_in_dim3A_139 = arith.constant 24 : i32
      %broadcast_in_dim3A_140 = vector.broadcast %broadcast_in_dim3A_139 : i32 to vector<16xi32>
      %min3A_141 = arith.minsi %gather3A, %broadcast_in_dim3A_140 : vector<16xi32>
      %lt3A_142 = arith.cmpi slt, %add3A_138, %min3A_141 : vector<16xi32>
      %select_n3A_143 = arith.select %lt3A_142, %broadcast_in_dim3A_1, %broadcast_in_dim3A_3 : vector<16xi1>, vector<16xi32>
      %reduce_max3A_144 = arith.constant true
      %reduce_max3A_145 = vector.broadcast %reduce_max3A_144 : i1 to vector<16xi1>
      %reduce_max3A_146 = arith.constant -2147483648 : i32
      %reduce_max3A_147 = vector.broadcast %reduce_max3A_146 : i32 to vector<16xi32>
      %reduce_max3A_148 = arith.xori %select_n3A_143, %reduce_max3A_147 : vector<16xi32>
      %reduce_max3A_149 = tpu.scan <max>, %reduce_max3A_148 masked %reduce_max3A_145 : vector<16xi32>, vector<16xi1> -> vector<16xi32>
      %reduce_max3A_150 = arith.xori %reduce_max3A_149, %reduce_max3A_147 : vector<16xi32>
      %reduce_max3A_151 = vector.extract %reduce_max3A_150[15] : i32 from vector<16xi32>
      %gt3A_152 = arith.constant 0 : i32
      %gt3A_153 = arith.cmpi sgt, %reduce_max3A_151, %gt3A_152 : i32
      %convert_element_type3A_154 = arith.extui %gt3A_153 : i1 to i32
      %cond3A_155 = arith.constant 0 : i32
      %cond3A_156 = arith.cmpi ne, %convert_element_type3A_154, %cond3A_155 : i32
      %cond3A_157 = scf.if %cond3A_156 -> (vector<16xi32>) {
        %add3A_262 = arith.constant 0 : i32
        %add3A_263 = arith.addi %mul3A_135, %add3A_262 : i32
        %get3A = arith.index_cast %add3A_263 : i32 to index
        %get3A_264 = tpu.vector_load %arg8[%get3A] {strides = array<i32>} : memref<1504xi32, #tpu.memory_space<vmem>>, vector<16xi32>,
        %gather3A_265 = tpu.vector_load_idx %arg5[%get3A_264] masked %lt3A_142 : memref<16384xi32, #tpu.memory_space<vmem>>[vector<16xi32>], vector<16xi32>, vector<16xi1>
        %ge3A = arith.cmpi sge, %gather3A_265, %mul3A_131 : vector<16xi32>
        %and3A_266 = arith.andi %lt3A_142, %ge3A : vector<16xi1>
        %add3A_267 = arith.constant 512 : i32
        %add3A_268 = vector.broadcast %add3A_267 : i32 to vector<16xi32>
        %add3A_269 = arith.addi %mul3A_131, %add3A_268 : vector<16xi32>
        %lt3A_270 = arith.cmpi slt, %gather3A_265, %add3A_269 : vector<16xi32>
        %and3A_271 = arith.andi %and3A_266, %lt3A_270 : vector<16xi1>
        %convert_element_type3A_272 = arith.extui %and3A_271 : vector<16xi1> to vector<16xi32>
        %broadcast_in_dim3A_273 = arith.constant true
        %broadcast_in_dim3A_274 = vector.broadcast %broadcast_in_dim3A_273 : i1 to vector<16xi1>
        %masked_cumsum3A = tpu.scan <sum>, %convert_element_type3A_272 masked %broadcast_in_dim3A_274 : vector<16xi32>, vector<16xi1> -> vector<16xi32>
        %add3A_275 = arith.addi %scan3A_114, %masked_cumsum3A : vector<16xi32>
        %sub3A_276 = arith.subi %add3A_275, %convert_element_type3A_272 : vector<16xi32>
        %sub3A_277 = arith.subi %gather3A_265, %mul3A_131 : vector<16xi32>
        %select_n3A_278 = arith.select %and3A_271, %sub3A_277, %broadcast_in_dim3A_3 : vector<16xi1>, vector<16xi32>
        %mul3A_279 = arith.constant 0 : i32
        %mul3A_280 = vector.broadcast %mul3A_279 : i32 to vector<16xi32>
        %mul3A_281 = arith.muli %broadcast_in_dim3A_1, %mul3A_280 : vector<16xi32>
        %gather3A_282 = tpu.vector_load_idx %arg10[%mul3A_281, %select_n3A_278] masked %and3A_271 : memref<64x512xf32, #tpu.memory_space<vmem>>[vector<16xi32>, vector<16xi32>], vector<16xf32>, vector<16xi1>
        tpu.vector_store_idx %arg12[%sub3A_276, %mul3A_281], %gather3A_282 masked %and3A_271 : memref<112x128xf32, #tpu.memory_space<vmem>>[vector<16xi32>, vector<16xi32>], vector<16xf32>, vector<16xi1>
        %mul3A_283 = arith.constant 1 : i32
        %mul3A_284 = vector.broadcast %mul3A_283 : i32 to vector<16xi32>
        %mul3A_285 = arith.muli %broadcast_in_dim3A_1, %mul3A_284 : vector<16xi32>
        %gather3A_286 = tpu.vector_load_idx %arg10[%mul3A_285, %select_n3A_278] masked %and3A_271 : memref<64x512xf32, #tpu.memory_space<vmem>>[vector<16xi32>, vector<16xi32>], vector<16xf32>, vector<16xi1>
        tpu.vector_store_idx %arg12[%sub3A_276, %mul3A_285], %gather3A_286 masked %and3A_271 : memref<112x128xf32, #tpu.memory_space<vmem>>[vector<16xi32>, vector<16xi32>], vector<16xf32>, vector<16xi1>
        %mul3A_287 = arith.constant 2 : i32
        %mul3A_288 = vector.broadcast %mul3A_287 : i32 to vector<16xi32>
        %mul3A_289 = arith.muli %broadcast_in_dim3A_1, %mul3A_288 : vector<16xi32>
        %gather3A_290 = tpu.vector_load_idx %arg10[%mul3A_289, %select_n3A_278] masked %and3A_271 : memref<64x512xf32, #tpu.memory_space<vmem>>[vector<16xi32>, vector<16xi32>], vector<16xf32>, vector<16xi1>
        tpu.vector_store_idx %arg12[%sub3A_276, %mul3A_289], %gather3A_290 masked %and3A_271 : memref<112x128xf32, #tpu.memory_space<vmem>>[vector<16xi32>, vector<16xi32>], vector<16xf32>, vector<16xi1>
        %mul3A_291 = arith.constant 3 : i32
        %mul3A_292 = vector.broadcast %mul3A_291 : i32 to vector<16xi32>
        %mul3A_293 = arith.muli %broadcast_in_dim3A_1, %mul3A_292 : vector<16xi32>
        %gather3A_294 = tpu.vector_load_idx %arg10[%mul3A_293, %select_n3A_278] masked %and3A_271 : memref<64x512xf32, #tpu.memory_space<vmem>>[vector<16xi32>, vector<16xi32>], vector<16xf32>, vector<16xi1>
        tpu.vector_store_idx %arg12[%sub3A_276, %mul3A_293], %gather3A_294 masked %and3A_271 : memref<112x128xf32, #tpu.memory_space<vmem>>[vector<16xi32>, vector<16xi32>], vector<16xf32>, vector<16xi1>
        %mul3A_295 = arith.constant 4 : i32
        %mul3A_296 = vector.broadcast %mul3A_295 : i32 to vector<16xi32>
        %mul3A_297 = arith.muli %broadcast_in_dim3A_1, %mul3A_296 : vector<16xi32>
        %gather3A_298 = tpu.vector_load_idx %arg10[%mul3A_297, %select_n3A_278] masked %and3A_271 : memref<64x512xf32, #tpu.memory_space<vmem>>[vector<16xi32>, vector<16xi32>], vector<16xf32>, vector<16xi1>
        tpu.vector_store_idx %arg12[%sub3A_276, %mul3A_297], %gather3A_298 masked %and3A_271 : memref<112x128xf32, #tpu.memory_space<vmem>>[vector<16xi32>, vector<16xi32>], vector<16xf32>, vector<16xi1>
        %mul3A_299 = arith.constant 5 : i32
        %mul3A_300 = vector.broadcast %mul3A_299 : i32 to vector<16xi32>
        %mul3A_301 = arith.muli %broadcast_in_dim3A_1, %mul3A_300 : vector<16xi32>
        %gather3A_302 = tpu.vector_load_idx %arg10[%mul3A_301, %select_n3A_278] masked %and3A_271 : memref<64x512xf32, #tpu.memory_space<vmem>>[vector<16xi32>, vector<16xi32>], vector<16xf32>, vector<16xi1>
        tpu.vector_store_idx %arg12[%sub3A_276, %mul3A_301], %gather3A_302 masked %and3A_271 : memref<112x128xf32, #tpu.memory_space<vmem>>[vector<16xi32>, vector<16xi32>], vector<16xf32>, vector<16xi1>
        %mul3A_303 = arith.constant 6 : i32
        %mul3A_304 = vector.broadcast %mul3A_303 : i32 to vector<16xi32>
        %mul3A_305 = arith.muli %broadcast_in_dim3A_1, %mul3A_304 : vector<16xi32>
        %gather3A_306 = tpu.vector_load_idx %arg10[%mul3A_305, %select_n3A_278] masked %and3A_271 : memref<64x512xf32, #tpu.memory_space<vmem>>[vector<16xi32>, vector<16xi32>], vector<16xf32>, vector<16xi1>
        tpu.vector_store_idx %arg12[%sub3A_276, %mul3A_305], %gather3A_306 masked %and3A_271 : memref<112x128xf32, #tpu.memory_space<vmem>>[vector<16xi32>, vector<16xi32>], vector<16xf32>, vector<16xi1>
        %mul3A_307 = arith.constant 7 : i32
        %mul3A_308 = vector.broadcast %mul3A_307 : i32 to vector<16xi32>
        %mul3A_309 = arith.muli %broadcast_in_dim3A_1, %mul3A_308 : vector<16xi32>
        %gather3A_310 = tpu.vector_load_idx %arg10[%mul3A_309, %select_n3A_278] masked %and3A_271 : memref<64x512xf32, #tpu.memory_space<vmem>>[vector<16xi32>, vector<16xi32>], vector<16xf32>, vector<16xi1>
        tpu.vector_store_idx %arg12[%sub3A_276, %mul3A_309], %gather3A_310 masked %and3A_271 : memref<112x128xf32, #tpu.memory_space<vmem>>[vector<16xi32>, vector<16xi32>], vector<16xf32>, vector<16xi1>
        %mul3A_311 = arith.constant 8 : i32
        %mul3A_312 = vector.broadcast %mul3A_311 : i32 to vector<16xi32>
        %mul3A_313 = arith.muli %broadcast_in_dim3A_1, %mul3A_312 : vector<16xi32>
        %gather3A_314 = tpu.vector_load_idx %arg10[%mul3A_313, %select_n3A_278] masked %and3A_271 : memref<64x512xf32, #tpu.memory_space<vmem>>[vector<16xi32>, vector<16xi32>], vector<16xf32>, vector<16xi1>
        tpu.vector_store_idx %arg12[%sub3A_276, %mul3A_313], %gather3A_314 masked %and3A_271 : memref<112x128xf32, #tpu.memory_space<vmem>>[vector<16xi32>, vector<16xi32>], vector<16xf32>, vector<16xi1>
        %mul3A_315 = arith.constant 9 : i32
        %mul3A_316 = vector.broadcast %mul3A_315 : i32 to vector<16xi32>
        %mul3A_317 = arith.muli %broadcast_in_dim3A_1, %mul3A_316 : vector<16xi32>
        %gather3A_318 = tpu.vector_load_idx %arg10[%mul3A_317, %select_n3A_278] masked %and3A_271 : memref<64x512xf32, #tpu.memory_space<vmem>>[vector<16xi32>, vector<16xi32>], vector<16xf32>, vector<16xi1>
        tpu.vector_store_idx %arg12[%sub3A_276, %mul3A_317], %gather3A_318 masked %and3A_271 : memref<112x128xf32, #tpu.memory_space<vmem>>[vector<16xi32>, vector<16xi32>], vector<16xf32>, vector<16xi1>
        %mul3A_319 = arith.constant 10 : i32
        %mul3A_320 = vector.broadcast %mul3A_319 : i32 to vector<16xi32>
        %mul3A_321 = arith.muli %broadcast_in_dim3A_1, %mul3A_320 : vector<16xi32>
        %gather3A_322 = tpu.vector_load_idx %arg10[%mul3A_321, %select_n3A_278] masked %and3A_271 : memref<64x512xf32, #tpu.memory_space<vmem>>[vector<16xi32>, vector<16xi32>], vector<16xf32>, vector<16xi1>
        tpu.vector_store_idx %arg12[%sub3A_276, %mul3A_321], %gather3A_322 masked %and3A_271 : memref<112x128xf32, #tpu.memory_space<vmem>>[vector<16xi32>, vector<16xi32>], vector<16xf32>, vector<16xi1>
        %mul3A_323 = arith.constant 11 : i32
        %mul3A_324 = vector.broadcast %mul3A_323 : i32 to vector<16xi32>
        %mul3A_325 = arith.muli %broadcast_in_dim3A_1, %mul3A_324 : vector<16xi32>
        %gather3A_326 = tpu.vector_load_idx %arg10[%mul3A_325, %select_n3A_278] masked %and3A_271 : memref<64x512xf32, #tpu.memory_space<vmem>>[vector<16xi32>, vector<16xi32>], vector<16xf32>, vector<16xi1>
        tpu.vector_store_idx %arg12[%sub3A_276, %mul3A_325], %gather3A_326 masked %and3A_271 : memref<112x128xf32, #tpu.memory_space<vmem>>[vector<16xi32>, vector<16xi32>], vector<16xf32>, vector<16xi1>
        %mul3A_327 = arith.constant 12 : i32
        %mul3A_328 = vector.broadcast %mul3A_327 : i32 to vector<16xi32>
        %mul3A_329 = arith.muli %broadcast_in_dim3A_1, %mul3A_328 : vector<16xi32>
        %gather3A_330 = tpu.vector_load_idx %arg10[%mul3A_329, %select_n3A_278] masked %and3A_271 : memref<64x512xf32, #tpu.memory_space<vmem>>[vector<16xi32>, vector<16xi32>], vector<16xf32>, vector<16xi1>
        tpu.vector_store_idx %arg12[%sub3A_276, %mul3A_329], %gather3A_330 masked %and3A_271 : memref<112x128xf32, #tpu.memory_space<vmem>>[vector<16xi32>, vector<16xi32>], vector<16xf32>, vector<16xi1>
        %mul3A_331 = arith.constant 13 : i32
        %mul3A_332 = vector.broadcast %mul3A_331 : i32 to vector<16xi32>
        %mul3A_333 = arith.muli %broadcast_in_dim3A_1, %mul3A_332 : vector<16xi32>
        %gather3A_334 = tpu.vector_load_idx %arg10[%mul3A_333, %select_n3A_278] masked %and3A_271 : memref<64x512xf32, #tpu.memory_space<vmem>>[vector<16xi32>, vector<16xi32>], vector<16xf32>, vector<16xi1>
        tpu.vector_store_idx %arg12[%sub3A_276, %mul3A_333], %gather3A_334 masked %and3A_271 : memref<112x128xf32, #tpu.memory_space<vmem>>[vector<16xi32>, vector<16xi32>], vector<16xf32>, vector<16xi1>
        %mul3A_335 = arith.constant 14 : i32
        %mul3A_336 = vector.broadcast %mul3A_335 : i32 to vector<16xi32>
        %mul3A_337 = arith.muli %broadcast_in_dim3A_1, %mul3A_336 : vector<16xi32>
        %gather3A_338 = tpu.vector_load_idx %arg10[%mul3A_337, %select_n3A_278] masked %and3A_271 : memref<64x512xf32, #tpu.memory_space<vmem>>[vector<16xi32>, vector<16xi32>], vector<16xf32>, vector<16xi1>
        tpu.vector_store_idx %arg12[%sub3A_276, %mul3A_337], %gather3A_338 masked %and3A_271 : memref<112x128xf32, #tpu.memory_space<vmem>>[vector<16xi32>, vector<16xi32>], vector<16xf32>, vector<16xi1>
        %mul3A_339 = arith.constant 15 : i32
        %mul3A_340 = vector.broadcast %mul3A_339 : i32 to vector<16xi32>
        %mul3A_341 = arith.muli %broadcast_in_dim3A_1, %mul3A_340 : vector<16xi32>
        %gather3A_342 = tpu.vector_load_idx %arg10[%mul3A_341, %select_n3A_278] masked %and3A_271 : memref<64x512xf32, #tpu.memory_space<vmem>>[vector<16xi32>, vector<16xi32>], vector<16xf32>, vector<16xi1>
        tpu.vector_store_idx %arg12[%sub3A_276, %mul3A_341], %gather3A_342 masked %and3A_271 : memref<112x128xf32, #tpu.memory_space<vmem>>[vector<16xi32>, vector<16xi32>], vector<16xf32>, vector<16xi1>
        %mul3A_343 = arith.constant 16 : i32
        %mul3A_344 = vector.broadcast %mul3A_343 : i32 to vector<16xi32>
        %mul3A_345 = arith.muli %broadcast_in_dim3A_1, %mul3A_344 : vector<16xi32>
        %gather3A_346 = tpu.vector_load_idx %arg10[%mul3A_345, %select_n3A_278] masked %and3A_271 : memref<64x512xf32, #tpu.memory_space<vmem>>[vector<16xi32>, vector<16xi32>], vector<16xf32>, vector<16xi1>
        tpu.vector_store_idx %arg12[%sub3A_276, %mul3A_345], %gather3A_346 masked %and3A_271 : memref<112x128xf32, #tpu.memory_space<vmem>>[vector<16xi32>, vector<16xi32>], vector<16xf32>, vector<16xi1>
        %mul3A_347 = arith.constant 17 : i32
        %mul3A_348 = vector.broadcast %mul3A_347 : i32 to vector<16xi32>
        %mul3A_349 = arith.muli %broadcast_in_dim3A_1, %mul3A_348 : vector<16xi32>
        %gather3A_350 = tpu.vector_load_idx %arg10[%mul3A_349, %select_n3A_278] masked %and3A_271 : memref<64x512xf32, #tpu.memory_space<vmem>>[vector<16xi32>, vector<16xi32>], vector<16xf32>, vector<16xi1>
        tpu.vector_store_idx %arg12[%sub3A_276, %mul3A_349], %gather3A_350 masked %and3A_271 : memref<112x128xf32, #tpu.memory_space<vmem>>[vector<16xi32>, vector<16xi32>], vector<16xf32>, vector<16xi1>
        %mul3A_351 = arith.constant 18 : i32
        %mul3A_352 = vector.broadcast %mul3A_351 : i32 to vector<16xi32>
        %mul3A_353 = arith.muli %broadcast_in_dim3A_1, %mul3A_352 : vector<16xi32>
        %gather3A_354 = tpu.vector_load_idx %arg10[%mul3A_353, %select_n3A_278] masked %and3A_271 : memref<64x512xf32, #tpu.memory_space<vmem>>[vector<16xi32>, vector<16xi32>], vector<16xf32>, vector<16xi1>
        tpu.vector_store_idx %arg12[%sub3A_276, %mul3A_353], %gather3A_354 masked %and3A_271 : memref<112x128xf32, #tpu.memory_space<vmem>>[vector<16xi32>, vector<16xi32>], vector<16xf32>, vector<16xi1>
        %mul3A_355 = arith.constant 19 : i32
        %mul3A_356 = vector.broadcast %mul3A_355 : i32 to vector<16xi32>
        %mul3A_357 = arith.muli %broadcast_in_dim3A_1, %mul3A_356 : vector<16xi32>
        %gather3A_358 = tpu.vector_load_idx %arg10[%mul3A_357, %select_n3A_278] masked %and3A_271 : memref<64x512xf32, #tpu.memory_space<vmem>>[vector<16xi32>, vector<16xi32>], vector<16xf32>, vector<16xi1>
        tpu.vector_store_idx %arg12[%sub3A_276, %mul3A_357], %gather3A_358 masked %and3A_271 : memref<112x128xf32, #tpu.memory_space<vmem>>[vector<16xi32>, vector<16xi32>], vector<16xf32>, vector<16xi1>
        %mul3A_359 = arith.constant 20 : i32
        %mul3A_360 = vector.broadcast %mul3A_359 : i32 to vector<16xi32>
        %mul3A_361 = arith.muli %broadcast_in_dim3A_1, %mul3A_360 : vector<16xi32>
        %gather3A_362 = tpu.vector_load_idx %arg10[%mul3A_361, %select_n3A_278] masked %and3A_271 : memref<64x512xf32, #tpu.memory_space<vmem>>[vector<16xi32>, vector<16xi32>], vector<16xf32>, vector<16xi1>
        tpu.vector_store_idx %arg12[%sub3A_276, %mul3A_361], %gather3A_362 masked %and3A_271 : memref<112x128xf32, #tpu.memory_space<vmem>>[vector<16xi32>, vector<16xi32>], vector<16xf32>, vector<16xi1>
        %mul3A_363 = arith.constant 21 : i32
        %mul3A_364 = vector.broadcast %mul3A_363 : i32 to vector<16xi32>
        %mul3A_365 = arith.muli %broadcast_in_dim3A_1, %mul3A_364 : vector<16xi32>
        %gather3A_366 = tpu.vector_load_idx %arg10[%mul3A_365, %select_n3A_278] masked %and3A_271 : memref<64x512xf32, #tpu.memory_space<vmem>>[vector<16xi32>, vector<16xi32>], vector<16xf32>, vector<16xi1>
        tpu.vector_store_idx %arg12[%sub3A_276, %mul3A_365], %gather3A_366 masked %and3A_271 : memref<112x128xf32, #tpu.memory_space<vmem>>[vector<16xi32>, vector<16xi32>], vector<16xf32>, vector<16xi1>
        %mul3A_367 = arith.constant 22 : i32
        %mul3A_368 = vector.broadcast %mul3A_367 : i32 to vector<16xi32>
        %mul3A_369 = arith.muli %broadcast_in_dim3A_1, %mul3A_368 : vector<16xi32>
        %gather3A_370 = tpu.vector_load_idx %arg10[%mul3A_369, %select_n3A_278] masked %and3A_271 : memref<64x512xf32, #tpu.memory_space<vmem>>[vector<16xi32>, vector<16xi32>], vector<16xf32>, vector<16xi1>
        tpu.vector_store_idx %arg12[%sub3A_276, %mul3A_369], %gather3A_370 masked %and3A_271 : memref<112x128xf32, #tpu.memory_space<vmem>>[vector<16xi32>, vector<16xi32>], vector<16xf32>, vector<16xi1>
        %mul3A_371 = arith.constant 23 : i32
        %mul3A_372 = vector.broadcast %mul3A_371 : i32 to vector<16xi32>
        %mul3A_373 = arith.muli %broadcast_in_dim3A_1, %mul3A_372 : vector<16xi32>
        %gather3A_374 = tpu.vector_load_idx %arg10[%mul3A_373, %select_n3A_278] masked %and3A_271 : memref<64x512xf32, #tpu.memory_space<vmem>>[vector<16xi32>, vector<16xi32>], vector<16xf32>, vector<16xi1>
        tpu.vector_store_idx %arg12[%sub3A_276, %mul3A_373], %gather3A_374 masked %and3A_271 : memref<112x128xf32, #tpu.memory_space<vmem>>[vector<16xi32>, vector<16xi32>], vector<16xf32>, vector<16xi1>
        %mul3A_375 = arith.constant 24 : i32
        %mul3A_376 = vector.broadcast %mul3A_375 : i32 to vector<16xi32>
        %mul3A_377 = arith.muli %broadcast_in_dim3A_1, %mul3A_376 : vector<16xi32>
        %gather3A_378 = tpu.vector_load_idx %arg10[%mul3A_377, %select_n3A_278] masked %and3A_271 : memref<64x512xf32, #tpu.memory_space<vmem>>[vector<16xi32>, vector<16xi32>], vector<16xf32>, vector<16xi1>
        tpu.vector_store_idx %arg12[%sub3A_276, %mul3A_377], %gather3A_378 masked %and3A_271 : memref<112x128xf32, #tpu.memory_space<vmem>>[vector<16xi32>, vector<16xi32>], vector<16xf32>, vector<16xi1>
        %mul3A_379 = arith.constant 25 : i32
        %mul3A_380 = vector.broadcast %mul3A_379 : i32 to vector<16xi32>
        %mul3A_381 = arith.muli %broadcast_in_dim3A_1, %mul3A_380 : vector<16xi32>
        %gather3A_382 = tpu.vector_load_idx %arg10[%mul3A_381, %select_n3A_278] masked %and3A_271 : memref<64x512xf32, #tpu.memory_space<vmem>>[vector<16xi32>, vector<16xi32>], vector<16xf32>, vector<16xi1>
        tpu.vector_store_idx %arg12[%sub3A_276, %mul3A_381], %gather3A_382 masked %and3A_271 : memref<112x128xf32, #tpu.memory_space<vmem>>[vector<16xi32>, vector<16xi32>], vector<16xf32>, vector<16xi1>
        %mul3A_383 = arith.constant 26 : i32
        %mul3A_384 = vector.broadcast %mul3A_383 : i32 to vector<16xi32>
        %mul3A_385 = arith.muli %broadcast_in_dim3A_1, %mul3A_384 : vector<16xi32>
        %gather3A_386 = tpu.vector_load_idx %arg10[%mul3A_385, %select_n3A_278] masked %and3A_271 : memref<64x512xf32, #tpu.memory_space<vmem>>[vector<16xi32>, vector<16xi32>], vector<16xf32>, vector<16xi1>
        tpu.vector_store_idx %arg12[%sub3A_276, %mul3A_385], %gather3A_386 masked %and3A_271 : memref<112x128xf32, #tpu.memory_space<vmem>>[vector<16xi32>, vector<16xi32>], vector<16xf32>, vector<16xi1>
        %mul3A_387 = arith.constant 27 : i32
        %mul3A_388 = vector.broadcast %mul3A_387 : i32 to vector<16xi32>
        %mul3A_389 = arith.muli %broadcast_in_dim3A_1, %mul3A_388 : vector<16xi32>
        %gather3A_390 = tpu.vector_load_idx %arg10[%mul3A_389, %select_n3A_278] masked %and3A_271 : memref<64x512xf32, #tpu.memory_space<vmem>>[vector<16xi32>, vector<16xi32>], vector<16xf32>, vector<16xi1>
        tpu.vector_store_idx %arg12[%sub3A_276, %mul3A_389], %gather3A_390 masked %and3A_271 : memref<112x128xf32, #tpu.memory_space<vmem>>[vector<16xi32>, vector<16xi32>], vector<16xf32>, vector<16xi1>
        %mul3A_391 = arith.constant 28 : i32
        %mul3A_392 = vector.broadcast %mul3A_391 : i32 to vector<16xi32>
        %mul3A_393 = arith.muli %broadcast_in_dim3A_1, %mul3A_392 : vector<16xi32>
        %gather3A_394 = tpu.vector_load_idx %arg10[%mul3A_393, %select_n3A_278] masked %and3A_271 : memref<64x512xf32, #tpu.memory_space<vmem>>[vector<16xi32>, vector<16xi32>], vector<16xf32>, vector<16xi1>
        tpu.vector_store_idx %arg12[%sub3A_276, %mul3A_393], %gather3A_394 masked %and3A_271 : memref<112x128xf32, #tpu.memory_space<vmem>>[vector<16xi32>, vector<16xi32>], vector<16xf32>, vector<16xi1>
        %mul3A_395 = arith.constant 29 : i32
        %mul3A_396 = vector.broadcast %mul3A_395 : i32 to vector<16xi32>
        %mul3A_397 = arith.muli %broadcast_in_dim3A_1, %mul3A_396 : vector<16xi32>
        %gather3A_398 = tpu.vector_load_idx %arg10[%mul3A_397, %select_n3A_278] masked %and3A_271 : memref<64x512xf32, #tpu.memory_space<vmem>>[vector<16xi32>, vector<16xi32>], vector<16xf32>, vector<16xi1>
        tpu.vector_store_idx %arg12[%sub3A_276, %mul3A_397], %gather3A_398 masked %and3A_271 : memref<112x128xf32, #tpu.memory_space<vmem>>[vector<16xi32>, vector<16xi32>], vector<16xf32>, vector<16xi1>
        %mul3A_399 = arith.constant 30 : i32
        %mul3A_400 = vector.broadcast %mul3A_399 : i32 to vector<16xi32>
        %mul3A_401 = arith.muli %broadcast_in_dim3A_1, %mul3A_400 : vector<16xi32>
        %gather3A_402 = tpu.vector_load_idx %arg10[%mul3A_401, %select_n3A_278] masked %and3A_271 : memref<64x512xf32, #tpu.memory_space<vmem>>[vector<16xi32>, vector<16xi32>], vector<16xf32>, vector<16xi1>
        tpu.vector_store_idx %arg12[%sub3A_276, %mul3A_401], %gather3A_402 masked %and3A_271 : memref<112x128xf32, #tpu.memory_space<vmem>>[vector<16xi32>, vector<16xi32>], vector<16xf32>, vector<16xi1>
        %mul3A_403 = arith.constant 31 : i32
        %mul3A_404 = vector.broadcast %mul3A_403 : i32 to vector<16xi32>
        %mul3A_405 = arith.muli %broadcast_in_dim3A_1, %mul3A_404 : vector<16xi32>
        %gather3A_406 = tpu.vector_load_idx %arg10[%mul3A_405, %select_n3A_278] masked %and3A_271 : memref<64x512xf32, #tpu.memory_space<vmem>>[vector<16xi32>, vector<16xi32>], vector<16xf32>, vector<16xi1>
        tpu.vector_store_idx %arg12[%sub3A_276, %mul3A_405], %gather3A_406 masked %and3A_271 : memref<112x128xf32, #tpu.memory_space<vmem>>[vector<16xi32>, vector<16xi32>], vector<16xf32>, vector<16xi1>
        %mul3A_407 = arith.constant 32 : i32
        %mul3A_408 = vector.broadcast %mul3A_407 : i32 to vector<16xi32>
        %mul3A_409 = arith.muli %broadcast_in_dim3A_1, %mul3A_408 : vector<16xi32>
        %gather3A_410 = tpu.vector_load_idx %arg10[%mul3A_409, %select_n3A_278] masked %and3A_271 : memref<64x512xf32, #tpu.memory_space<vmem>>[vector<16xi32>, vector<16xi32>], vector<16xf32>, vector<16xi1>
        tpu.vector_store_idx %arg12[%sub3A_276, %mul3A_409], %gather3A_410 masked %and3A_271 : memref<112x128xf32, #tpu.memory_space<vmem>>[vector<16xi32>, vector<16xi32>], vector<16xf32>, vector<16xi1>
        %mul3A_411 = arith.constant 33 : i32
        %mul3A_412 = vector.broadcast %mul3A_411 : i32 to vector<16xi32>
        %mul3A_413 = arith.muli %broadcast_in_dim3A_1, %mul3A_412 : vector<16xi32>
        %gather3A_414 = tpu.vector_load_idx %arg10[%mul3A_413, %select_n3A_278] masked %and3A_271 : memref<64x512xf32, #tpu.memory_space<vmem>>[vector<16xi32>, vector<16xi32>], vector<16xf32>, vector<16xi1>
        tpu.vector_store_idx %arg12[%sub3A_276, %mul3A_413], %gather3A_414 masked %and3A_271 : memref<112x128xf32, #tpu.memory_space<vmem>>[vector<16xi32>, vector<16xi32>], vector<16xf32>, vector<16xi1>
        %mul3A_415 = arith.constant 34 : i32
        %mul3A_416 = vector.broadcast %mul3A_415 : i32 to vector<16xi32>
        %mul3A_417 = arith.muli %broadcast_in_dim3A_1, %mul3A_416 : vector<16xi32>
        %gather3A_418 = tpu.vector_load_idx %arg10[%mul3A_417, %select_n3A_278] masked %and3A_271 : memref<64x512xf32, #tpu.memory_space<vmem>>[vector<16xi32>, vector<16xi32>], vector<16xf32>, vector<16xi1>
        tpu.vector_store_idx %arg12[%sub3A_276, %mul3A_417], %gather3A_418 masked %and3A_271 : memref<112x128xf32, #tpu.memory_space<vmem>>[vector<16xi32>, vector<16xi32>], vector<16xf32>, vector<16xi1>
        %mul3A_419 = arith.constant 35 : i32
        %mul3A_420 = vector.broadcast %mul3A_419 : i32 to vector<16xi32>
        %mul3A_421 = arith.muli %broadcast_in_dim3A_1, %mul3A_420 : vector<16xi32>
        %gather3A_422 = tpu.vector_load_idx %arg10[%mul3A_421, %select_n3A_278] masked %and3A_271 : memref<64x512xf32, #tpu.memory_space<vmem>>[vector<16xi32>, vector<16xi32>], vector<16xf32>, vector<16xi1>
        tpu.vector_store_idx %arg12[%sub3A_276, %mul3A_421], %gather3A_422 masked %and3A_271 : memref<112x128xf32, #tpu.memory_space<vmem>>[vector<16xi32>, vector<16xi32>], vector<16xf32>, vector<16xi1>
        %mul3A_423 = arith.constant 36 : i32
        %mul3A_424 = vector.broadcast %mul3A_423 : i32 to vector<16xi32>
        %mul3A_425 = arith.muli %broadcast_in_dim3A_1, %mul3A_424 : vector<16xi32>
        %gather3A_426 = tpu.vector_load_idx %arg10[%mul3A_425, %select_n3A_278] masked %and3A_271 : memref<64x512xf32, #tpu.memory_space<vmem>>[vector<16xi32>, vector<16xi32>], vector<16xf32>, vector<16xi1>
        tpu.vector_store_idx %arg12[%sub3A_276, %mul3A_425], %gather3A_426 masked %and3A_271 : memref<112x128xf32, #tpu.memory_space<vmem>>[vector<16xi32>, vector<16xi32>], vector<16xf32>, vector<16xi1>
        %mul3A_427 = arith.constant 37 : i32
        %mul3A_428 = vector.broadcast %mul3A_427 : i32 to vector<16xi32>
        %mul3A_429 = arith.muli %broadcast_in_dim3A_1, %mul3A_428 : vector<16xi32>
        %gather3A_430 = tpu.vector_load_idx %arg10[%mul3A_429, %select_n3A_278] masked %and3A_271 : memref<64x512xf32, #tpu.memory_space<vmem>>[vector<16xi32>, vector<16xi32>], vector<16xf32>, vector<16xi1>
        tpu.vector_store_idx %arg12[%sub3A_276, %mul3A_429], %gather3A_430 masked %and3A_271 : memref<112x128xf32, #tpu.memory_space<vmem>>[vector<16xi32>, vector<16xi32>], vector<16xf32>, vector<16xi1>
        %mul3A_431 = arith.constant 38 : i32
        %mul3A_432 = vector.broadcast %mul3A_431 : i32 to vector<16xi32>
        %mul3A_433 = arith.muli %broadcast_in_dim3A_1, %mul3A_432 : vector<16xi32>
        %gather3A_434 = tpu.vector_load_idx %arg10[%mul3A_433, %select_n3A_278] masked %and3A_271 : memref<64x512xf32, #tpu.memory_space<vmem>>[vector<16xi32>, vector<16xi32>], vector<16xf32>, vector<16xi1>
        tpu.vector_store_idx %arg12[%sub3A_276, %mul3A_433], %gather3A_434 masked %and3A_271 : memref<112x128xf32, #tpu.memory_space<vmem>>[vector<16xi32>, vector<16xi32>], vector<16xf32>, vector<16xi1>
        %mul3A_435 = arith.constant 39 : i32
        %mul3A_436 = vector.broadcast %mul3A_435 : i32 to vector<16xi32>
        %mul3A_437 = arith.muli %broadcast_in_dim3A_1, %mul3A_436 : vector<16xi32>
        %gather3A_438 = tpu.vector_load_idx %arg10[%mul3A_437, %select_n3A_278] masked %and3A_271 : memref<64x512xf32, #tpu.memory_space<vmem>>[vector<16xi32>, vector<16xi32>], vector<16xf32>, vector<16xi1>
        tpu.vector_store_idx %arg12[%sub3A_276, %mul3A_437], %gather3A_438 masked %and3A_271 : memref<112x128xf32, #tpu.memory_space<vmem>>[vector<16xi32>, vector<16xi32>], vector<16xf32>, vector<16xi1>
        %mul3A_439 = arith.constant 40 : i32
        %mul3A_440 = vector.broadcast %mul3A_439 : i32 to vector<16xi32>
        %mul3A_441 = arith.muli %broadcast_in_dim3A_1, %mul3A_440 : vector<16xi32>
        %gather3A_442 = tpu.vector_load_idx %arg10[%mul3A_441, %select_n3A_278] masked %and3A_271 : memref<64x512xf32, #tpu.memory_space<vmem>>[vector<16xi32>, vector<16xi32>], vector<16xf32>, vector<16xi1>
        tpu.vector_store_idx %arg12[%sub3A_276, %mul3A_441], %gather3A_442 masked %and3A_271 : memref<112x128xf32, #tpu.memory_space<vmem>>[vector<16xi32>, vector<16xi32>], vector<16xf32>, vector<16xi1>
        %mul3A_443 = arith.constant 41 : i32
        %mul3A_444 = vector.broadcast %mul3A_443 : i32 to vector<16xi32>
        %mul3A_445 = arith.muli %broadcast_in_dim3A_1, %mul3A_444 : vector<16xi32>
        %gather3A_446 = tpu.vector_load_idx %arg10[%mul3A_445, %select_n3A_278] masked %and3A_271 : memref<64x512xf32, #tpu.memory_space<vmem>>[vector<16xi32>, vector<16xi32>], vector<16xf32>, vector<16xi1>
        tpu.vector_store_idx %arg12[%sub3A_276, %mul3A_445], %gather3A_446 masked %and3A_271 : memref<112x128xf32, #tpu.memory_space<vmem>>[vector<16xi32>, vector<16xi32>], vector<16xf32>, vector<16xi1>
        %mul3A_447 = arith.constant 42 : i32
        %mul3A_448 = vector.broadcast %mul3A_447 : i32 to vector<16xi32>
        %mul3A_449 = arith.muli %broadcast_in_dim3A_1, %mul3A_448 : vector<16xi32>
        %gather3A_450 = tpu.vector_load_idx %arg10[%mul3A_449, %select_n3A_278] masked %and3A_271 : memref<64x512xf32, #tpu.memory_space<vmem>>[vector<16xi32>, vector<16xi32>], vector<16xf32>, vector<16xi1>
        tpu.vector_store_idx %arg12[%sub3A_276, %mul3A_449], %gather3A_450 masked %and3A_271 : memref<112x128xf32, #tpu.memory_space<vmem>>[vector<16xi32>, vector<16xi32>], vector<16xf32>, vector<16xi1>
        %mul3A_451 = arith.constant 43 : i32
        %mul3A_452 = vector.broadcast %mul3A_451 : i32 to vector<16xi32>
        %mul3A_453 = arith.muli %broadcast_in_dim3A_1, %mul3A_452 : vector<16xi32>
        %gather3A_454 = tpu.vector_load_idx %arg10[%mul3A_453, %select_n3A_278] masked %and3A_271 : memref<64x512xf32, #tpu.memory_space<vmem>>[vector<16xi32>, vector<16xi32>], vector<16xf32>, vector<16xi1>
        tpu.vector_store_idx %arg12[%sub3A_276, %mul3A_453], %gather3A_454 masked %and3A_271 : memref<112x128xf32, #tpu.memory_space<vmem>>[vector<16xi32>, vector<16xi32>], vector<16xf32>, vector<16xi1>
        %mul3A_455 = arith.constant 44 : i32
        %mul3A_456 = vector.broadcast %mul3A_455 : i32 to vector<16xi32>
        %mul3A_457 = arith.muli %broadcast_in_dim3A_1, %mul3A_456 : vector<16xi32>
        %gather3A_458 = tpu.vector_load_idx %arg10[%mul3A_457, %select_n3A_278] masked %and3A_271 : memref<64x512xf32, #tpu.memory_space<vmem>>[vector<16xi32>, vector<16xi32>], vector<16xf32>, vector<16xi1>
        tpu.vector_store_idx %arg12[%sub3A_276, %mul3A_457], %gather3A_458 masked %and3A_271 : memref<112x128xf32, #tpu.memory_space<vmem>>[vector<16xi32>, vector<16xi32>], vector<16xf32>, vector<16xi1>
        %mul3A_459 = arith.constant 45 : i32
        %mul3A_460 = vector.broadcast %mul3A_459 : i32 to vector<16xi32>
        %mul3A_461 = arith.muli %broadcast_in_dim3A_1, %mul3A_460 : vector<16xi32>
        %gather3A_462 = tpu.vector_load_idx %arg10[%mul3A_461, %select_n3A_278] masked %and3A_271 : memref<64x512xf32, #tpu.memory_space<vmem>>[vector<16xi32>, vector<16xi32>], vector<16xf32>, vector<16xi1>
        tpu.vector_store_idx %arg12[%sub3A_276, %mul3A_461], %gather3A_462 masked %and3A_271 : memref<112x128xf32, #tpu.memory_space<vmem>>[vector<16xi32>, vector<16xi32>], vector<16xf32>, vector<16xi1>
        %mul3A_463 = arith.constant 46 : i32
        %mul3A_464 = vector.broadcast %mul3A_463 : i32 to vector<16xi32>
        %mul3A_465 = arith.muli %broadcast_in_dim3A_1, %mul3A_464 : vector<16xi32>
        %gather3A_466 = tpu.vector_load_idx %arg10[%mul3A_465, %select_n3A_278] masked %and3A_271 : memref<64x512xf32, #tpu.memory_space<vmem>>[vector<16xi32>, vector<16xi32>], vector<16xf32>, vector<16xi1>
        tpu.vector_store_idx %arg12[%sub3A_276, %mul3A_465], %gather3A_466 masked %and3A_271 : memref<112x128xf32, #tpu.memory_space<vmem>>[vector<16xi32>, vector<16xi32>], vector<16xf32>, vector<16xi1>
        %mul3A_467 = arith.constant 47 : i32
        %mul3A_468 = vector.broadcast %mul3A_467 : i32 to vector<16xi32>
        %mul3A_469 = arith.muli %broadcast_in_dim3A_1, %mul3A_468 : vector<16xi32>
        %gather3A_470 = tpu.vector_load_idx %arg10[%mul3A_469, %select_n3A_278] masked %and3A_271 : memref<64x512xf32, #tpu.memory_space<vmem>>[vector<16xi32>, vector<16xi32>], vector<16xf32>, vector<16xi1>
        tpu.vector_store_idx %arg12[%sub3A_276, %mul3A_469], %gather3A_470 masked %and3A_271 : memref<112x128xf32, #tpu.memory_space<vmem>>[vector<16xi32>, vector<16xi32>], vector<16xf32>, vector<16xi1>
        %mul3A_471 = arith.constant 48 : i32
        %mul3A_472 = vector.broadcast %mul3A_471 : i32 to vector<16xi32>
        %mul3A_473 = arith.muli %broadcast_in_dim3A_1, %mul3A_472 : vector<16xi32>
        %gather3A_474 = tpu.vector_load_idx %arg10[%mul3A_473, %select_n3A_278] masked %and3A_271 : memref<64x512xf32, #tpu.memory_space<vmem>>[vector<16xi32>, vector<16xi32>], vector<16xf32>, vector<16xi1>
        tpu.vector_store_idx %arg12[%sub3A_276, %mul3A_473], %gather3A_474 masked %and3A_271 : memref<112x128xf32, #tpu.memory_space<vmem>>[vector<16xi32>, vector<16xi32>], vector<16xf32>, vector<16xi1>
        %mul3A_475 = arith.constant 49 : i32
        %mul3A_476 = vector.broadcast %mul3A_475 : i32 to vector<16xi32>
        %mul3A_477 = arith.muli %broadcast_in_dim3A_1, %mul3A_476 : vector<16xi32>
        %gather3A_478 = tpu.vector_load_idx %arg10[%mul3A_477, %select_n3A_278] masked %and3A_271 : memref<64x512xf32, #tpu.memory_space<vmem>>[vector<16xi32>, vector<16xi32>], vector<16xf32>, vector<16xi1>
        tpu.vector_store_idx %arg12[%sub3A_276, %mul3A_477], %gather3A_478 masked %and3A_271 : memref<112x128xf32, #tpu.memory_space<vmem>>[vector<16xi32>, vector<16xi32>], vector<16xf32>, vector<16xi1>
        %mul3A_479 = arith.constant 50 : i32
        %mul3A_480 = vector.broadcast %mul3A_479 : i32 to vector<16xi32>
        %mul3A_481 = arith.muli %broadcast_in_dim3A_1, %mul3A_480 : vector<16xi32>
        %gather3A_482 = tpu.vector_load_idx %arg10[%mul3A_481, %select_n3A_278] masked %and3A_271 : memref<64x512xf32, #tpu.memory_space<vmem>>[vector<16xi32>, vector<16xi32>], vector<16xf32>, vector<16xi1>
        tpu.vector_store_idx %arg12[%sub3A_276, %mul3A_481], %gather3A_482 masked %and3A_271 : memref<112x128xf32, #tpu.memory_space<vmem>>[vector<16xi32>, vector<16xi32>], vector<16xf32>, vector<16xi1>
        %mul3A_483 = arith.constant 51 : i32
        %mul3A_484 = vector.broadcast %mul3A_483 : i32 to vector<16xi32>
        %mul3A_485 = arith.muli %broadcast_in_dim3A_1, %mul3A_484 : vector<16xi32>
        %gather3A_486 = tpu.vector_load_idx %arg10[%mul3A_485, %select_n3A_278] masked %and3A_271 : memref<64x512xf32, #tpu.memory_space<vmem>>[vector<16xi32>, vector<16xi32>], vector<16xf32>, vector<16xi1>
        tpu.vector_store_idx %arg12[%sub3A_276, %mul3A_485], %gather3A_486 masked %and3A_271 : memref<112x128xf32, #tpu.memory_space<vmem>>[vector<16xi32>, vector<16xi32>], vector<16xf32>, vector<16xi1>
        %mul3A_487 = arith.constant 52 : i32
        %mul3A_488 = vector.broadcast %mul3A_487 : i32 to vector<16xi32>
        %mul3A_489 = arith.muli %broadcast_in_dim3A_1, %mul3A_488 : vector<16xi32>
        %gather3A_490 = tpu.vector_load_idx %arg10[%mul3A_489, %select_n3A_278] masked %and3A_271 : memref<64x512xf32, #tpu.memory_space<vmem>>[vector<16xi32>, vector<16xi32>], vector<16xf32>, vector<16xi1>
        tpu.vector_store_idx %arg12[%sub3A_276, %mul3A_489], %gather3A_490 masked %and3A_271 : memref<112x128xf32, #tpu.memory_space<vmem>>[vector<16xi32>, vector<16xi32>], vector<16xf32>, vector<16xi1>
        %mul3A_491 = arith.constant 53 : i32
        %mul3A_492 = vector.broadcast %mul3A_491 : i32 to vector<16xi32>
        %mul3A_493 = arith.muli %broadcast_in_dim3A_1, %mul3A_492 : vector<16xi32>
        %gather3A_494 = tpu.vector_load_idx %arg10[%mul3A_493, %select_n3A_278] masked %and3A_271 : memref<64x512xf32, #tpu.memory_space<vmem>>[vector<16xi32>, vector<16xi32>], vector<16xf32>, vector<16xi1>
        tpu.vector_store_idx %arg12[%sub3A_276, %mul3A_493], %gather3A_494 masked %and3A_271 : memref<112x128xf32, #tpu.memory_space<vmem>>[vector<16xi32>, vector<16xi32>], vector<16xf32>, vector<16xi1>
        %mul3A_495 = arith.constant 54 : i32
        %mul3A_496 = vector.broadcast %mul3A_495 : i32 to vector<16xi32>
        %mul3A_497 = arith.muli %broadcast_in_dim3A_1, %mul3A_496 : vector<16xi32>
        %gather3A_498 = tpu.vector_load_idx %arg10[%mul3A_497, %select_n3A_278] masked %and3A_271 : memref<64x512xf32, #tpu.memory_space<vmem>>[vector<16xi32>, vector<16xi32>], vector<16xf32>, vector<16xi1>
        tpu.vector_store_idx %arg12[%sub3A_276, %mul3A_497], %gather3A_498 masked %and3A_271 : memref<112x128xf32, #tpu.memory_space<vmem>>[vector<16xi32>, vector<16xi32>], vector<16xf32>, vector<16xi1>
        %mul3A_499 = arith.constant 55 : i32
        %mul3A_500 = vector.broadcast %mul3A_499 : i32 to vector<16xi32>
        %mul3A_501 = arith.muli %broadcast_in_dim3A_1, %mul3A_500 : vector<16xi32>
        %gather3A_502 = tpu.vector_load_idx %arg10[%mul3A_501, %select_n3A_278] masked %and3A_271 : memref<64x512xf32, #tpu.memory_space<vmem>>[vector<16xi32>, vector<16xi32>], vector<16xf32>, vector<16xi1>
        tpu.vector_store_idx %arg12[%sub3A_276, %mul3A_501], %gather3A_502 masked %and3A_271 : memref<112x128xf32, #tpu.memory_space<vmem>>[vector<16xi32>, vector<16xi32>], vector<16xf32>, vector<16xi1>
        %mul3A_503 = arith.constant 56 : i32
        %mul3A_504 = vector.broadcast %mul3A_503 : i32 to vector<16xi32>
        %mul3A_505 = arith.muli %broadcast_in_dim3A_1, %mul3A_504 : vector<16xi32>
        %gather3A_506 = tpu.vector_load_idx %arg10[%mul3A_505, %select_n3A_278] masked %and3A_271 : memref<64x512xf32, #tpu.memory_space<vmem>>[vector<16xi32>, vector<16xi32>], vector<16xf32>, vector<16xi1>
        tpu.vector_store_idx %arg12[%sub3A_276, %mul3A_505], %gather3A_506 masked %and3A_271 : memref<112x128xf32, #tpu.memory_space<vmem>>[vector<16xi32>, vector<16xi32>], vector<16xf32>, vector<16xi1>
        %mul3A_507 = arith.constant 57 : i32
        %mul3A_508 = vector.broadcast %mul3A_507 : i32 to vector<16xi32>
        %mul3A_509 = arith.muli %broadcast_in_dim3A_1, %mul3A_508 : vector<16xi32>
        %gather3A_510 = tpu.vector_load_idx %arg10[%mul3A_509, %select_n3A_278] masked %and3A_271 : memref<64x512xf32, #tpu.memory_space<vmem>>[vector<16xi32>, vector<16xi32>], vector<16xf32>, vector<16xi1>
        tpu.vector_store_idx %arg12[%sub3A_276, %mul3A_509], %gather3A_510 masked %and3A_271 : memref<112x128xf32, #tpu.memory_space<vmem>>[vector<16xi32>, vector<16xi32>], vector<16xf32>, vector<16xi1>
        %mul3A_511 = arith.constant 58 : i32
        %mul3A_512 = vector.broadcast %mul3A_511 : i32 to vector<16xi32>
        %mul3A_513 = arith.muli %broadcast_in_dim3A_1, %mul3A_512 : vector<16xi32>
        %gather3A_514 = tpu.vector_load_idx %arg10[%mul3A_513, %select_n3A_278] masked %and3A_271 : memref<64x512xf32, #tpu.memory_space<vmem>>[vector<16xi32>, vector<16xi32>], vector<16xf32>, vector<16xi1>
        tpu.vector_store_idx %arg12[%sub3A_276, %mul3A_513], %gather3A_514 masked %and3A_271 : memref<112x128xf32, #tpu.memory_space<vmem>>[vector<16xi32>, vector<16xi32>], vector<16xf32>, vector<16xi1>
        %mul3A_515 = arith.constant 59 : i32
        %mul3A_516 = vector.broadcast %mul3A_515 : i32 to vector<16xi32>
        %mul3A_517 = arith.muli %broadcast_in_dim3A_1, %mul3A_516 : vector<16xi32>
        %gather3A_518 = tpu.vector_load_idx %arg10[%mul3A_517, %select_n3A_278] masked %and3A_271 : memref<64x512xf32, #tpu.memory_space<vmem>>[vector<16xi32>, vector<16xi32>], vector<16xf32>, vector<16xi1>
        tpu.vector_store_idx %arg12[%sub3A_276, %mul3A_517], %gather3A_518 masked %and3A_271 : memref<112x128xf32, #tpu.memory_space<vmem>>[vector<16xi32>, vector<16xi32>], vector<16xf32>, vector<16xi1>
        %mul3A_519 = arith.constant 60 : i32
        %mul3A_520 = vector.broadcast %mul3A_519 : i32 to vector<16xi32>
        %mul3A_521 = arith.muli %broadcast_in_dim3A_1, %mul3A_520 : vector<16xi32>
        %gather3A_522 = tpu.vector_load_idx %arg10[%mul3A_521, %select_n3A_278] masked %and3A_271 : memref<64x512xf32, #tpu.memory_space<vmem>>[vector<16xi32>, vector<16xi32>], vector<16xf32>, vector<16xi1>
        tpu.vector_store_idx %arg12[%sub3A_276, %mul3A_521], %gather3A_522 masked %and3A_271 : memref<112x128xf32, #tpu.memory_space<vmem>>[vector<16xi32>, vector<16xi32>], vector<16xf32>, vector<16xi1>
        %mul3A_523 = arith.constant 61 : i32
        %mul3A_524 = vector.broadcast %mul3A_523 : i32 to vector<16xi32>
        %mul3A_525 = arith.muli %broadcast_in_dim3A_1, %mul3A_524 : vector<16xi32>
        %gather3A_526 = tpu.vector_load_idx %arg10[%mul3A_525, %select_n3A_278] masked %and3A_271 : memref<64x512xf32, #tpu.memory_space<vmem>>[vector<16xi32>, vector<16xi32>], vector<16xf32>, vector<16xi1>
        tpu.vector_store_idx %arg12[%sub3A_276, %mul3A_525], %gather3A_526 masked %and3A_271 : memref<112x128xf32, #tpu.memory_space<vmem>>[vector<16xi32>, vector<16xi32>], vector<16xf32>, vector<16xi1>
        %mul3A_527 = arith.constant 62 : i32
        %mul3A_528 = vector.broadcast %mul3A_527 : i32 to vector<16xi32>
        %mul3A_529 = arith.muli %broadcast_in_dim3A_1, %mul3A_528 : vector<16xi32>
        %gather3A_530 = tpu.vector_load_idx %arg10[%mul3A_529, %select_n3A_278] masked %and3A_271 : memref<64x512xf32, #tpu.memory_space<vmem>>[vector<16xi32>, vector<16xi32>], vector<16xf32>, vector<16xi1>
        tpu.vector_store_idx %arg12[%sub3A_276, %mul3A_529], %gather3A_530 masked %and3A_271 : memref<112x128xf32, #tpu.memory_space<vmem>>[vector<16xi32>, vector<16xi32>], vector<16xf32>, vector<16xi1>
        %mul3A_531 = arith.constant 63 : i32
        %mul3A_532 = vector.broadcast %mul3A_531 : i32 to vector<16xi32>
        %mul3A_533 = arith.muli %broadcast_in_dim3A_1, %mul3A_532 : vector<16xi32>
        %gather3A_534 = tpu.vector_load_idx %arg10[%mul3A_533, %select_n3A_278] masked %and3A_271 : memref<64x512xf32, #tpu.memory_space<vmem>>[vector<16xi32>, vector<16xi32>], vector<16xf32>, vector<16xi1>
        tpu.vector_store_idx %arg12[%sub3A_276, %mul3A_533], %gather3A_534 masked %and3A_271 : memref<112x128xf32, #tpu.memory_space<vmem>>[vector<16xi32>, vector<16xi32>], vector<16xf32>, vector<16xi1>
        tpu.vector_store_idx %arg13[%sub3A_276], %get3A_264 masked %and3A_271 : memref<112xi32, #tpu.memory_space<vmem>>[vector<16xi32>], vector<16xi32>, vector<16xi1>
        %all_reduce_population_count3A = tpu.all_reduce %and3A_271 {dim = 0 : i64, kind = #tpu.reduction_kind<sum>} : vector<16xi1> -> vector<16xi32>
        %add3A_535 = arith.addi %scan3A_114, %all_reduce_population_count3A : vector<16xi32>
        %reduce_max3A_536 = arith.constant true
        %reduce_max3A_537 = vector.broadcast %reduce_max3A_536 : i1 to vector<16xi1>
        %reduce_max3A_538 = arith.constant -2147483648 : i32
        %reduce_max3A_539 = vector.broadcast %reduce_max3A_538 : i32 to vector<16xi32>
        %reduce_max3A_540 = arith.xori %add3A_535, %reduce_max3A_539 : vector<16xi32>
        %reduce_max3A_541 = tpu.scan <max>, %reduce_max3A_540 masked %reduce_max3A_537 : vector<16xi32>, vector<16xi1> -> vector<16xi32>
        %reduce_max3A_542 = arith.xori %reduce_max3A_541, %reduce_max3A_539 : vector<16xi32>
        %reduce_max3A_543 = vector.extract %reduce_max3A_542[15] : i32 from vector<16xi32>
        %gt3A_544 = arith.constant 96 : i32
        %gt3A_545 = arith.cmpi sgt, %reduce_max3A_543, %gt3A_544 : i32
        %convert_element_type3A_546 = arith.extui %gt3A_545 : i1 to i32
        %cond3A_547 = arith.constant 0 : i32
        %cond3A_548 = arith.cmpi ne, %convert_element_type3A_546, %cond3A_547 : i32
        scf.if %cond3A_548 {
          %dma_start3A = arith.constant 0 : i32
          %dma_start3A_550 = arith.constant 0 : i32
          %dma_start3A_551 = tpu.memref_slice %arg4[%dma_start3A, %dma_start3A_550] : memref<16400x128xf32, #tpu.memory_space<hbm>> -> memref<16400x128xf32, #tpu.memory_space<hbm>>
          tpu.enqueue_indirect_dma source(%arg12 : memref<112x128xf32, #tpu.memory_space<vmem>>) target(%dma_start3A_551 : memref<16400x128xf32, #tpu.memory_space<hbm>>) offsets(%arg13 : memref<112xi32, #tpu.memory_space<vmem>>) semaphore(%arg16 : memref<!tpu.dma_semaphore, #tpu.memory_space<semaphore_mem>>)
          %dma_wait3A = arith.constant 0 : i32
          %dma_wait3A_552 = arith.constant 0 : i32
          %dma_wait3A_553 = tpu.memref_slice %arg4[%dma_wait3A, %dma_wait3A_552] : memref<16400x128xf32, #tpu.memory_space<hbm>> -> memref<16400x128xf32, #tpu.memory_space<hbm>>
          tpu.wait_indirect_dma semaphore(%arg16 : memref<!tpu.dma_semaphore, #tpu.memory_space<semaphore_mem>>) src(%arg12 : memref<112x128xf32, #tpu.memory_space<vmem>>) dst(%dma_wait3A_553 : memref<16400x128xf32, #tpu.memory_space<hbm>>)
          %swap3A_554 = arith.constant 0 : index
          %swap3A_555 = tpu.vector_load %arg13[%swap3A_554] {strides = array<i32>} : memref<112xi32, #tpu.memory_space<vmem>>, vector<16xi32>,
          tpu.vector_store %arg13[%swap3A_554], %broadcast_in_dim3A_5 {strides = array<i32>} : memref<112xi32, #tpu.memory_space<vmem>>, vector<16xi32>,
          %swap3A_556 = arith.constant 16 : index
          %swap3A_557 = tpu.vector_load %arg13[%swap3A_556] {strides = array<i32>} : memref<112xi32, #tpu.memory_space<vmem>>, vector<16xi32>,
          tpu.vector_store %arg13[%swap3A_556], %broadcast_in_dim3A_5 {strides = array<i32>} : memref<112xi32, #tpu.memory_space<vmem>>, vector<16xi32>,
          %swap3A_558 = arith.constant 32 : index
          %swap3A_559 = tpu.vector_load %arg13[%swap3A_558] {strides = array<i32>} : memref<112xi32, #tpu.memory_space<vmem>>, vector<16xi32>,
          tpu.vector_store %arg13[%swap3A_558], %broadcast_in_dim3A_5 {strides = array<i32>} : memref<112xi32, #tpu.memory_space<vmem>>, vector<16xi32>,
          %swap3A_560 = arith.constant 48 : index
          %swap3A_561 = tpu.vector_load %arg13[%swap3A_560] {strides = array<i32>} : memref<112xi32, #tpu.memory_space<vmem>>, vector<16xi32>,
          tpu.vector_store %arg13[%swap3A_560], %broadcast_in_dim3A_5 {strides = array<i32>} : memref<112xi32, #tpu.memory_space<vmem>>, vector<16xi32>,
          %swap3A_562 = arith.constant 64 : index
          %swap3A_563 = tpu.vector_load %arg13[%swap3A_562] {strides = array<i32>} : memref<112xi32, #tpu.memory_space<vmem>>, vector<16xi32>,
          tpu.vector_store %arg13[%swap3A_562], %broadcast_in_dim3A_5 {strides = array<i32>} : memref<112xi32, #tpu.memory_space<vmem>>, vector<16xi32>,
          %swap3A_564 = arith.constant 80 : index
          %swap3A_565 = tpu.vector_load %arg13[%swap3A_564] {strides = array<i32>} : memref<112xi32, #tpu.memory_space<vmem>>, vector<16xi32>,
          tpu.vector_store %arg13[%swap3A_564], %broadcast_in_dim3A_5 {strides = array<i32>} : memref<112xi32, #tpu.memory_space<vmem>>, vector<16xi32>,
          %swap3A_566 = arith.constant 96 : index
          %swap3A_567 = tpu.vector_load %arg13[%swap3A_566] {strides = array<i32>} : memref<112xi32, #tpu.memory_space<vmem>>, vector<16xi32>,
          tpu.vector_store %arg13[%swap3A_566], %broadcast_in_dim3A_5 {strides = array<i32>} : memref<112xi32, #tpu.memory_space<vmem>>, vector<16xi32>,
        } else {
        }
        %select_n3A_549 = arith.select %gt3A_545, %broadcast_in_dim3A_3, %add3A_535 : vector<16xi32>
        scf.yield %select_n3A_549 : vector<16xi32>
      } else {
        scf.yield %scan3A_114 : vector<16xi32>
      }
      %add3A_158 = arith.constant 16 : i32
      %add3A_159 = vector.broadcast %add3A_158 : i32 to vector<16xi32>
      %add3A_160 = arith.addi %iota3A, %add3A_159 : vector<16xi32>
      %broadcast_in_dim3A_161 = arith.constant 24 : i32
      %broadcast_in_dim3A_162 = vector.broadcast %broadcast_in_dim3A_161 : i32 to vector<16xi32>
      %min3A_163 = arith.minsi %gather3A, %broadcast_in_dim3A_162 : vector<16xi32>
      %lt3A_164 = arith.cmpi slt, %add3A_160, %min3A_163 : vector<16xi32>
      %select_n3A_165 = arith.select %lt3A_164, %broadcast_in_dim3A_1, %broadcast_in_dim3A_3 : vector<16xi1>, vector<16xi32>
      %reduce_max3A_166 = arith.constant true
      %reduce_max3A_167 = vector.broadcast %reduce_max3A_166 : i1 to vector<16xi1>
      %reduce_max3A_168 = arith.constant -2147483648 : i32
      %reduce_max3A_169 = vector.broadcast %reduce_max3A_168 : i32 to vector<16xi32>
      %reduce_max3A_170 = arith.xori %select_n3A_165, %reduce_max3A_169 : vector<16xi32>
      %reduce_max3A_171 = tpu.scan <max>, %reduce_max3A_170 masked %reduce_max3A_167 : vector<16xi32>, vector<16xi1> -> vector<16xi32>
      %reduce_max3A_172 = arith.xori %reduce_max3A_171, %reduce_max3A_169 : vector<16xi32>
      %reduce_max3A_173 = vector.extract %reduce_max3A_172[15] : i32 from vector<16xi32>
      %gt3A_174 = arith.constant 0 : i32
      %gt3A_175 = arith.cmpi sgt, %reduce_max3A_173, %gt3A_174 : i32
      %convert_element_type3A_176 = arith.extui %gt3A_175 : i1 to i32
      %cond3A_177 = arith.constant 0 : i32
      %cond3A_178 = arith.cmpi ne, %convert_element_type3A_176, %cond3A_177 : i32
      %cond3A_179 = scf.if %cond3A_178 -> (vector<16xi32>) {
        %add3A_262 = arith.constant 16 : i32
        %add3A_263 = arith.addi %mul3A_135, %add3A_262 : i32
        %get3A = arith.index_cast %add3A_263 : i32 to index
        %get3A_264 = tpu.vector_load %arg8[%get3A] {strides = array<i32>} : memref<1504xi32, #tpu.memory_space<vmem>>, vector<16xi32>,
        %gather3A_265 = tpu.vector_load_idx %arg5[%get3A_264] masked %lt3A_164 : memref<16384xi32, #tpu.memory_space<vmem>>[vector<16xi32>], vector<16xi32>, vector<16xi1>
        %ge3A = arith.cmpi sge, %gather3A_265, %mul3A_131 : vector<16xi32>
        %and3A_266 = arith.andi %lt3A_164, %ge3A : vector<16xi1>
        %add3A_267 = arith.constant 512 : i32
        %add3A_268 = vector.broadcast %add3A_267 : i32 to vector<16xi32>
        %add3A_269 = arith.addi %mul3A_131, %add3A_268 : vector<16xi32>
        %lt3A_270 = arith.cmpi slt, %gather3A_265, %add3A_269 : vector<16xi32>
        %and3A_271 = arith.andi %and3A_266, %lt3A_270 : vector<16xi1>
        %convert_element_type3A_272 = arith.extui %and3A_271 : vector<16xi1> to vector<16xi32>
        %broadcast_in_dim3A_273 = arith.constant true
        %broadcast_in_dim3A_274 = vector.broadcast %broadcast_in_dim3A_273 : i1 to vector<16xi1>
        %masked_cumsum3A = tpu.scan <sum>, %convert_element_type3A_272 masked %broadcast_in_dim3A_274 : vector<16xi32>, vector<16xi1> -> vector<16xi32>
        %add3A_275 = arith.addi %cond3A_157, %masked_cumsum3A : vector<16xi32>
        %sub3A_276 = arith.subi %add3A_275, %convert_element_type3A_272 : vector<16xi32>
        %sub3A_277 = arith.subi %gather3A_265, %mul3A_131 : vector<16xi32>
        %select_n3A_278 = arith.select %and3A_271, %sub3A_277, %broadcast_in_dim3A_3 : vector<16xi1>, vector<16xi32>
        %mul3A_279 = arith.constant 0 : i32
        %mul3A_280 = vector.broadcast %mul3A_279 : i32 to vector<16xi32>
        %mul3A_281 = arith.muli %broadcast_in_dim3A_1, %mul3A_280 : vector<16xi32>
        %gather3A_282 = tpu.vector_load_idx %arg10[%mul3A_281, %select_n3A_278] masked %and3A_271 : memref<64x512xf32, #tpu.memory_space<vmem>>[vector<16xi32>, vector<16xi32>], vector<16xf32>, vector<16xi1>
        tpu.vector_store_idx %arg12[%sub3A_276, %mul3A_281], %gather3A_282 masked %and3A_271 : memref<112x128xf32, #tpu.memory_space<vmem>>[vector<16xi32>, vector<16xi32>], vector<16xf32>, vector<16xi1>
        %mul3A_283 = arith.constant 1 : i32
        %mul3A_284 = vector.broadcast %mul3A_283 : i32 to vector<16xi32>
        %mul3A_285 = arith.muli %broadcast_in_dim3A_1, %mul3A_284 : vector<16xi32>
        %gather3A_286 = tpu.vector_load_idx %arg10[%mul3A_285, %select_n3A_278] masked %and3A_271 : memref<64x512xf32, #tpu.memory_space<vmem>>[vector<16xi32>, vector<16xi32>], vector<16xf32>, vector<16xi1>
        tpu.vector_store_idx %arg12[%sub3A_276, %mul3A_285], %gather3A_286 masked %and3A_271 : memref<112x128xf32, #tpu.memory_space<vmem>>[vector<16xi32>, vector<16xi32>], vector<16xf32>, vector<16xi1>
        %mul3A_287 = arith.constant 2 : i32
        %mul3A_288 = vector.broadcast %mul3A_287 : i32 to vector<16xi32>
        %mul3A_289 = arith.muli %broadcast_in_dim3A_1, %mul3A_288 : vector<16xi32>
        %gather3A_290 = tpu.vector_load_idx %arg10[%mul3A_289, %select_n3A_278] masked %and3A_271 : memref<64x512xf32, #tpu.memory_space<vmem>>[vector<16xi32>, vector<16xi32>], vector<16xf32>, vector<16xi1>
        tpu.vector_store_idx %arg12[%sub3A_276, %mul3A_289], %gather3A_290 masked %and3A_271 : memref<112x128xf32, #tpu.memory_space<vmem>>[vector<16xi32>, vector<16xi32>], vector<16xf32>, vector<16xi1>
        %mul3A_291 = arith.constant 3 : i32
        %mul3A_292 = vector.broadcast %mul3A_291 : i32 to vector<16xi32>
        %mul3A_293 = arith.muli %broadcast_in_dim3A_1, %mul3A_292 : vector<16xi32>
        %gather3A_294 = tpu.vector_load_idx %arg10[%mul3A_293, %select_n3A_278] masked %and3A_271 : memref<64x512xf32, #tpu.memory_space<vmem>>[vector<16xi32>, vector<16xi32>], vector<16xf32>, vector<16xi1>
        tpu.vector_store_idx %arg12[%sub3A_276, %mul3A_293], %gather3A_294 masked %and3A_271 : memref<112x128xf32, #tpu.memory_space<vmem>>[vector<16xi32>, vector<16xi32>], vector<16xf32>, vector<16xi1>
        %mul3A_295 = arith.constant 4 : i32
        %mul3A_296 = vector.broadcast %mul3A_295 : i32 to vector<16xi32>
        %mul3A_297 = arith.muli %broadcast_in_dim3A_1, %mul3A_296 : vector<16xi32>
        %gather3A_298 = tpu.vector_load_idx %arg10[%mul3A_297, %select_n3A_278] masked %and3A_271 : memref<64x512xf32, #tpu.memory_space<vmem>>[vector<16xi32>, vector<16xi32>], vector<16xf32>, vector<16xi1>
        tpu.vector_store_idx %arg12[%sub3A_276, %mul3A_297], %gather3A_298 masked %and3A_271 : memref<112x128xf32, #tpu.memory_space<vmem>>[vector<16xi32>, vector<16xi32>], vector<16xf32>, vector<16xi1>
        %mul3A_299 = arith.constant 5 : i32
        %mul3A_300 = vector.broadcast %mul3A_299 : i32 to vector<16xi32>
        %mul3A_301 = arith.muli %broadcast_in_dim3A_1, %mul3A_300 : vector<16xi32>
        %gather3A_302 = tpu.vector_load_idx %arg10[%mul3A_301, %select_n3A_278] masked %and3A_271 : memref<64x512xf32, #tpu.memory_space<vmem>>[vector<16xi32>, vector<16xi32>], vector<16xf32>, vector<16xi1>
        tpu.vector_store_idx %arg12[%sub3A_276, %mul3A_301], %gather3A_302 masked %and3A_271 : memref<112x128xf32, #tpu.memory_space<vmem>>[vector<16xi32>, vector<16xi32>], vector<16xf32>, vector<16xi1>
        %mul3A_303 = arith.constant 6 : i32
        %mul3A_304 = vector.broadcast %mul3A_303 : i32 to vector<16xi32>
        %mul3A_305 = arith.muli %broadcast_in_dim3A_1, %mul3A_304 : vector<16xi32>
        %gather3A_306 = tpu.vector_load_idx %arg10[%mul3A_305, %select_n3A_278] masked %and3A_271 : memref<64x512xf32, #tpu.memory_space<vmem>>[vector<16xi32>, vector<16xi32>], vector<16xf32>, vector<16xi1>
        tpu.vector_store_idx %arg12[%sub3A_276, %mul3A_305], %gather3A_306 masked %and3A_271 : memref<112x128xf32, #tpu.memory_space<vmem>>[vector<16xi32>, vector<16xi32>], vector<16xf32>, vector<16xi1>
        %mul3A_307 = arith.constant 7 : i32
        %mul3A_308 = vector.broadcast %mul3A_307 : i32 to vector<16xi32>
        %mul3A_309 = arith.muli %broadcast_in_dim3A_1, %mul3A_308 : vector<16xi32>
        %gather3A_310 = tpu.vector_load_idx %arg10[%mul3A_309, %select_n3A_278] masked %and3A_271 : memref<64x512xf32, #tpu.memory_space<vmem>>[vector<16xi32>, vector<16xi32>], vector<16xf32>, vector<16xi1>
        tpu.vector_store_idx %arg12[%sub3A_276, %mul3A_309], %gather3A_310 masked %and3A_271 : memref<112x128xf32, #tpu.memory_space<vmem>>[vector<16xi32>, vector<16xi32>], vector<16xf32>, vector<16xi1>
        %mul3A_311 = arith.constant 8 : i32
        %mul3A_312 = vector.broadcast %mul3A_311 : i32 to vector<16xi32>
        %mul3A_313 = arith.muli %broadcast_in_dim3A_1, %mul3A_312 : vector<16xi32>
        %gather3A_314 = tpu.vector_load_idx %arg10[%mul3A_313, %select_n3A_278] masked %and3A_271 : memref<64x512xf32, #tpu.memory_space<vmem>>[vector<16xi32>, vector<16xi32>], vector<16xf32>, vector<16xi1>
        tpu.vector_store_idx %arg12[%sub3A_276, %mul3A_313], %gather3A_314 masked %and3A_271 : memref<112x128xf32, #tpu.memory_space<vmem>>[vector<16xi32>, vector<16xi32>], vector<16xf32>, vector<16xi1>
        %mul3A_315 = arith.constant 9 : i32
        %mul3A_316 = vector.broadcast %mul3A_315 : i32 to vector<16xi32>
        %mul3A_317 = arith.muli %broadcast_in_dim3A_1, %mul3A_316 : vector<16xi32>
        %gather3A_318 = tpu.vector_load_idx %arg10[%mul3A_317, %select_n3A_278] masked %and3A_271 : memref<64x512xf32, #tpu.memory_space<vmem>>[vector<16xi32>, vector<16xi32>], vector<16xf32>, vector<16xi1>
        tpu.vector_store_idx %arg12[%sub3A_276, %mul3A_317], %gather3A_318 masked %and3A_271 : memref<112x128xf32, #tpu.memory_space<vmem>>[vector<16xi32>, vector<16xi32>], vector<16xf32>, vector<16xi1>
        %mul3A_319 = arith.constant 10 : i32
        %mul3A_320 = vector.broadcast %mul3A_319 : i32 to vector<16xi32>
        %mul3A_321 = arith.muli %broadcast_in_dim3A_1, %mul3A_320 : vector<16xi32>
        %gather3A_322 = tpu.vector_load_idx %arg10[%mul3A_321, %select_n3A_278] masked %and3A_271 : memref<64x512xf32, #tpu.memory_space<vmem>>[vector<16xi32>, vector<16xi32>], vector<16xf32>, vector<16xi1>
        tpu.vector_store_idx %arg12[%sub3A_276, %mul3A_321], %gather3A_322 masked %and3A_271 : memref<112x128xf32, #tpu.memory_space<vmem>>[vector<16xi32>, vector<16xi32>], vector<16xf32>, vector<16xi1>
        %mul3A_323 = arith.constant 11 : i32
        %mul3A_324 = vector.broadcast %mul3A_323 : i32 to vector<16xi32>
        %mul3A_325 = arith.muli %broadcast_in_dim3A_1, %mul3A_324 : vector<16xi32>
        %gather3A_326 = tpu.vector_load_idx %arg10[%mul3A_325, %select_n3A_278] masked %and3A_271 : memref<64x512xf32, #tpu.memory_space<vmem>>[vector<16xi32>, vector<16xi32>], vector<16xf32>, vector<16xi1>
        tpu.vector_store_idx %arg12[%sub3A_276, %mul3A_325], %gather3A_326 masked %and3A_271 : memref<112x128xf32, #tpu.memory_space<vmem>>[vector<16xi32>, vector<16xi32>], vector<16xf32>, vector<16xi1>
        %mul3A_327 = arith.constant 12 : i32
        %mul3A_328 = vector.broadcast %mul3A_327 : i32 to vector<16xi32>
        %mul3A_329 = arith.muli %broadcast_in_dim3A_1, %mul3A_328 : vector<16xi32>
        %gather3A_330 = tpu.vector_load_idx %arg10[%mul3A_329, %select_n3A_278] masked %and3A_271 : memref<64x512xf32, #tpu.memory_space<vmem>>[vector<16xi32>, vector<16xi32>], vector<16xf32>, vector<16xi1>
        tpu.vector_store_idx %arg12[%sub3A_276, %mul3A_329], %gather3A_330 masked %and3A_271 : memref<112x128xf32, #tpu.memory_space<vmem>>[vector<16xi32>, vector<16xi32>], vector<16xf32>, vector<16xi1>
        %mul3A_331 = arith.constant 13 : i32
        %mul3A_332 = vector.broadcast %mul3A_331 : i32 to vector<16xi32>
        %mul3A_333 = arith.muli %broadcast_in_dim3A_1, %mul3A_332 : vector<16xi32>
        %gather3A_334 = tpu.vector_load_idx %arg10[%mul3A_333, %select_n3A_278] masked %and3A_271 : memref<64x512xf32, #tpu.memory_space<vmem>>[vector<16xi32>, vector<16xi32>], vector<16xf32>, vector<16xi1>
        tpu.vector_store_idx %arg12[%sub3A_276, %mul3A_333], %gather3A_334 masked %and3A_271 : memref<112x128xf32, #tpu.memory_space<vmem>>[vector<16xi32>, vector<16xi32>], vector<16xf32>, vector<16xi1>
        %mul3A_335 = arith.constant 14 : i32
        %mul3A_336 = vector.broadcast %mul3A_335 : i32 to vector<16xi32>
        %mul3A_337 = arith.muli %broadcast_in_dim3A_1, %mul3A_336 : vector<16xi32>
        %gather3A_338 = tpu.vector_load_idx %arg10[%mul3A_337, %select_n3A_278] masked %and3A_271 : memref<64x512xf32, #tpu.memory_space<vmem>>[vector<16xi32>, vector<16xi32>], vector<16xf32>, vector<16xi1>
        tpu.vector_store_idx %arg12[%sub3A_276, %mul3A_337], %gather3A_338 masked %and3A_271 : memref<112x128xf32, #tpu.memory_space<vmem>>[vector<16xi32>, vector<16xi32>], vector<16xf32>, vector<16xi1>
        %mul3A_339 = arith.constant 15 : i32
        %mul3A_340 = vector.broadcast %mul3A_339 : i32 to vector<16xi32>
        %mul3A_341 = arith.muli %broadcast_in_dim3A_1, %mul3A_340 : vector<16xi32>
        %gather3A_342 = tpu.vector_load_idx %arg10[%mul3A_341, %select_n3A_278] masked %and3A_271 : memref<64x512xf32, #tpu.memory_space<vmem>>[vector<16xi32>, vector<16xi32>], vector<16xf32>, vector<16xi1>
        tpu.vector_store_idx %arg12[%sub3A_276, %mul3A_341], %gather3A_342 masked %and3A_271 : memref<112x128xf32, #tpu.memory_space<vmem>>[vector<16xi32>, vector<16xi32>], vector<16xf32>, vector<16xi1>
        %mul3A_343 = arith.constant 16 : i32
        %mul3A_344 = vector.broadcast %mul3A_343 : i32 to vector<16xi32>
        %mul3A_345 = arith.muli %broadcast_in_dim3A_1, %mul3A_344 : vector<16xi32>
        %gather3A_346 = tpu.vector_load_idx %arg10[%mul3A_345, %select_n3A_278] masked %and3A_271 : memref<64x512xf32, #tpu.memory_space<vmem>>[vector<16xi32>, vector<16xi32>], vector<16xf32>, vector<16xi1>
        tpu.vector_store_idx %arg12[%sub3A_276, %mul3A_345], %gather3A_346 masked %and3A_271 : memref<112x128xf32, #tpu.memory_space<vmem>>[vector<16xi32>, vector<16xi32>], vector<16xf32>, vector<16xi1>
        %mul3A_347 = arith.constant 17 : i32
        %mul3A_348 = vector.broadcast %mul3A_347 : i32 to vector<16xi32>
        %mul3A_349 = arith.muli %broadcast_in_dim3A_1, %mul3A_348 : vector<16xi32>
        %gather3A_350 = tpu.vector_load_idx %arg10[%mul3A_349, %select_n3A_278] masked %and3A_271 : memref<64x512xf32, #tpu.memory_space<vmem>>[vector<16xi32>, vector<16xi32>], vector<16xf32>, vector<16xi1>
        tpu.vector_store_idx %arg12[%sub3A_276, %mul3A_349], %gather3A_350 masked %and3A_271 : memref<112x128xf32, #tpu.memory_space<vmem>>[vector<16xi32>, vector<16xi32>], vector<16xf32>, vector<16xi1>
        %mul3A_351 = arith.constant 18 : i32
        %mul3A_352 = vector.broadcast %mul3A_351 : i32 to vector<16xi32>
        %mul3A_353 = arith.muli %broadcast_in_dim3A_1, %mul3A_352 : vector<16xi32>
        %gather3A_354 = tpu.vector_load_idx %arg10[%mul3A_353, %select_n3A_278] masked %and3A_271 : memref<64x512xf32, #tpu.memory_space<vmem>>[vector<16xi32>, vector<16xi32>], vector<16xf32>, vector<16xi1>
        tpu.vector_store_idx %arg12[%sub3A_276, %mul3A_353], %gather3A_354 masked %and3A_271 : memref<112x128xf32, #tpu.memory_space<vmem>>[vector<16xi32>, vector<16xi32>], vector<16xf32>, vector<16xi1>
        %mul3A_355 = arith.constant 19 : i32
        %mul3A_356 = vector.broadcast %mul3A_355 : i32 to vector<16xi32>
        %mul3A_357 = arith.muli %broadcast_in_dim3A_1, %mul3A_356 : vector<16xi32>
        %gather3A_358 = tpu.vector_load_idx %arg10[%mul3A_357, %select_n3A_278] masked %and3A_271 : memref<64x512xf32, #tpu.memory_space<vmem>>[vector<16xi32>, vector<16xi32>], vector<16xf32>, vector<16xi1>
        tpu.vector_store_idx %arg12[%sub3A_276, %mul3A_357], %gather3A_358 masked %and3A_271 : memref<112x128xf32, #tpu.memory_space<vmem>>[vector<16xi32>, vector<16xi32>], vector<16xf32>, vector<16xi1>
        %mul3A_359 = arith.constant 20 : i32
        %mul3A_360 = vector.broadcast %mul3A_359 : i32 to vector<16xi32>
        %mul3A_361 = arith.muli %broadcast_in_dim3A_1, %mul3A_360 : vector<16xi32>
        %gather3A_362 = tpu.vector_load_idx %arg10[%mul3A_361, %select_n3A_278] masked %and3A_271 : memref<64x512xf32, #tpu.memory_space<vmem>>[vector<16xi32>, vector<16xi32>], vector<16xf32>, vector<16xi1>
        tpu.vector_store_idx %arg12[%sub3A_276, %mul3A_361], %gather3A_362 masked %and3A_271 : memref<112x128xf32, #tpu.memory_space<vmem>>[vector<16xi32>, vector<16xi32>], vector<16xf32>, vector<16xi1>
        %mul3A_363 = arith.constant 21 : i32
        %mul3A_364 = vector.broadcast %mul3A_363 : i32 to vector<16xi32>
        %mul3A_365 = arith.muli %broadcast_in_dim3A_1, %mul3A_364 : vector<16xi32>
        %gather3A_366 = tpu.vector_load_idx %arg10[%mul3A_365, %select_n3A_278] masked %and3A_271 : memref<64x512xf32, #tpu.memory_space<vmem>>[vector<16xi32>, vector<16xi32>], vector<16xf32>, vector<16xi1>
        tpu.vector_store_idx %arg12[%sub3A_276, %mul3A_365], %gather3A_366 masked %and3A_271 : memref<112x128xf32, #tpu.memory_space<vmem>>[vector<16xi32>, vector<16xi32>], vector<16xf32>, vector<16xi1>
        %mul3A_367 = arith.constant 22 : i32
        %mul3A_368 = vector.broadcast %mul3A_367 : i32 to vector<16xi32>
        %mul3A_369 = arith.muli %broadcast_in_dim3A_1, %mul3A_368 : vector<16xi32>
        %gather3A_370 = tpu.vector_load_idx %arg10[%mul3A_369, %select_n3A_278] masked %and3A_271 : memref<64x512xf32, #tpu.memory_space<vmem>>[vector<16xi32>, vector<16xi32>], vector<16xf32>, vector<16xi1>
        tpu.vector_store_idx %arg12[%sub3A_276, %mul3A_369], %gather3A_370 masked %and3A_271 : memref<112x128xf32, #tpu.memory_space<vmem>>[vector<16xi32>, vector<16xi32>], vector<16xf32>, vector<16xi1>
        %mul3A_371 = arith.constant 23 : i32
        %mul3A_372 = vector.broadcast %mul3A_371 : i32 to vector<16xi32>
        %mul3A_373 = arith.muli %broadcast_in_dim3A_1, %mul3A_372 : vector<16xi32>
        %gather3A_374 = tpu.vector_load_idx %arg10[%mul3A_373, %select_n3A_278] masked %and3A_271 : memref<64x512xf32, #tpu.memory_space<vmem>>[vector<16xi32>, vector<16xi32>], vector<16xf32>, vector<16xi1>
        tpu.vector_store_idx %arg12[%sub3A_276, %mul3A_373], %gather3A_374 masked %and3A_271 : memref<112x128xf32, #tpu.memory_space<vmem>>[vector<16xi32>, vector<16xi32>], vector<16xf32>, vector<16xi1>
        %mul3A_375 = arith.constant 24 : i32
        %mul3A_376 = vector.broadcast %mul3A_375 : i32 to vector<16xi32>
        %mul3A_377 = arith.muli %broadcast_in_dim3A_1, %mul3A_376 : vector<16xi32>
        %gather3A_378 = tpu.vector_load_idx %arg10[%mul3A_377, %select_n3A_278] masked %and3A_271 : memref<64x512xf32, #tpu.memory_space<vmem>>[vector<16xi32>, vector<16xi32>], vector<16xf32>, vector<16xi1>
        tpu.vector_store_idx %arg12[%sub3A_276, %mul3A_377], %gather3A_378 masked %and3A_271 : memref<112x128xf32, #tpu.memory_space<vmem>>[vector<16xi32>, vector<16xi32>], vector<16xf32>, vector<16xi1>
        %mul3A_379 = arith.constant 25 : i32
        %mul3A_380 = vector.broadcast %mul3A_379 : i32 to vector<16xi32>
        %mul3A_381 = arith.muli %broadcast_in_dim3A_1, %mul3A_380 : vector<16xi32>
        %gather3A_382 = tpu.vector_load_idx %arg10[%mul3A_381, %select_n3A_278] masked %and3A_271 : memref<64x512xf32, #tpu.memory_space<vmem>>[vector<16xi32>, vector<16xi32>], vector<16xf32>, vector<16xi1>
        tpu.vector_store_idx %arg12[%sub3A_276, %mul3A_381], %gather3A_382 masked %and3A_271 : memref<112x128xf32, #tpu.memory_space<vmem>>[vector<16xi32>, vector<16xi32>], vector<16xf32>, vector<16xi1>
        %mul3A_383 = arith.constant 26 : i32
        %mul3A_384 = vector.broadcast %mul3A_383 : i32 to vector<16xi32>
        %mul3A_385 = arith.muli %broadcast_in_dim3A_1, %mul3A_384 : vector<16xi32>
        %gather3A_386 = tpu.vector_load_idx %arg10[%mul3A_385, %select_n3A_278] masked %and3A_271 : memref<64x512xf32, #tpu.memory_space<vmem>>[vector<16xi32>, vector<16xi32>], vector<16xf32>, vector<16xi1>
        tpu.vector_store_idx %arg12[%sub3A_276, %mul3A_385], %gather3A_386 masked %and3A_271 : memref<112x128xf32, #tpu.memory_space<vmem>>[vector<16xi32>, vector<16xi32>], vector<16xf32>, vector<16xi1>
        %mul3A_387 = arith.constant 27 : i32
        %mul3A_388 = vector.broadcast %mul3A_387 : i32 to vector<16xi32>
        %mul3A_389 = arith.muli %broadcast_in_dim3A_1, %mul3A_388 : vector<16xi32>
        %gather3A_390 = tpu.vector_load_idx %arg10[%mul3A_389, %select_n3A_278] masked %and3A_271 : memref<64x512xf32, #tpu.memory_space<vmem>>[vector<16xi32>, vector<16xi32>], vector<16xf32>, vector<16xi1>
        tpu.vector_store_idx %arg12[%sub3A_276, %mul3A_389], %gather3A_390 masked %and3A_271 : memref<112x128xf32, #tpu.memory_space<vmem>>[vector<16xi32>, vector<16xi32>], vector<16xf32>, vector<16xi1>
        %mul3A_391 = arith.constant 28 : i32
        %mul3A_392 = vector.broadcast %mul3A_391 : i32 to vector<16xi32>
        %mul3A_393 = arith.muli %broadcast_in_dim3A_1, %mul3A_392 : vector<16xi32>
        %gather3A_394 = tpu.vector_load_idx %arg10[%mul3A_393, %select_n3A_278] masked %and3A_271 : memref<64x512xf32, #tpu.memory_space<vmem>>[vector<16xi32>, vector<16xi32>], vector<16xf32>, vector<16xi1>
        tpu.vector_store_idx %arg12[%sub3A_276, %mul3A_393], %gather3A_394 masked %and3A_271 : memref<112x128xf32, #tpu.memory_space<vmem>>[vector<16xi32>, vector<16xi32>], vector<16xf32>, vector<16xi1>
        %mul3A_395 = arith.constant 29 : i32
        %mul3A_396 = vector.broadcast %mul3A_395 : i32 to vector<16xi32>
        %mul3A_397 = arith.muli %broadcast_in_dim3A_1, %mul3A_396 : vector<16xi32>
        %gather3A_398 = tpu.vector_load_idx %arg10[%mul3A_397, %select_n3A_278] masked %and3A_271 : memref<64x512xf32, #tpu.memory_space<vmem>>[vector<16xi32>, vector<16xi32>], vector<16xf32>, vector<16xi1>
        tpu.vector_store_idx %arg12[%sub3A_276, %mul3A_397], %gather3A_398 masked %and3A_271 : memref<112x128xf32, #tpu.memory_space<vmem>>[vector<16xi32>, vector<16xi32>], vector<16xf32>, vector<16xi1>
        %mul3A_399 = arith.constant 30 : i32
        %mul3A_400 = vector.broadcast %mul3A_399 : i32 to vector<16xi32>
        %mul3A_401 = arith.muli %broadcast_in_dim3A_1, %mul3A_400 : vector<16xi32>
        %gather3A_402 = tpu.vector_load_idx %arg10[%mul3A_401, %select_n3A_278] masked %and3A_271 : memref<64x512xf32, #tpu.memory_space<vmem>>[vector<16xi32>, vector<16xi32>], vector<16xf32>, vector<16xi1>
        tpu.vector_store_idx %arg12[%sub3A_276, %mul3A_401], %gather3A_402 masked %and3A_271 : memref<112x128xf32, #tpu.memory_space<vmem>>[vector<16xi32>, vector<16xi32>], vector<16xf32>, vector<16xi1>
        %mul3A_403 = arith.constant 31 : i32
        %mul3A_404 = vector.broadcast %mul3A_403 : i32 to vector<16xi32>
        %mul3A_405 = arith.muli %broadcast_in_dim3A_1, %mul3A_404 : vector<16xi32>
        %gather3A_406 = tpu.vector_load_idx %arg10[%mul3A_405, %select_n3A_278] masked %and3A_271 : memref<64x512xf32, #tpu.memory_space<vmem>>[vector<16xi32>, vector<16xi32>], vector<16xf32>, vector<16xi1>
        tpu.vector_store_idx %arg12[%sub3A_276, %mul3A_405], %gather3A_406 masked %and3A_271 : memref<112x128xf32, #tpu.memory_space<vmem>>[vector<16xi32>, vector<16xi32>], vector<16xf32>, vector<16xi1>
        %mul3A_407 = arith.constant 32 : i32
        %mul3A_408 = vector.broadcast %mul3A_407 : i32 to vector<16xi32>
        %mul3A_409 = arith.muli %broadcast_in_dim3A_1, %mul3A_408 : vector<16xi32>
        %gather3A_410 = tpu.vector_load_idx %arg10[%mul3A_409, %select_n3A_278] masked %and3A_271 : memref<64x512xf32, #tpu.memory_space<vmem>>[vector<16xi32>, vector<16xi32>], vector<16xf32>, vector<16xi1>
        tpu.vector_store_idx %arg12[%sub3A_276, %mul3A_409], %gather3A_410 masked %and3A_271 : memref<112x128xf32, #tpu.memory_space<vmem>>[vector<16xi32>, vector<16xi32>], vector<16xf32>, vector<16xi1>
        %mul3A_411 = arith.constant 33 : i32
        %mul3A_412 = vector.broadcast %mul3A_411 : i32 to vector<16xi32>
        %mul3A_413 = arith.muli %broadcast_in_dim3A_1, %mul3A_412 : vector<16xi32>
        %gather3A_414 = tpu.vector_load_idx %arg10[%mul3A_413, %select_n3A_278] masked %and3A_271 : memref<64x512xf32, #tpu.memory_space<vmem>>[vector<16xi32>, vector<16xi32>], vector<16xf32>, vector<16xi1>
        tpu.vector_store_idx %arg12[%sub3A_276, %mul3A_413], %gather3A_414 masked %and3A_271 : memref<112x128xf32, #tpu.memory_space<vmem>>[vector<16xi32>, vector<16xi32>], vector<16xf32>, vector<16xi1>
        %mul3A_415 = arith.constant 34 : i32
        %mul3A_416 = vector.broadcast %mul3A_415 : i32 to vector<16xi32>
        %mul3A_417 = arith.muli %broadcast_in_dim3A_1, %mul3A_416 : vector<16xi32>
        %gather3A_418 = tpu.vector_load_idx %arg10[%mul3A_417, %select_n3A_278] masked %and3A_271 : memref<64x512xf32, #tpu.memory_space<vmem>>[vector<16xi32>, vector<16xi32>], vector<16xf32>, vector<16xi1>
        tpu.vector_store_idx %arg12[%sub3A_276, %mul3A_417], %gather3A_418 masked %and3A_271 : memref<112x128xf32, #tpu.memory_space<vmem>>[vector<16xi32>, vector<16xi32>], vector<16xf32>, vector<16xi1>
        %mul3A_419 = arith.constant 35 : i32
        %mul3A_420 = vector.broadcast %mul3A_419 : i32 to vector<16xi32>
        %mul3A_421 = arith.muli %broadcast_in_dim3A_1, %mul3A_420 : vector<16xi32>
        %gather3A_422 = tpu.vector_load_idx %arg10[%mul3A_421, %select_n3A_278] masked %and3A_271 : memref<64x512xf32, #tpu.memory_space<vmem>>[vector<16xi32>, vector<16xi32>], vector<16xf32>, vector<16xi1>
        tpu.vector_store_idx %arg12[%sub3A_276, %mul3A_421], %gather3A_422 masked %and3A_271 : memref<112x128xf32, #tpu.memory_space<vmem>>[vector<16xi32>, vector<16xi32>], vector<16xf32>, vector<16xi1>
        %mul3A_423 = arith.constant 36 : i32
        %mul3A_424 = vector.broadcast %mul3A_423 : i32 to vector<16xi32>
        %mul3A_425 = arith.muli %broadcast_in_dim3A_1, %mul3A_424 : vector<16xi32>
        %gather3A_426 = tpu.vector_load_idx %arg10[%mul3A_425, %select_n3A_278] masked %and3A_271 : memref<64x512xf32, #tpu.memory_space<vmem>>[vector<16xi32>, vector<16xi32>], vector<16xf32>, vector<16xi1>
        tpu.vector_store_idx %arg12[%sub3A_276, %mul3A_425], %gather3A_426 masked %and3A_271 : memref<112x128xf32, #tpu.memory_space<vmem>>[vector<16xi32>, vector<16xi32>], vector<16xf32>, vector<16xi1>
        %mul3A_427 = arith.constant 37 : i32
        %mul3A_428 = vector.broadcast %mul3A_427 : i32 to vector<16xi32>
        %mul3A_429 = arith.muli %broadcast_in_dim3A_1, %mul3A_428 : vector<16xi32>
        %gather3A_430 = tpu.vector_load_idx %arg10[%mul3A_429, %select_n3A_278] masked %and3A_271 : memref<64x512xf32, #tpu.memory_space<vmem>>[vector<16xi32>, vector<16xi32>], vector<16xf32>, vector<16xi1>
        tpu.vector_store_idx %arg12[%sub3A_276, %mul3A_429], %gather3A_430 masked %and3A_271 : memref<112x128xf32, #tpu.memory_space<vmem>>[vector<16xi32>, vector<16xi32>], vector<16xf32>, vector<16xi1>
        %mul3A_431 = arith.constant 38 : i32
        %mul3A_432 = vector.broadcast %mul3A_431 : i32 to vector<16xi32>
        %mul3A_433 = arith.muli %broadcast_in_dim3A_1, %mul3A_432 : vector<16xi32>
        %gather3A_434 = tpu.vector_load_idx %arg10[%mul3A_433, %select_n3A_278] masked %and3A_271 : memref<64x512xf32, #tpu.memory_space<vmem>>[vector<16xi32>, vector<16xi32>], vector<16xf32>, vector<16xi1>
        tpu.vector_store_idx %arg12[%sub3A_276, %mul3A_433], %gather3A_434 masked %and3A_271 : memref<112x128xf32, #tpu.memory_space<vmem>>[vector<16xi32>, vector<16xi32>], vector<16xf32>, vector<16xi1>
        %mul3A_435 = arith.constant 39 : i32
        %mul3A_436 = vector.broadcast %mul3A_435 : i32 to vector<16xi32>
        %mul3A_437 = arith.muli %broadcast_in_dim3A_1, %mul3A_436 : vector<16xi32>
        %gather3A_438 = tpu.vector_load_idx %arg10[%mul3A_437, %select_n3A_278] masked %and3A_271 : memref<64x512xf32, #tpu.memory_space<vmem>>[vector<16xi32>, vector<16xi32>], vector<16xf32>, vector<16xi1>
        tpu.vector_store_idx %arg12[%sub3A_276, %mul3A_437], %gather3A_438 masked %and3A_271 : memref<112x128xf32, #tpu.memory_space<vmem>>[vector<16xi32>, vector<16xi32>], vector<16xf32>, vector<16xi1>
        %mul3A_439 = arith.constant 40 : i32
        %mul3A_440 = vector.broadcast %mul3A_439 : i32 to vector<16xi32>
        %mul3A_441 = arith.muli %broadcast_in_dim3A_1, %mul3A_440 : vector<16xi32>
        %gather3A_442 = tpu.vector_load_idx %arg10[%mul3A_441, %select_n3A_278] masked %and3A_271 : memref<64x512xf32, #tpu.memory_space<vmem>>[vector<16xi32>, vector<16xi32>], vector<16xf32>, vector<16xi1>
        tpu.vector_store_idx %arg12[%sub3A_276, %mul3A_441], %gather3A_442 masked %and3A_271 : memref<112x128xf32, #tpu.memory_space<vmem>>[vector<16xi32>, vector<16xi32>], vector<16xf32>, vector<16xi1>
        %mul3A_443 = arith.constant 41 : i32
        %mul3A_444 = vector.broadcast %mul3A_443 : i32 to vector<16xi32>
        %mul3A_445 = arith.muli %broadcast_in_dim3A_1, %mul3A_444 : vector<16xi32>
        %gather3A_446 = tpu.vector_load_idx %arg10[%mul3A_445, %select_n3A_278] masked %and3A_271 : memref<64x512xf32, #tpu.memory_space<vmem>>[vector<16xi32>, vector<16xi32>], vector<16xf32>, vector<16xi1>
        tpu.vector_store_idx %arg12[%sub3A_276, %mul3A_445], %gather3A_446 masked %and3A_271 : memref<112x128xf32, #tpu.memory_space<vmem>>[vector<16xi32>, vector<16xi32>], vector<16xf32>, vector<16xi1>
        %mul3A_447 = arith.constant 42 : i32
        %mul3A_448 = vector.broadcast %mul3A_447 : i32 to vector<16xi32>
        %mul3A_449 = arith.muli %broadcast_in_dim3A_1, %mul3A_448 : vector<16xi32>
        %gather3A_450 = tpu.vector_load_idx %arg10[%mul3A_449, %select_n3A_278] masked %and3A_271 : memref<64x512xf32, #tpu.memory_space<vmem>>[vector<16xi32>, vector<16xi32>], vector<16xf32>, vector<16xi1>
        tpu.vector_store_idx %arg12[%sub3A_276, %mul3A_449], %gather3A_450 masked %and3A_271 : memref<112x128xf32, #tpu.memory_space<vmem>>[vector<16xi32>, vector<16xi32>], vector<16xf32>, vector<16xi1>
        %mul3A_451 = arith.constant 43 : i32
        %mul3A_452 = vector.broadcast %mul3A_451 : i32 to vector<16xi32>
        %mul3A_453 = arith.muli %broadcast_in_dim3A_1, %mul3A_452 : vector<16xi32>
        %gather3A_454 = tpu.vector_load_idx %arg10[%mul3A_453, %select_n3A_278] masked %and3A_271 : memref<64x512xf32, #tpu.memory_space<vmem>>[vector<16xi32>, vector<16xi32>], vector<16xf32>, vector<16xi1>
        tpu.vector_store_idx %arg12[%sub3A_276, %mul3A_453], %gather3A_454 masked %and3A_271 : memref<112x128xf32, #tpu.memory_space<vmem>>[vector<16xi32>, vector<16xi32>], vector<16xf32>, vector<16xi1>
        %mul3A_455 = arith.constant 44 : i32
        %mul3A_456 = vector.broadcast %mul3A_455 : i32 to vector<16xi32>
        %mul3A_457 = arith.muli %broadcast_in_dim3A_1, %mul3A_456 : vector<16xi32>
        %gather3A_458 = tpu.vector_load_idx %arg10[%mul3A_457, %select_n3A_278] masked %and3A_271 : memref<64x512xf32, #tpu.memory_space<vmem>>[vector<16xi32>, vector<16xi32>], vector<16xf32>, vector<16xi1>
        tpu.vector_store_idx %arg12[%sub3A_276, %mul3A_457], %gather3A_458 masked %and3A_271 : memref<112x128xf32, #tpu.memory_space<vmem>>[vector<16xi32>, vector<16xi32>], vector<16xf32>, vector<16xi1>
        %mul3A_459 = arith.constant 45 : i32
        %mul3A_460 = vector.broadcast %mul3A_459 : i32 to vector<16xi32>
        %mul3A_461 = arith.muli %broadcast_in_dim3A_1, %mul3A_460 : vector<16xi32>
        %gather3A_462 = tpu.vector_load_idx %arg10[%mul3A_461, %select_n3A_278] masked %and3A_271 : memref<64x512xf32, #tpu.memory_space<vmem>>[vector<16xi32>, vector<16xi32>], vector<16xf32>, vector<16xi1>
        tpu.vector_store_idx %arg12[%sub3A_276, %mul3A_461], %gather3A_462 masked %and3A_271 : memref<112x128xf32, #tpu.memory_space<vmem>>[vector<16xi32>, vector<16xi32>], vector<16xf32>, vector<16xi1>
        %mul3A_463 = arith.constant 46 : i32
        %mul3A_464 = vector.broadcast %mul3A_463 : i32 to vector<16xi32>
        %mul3A_465 = arith.muli %broadcast_in_dim3A_1, %mul3A_464 : vector<16xi32>
        %gather3A_466 = tpu.vector_load_idx %arg10[%mul3A_465, %select_n3A_278] masked %and3A_271 : memref<64x512xf32, #tpu.memory_space<vmem>>[vector<16xi32>, vector<16xi32>], vector<16xf32>, vector<16xi1>
        tpu.vector_store_idx %arg12[%sub3A_276, %mul3A_465], %gather3A_466 masked %and3A_271 : memref<112x128xf32, #tpu.memory_space<vmem>>[vector<16xi32>, vector<16xi32>], vector<16xf32>, vector<16xi1>
        %mul3A_467 = arith.constant 47 : i32
        %mul3A_468 = vector.broadcast %mul3A_467 : i32 to vector<16xi32>
        %mul3A_469 = arith.muli %broadcast_in_dim3A_1, %mul3A_468 : vector<16xi32>
        %gather3A_470 = tpu.vector_load_idx %arg10[%mul3A_469, %select_n3A_278] masked %and3A_271 : memref<64x512xf32, #tpu.memory_space<vmem>>[vector<16xi32>, vector<16xi32>], vector<16xf32>, vector<16xi1>
        tpu.vector_store_idx %arg12[%sub3A_276, %mul3A_469], %gather3A_470 masked %and3A_271 : memref<112x128xf32, #tpu.memory_space<vmem>>[vector<16xi32>, vector<16xi32>], vector<16xf32>, vector<16xi1>
        %mul3A_471 = arith.constant 48 : i32
        %mul3A_472 = vector.broadcast %mul3A_471 : i32 to vector<16xi32>
        %mul3A_473 = arith.muli %broadcast_in_dim3A_1, %mul3A_472 : vector<16xi32>
        %gather3A_474 = tpu.vector_load_idx %arg10[%mul3A_473, %select_n3A_278] masked %and3A_271 : memref<64x512xf32, #tpu.memory_space<vmem>>[vector<16xi32>, vector<16xi32>], vector<16xf32>, vector<16xi1>
        tpu.vector_store_idx %arg12[%sub3A_276, %mul3A_473], %gather3A_474 masked %and3A_271 : memref<112x128xf32, #tpu.memory_space<vmem>>[vector<16xi32>, vector<16xi32>], vector<16xf32>, vector<16xi1>
        %mul3A_475 = arith.constant 49 : i32
        %mul3A_476 = vector.broadcast %mul3A_475 : i32 to vector<16xi32>
        %mul3A_477 = arith.muli %broadcast_in_dim3A_1, %mul3A_476 : vector<16xi32>
        %gather3A_478 = tpu.vector_load_idx %arg10[%mul3A_477, %select_n3A_278] masked %and3A_271 : memref<64x512xf32, #tpu.memory_space<vmem>>[vector<16xi32>, vector<16xi32>], vector<16xf32>, vector<16xi1>
        tpu.vector_store_idx %arg12[%sub3A_276, %mul3A_477], %gather3A_478 masked %and3A_271 : memref<112x128xf32, #tpu.memory_space<vmem>>[vector<16xi32>, vector<16xi32>], vector<16xf32>, vector<16xi1>
        %mul3A_479 = arith.constant 50 : i32
        %mul3A_480 = vector.broadcast %mul3A_479 : i32 to vector<16xi32>
        %mul3A_481 = arith.muli %broadcast_in_dim3A_1, %mul3A_480 : vector<16xi32>
        %gather3A_482 = tpu.vector_load_idx %arg10[%mul3A_481, %select_n3A_278] masked %and3A_271 : memref<64x512xf32, #tpu.memory_space<vmem>>[vector<16xi32>, vector<16xi32>], vector<16xf32>, vector<16xi1>
        tpu.vector_store_idx %arg12[%sub3A_276, %mul3A_481], %gather3A_482 masked %and3A_271 : memref<112x128xf32, #tpu.memory_space<vmem>>[vector<16xi32>, vector<16xi32>], vector<16xf32>, vector<16xi1>
        %mul3A_483 = arith.constant 51 : i32
        %mul3A_484 = vector.broadcast %mul3A_483 : i32 to vector<16xi32>
        %mul3A_485 = arith.muli %broadcast_in_dim3A_1, %mul3A_484 : vector<16xi32>
        %gather3A_486 = tpu.vector_load_idx %arg10[%mul3A_485, %select_n3A_278] masked %and3A_271 : memref<64x512xf32, #tpu.memory_space<vmem>>[vector<16xi32>, vector<16xi32>], vector<16xf32>, vector<16xi1>
        tpu.vector_store_idx %arg12[%sub3A_276, %mul3A_485], %gather3A_486 masked %and3A_271 : memref<112x128xf32, #tpu.memory_space<vmem>>[vector<16xi32>, vector<16xi32>], vector<16xf32>, vector<16xi1>
        %mul3A_487 = arith.constant 52 : i32
        %mul3A_488 = vector.broadcast %mul3A_487 : i32 to vector<16xi32>
        %mul3A_489 = arith.muli %broadcast_in_dim3A_1, %mul3A_488 : vector<16xi32>
        %gather3A_490 = tpu.vector_load_idx %arg10[%mul3A_489, %select_n3A_278] masked %and3A_271 : memref<64x512xf32, #tpu.memory_space<vmem>>[vector<16xi32>, vector<16xi32>], vector<16xf32>, vector<16xi1>
        tpu.vector_store_idx %arg12[%sub3A_276, %mul3A_489], %gather3A_490 masked %and3A_271 : memref<112x128xf32, #tpu.memory_space<vmem>>[vector<16xi32>, vector<16xi32>], vector<16xf32>, vector<16xi1>
        %mul3A_491 = arith.constant 53 : i32
        %mul3A_492 = vector.broadcast %mul3A_491 : i32 to vector<16xi32>
        %mul3A_493 = arith.muli %broadcast_in_dim3A_1, %mul3A_492 : vector<16xi32>
        %gather3A_494 = tpu.vector_load_idx %arg10[%mul3A_493, %select_n3A_278] masked %and3A_271 : memref<64x512xf32, #tpu.memory_space<vmem>>[vector<16xi32>, vector<16xi32>], vector<16xf32>, vector<16xi1>
        tpu.vector_store_idx %arg12[%sub3A_276, %mul3A_493], %gather3A_494 masked %and3A_271 : memref<112x128xf32, #tpu.memory_space<vmem>>[vector<16xi32>, vector<16xi32>], vector<16xf32>, vector<16xi1>
        %mul3A_495 = arith.constant 54 : i32
        %mul3A_496 = vector.broadcast %mul3A_495 : i32 to vector<16xi32>
        %mul3A_497 = arith.muli %broadcast_in_dim3A_1, %mul3A_496 : vector<16xi32>
        %gather3A_498 = tpu.vector_load_idx %arg10[%mul3A_497, %select_n3A_278] masked %and3A_271 : memref<64x512xf32, #tpu.memory_space<vmem>>[vector<16xi32>, vector<16xi32>], vector<16xf32>, vector<16xi1>
        tpu.vector_store_idx %arg12[%sub3A_276, %mul3A_497], %gather3A_498 masked %and3A_271 : memref<112x128xf32, #tpu.memory_space<vmem>>[vector<16xi32>, vector<16xi32>], vector<16xf32>, vector<16xi1>
        %mul3A_499 = arith.constant 55 : i32
        %mul3A_500 = vector.broadcast %mul3A_499 : i32 to vector<16xi32>
        %mul3A_501 = arith.muli %broadcast_in_dim3A_1, %mul3A_500 : vector<16xi32>
        %gather3A_502 = tpu.vector_load_idx %arg10[%mul3A_501, %select_n3A_278] masked %and3A_271 : memref<64x512xf32, #tpu.memory_space<vmem>>[vector<16xi32>, vector<16xi32>], vector<16xf32>, vector<16xi1>
        tpu.vector_store_idx %arg12[%sub3A_276, %mul3A_501], %gather3A_502 masked %and3A_271 : memref<112x128xf32, #tpu.memory_space<vmem>>[vector<16xi32>, vector<16xi32>], vector<16xf32>, vector<16xi1>
        %mul3A_503 = arith.constant 56 : i32
        %mul3A_504 = vector.broadcast %mul3A_503 : i32 to vector<16xi32>
        %mul3A_505 = arith.muli %broadcast_in_dim3A_1, %mul3A_504 : vector<16xi32>
        %gather3A_506 = tpu.vector_load_idx %arg10[%mul3A_505, %select_n3A_278] masked %and3A_271 : memref<64x512xf32, #tpu.memory_space<vmem>>[vector<16xi32>, vector<16xi32>], vector<16xf32>, vector<16xi1>
        tpu.vector_store_idx %arg12[%sub3A_276, %mul3A_505], %gather3A_506 masked %and3A_271 : memref<112x128xf32, #tpu.memory_space<vmem>>[vector<16xi32>, vector<16xi32>], vector<16xf32>, vector<16xi1>
        %mul3A_507 = arith.constant 57 : i32
        %mul3A_508 = vector.broadcast %mul3A_507 : i32 to vector<16xi32>
        %mul3A_509 = arith.muli %broadcast_in_dim3A_1, %mul3A_508 : vector<16xi32>
        %gather3A_510 = tpu.vector_load_idx %arg10[%mul3A_509, %select_n3A_278] masked %and3A_271 : memref<64x512xf32, #tpu.memory_space<vmem>>[vector<16xi32>, vector<16xi32>], vector<16xf32>, vector<16xi1>
        tpu.vector_store_idx %arg12[%sub3A_276, %mul3A_509], %gather3A_510 masked %and3A_271 : memref<112x128xf32, #tpu.memory_space<vmem>>[vector<16xi32>, vector<16xi32>], vector<16xf32>, vector<16xi1>
        %mul3A_511 = arith.constant 58 : i32
        %mul3A_512 = vector.broadcast %mul3A_511 : i32 to vector<16xi32>
        %mul3A_513 = arith.muli %broadcast_in_dim3A_1, %mul3A_512 : vector<16xi32>
        %gather3A_514 = tpu.vector_load_idx %arg10[%mul3A_513, %select_n3A_278] masked %and3A_271 : memref<64x512xf32, #tpu.memory_space<vmem>>[vector<16xi32>, vector<16xi32>], vector<16xf32>, vector<16xi1>
        tpu.vector_store_idx %arg12[%sub3A_276, %mul3A_513], %gather3A_514 masked %and3A_271 : memref<112x128xf32, #tpu.memory_space<vmem>>[vector<16xi32>, vector<16xi32>], vector<16xf32>, vector<16xi1>
        %mul3A_515 = arith.constant 59 : i32
        %mul3A_516 = vector.broadcast %mul3A_515 : i32 to vector<16xi32>
        %mul3A_517 = arith.muli %broadcast_in_dim3A_1, %mul3A_516 : vector<16xi32>
        %gather3A_518 = tpu.vector_load_idx %arg10[%mul3A_517, %select_n3A_278] masked %and3A_271 : memref<64x512xf32, #tpu.memory_space<vmem>>[vector<16xi32>, vector<16xi32>], vector<16xf32>, vector<16xi1>
        tpu.vector_store_idx %arg12[%sub3A_276, %mul3A_517], %gather3A_518 masked %and3A_271 : memref<112x128xf32, #tpu.memory_space<vmem>>[vector<16xi32>, vector<16xi32>], vector<16xf32>, vector<16xi1>
        %mul3A_519 = arith.constant 60 : i32
        %mul3A_520 = vector.broadcast %mul3A_519 : i32 to vector<16xi32>
        %mul3A_521 = arith.muli %broadcast_in_dim3A_1, %mul3A_520 : vector<16xi32>
        %gather3A_522 = tpu.vector_load_idx %arg10[%mul3A_521, %select_n3A_278] masked %and3A_271 : memref<64x512xf32, #tpu.memory_space<vmem>>[vector<16xi32>, vector<16xi32>], vector<16xf32>, vector<16xi1>
        tpu.vector_store_idx %arg12[%sub3A_276, %mul3A_521], %gather3A_522 masked %and3A_271 : memref<112x128xf32, #tpu.memory_space<vmem>>[vector<16xi32>, vector<16xi32>], vector<16xf32>, vector<16xi1>
        %mul3A_523 = arith.constant 61 : i32
        %mul3A_524 = vector.broadcast %mul3A_523 : i32 to vector<16xi32>
        %mul3A_525 = arith.muli %broadcast_in_dim3A_1, %mul3A_524 : vector<16xi32>
        %gather3A_526 = tpu.vector_load_idx %arg10[%mul3A_525, %select_n3A_278] masked %and3A_271 : memref<64x512xf32, #tpu.memory_space<vmem>>[vector<16xi32>, vector<16xi32>], vector<16xf32>, vector<16xi1>
        tpu.vector_store_idx %arg12[%sub3A_276, %mul3A_525], %gather3A_526 masked %and3A_271 : memref<112x128xf32, #tpu.memory_space<vmem>>[vector<16xi32>, vector<16xi32>], vector<16xf32>, vector<16xi1>
        %mul3A_527 = arith.constant 62 : i32
        %mul3A_528 = vector.broadcast %mul3A_527 : i32 to vector<16xi32>
        %mul3A_529 = arith.muli %broadcast_in_dim3A_1, %mul3A_528 : vector<16xi32>
        %gather3A_530 = tpu.vector_load_idx %arg10[%mul3A_529, %select_n3A_278] masked %and3A_271 : memref<64x512xf32, #tpu.memory_space<vmem>>[vector<16xi32>, vector<16xi32>], vector<16xf32>, vector<16xi1>
        tpu.vector_store_idx %arg12[%sub3A_276, %mul3A_529], %gather3A_530 masked %and3A_271 : memref<112x128xf32, #tpu.memory_space<vmem>>[vector<16xi32>, vector<16xi32>], vector<16xf32>, vector<16xi1>
        %mul3A_531 = arith.constant 63 : i32
        %mul3A_532 = vector.broadcast %mul3A_531 : i32 to vector<16xi32>
        %mul3A_533 = arith.muli %broadcast_in_dim3A_1, %mul3A_532 : vector<16xi32>
        %gather3A_534 = tpu.vector_load_idx %arg10[%mul3A_533, %select_n3A_278] masked %and3A_271 : memref<64x512xf32, #tpu.memory_space<vmem>>[vector<16xi32>, vector<16xi32>], vector<16xf32>, vector<16xi1>
        tpu.vector_store_idx %arg12[%sub3A_276, %mul3A_533], %gather3A_534 masked %and3A_271 : memref<112x128xf32, #tpu.memory_space<vmem>>[vector<16xi32>, vector<16xi32>], vector<16xf32>, vector<16xi1>
        tpu.vector_store_idx %arg13[%sub3A_276], %get3A_264 masked %and3A_271 : memref<112xi32, #tpu.memory_space<vmem>>[vector<16xi32>], vector<16xi32>, vector<16xi1>
        %all_reduce_population_count3A = tpu.all_reduce %and3A_271 {dim = 0 : i64, kind = #tpu.reduction_kind<sum>} : vector<16xi1> -> vector<16xi32>
        %add3A_535 = arith.addi %cond3A_157, %all_reduce_population_count3A : vector<16xi32>
        %reduce_max3A_536 = arith.constant true
        %reduce_max3A_537 = vector.broadcast %reduce_max3A_536 : i1 to vector<16xi1>
        %reduce_max3A_538 = arith.constant -2147483648 : i32
        %reduce_max3A_539 = vector.broadcast %reduce_max3A_538 : i32 to vector<16xi32>
        %reduce_max3A_540 = arith.xori %add3A_535, %reduce_max3A_539 : vector<16xi32>
        %reduce_max3A_541 = tpu.scan <max>, %reduce_max3A_540 masked %reduce_max3A_537 : vector<16xi32>, vector<16xi1> -> vector<16xi32>
        %reduce_max3A_542 = arith.xori %reduce_max3A_541, %reduce_max3A_539 : vector<16xi32>
        %reduce_max3A_543 = vector.extract %reduce_max3A_542[15] : i32 from vector<16xi32>
        %gt3A_544 = arith.constant 96 : i32
        %gt3A_545 = arith.cmpi sgt, %reduce_max3A_543, %gt3A_544 : i32
        %convert_element_type3A_546 = arith.extui %gt3A_545 : i1 to i32
        %cond3A_547 = arith.constant 0 : i32
        %cond3A_548 = arith.cmpi ne, %convert_element_type3A_546, %cond3A_547 : i32
        scf.if %cond3A_548 {
          %dma_start3A = arith.constant 0 : i32
          %dma_start3A_550 = arith.constant 0 : i32
          %dma_start3A_551 = tpu.memref_slice %arg4[%dma_start3A, %dma_start3A_550] : memref<16400x128xf32, #tpu.memory_space<hbm>> -> memref<16400x128xf32, #tpu.memory_space<hbm>>
          tpu.enqueue_indirect_dma source(%arg12 : memref<112x128xf32, #tpu.memory_space<vmem>>) target(%dma_start3A_551 : memref<16400x128xf32, #tpu.memory_space<hbm>>) offsets(%arg13 : memref<112xi32, #tpu.memory_space<vmem>>) semaphore(%arg16 : memref<!tpu.dma_semaphore, #tpu.memory_space<semaphore_mem>>)
          %dma_wait3A = arith.constant 0 : i32
          %dma_wait3A_552 = arith.constant 0 : i32
          %dma_wait3A_553 = tpu.memref_slice %arg4[%dma_wait3A, %dma_wait3A_552] : memref<16400x128xf32, #tpu.memory_space<hbm>> -> memref<16400x128xf32, #tpu.memory_space<hbm>>
          tpu.wait_indirect_dma semaphore(%arg16 : memref<!tpu.dma_semaphore, #tpu.memory_space<semaphore_mem>>) src(%arg12 : memref<112x128xf32, #tpu.memory_space<vmem>>) dst(%dma_wait3A_553 : memref<16400x128xf32, #tpu.memory_space<hbm>>)
          %swap3A_554 = arith.constant 0 : index
          %swap3A_555 = tpu.vector_load %arg13[%swap3A_554] {strides = array<i32>} : memref<112xi32, #tpu.memory_space<vmem>>, vector<16xi32>,
          tpu.vector_store %arg13[%swap3A_554], %broadcast_in_dim3A_5 {strides = array<i32>} : memref<112xi32, #tpu.memory_space<vmem>>, vector<16xi32>,
          %swap3A_556 = arith.constant 16 : index
          %swap3A_557 = tpu.vector_load %arg13[%swap3A_556] {strides = array<i32>} : memref<112xi32, #tpu.memory_space<vmem>>, vector<16xi32>,
          tpu.vector_store %arg13[%swap3A_556], %broadcast_in_dim3A_5 {strides = array<i32>} : memref<112xi32, #tpu.memory_space<vmem>>, vector<16xi32>,
          %swap3A_558 = arith.constant 32 : index
          %swap3A_559 = tpu.vector_load %arg13[%swap3A_558] {strides = array<i32>} : memref<112xi32, #tpu.memory_space<vmem>>, vector<16xi32>,
          tpu.vector_store %arg13[%swap3A_558], %broadcast_in_dim3A_5 {strides = array<i32>} : memref<112xi32, #tpu.memory_space<vmem>>, vector<16xi32>,
          %swap3A_560 = arith.constant 48 : index
          %swap3A_561 = tpu.vector_load %arg13[%swap3A_560] {strides = array<i32>} : memref<112xi32, #tpu.memory_space<vmem>>, vector<16xi32>,
          tpu.vector_store %arg13[%swap3A_560], %broadcast_in_dim3A_5 {strides = array<i32>} : memref<112xi32, #tpu.memory_space<vmem>>, vector<16xi32>,
          %swap3A_562 = arith.constant 64 : index
          %swap3A_563 = tpu.vector_load %arg13[%swap3A_562] {strides = array<i32>} : memref<112xi32, #tpu.memory_space<vmem>>, vector<16xi32>,
          tpu.vector_store %arg13[%swap3A_562], %broadcast_in_dim3A_5 {strides = array<i32>} : memref<112xi32, #tpu.memory_space<vmem>>, vector<16xi32>,
          %swap3A_564 = arith.constant 80 : index
          %swap3A_565 = tpu.vector_load %arg13[%swap3A_564] {strides = array<i32>} : memref<112xi32, #tpu.memory_space<vmem>>, vector<16xi32>,
          tpu.vector_store %arg13[%swap3A_564], %broadcast_in_dim3A_5 {strides = array<i32>} : memref<112xi32, #tpu.memory_space<vmem>>, vector<16xi32>,
          %swap3A_566 = arith.constant 96 : index
          %swap3A_567 = tpu.vector_load %arg13[%swap3A_566] {strides = array<i32>} : memref<112xi32, #tpu.memory_space<vmem>>, vector<16xi32>,
          tpu.vector_store %arg13[%swap3A_566], %broadcast_in_dim3A_5 {strides = array<i32>} : memref<112xi32, #tpu.memory_space<vmem>>, vector<16xi32>,
        } else {
        }
        %select_n3A_549 = arith.select %gt3A_545, %broadcast_in_dim3A_3, %add3A_535 : vector<16xi32>
        scf.yield %select_n3A_549 : vector<16xi32>
      } else {
        scf.yield %cond3A_157 : vector<16xi32>
      }
      %add3A_180 = arith.constant 2 : i32
      %add3A_181 = arith.addi %mul3A_116, %add3A_180 : i32
      %lt3A_182 = arith.constant 62 : i32
      %lt3A_183 = arith.cmpi slt, %add3A_181, %lt3A_182 : i32
      %convert_element_type3A_184 = arith.extui %lt3A_183 : i1 to i32
      %cond3A_185 = arith.constant 0 : i32
      %cond3A_186 = arith.cmpi ne, %convert_element_type3A_184, %cond3A_185 : i32
      scf.if %cond3A_186 {
        %mul3A_262 = arith.constant 32 : i32
        %mul3A_263 = arith.muli %add3A_181, %mul3A_262 : i32
        %add3A_264 = arith.addi %mul3A_263, %add3A : i32
        %min3A_265 = arith.constant 1953 : i32
        %min3A_266 = arith.minsi %add3A_264, %min3A_265 : i32
        %mul3A_267 = arith.constant 512 : i32
        %mul3A_268 = arith.muli %min3A_266, %mul3A_267 : i32
        %min3A_269 = arith.constant 999552 : i32
        %min3A_270 = arith.minsi %mul3A_268, %min3A_269 : i32
        %multiple_of3A_271 = tpu.assume_multiple %min3A_270, 128 : i32
        %dma_start3A = arith.constant 0 : i32
        %dma_start3A_272 = tpu.memref_slice %arg3[%dma_start3A, %multiple_of3A_271] : memref<64x1000000xf32, #tpu.memory_space<hbm>> -> memref<64x512xf32, #tpu.memory_space<hbm>>
        %dma_start3A_273 = arith.constant 0 : i32
        %dma_start3A_274 = tpu.memref_slice %arg3[%dma_start3A_273, %multiple_of3A_271] : memref<64x1000000xf32, #tpu.memory_space<hbm>> -> memref<64x512xf32, #tpu.memory_space<hbm>>
        tpu.enqueue_dma source(%dma_start3A_274 : memref<64x512xf32, #tpu.memory_space<hbm>>) target(%arg10 : memref<64x512xf32, #tpu.memory_space<vmem>>) target_semaphore(%arg14 : memref<!tpu.dma_semaphore, #tpu.memory_space<semaphore_mem>>)
      } else {
      }
      %add3A_187 = arith.constant 1 : i32
      %add3A_188 = arith.addi %mul3A_116, %add3A_187 : i32
      %mul3A_189 = arith.constant 32 : i32
      %mul3A_190 = arith.muli %add3A_188, %mul3A_189 : i32
      %add3A_191 = arith.addi %mul3A_190, %add3A : i32
      %min3A_192 = arith.constant 1953 : i32
      %min3A_193 = arith.minsi %add3A_191, %min3A_192 : i32
      %mul3A_194 = arith.constant 512 : i32
      %mul3A_195 = arith.muli %min3A_193, %mul3A_194 : i32
      %min3A_196 = arith.constant 999552 : i32
      %min3A_197 = arith.minsi %mul3A_195, %min3A_196 : i32
      %multiple_of3A_198 = tpu.assume_multiple %min3A_197, 128 : i32
      %lt3A_199 = arith.constant 62 : i32
      %lt3A_200 = arith.cmpi slt, %add3A_188, %lt3A_199 : i32
      %convert_element_type3A_201 = arith.extui %lt3A_200 : i1 to i32
      %cond3A_202 = arith.constant 0 : i32
      %cond3A_203 = arith.cmpi ne, %convert_element_type3A_201, %cond3A_202 : i32
      scf.if %cond3A_203 {
        %dma_wait3A = arith.constant 0 : i32
        %dma_wait3A_262 = tpu.memref_slice %arg3[%dma_wait3A, %multiple_of3A_198] : memref<64x1000000xf32, #tpu.memory_space<hbm>> -> memref<64x512xf32, #tpu.memory_space<hbm>>
        %dma_wait3A_263 = arith.constant 0 : i32
        %dma_wait3A_264 = tpu.memref_slice %arg3[%dma_wait3A_263, %multiple_of3A_198] : memref<64x1000000xf32, #tpu.memory_space<hbm>> -> memref<64x512xf32, #tpu.memory_space<hbm>>
        tpu.wait_dma2 semaphore(%arg15 : memref<!tpu.dma_semaphore, #tpu.memory_space<semaphore_mem>>) src(%dma_wait3A_264 : memref<64x512xf32, #tpu.memory_space<hbm>>) dst(%arg11 : memref<64x512xf32, #tpu.memory_space<vmem>>)
      } else {
      }
      %mul3A_204 = vector.broadcast %multiple_of3A_198 : i32 to vector<16xi32>
      %mul3A_205 = arith.muli %broadcast_in_dim3A_1, %mul3A_204 : vector<16xi32>
      %mul3A_206 = vector.broadcast %add3A_188 : i32 to vector<16xi32>
      %mul3A_207 = arith.muli %broadcast_in_dim3A_1, %mul3A_206 : vector<16xi32>
      %gather3A_208 = tpu.vector_load_idx %arg9[%mul3A_207] : memref<64xi32, #tpu.memory_space<vmem>>[vector<16xi32>], vector<16xi32>,
      %mul3A_209 = arith.constant 24 : i32
      %mul3A_210 = arith.muli %add3A_188, %mul3A_209 : i32
      %add3A_211 = arith.constant 0 : i32
      %add3A_212 = vector.broadcast %add3A_211 : i32 to vector<16xi32>
      %add3A_213 = arith.addi %iota3A, %add3A_212 : vector<16xi32>
      %broadcast_in_dim3A_214 = arith.constant 24 : i32
      %broadcast_in_dim3A_215 = vector.broadcast %broadcast_in_dim3A_214 : i32 to vector<16xi32>
      %min3A_216 = arith.minsi %gather3A_208, %broadcast_in_dim3A_215 : vector<16xi32>
      %lt3A_217 = arith.cmpi slt, %add3A_213, %min3A_216 : vector<16xi32>
      %select_n3A_218 = arith.select %lt3A_217, %broadcast_in_dim3A_1, %broadcast_in_dim3A_3 : vector<16xi1>, vector<16xi32>
      %reduce_max3A_219 = arith.constant true
      %reduce_max3A_220 = vector.broadcast %reduce_max3A_219 : i1 to vector<16xi1>
      %reduce_max3A_221 = arith.constant -2147483648 : i32
      %reduce_max3A_222 = vector.broadcast %reduce_max3A_221 : i32 to vector<16xi32>
      %reduce_max3A_223 = arith.xori %select_n3A_218, %reduce_max3A_222 : vector<16xi32>
      %reduce_max3A_224 = tpu.scan <max>, %reduce_max3A_223 masked %reduce_max3A_220 : vector<16xi32>, vector<16xi1> -> vector<16xi32>
      %reduce_max3A_225 = arith.xori %reduce_max3A_224, %reduce_max3A_222 : vector<16xi32>
      %reduce_max3A_226 = vector.extract %reduce_max3A_225[15] : i32 from vector<16xi32>
      %gt3A_227 = arith.constant 0 : i32
      %gt3A_228 = arith.cmpi sgt, %reduce_max3A_226, %gt3A_227 : i32
      %convert_element_type3A_229 = arith.extui %gt3A_228 : i1 to i32
      %cond3A_230 = arith.constant 0 : i32
      %cond3A_231 = arith.cmpi ne, %convert_element_type3A_229, %cond3A_230 : i32
      %cond3A_232 = scf.if %cond3A_231 -> (vector<16xi32>) {
        %add3A_262 = arith.constant 0 : i32
        %add3A_263 = arith.addi %mul3A_210, %add3A_262 : i32
        %get3A = arith.index_cast %add3A_263 : i32 to index
        %get3A_264 = tpu.vector_load %arg8[%get3A] {strides = array<i32>} : memref<1504xi32, #tpu.memory_space<vmem>>, vector<16xi32>,
        %gather3A_265 = tpu.vector_load_idx %arg5[%get3A_264] masked %lt3A_217 : memref<16384xi32, #tpu.memory_space<vmem>>[vector<16xi32>], vector<16xi32>, vector<16xi1>
        %ge3A = arith.cmpi sge, %gather3A_265, %mul3A_205 : vector<16xi32>
        %and3A_266 = arith.andi %lt3A_217, %ge3A : vector<16xi1>
        %add3A_267 = arith.constant 512 : i32
        %add3A_268 = vector.broadcast %add3A_267 : i32 to vector<16xi32>
        %add3A_269 = arith.addi %mul3A_205, %add3A_268 : vector<16xi32>
        %lt3A_270 = arith.cmpi slt, %gather3A_265, %add3A_269 : vector<16xi32>
        %and3A_271 = arith.andi %and3A_266, %lt3A_270 : vector<16xi1>
        %convert_element_type3A_272 = arith.extui %and3A_271 : vector<16xi1> to vector<16xi32>
        %broadcast_in_dim3A_273 = arith.constant true
        %broadcast_in_dim3A_274 = vector.broadcast %broadcast_in_dim3A_273 : i1 to vector<16xi1>
        %masked_cumsum3A = tpu.scan <sum>, %convert_element_type3A_272 masked %broadcast_in_dim3A_274 : vector<16xi32>, vector<16xi1> -> vector<16xi32>
        %add3A_275 = arith.addi %cond3A_179, %masked_cumsum3A : vector<16xi32>
        %sub3A_276 = arith.subi %add3A_275, %convert_element_type3A_272 : vector<16xi32>
        %sub3A_277 = arith.subi %gather3A_265, %mul3A_205 : vector<16xi32>
        %select_n3A_278 = arith.select %and3A_271, %sub3A_277, %broadcast_in_dim3A_3 : vector<16xi1>, vector<16xi32>
        %mul3A_279 = arith.constant 0 : i32
        %mul3A_280 = vector.broadcast %mul3A_279 : i32 to vector<16xi32>
        %mul3A_281 = arith.muli %broadcast_in_dim3A_1, %mul3A_280 : vector<16xi32>
        %gather3A_282 = tpu.vector_load_idx %arg11[%mul3A_281, %select_n3A_278] masked %and3A_271 : memref<64x512xf32, #tpu.memory_space<vmem>>[vector<16xi32>, vector<16xi32>], vector<16xf32>, vector<16xi1>
        tpu.vector_store_idx %arg12[%sub3A_276, %mul3A_281], %gather3A_282 masked %and3A_271 : memref<112x128xf32, #tpu.memory_space<vmem>>[vector<16xi32>, vector<16xi32>], vector<16xf32>, vector<16xi1>
        %mul3A_283 = arith.constant 1 : i32
        %mul3A_284 = vector.broadcast %mul3A_283 : i32 to vector<16xi32>
        %mul3A_285 = arith.muli %broadcast_in_dim3A_1, %mul3A_284 : vector<16xi32>
        %gather3A_286 = tpu.vector_load_idx %arg11[%mul3A_285, %select_n3A_278] masked %and3A_271 : memref<64x512xf32, #tpu.memory_space<vmem>>[vector<16xi32>, vector<16xi32>], vector<16xf32>, vector<16xi1>
        tpu.vector_store_idx %arg12[%sub3A_276, %mul3A_285], %gather3A_286 masked %and3A_271 : memref<112x128xf32, #tpu.memory_space<vmem>>[vector<16xi32>, vector<16xi32>], vector<16xf32>, vector<16xi1>
        %mul3A_287 = arith.constant 2 : i32
        %mul3A_288 = vector.broadcast %mul3A_287 : i32 to vector<16xi32>
        %mul3A_289 = arith.muli %broadcast_in_dim3A_1, %mul3A_288 : vector<16xi32>
        %gather3A_290 = tpu.vector_load_idx %arg11[%mul3A_289, %select_n3A_278] masked %and3A_271 : memref<64x512xf32, #tpu.memory_space<vmem>>[vector<16xi32>, vector<16xi32>], vector<16xf32>, vector<16xi1>
        tpu.vector_store_idx %arg12[%sub3A_276, %mul3A_289], %gather3A_290 masked %and3A_271 : memref<112x128xf32, #tpu.memory_space<vmem>>[vector<16xi32>, vector<16xi32>], vector<16xf32>, vector<16xi1>
        %mul3A_291 = arith.constant 3 : i32
        %mul3A_292 = vector.broadcast %mul3A_291 : i32 to vector<16xi32>
        %mul3A_293 = arith.muli %broadcast_in_dim3A_1, %mul3A_292 : vector<16xi32>
        %gather3A_294 = tpu.vector_load_idx %arg11[%mul3A_293, %select_n3A_278] masked %and3A_271 : memref<64x512xf32, #tpu.memory_space<vmem>>[vector<16xi32>, vector<16xi32>], vector<16xf32>, vector<16xi1>
        tpu.vector_store_idx %arg12[%sub3A_276, %mul3A_293], %gather3A_294 masked %and3A_271 : memref<112x128xf32, #tpu.memory_space<vmem>>[vector<16xi32>, vector<16xi32>], vector<16xf32>, vector<16xi1>
        %mul3A_295 = arith.constant 4 : i32
        %mul3A_296 = vector.broadcast %mul3A_295 : i32 to vector<16xi32>
        %mul3A_297 = arith.muli %broadcast_in_dim3A_1, %mul3A_296 : vector<16xi32>
        %gather3A_298 = tpu.vector_load_idx %arg11[%mul3A_297, %select_n3A_278] masked %and3A_271 : memref<64x512xf32, #tpu.memory_space<vmem>>[vector<16xi32>, vector<16xi32>], vector<16xf32>, vector<16xi1>
        tpu.vector_store_idx %arg12[%sub3A_276, %mul3A_297], %gather3A_298 masked %and3A_271 : memref<112x128xf32, #tpu.memory_space<vmem>>[vector<16xi32>, vector<16xi32>], vector<16xf32>, vector<16xi1>
        %mul3A_299 = arith.constant 5 : i32
        %mul3A_300 = vector.broadcast %mul3A_299 : i32 to vector<16xi32>
        %mul3A_301 = arith.muli %broadcast_in_dim3A_1, %mul3A_300 : vector<16xi32>
        %gather3A_302 = tpu.vector_load_idx %arg11[%mul3A_301, %select_n3A_278] masked %and3A_271 : memref<64x512xf32, #tpu.memory_space<vmem>>[vector<16xi32>, vector<16xi32>], vector<16xf32>, vector<16xi1>
        tpu.vector_store_idx %arg12[%sub3A_276, %mul3A_301], %gather3A_302 masked %and3A_271 : memref<112x128xf32, #tpu.memory_space<vmem>>[vector<16xi32>, vector<16xi32>], vector<16xf32>, vector<16xi1>
        %mul3A_303 = arith.constant 6 : i32
        %mul3A_304 = vector.broadcast %mul3A_303 : i32 to vector<16xi32>
        %mul3A_305 = arith.muli %broadcast_in_dim3A_1, %mul3A_304 : vector<16xi32>
        %gather3A_306 = tpu.vector_load_idx %arg11[%mul3A_305, %select_n3A_278] masked %and3A_271 : memref<64x512xf32, #tpu.memory_space<vmem>>[vector<16xi32>, vector<16xi32>], vector<16xf32>, vector<16xi1>
        tpu.vector_store_idx %arg12[%sub3A_276, %mul3A_305], %gather3A_306 masked %and3A_271 : memref<112x128xf32, #tpu.memory_space<vmem>>[vector<16xi32>, vector<16xi32>], vector<16xf32>, vector<16xi1>
        %mul3A_307 = arith.constant 7 : i32
        %mul3A_308 = vector.broadcast %mul3A_307 : i32 to vector<16xi32>
        %mul3A_309 = arith.muli %broadcast_in_dim3A_1, %mul3A_308 : vector<16xi32>
        %gather3A_310 = tpu.vector_load_idx %arg11[%mul3A_309, %select_n3A_278] masked %and3A_271 : memref<64x512xf32, #tpu.memory_space<vmem>>[vector<16xi32>, vector<16xi32>], vector<16xf32>, vector<16xi1>
        tpu.vector_store_idx %arg12[%sub3A_276, %mul3A_309], %gather3A_310 masked %and3A_271 : memref<112x128xf32, #tpu.memory_space<vmem>>[vector<16xi32>, vector<16xi32>], vector<16xf32>, vector<16xi1>
        %mul3A_311 = arith.constant 8 : i32
        %mul3A_312 = vector.broadcast %mul3A_311 : i32 to vector<16xi32>
        %mul3A_313 = arith.muli %broadcast_in_dim3A_1, %mul3A_312 : vector<16xi32>
        %gather3A_314 = tpu.vector_load_idx %arg11[%mul3A_313, %select_n3A_278] masked %and3A_271 : memref<64x512xf32, #tpu.memory_space<vmem>>[vector<16xi32>, vector<16xi32>], vector<16xf32>, vector<16xi1>
        tpu.vector_store_idx %arg12[%sub3A_276, %mul3A_313], %gather3A_314 masked %and3A_271 : memref<112x128xf32, #tpu.memory_space<vmem>>[vector<16xi32>, vector<16xi32>], vector<16xf32>, vector<16xi1>
        %mul3A_315 = arith.constant 9 : i32
        %mul3A_316 = vector.broadcast %mul3A_315 : i32 to vector<16xi32>
        %mul3A_317 = arith.muli %broadcast_in_dim3A_1, %mul3A_316 : vector<16xi32>
        %gather3A_318 = tpu.vector_load_idx %arg11[%mul3A_317, %select_n3A_278] masked %and3A_271 : memref<64x512xf32, #tpu.memory_space<vmem>>[vector<16xi32>, vector<16xi32>], vector<16xf32>, vector<16xi1>
        tpu.vector_store_idx %arg12[%sub3A_276, %mul3A_317], %gather3A_318 masked %and3A_271 : memref<112x128xf32, #tpu.memory_space<vmem>>[vector<16xi32>, vector<16xi32>], vector<16xf32>, vector<16xi1>
        %mul3A_319 = arith.constant 10 : i32
        %mul3A_320 = vector.broadcast %mul3A_319 : i32 to vector<16xi32>
        %mul3A_321 = arith.muli %broadcast_in_dim3A_1, %mul3A_320 : vector<16xi32>
        %gather3A_322 = tpu.vector_load_idx %arg11[%mul3A_321, %select_n3A_278] masked %and3A_271 : memref<64x512xf32, #tpu.memory_space<vmem>>[vector<16xi32>, vector<16xi32>], vector<16xf32>, vector<16xi1>
        tpu.vector_store_idx %arg12[%sub3A_276, %mul3A_321], %gather3A_322 masked %and3A_271 : memref<112x128xf32, #tpu.memory_space<vmem>>[vector<16xi32>, vector<16xi32>], vector<16xf32>, vector<16xi1>
        %mul3A_323 = arith.constant 11 : i32
        %mul3A_324 = vector.broadcast %mul3A_323 : i32 to vector<16xi32>
        %mul3A_325 = arith.muli %broadcast_in_dim3A_1, %mul3A_324 : vector<16xi32>
        %gather3A_326 = tpu.vector_load_idx %arg11[%mul3A_325, %select_n3A_278] masked %and3A_271 : memref<64x512xf32, #tpu.memory_space<vmem>>[vector<16xi32>, vector<16xi32>], vector<16xf32>, vector<16xi1>
        tpu.vector_store_idx %arg12[%sub3A_276, %mul3A_325], %gather3A_326 masked %and3A_271 : memref<112x128xf32, #tpu.memory_space<vmem>>[vector<16xi32>, vector<16xi32>], vector<16xf32>, vector<16xi1>
        %mul3A_327 = arith.constant 12 : i32
        %mul3A_328 = vector.broadcast %mul3A_327 : i32 to vector<16xi32>
        %mul3A_329 = arith.muli %broadcast_in_dim3A_1, %mul3A_328 : vector<16xi32>
        %gather3A_330 = tpu.vector_load_idx %arg11[%mul3A_329, %select_n3A_278] masked %and3A_271 : memref<64x512xf32, #tpu.memory_space<vmem>>[vector<16xi32>, vector<16xi32>], vector<16xf32>, vector<16xi1>
        tpu.vector_store_idx %arg12[%sub3A_276, %mul3A_329], %gather3A_330 masked %and3A_271 : memref<112x128xf32, #tpu.memory_space<vmem>>[vector<16xi32>, vector<16xi32>], vector<16xf32>, vector<16xi1>
        %mul3A_331 = arith.constant 13 : i32
        %mul3A_332 = vector.broadcast %mul3A_331 : i32 to vector<16xi32>
        %mul3A_333 = arith.muli %broadcast_in_dim3A_1, %mul3A_332 : vector<16xi32>
        %gather3A_334 = tpu.vector_load_idx %arg11[%mul3A_333, %select_n3A_278] masked %and3A_271 : memref<64x512xf32, #tpu.memory_space<vmem>>[vector<16xi32>, vector<16xi32>], vector<16xf32>, vector<16xi1>
        tpu.vector_store_idx %arg12[%sub3A_276, %mul3A_333], %gather3A_334 masked %and3A_271 : memref<112x128xf32, #tpu.memory_space<vmem>>[vector<16xi32>, vector<16xi32>], vector<16xf32>, vector<16xi1>
        %mul3A_335 = arith.constant 14 : i32
        %mul3A_336 = vector.broadcast %mul3A_335 : i32 to vector<16xi32>
        %mul3A_337 = arith.muli %broadcast_in_dim3A_1, %mul3A_336 : vector<16xi32>
        %gather3A_338 = tpu.vector_load_idx %arg11[%mul3A_337, %select_n3A_278] masked %and3A_271 : memref<64x512xf32, #tpu.memory_space<vmem>>[vector<16xi32>, vector<16xi32>], vector<16xf32>, vector<16xi1>
        tpu.vector_store_idx %arg12[%sub3A_276, %mul3A_337], %gather3A_338 masked %and3A_271 : memref<112x128xf32, #tpu.memory_space<vmem>>[vector<16xi32>, vector<16xi32>], vector<16xf32>, vector<16xi1>
        %mul3A_339 = arith.constant 15 : i32
        %mul3A_340 = vector.broadcast %mul3A_339 : i32 to vector<16xi32>
        %mul3A_341 = arith.muli %broadcast_in_dim3A_1, %mul3A_340 : vector<16xi32>
        %gather3A_342 = tpu.vector_load_idx %arg11[%mul3A_341, %select_n3A_278] masked %and3A_271 : memref<64x512xf32, #tpu.memory_space<vmem>>[vector<16xi32>, vector<16xi32>], vector<16xf32>, vector<16xi1>
        tpu.vector_store_idx %arg12[%sub3A_276, %mul3A_341], %gather3A_342 masked %and3A_271 : memref<112x128xf32, #tpu.memory_space<vmem>>[vector<16xi32>, vector<16xi32>], vector<16xf32>, vector<16xi1>
        %mul3A_343 = arith.constant 16 : i32
        %mul3A_344 = vector.broadcast %mul3A_343 : i32 to vector<16xi32>
        %mul3A_345 = arith.muli %broadcast_in_dim3A_1, %mul3A_344 : vector<16xi32>
        %gather3A_346 = tpu.vector_load_idx %arg11[%mul3A_345, %select_n3A_278] masked %and3A_271 : memref<64x512xf32, #tpu.memory_space<vmem>>[vector<16xi32>, vector<16xi32>], vector<16xf32>, vector<16xi1>
        tpu.vector_store_idx %arg12[%sub3A_276, %mul3A_345], %gather3A_346 masked %and3A_271 : memref<112x128xf32, #tpu.memory_space<vmem>>[vector<16xi32>, vector<16xi32>], vector<16xf32>, vector<16xi1>
        %mul3A_347 = arith.constant 17 : i32
        %mul3A_348 = vector.broadcast %mul3A_347 : i32 to vector<16xi32>
        %mul3A_349 = arith.muli %broadcast_in_dim3A_1, %mul3A_348 : vector<16xi32>
        %gather3A_350 = tpu.vector_load_idx %arg11[%mul3A_349, %select_n3A_278] masked %and3A_271 : memref<64x512xf32, #tpu.memory_space<vmem>>[vector<16xi32>, vector<16xi32>], vector<16xf32>, vector<16xi1>
        tpu.vector_store_idx %arg12[%sub3A_276, %mul3A_349], %gather3A_350 masked %and3A_271 : memref<112x128xf32, #tpu.memory_space<vmem>>[vector<16xi32>, vector<16xi32>], vector<16xf32>, vector<16xi1>
        %mul3A_351 = arith.constant 18 : i32
        %mul3A_352 = vector.broadcast %mul3A_351 : i32 to vector<16xi32>
        %mul3A_353 = arith.muli %broadcast_in_dim3A_1, %mul3A_352 : vector<16xi32>
        %gather3A_354 = tpu.vector_load_idx %arg11[%mul3A_353, %select_n3A_278] masked %and3A_271 : memref<64x512xf32, #tpu.memory_space<vmem>>[vector<16xi32>, vector<16xi32>], vector<16xf32>, vector<16xi1>
        tpu.vector_store_idx %arg12[%sub3A_276, %mul3A_353], %gather3A_354 masked %and3A_271 : memref<112x128xf32, #tpu.memory_space<vmem>>[vector<16xi32>, vector<16xi32>], vector<16xf32>, vector<16xi1>
        %mul3A_355 = arith.constant 19 : i32
        %mul3A_356 = vector.broadcast %mul3A_355 : i32 to vector<16xi32>
        %mul3A_357 = arith.muli %broadcast_in_dim3A_1, %mul3A_356 : vector<16xi32>
        %gather3A_358 = tpu.vector_load_idx %arg11[%mul3A_357, %select_n3A_278] masked %and3A_271 : memref<64x512xf32, #tpu.memory_space<vmem>>[vector<16xi32>, vector<16xi32>], vector<16xf32>, vector<16xi1>
        tpu.vector_store_idx %arg12[%sub3A_276, %mul3A_357], %gather3A_358 masked %and3A_271 : memref<112x128xf32, #tpu.memory_space<vmem>>[vector<16xi32>, vector<16xi32>], vector<16xf32>, vector<16xi1>
        %mul3A_359 = arith.constant 20 : i32
        %mul3A_360 = vector.broadcast %mul3A_359 : i32 to vector<16xi32>
        %mul3A_361 = arith.muli %broadcast_in_dim3A_1, %mul3A_360 : vector<16xi32>
        %gather3A_362 = tpu.vector_load_idx %arg11[%mul3A_361, %select_n3A_278] masked %and3A_271 : memref<64x512xf32, #tpu.memory_space<vmem>>[vector<16xi32>, vector<16xi32>], vector<16xf32>, vector<16xi1>
        tpu.vector_store_idx %arg12[%sub3A_276, %mul3A_361], %gather3A_362 masked %and3A_271 : memref<112x128xf32, #tpu.memory_space<vmem>>[vector<16xi32>, vector<16xi32>], vector<16xf32>, vector<16xi1>
        %mul3A_363 = arith.constant 21 : i32
        %mul3A_364 = vector.broadcast %mul3A_363 : i32 to vector<16xi32>
        %mul3A_365 = arith.muli %broadcast_in_dim3A_1, %mul3A_364 : vector<16xi32>
        %gather3A_366 = tpu.vector_load_idx %arg11[%mul3A_365, %select_n3A_278] masked %and3A_271 : memref<64x512xf32, #tpu.memory_space<vmem>>[vector<16xi32>, vector<16xi32>], vector<16xf32>, vector<16xi1>
        tpu.vector_store_idx %arg12[%sub3A_276, %mul3A_365], %gather3A_366 masked %and3A_271 : memref<112x128xf32, #tpu.memory_space<vmem>>[vector<16xi32>, vector<16xi32>], vector<16xf32>, vector<16xi1>
        %mul3A_367 = arith.constant 22 : i32
        %mul3A_368 = vector.broadcast %mul3A_367 : i32 to vector<16xi32>
        %mul3A_369 = arith.muli %broadcast_in_dim3A_1, %mul3A_368 : vector<16xi32>
        %gather3A_370 = tpu.vector_load_idx %arg11[%mul3A_369, %select_n3A_278] masked %and3A_271 : memref<64x512xf32, #tpu.memory_space<vmem>>[vector<16xi32>, vector<16xi32>], vector<16xf32>, vector<16xi1>
        tpu.vector_store_idx %arg12[%sub3A_276, %mul3A_369], %gather3A_370 masked %and3A_271 : memref<112x128xf32, #tpu.memory_space<vmem>>[vector<16xi32>, vector<16xi32>], vector<16xf32>, vector<16xi1>
        %mul3A_371 = arith.constant 23 : i32
        %mul3A_372 = vector.broadcast %mul3A_371 : i32 to vector<16xi32>
        %mul3A_373 = arith.muli %broadcast_in_dim3A_1, %mul3A_372 : vector<16xi32>
        %gather3A_374 = tpu.vector_load_idx %arg11[%mul3A_373, %select_n3A_278] masked %and3A_271 : memref<64x512xf32, #tpu.memory_space<vmem>>[vector<16xi32>, vector<16xi32>], vector<16xf32>, vector<16xi1>
        tpu.vector_store_idx %arg12[%sub3A_276, %mul3A_373], %gather3A_374 masked %and3A_271 : memref<112x128xf32, #tpu.memory_space<vmem>>[vector<16xi32>, vector<16xi32>], vector<16xf32>, vector<16xi1>
        %mul3A_375 = arith.constant 24 : i32
        %mul3A_376 = vector.broadcast %mul3A_375 : i32 to vector<16xi32>
        %mul3A_377 = arith.muli %broadcast_in_dim3A_1, %mul3A_376 : vector<16xi32>
        %gather3A_378 = tpu.vector_load_idx %arg11[%mul3A_377, %select_n3A_278] masked %and3A_271 : memref<64x512xf32, #tpu.memory_space<vmem>>[vector<16xi32>, vector<16xi32>], vector<16xf32>, vector<16xi1>
        tpu.vector_store_idx %arg12[%sub3A_276, %mul3A_377], %gather3A_378 masked %and3A_271 : memref<112x128xf32, #tpu.memory_space<vmem>>[vector<16xi32>, vector<16xi32>], vector<16xf32>, vector<16xi1>
        %mul3A_379 = arith.constant 25 : i32
        %mul3A_380 = vector.broadcast %mul3A_379 : i32 to vector<16xi32>
        %mul3A_381 = arith.muli %broadcast_in_dim3A_1, %mul3A_380 : vector<16xi32>
        %gather3A_382 = tpu.vector_load_idx %arg11[%mul3A_381, %select_n3A_278] masked %and3A_271 : memref<64x512xf32, #tpu.memory_space<vmem>>[vector<16xi32>, vector<16xi32>], vector<16xf32>, vector<16xi1>
        tpu.vector_store_idx %arg12[%sub3A_276, %mul3A_381], %gather3A_382 masked %and3A_271 : memref<112x128xf32, #tpu.memory_space<vmem>>[vector<16xi32>, vector<16xi32>], vector<16xf32>, vector<16xi1>
        %mul3A_383 = arith.constant 26 : i32
        %mul3A_384 = vector.broadcast %mul3A_383 : i32 to vector<16xi32>
        %mul3A_385 = arith.muli %broadcast_in_dim3A_1, %mul3A_384 : vector<16xi32>
        %gather3A_386 = tpu.vector_load_idx %arg11[%mul3A_385, %select_n3A_278] masked %and3A_271 : memref<64x512xf32, #tpu.memory_space<vmem>>[vector<16xi32>, vector<16xi32>], vector<16xf32>, vector<16xi1>
        tpu.vector_store_idx %arg12[%sub3A_276, %mul3A_385], %gather3A_386 masked %and3A_271 : memref<112x128xf32, #tpu.memory_space<vmem>>[vector<16xi32>, vector<16xi32>], vector<16xf32>, vector<16xi1>
        %mul3A_387 = arith.constant 27 : i32
        %mul3A_388 = vector.broadcast %mul3A_387 : i32 to vector<16xi32>
        %mul3A_389 = arith.muli %broadcast_in_dim3A_1, %mul3A_388 : vector<16xi32>
        %gather3A_390 = tpu.vector_load_idx %arg11[%mul3A_389, %select_n3A_278] masked %and3A_271 : memref<64x512xf32, #tpu.memory_space<vmem>>[vector<16xi32>, vector<16xi32>], vector<16xf32>, vector<16xi1>
        tpu.vector_store_idx %arg12[%sub3A_276, %mul3A_389], %gather3A_390 masked %and3A_271 : memref<112x128xf32, #tpu.memory_space<vmem>>[vector<16xi32>, vector<16xi32>], vector<16xf32>, vector<16xi1>
        %mul3A_391 = arith.constant 28 : i32
        %mul3A_392 = vector.broadcast %mul3A_391 : i32 to vector<16xi32>
        %mul3A_393 = arith.muli %broadcast_in_dim3A_1, %mul3A_392 : vector<16xi32>
        %gather3A_394 = tpu.vector_load_idx %arg11[%mul3A_393, %select_n3A_278] masked %and3A_271 : memref<64x512xf32, #tpu.memory_space<vmem>>[vector<16xi32>, vector<16xi32>], vector<16xf32>, vector<16xi1>
        tpu.vector_store_idx %arg12[%sub3A_276, %mul3A_393], %gather3A_394 masked %and3A_271 : memref<112x128xf32, #tpu.memory_space<vmem>>[vector<16xi32>, vector<16xi32>], vector<16xf32>, vector<16xi1>
        %mul3A_395 = arith.constant 29 : i32
        %mul3A_396 = vector.broadcast %mul3A_395 : i32 to vector<16xi32>
        %mul3A_397 = arith.muli %broadcast_in_dim3A_1, %mul3A_396 : vector<16xi32>
        %gather3A_398 = tpu.vector_load_idx %arg11[%mul3A_397, %select_n3A_278] masked %and3A_271 : memref<64x512xf32, #tpu.memory_space<vmem>>[vector<16xi32>, vector<16xi32>], vector<16xf32>, vector<16xi1>
        tpu.vector_store_idx %arg12[%sub3A_276, %mul3A_397], %gather3A_398 masked %and3A_271 : memref<112x128xf32, #tpu.memory_space<vmem>>[vector<16xi32>, vector<16xi32>], vector<16xf32>, vector<16xi1>
        %mul3A_399 = arith.constant 30 : i32
        %mul3A_400 = vector.broadcast %mul3A_399 : i32 to vector<16xi32>
        %mul3A_401 = arith.muli %broadcast_in_dim3A_1, %mul3A_400 : vector<16xi32>
        %gather3A_402 = tpu.vector_load_idx %arg11[%mul3A_401, %select_n3A_278] masked %and3A_271 : memref<64x512xf32, #tpu.memory_space<vmem>>[vector<16xi32>, vector<16xi32>], vector<16xf32>, vector<16xi1>
        tpu.vector_store_idx %arg12[%sub3A_276, %mul3A_401], %gather3A_402 masked %and3A_271 : memref<112x128xf32, #tpu.memory_space<vmem>>[vector<16xi32>, vector<16xi32>], vector<16xf32>, vector<16xi1>
        %mul3A_403 = arith.constant 31 : i32
        %mul3A_404 = vector.broadcast %mul3A_403 : i32 to vector<16xi32>
        %mul3A_405 = arith.muli %broadcast_in_dim3A_1, %mul3A_404 : vector<16xi32>
        %gather3A_406 = tpu.vector_load_idx %arg11[%mul3A_405, %select_n3A_278] masked %and3A_271 : memref<64x512xf32, #tpu.memory_space<vmem>>[vector<16xi32>, vector<16xi32>], vector<16xf32>, vector<16xi1>
        tpu.vector_store_idx %arg12[%sub3A_276, %mul3A_405], %gather3A_406 masked %and3A_271 : memref<112x128xf32, #tpu.memory_space<vmem>>[vector<16xi32>, vector<16xi32>], vector<16xf32>, vector<16xi1>
        %mul3A_407 = arith.constant 32 : i32
        %mul3A_408 = vector.broadcast %mul3A_407 : i32 to vector<16xi32>
        %mul3A_409 = arith.muli %broadcast_in_dim3A_1, %mul3A_408 : vector<16xi32>
        %gather3A_410 = tpu.vector_load_idx %arg11[%mul3A_409, %select_n3A_278] masked %and3A_271 : memref<64x512xf32, #tpu.memory_space<vmem>>[vector<16xi32>, vector<16xi32>], vector<16xf32>, vector<16xi1>
        tpu.vector_store_idx %arg12[%sub3A_276, %mul3A_409], %gather3A_410 masked %and3A_271 : memref<112x128xf32, #tpu.memory_space<vmem>>[vector<16xi32>, vector<16xi32>], vector<16xf32>, vector<16xi1>
        %mul3A_411 = arith.constant 33 : i32
        %mul3A_412 = vector.broadcast %mul3A_411 : i32 to vector<16xi32>
        %mul3A_413 = arith.muli %broadcast_in_dim3A_1, %mul3A_412 : vector<16xi32>
        %gather3A_414 = tpu.vector_load_idx %arg11[%mul3A_413, %select_n3A_278] masked %and3A_271 : memref<64x512xf32, #tpu.memory_space<vmem>>[vector<16xi32>, vector<16xi32>], vector<16xf32>, vector<16xi1>
        tpu.vector_store_idx %arg12[%sub3A_276, %mul3A_413], %gather3A_414 masked %and3A_271 : memref<112x128xf32, #tpu.memory_space<vmem>>[vector<16xi32>, vector<16xi32>], vector<16xf32>, vector<16xi1>
        %mul3A_415 = arith.constant 34 : i32
        %mul3A_416 = vector.broadcast %mul3A_415 : i32 to vector<16xi32>
        %mul3A_417 = arith.muli %broadcast_in_dim3A_1, %mul3A_416 : vector<16xi32>
        %gather3A_418 = tpu.vector_load_idx %arg11[%mul3A_417, %select_n3A_278] masked %and3A_271 : memref<64x512xf32, #tpu.memory_space<vmem>>[vector<16xi32>, vector<16xi32>], vector<16xf32>, vector<16xi1>
        tpu.vector_store_idx %arg12[%sub3A_276, %mul3A_417], %gather3A_418 masked %and3A_271 : memref<112x128xf32, #tpu.memory_space<vmem>>[vector<16xi32>, vector<16xi32>], vector<16xf32>, vector<16xi1>
        %mul3A_419 = arith.constant 35 : i32
        %mul3A_420 = vector.broadcast %mul3A_419 : i32 to vector<16xi32>
        %mul3A_421 = arith.muli %broadcast_in_dim3A_1, %mul3A_420 : vector<16xi32>
        %gather3A_422 = tpu.vector_load_idx %arg11[%mul3A_421, %select_n3A_278] masked %and3A_271 : memref<64x512xf32, #tpu.memory_space<vmem>>[vector<16xi32>, vector<16xi32>], vector<16xf32>, vector<16xi1>
        tpu.vector_store_idx %arg12[%sub3A_276, %mul3A_421], %gather3A_422 masked %and3A_271 : memref<112x128xf32, #tpu.memory_space<vmem>>[vector<16xi32>, vector<16xi32>], vector<16xf32>, vector<16xi1>
        %mul3A_423 = arith.constant 36 : i32
        %mul3A_424 = vector.broadcast %mul3A_423 : i32 to vector<16xi32>
        %mul3A_425 = arith.muli %broadcast_in_dim3A_1, %mul3A_424 : vector<16xi32>
        %gather3A_426 = tpu.vector_load_idx %arg11[%mul3A_425, %select_n3A_278] masked %and3A_271 : memref<64x512xf32, #tpu.memory_space<vmem>>[vector<16xi32>, vector<16xi32>], vector<16xf32>, vector<16xi1>
        tpu.vector_store_idx %arg12[%sub3A_276, %mul3A_425], %gather3A_426 masked %and3A_271 : memref<112x128xf32, #tpu.memory_space<vmem>>[vector<16xi32>, vector<16xi32>], vector<16xf32>, vector<16xi1>
        %mul3A_427 = arith.constant 37 : i32
        %mul3A_428 = vector.broadcast %mul3A_427 : i32 to vector<16xi32>
        %mul3A_429 = arith.muli %broadcast_in_dim3A_1, %mul3A_428 : vector<16xi32>
        %gather3A_430 = tpu.vector_load_idx %arg11[%mul3A_429, %select_n3A_278] masked %and3A_271 : memref<64x512xf32, #tpu.memory_space<vmem>>[vector<16xi32>, vector<16xi32>], vector<16xf32>, vector<16xi1>
        tpu.vector_store_idx %arg12[%sub3A_276, %mul3A_429], %gather3A_430 masked %and3A_271 : memref<112x128xf32, #tpu.memory_space<vmem>>[vector<16xi32>, vector<16xi32>], vector<16xf32>, vector<16xi1>
        %mul3A_431 = arith.constant 38 : i32
        %mul3A_432 = vector.broadcast %mul3A_431 : i32 to vector<16xi32>
        %mul3A_433 = arith.muli %broadcast_in_dim3A_1, %mul3A_432 : vector<16xi32>
        %gather3A_434 = tpu.vector_load_idx %arg11[%mul3A_433, %select_n3A_278] masked %and3A_271 : memref<64x512xf32, #tpu.memory_space<vmem>>[vector<16xi32>, vector<16xi32>], vector<16xf32>, vector<16xi1>
        tpu.vector_store_idx %arg12[%sub3A_276, %mul3A_433], %gather3A_434 masked %and3A_271 : memref<112x128xf32, #tpu.memory_space<vmem>>[vector<16xi32>, vector<16xi32>], vector<16xf32>, vector<16xi1>
        %mul3A_435 = arith.constant 39 : i32
        %mul3A_436 = vector.broadcast %mul3A_435 : i32 to vector<16xi32>
        %mul3A_437 = arith.muli %broadcast_in_dim3A_1, %mul3A_436 : vector<16xi32>
        %gather3A_438 = tpu.vector_load_idx %arg11[%mul3A_437, %select_n3A_278] masked %and3A_271 : memref<64x512xf32, #tpu.memory_space<vmem>>[vector<16xi32>, vector<16xi32>], vector<16xf32>, vector<16xi1>
        tpu.vector_store_idx %arg12[%sub3A_276, %mul3A_437], %gather3A_438 masked %and3A_271 : memref<112x128xf32, #tpu.memory_space<vmem>>[vector<16xi32>, vector<16xi32>], vector<16xf32>, vector<16xi1>
        %mul3A_439 = arith.constant 40 : i32
        %mul3A_440 = vector.broadcast %mul3A_439 : i32 to vector<16xi32>
        %mul3A_441 = arith.muli %broadcast_in_dim3A_1, %mul3A_440 : vector<16xi32>
        %gather3A_442 = tpu.vector_load_idx %arg11[%mul3A_441, %select_n3A_278] masked %and3A_271 : memref<64x512xf32, #tpu.memory_space<vmem>>[vector<16xi32>, vector<16xi32>], vector<16xf32>, vector<16xi1>
        tpu.vector_store_idx %arg12[%sub3A_276, %mul3A_441], %gather3A_442 masked %and3A_271 : memref<112x128xf32, #tpu.memory_space<vmem>>[vector<16xi32>, vector<16xi32>], vector<16xf32>, vector<16xi1>
        %mul3A_443 = arith.constant 41 : i32
        %mul3A_444 = vector.broadcast %mul3A_443 : i32 to vector<16xi32>
        %mul3A_445 = arith.muli %broadcast_in_dim3A_1, %mul3A_444 : vector<16xi32>
        %gather3A_446 = tpu.vector_load_idx %arg11[%mul3A_445, %select_n3A_278] masked %and3A_271 : memref<64x512xf32, #tpu.memory_space<vmem>>[vector<16xi32>, vector<16xi32>], vector<16xf32>, vector<16xi1>
        tpu.vector_store_idx %arg12[%sub3A_276, %mul3A_445], %gather3A_446 masked %and3A_271 : memref<112x128xf32, #tpu.memory_space<vmem>>[vector<16xi32>, vector<16xi32>], vector<16xf32>, vector<16xi1>
        %mul3A_447 = arith.constant 42 : i32
        %mul3A_448 = vector.broadcast %mul3A_447 : i32 to vector<16xi32>
        %mul3A_449 = arith.muli %broadcast_in_dim3A_1, %mul3A_448 : vector<16xi32>
        %gather3A_450 = tpu.vector_load_idx %arg11[%mul3A_449, %select_n3A_278] masked %and3A_271 : memref<64x512xf32, #tpu.memory_space<vmem>>[vector<16xi32>, vector<16xi32>], vector<16xf32>, vector<16xi1>
        tpu.vector_store_idx %arg12[%sub3A_276, %mul3A_449], %gather3A_450 masked %and3A_271 : memref<112x128xf32, #tpu.memory_space<vmem>>[vector<16xi32>, vector<16xi32>], vector<16xf32>, vector<16xi1>
        %mul3A_451 = arith.constant 43 : i32
        %mul3A_452 = vector.broadcast %mul3A_451 : i32 to vector<16xi32>
        %mul3A_453 = arith.muli %broadcast_in_dim3A_1, %mul3A_452 : vector<16xi32>
        %gather3A_454 = tpu.vector_load_idx %arg11[%mul3A_453, %select_n3A_278] masked %and3A_271 : memref<64x512xf32, #tpu.memory_space<vmem>>[vector<16xi32>, vector<16xi32>], vector<16xf32>, vector<16xi1>
        tpu.vector_store_idx %arg12[%sub3A_276, %mul3A_453], %gather3A_454 masked %and3A_271 : memref<112x128xf32, #tpu.memory_space<vmem>>[vector<16xi32>, vector<16xi32>], vector<16xf32>, vector<16xi1>
        %mul3A_455 = arith.constant 44 : i32
        %mul3A_456 = vector.broadcast %mul3A_455 : i32 to vector<16xi32>
        %mul3A_457 = arith.muli %broadcast_in_dim3A_1, %mul3A_456 : vector<16xi32>
        %gather3A_458 = tpu.vector_load_idx %arg11[%mul3A_457, %select_n3A_278] masked %and3A_271 : memref<64x512xf32, #tpu.memory_space<vmem>>[vector<16xi32>, vector<16xi32>], vector<16xf32>, vector<16xi1>
        tpu.vector_store_idx %arg12[%sub3A_276, %mul3A_457], %gather3A_458 masked %and3A_271 : memref<112x128xf32, #tpu.memory_space<vmem>>[vector<16xi32>, vector<16xi32>], vector<16xf32>, vector<16xi1>
        %mul3A_459 = arith.constant 45 : i32
        %mul3A_460 = vector.broadcast %mul3A_459 : i32 to vector<16xi32>
        %mul3A_461 = arith.muli %broadcast_in_dim3A_1, %mul3A_460 : vector<16xi32>
        %gather3A_462 = tpu.vector_load_idx %arg11[%mul3A_461, %select_n3A_278] masked %and3A_271 : memref<64x512xf32, #tpu.memory_space<vmem>>[vector<16xi32>, vector<16xi32>], vector<16xf32>, vector<16xi1>
        tpu.vector_store_idx %arg12[%sub3A_276, %mul3A_461], %gather3A_462 masked %and3A_271 : memref<112x128xf32, #tpu.memory_space<vmem>>[vector<16xi32>, vector<16xi32>], vector<16xf32>, vector<16xi1>
        %mul3A_463 = arith.constant 46 : i32
        %mul3A_464 = vector.broadcast %mul3A_463 : i32 to vector<16xi32>
        %mul3A_465 = arith.muli %broadcast_in_dim3A_1, %mul3A_464 : vector<16xi32>
        %gather3A_466 = tpu.vector_load_idx %arg11[%mul3A_465, %select_n3A_278] masked %and3A_271 : memref<64x512xf32, #tpu.memory_space<vmem>>[vector<16xi32>, vector<16xi32>], vector<16xf32>, vector<16xi1>
        tpu.vector_store_idx %arg12[%sub3A_276, %mul3A_465], %gather3A_466 masked %and3A_271 : memref<112x128xf32, #tpu.memory_space<vmem>>[vector<16xi32>, vector<16xi32>], vector<16xf32>, vector<16xi1>
        %mul3A_467 = arith.constant 47 : i32
        %mul3A_468 = vector.broadcast %mul3A_467 : i32 to vector<16xi32>
        %mul3A_469 = arith.muli %broadcast_in_dim3A_1, %mul3A_468 : vector<16xi32>
        %gather3A_470 = tpu.vector_load_idx %arg11[%mul3A_469, %select_n3A_278] masked %and3A_271 : memref<64x512xf32, #tpu.memory_space<vmem>>[vector<16xi32>, vector<16xi32>], vector<16xf32>, vector<16xi1>
        tpu.vector_store_idx %arg12[%sub3A_276, %mul3A_469], %gather3A_470 masked %and3A_271 : memref<112x128xf32, #tpu.memory_space<vmem>>[vector<16xi32>, vector<16xi32>], vector<16xf32>, vector<16xi1>
        %mul3A_471 = arith.constant 48 : i32
        %mul3A_472 = vector.broadcast %mul3A_471 : i32 to vector<16xi32>
        %mul3A_473 = arith.muli %broadcast_in_dim3A_1, %mul3A_472 : vector<16xi32>
        %gather3A_474 = tpu.vector_load_idx %arg11[%mul3A_473, %select_n3A_278] masked %and3A_271 : memref<64x512xf32, #tpu.memory_space<vmem>>[vector<16xi32>, vector<16xi32>], vector<16xf32>, vector<16xi1>
        tpu.vector_store_idx %arg12[%sub3A_276, %mul3A_473], %gather3A_474 masked %and3A_271 : memref<112x128xf32, #tpu.memory_space<vmem>>[vector<16xi32>, vector<16xi32>], vector<16xf32>, vector<16xi1>
        %mul3A_475 = arith.constant 49 : i32
        %mul3A_476 = vector.broadcast %mul3A_475 : i32 to vector<16xi32>
        %mul3A_477 = arith.muli %broadcast_in_dim3A_1, %mul3A_476 : vector<16xi32>
        %gather3A_478 = tpu.vector_load_idx %arg11[%mul3A_477, %select_n3A_278] masked %and3A_271 : memref<64x512xf32, #tpu.memory_space<vmem>>[vector<16xi32>, vector<16xi32>], vector<16xf32>, vector<16xi1>
        tpu.vector_store_idx %arg12[%sub3A_276, %mul3A_477], %gather3A_478 masked %and3A_271 : memref<112x128xf32, #tpu.memory_space<vmem>>[vector<16xi32>, vector<16xi32>], vector<16xf32>, vector<16xi1>
        %mul3A_479 = arith.constant 50 : i32
        %mul3A_480 = vector.broadcast %mul3A_479 : i32 to vector<16xi32>
        %mul3A_481 = arith.muli %broadcast_in_dim3A_1, %mul3A_480 : vector<16xi32>
        %gather3A_482 = tpu.vector_load_idx %arg11[%mul3A_481, %select_n3A_278] masked %and3A_271 : memref<64x512xf32, #tpu.memory_space<vmem>>[vector<16xi32>, vector<16xi32>], vector<16xf32>, vector<16xi1>
        tpu.vector_store_idx %arg12[%sub3A_276, %mul3A_481], %gather3A_482 masked %and3A_271 : memref<112x128xf32, #tpu.memory_space<vmem>>[vector<16xi32>, vector<16xi32>], vector<16xf32>, vector<16xi1>
        %mul3A_483 = arith.constant 51 : i32
        %mul3A_484 = vector.broadcast %mul3A_483 : i32 to vector<16xi32>
        %mul3A_485 = arith.muli %broadcast_in_dim3A_1, %mul3A_484 : vector<16xi32>
        %gather3A_486 = tpu.vector_load_idx %arg11[%mul3A_485, %select_n3A_278] masked %and3A_271 : memref<64x512xf32, #tpu.memory_space<vmem>>[vector<16xi32>, vector<16xi32>], vector<16xf32>, vector<16xi1>
        tpu.vector_store_idx %arg12[%sub3A_276, %mul3A_485], %gather3A_486 masked %and3A_271 : memref<112x128xf32, #tpu.memory_space<vmem>>[vector<16xi32>, vector<16xi32>], vector<16xf32>, vector<16xi1>
        %mul3A_487 = arith.constant 52 : i32
        %mul3A_488 = vector.broadcast %mul3A_487 : i32 to vector<16xi32>
        %mul3A_489 = arith.muli %broadcast_in_dim3A_1, %mul3A_488 : vector<16xi32>
        %gather3A_490 = tpu.vector_load_idx %arg11[%mul3A_489, %select_n3A_278] masked %and3A_271 : memref<64x512xf32, #tpu.memory_space<vmem>>[vector<16xi32>, vector<16xi32>], vector<16xf32>, vector<16xi1>
        tpu.vector_store_idx %arg12[%sub3A_276, %mul3A_489], %gather3A_490 masked %and3A_271 : memref<112x128xf32, #tpu.memory_space<vmem>>[vector<16xi32>, vector<16xi32>], vector<16xf32>, vector<16xi1>
        %mul3A_491 = arith.constant 53 : i32
        %mul3A_492 = vector.broadcast %mul3A_491 : i32 to vector<16xi32>
        %mul3A_493 = arith.muli %broadcast_in_dim3A_1, %mul3A_492 : vector<16xi32>
        %gather3A_494 = tpu.vector_load_idx %arg11[%mul3A_493, %select_n3A_278] masked %and3A_271 : memref<64x512xf32, #tpu.memory_space<vmem>>[vector<16xi32>, vector<16xi32>], vector<16xf32>, vector<16xi1>
        tpu.vector_store_idx %arg12[%sub3A_276, %mul3A_493], %gather3A_494 masked %and3A_271 : memref<112x128xf32, #tpu.memory_space<vmem>>[vector<16xi32>, vector<16xi32>], vector<16xf32>, vector<16xi1>
        %mul3A_495 = arith.constant 54 : i32
        %mul3A_496 = vector.broadcast %mul3A_495 : i32 to vector<16xi32>
        %mul3A_497 = arith.muli %broadcast_in_dim3A_1, %mul3A_496 : vector<16xi32>
        %gather3A_498 = tpu.vector_load_idx %arg11[%mul3A_497, %select_n3A_278] masked %and3A_271 : memref<64x512xf32, #tpu.memory_space<vmem>>[vector<16xi32>, vector<16xi32>], vector<16xf32>, vector<16xi1>
        tpu.vector_store_idx %arg12[%sub3A_276, %mul3A_497], %gather3A_498 masked %and3A_271 : memref<112x128xf32, #tpu.memory_space<vmem>>[vector<16xi32>, vector<16xi32>], vector<16xf32>, vector<16xi1>
        %mul3A_499 = arith.constant 55 : i32
        %mul3A_500 = vector.broadcast %mul3A_499 : i32 to vector<16xi32>
        %mul3A_501 = arith.muli %broadcast_in_dim3A_1, %mul3A_500 : vector<16xi32>
        %gather3A_502 = tpu.vector_load_idx %arg11[%mul3A_501, %select_n3A_278] masked %and3A_271 : memref<64x512xf32, #tpu.memory_space<vmem>>[vector<16xi32>, vector<16xi32>], vector<16xf32>, vector<16xi1>
        tpu.vector_store_idx %arg12[%sub3A_276, %mul3A_501], %gather3A_502 masked %and3A_271 : memref<112x128xf32, #tpu.memory_space<vmem>>[vector<16xi32>, vector<16xi32>], vector<16xf32>, vector<16xi1>
        %mul3A_503 = arith.constant 56 : i32
        %mul3A_504 = vector.broadcast %mul3A_503 : i32 to vector<16xi32>
        %mul3A_505 = arith.muli %broadcast_in_dim3A_1, %mul3A_504 : vector<16xi32>
        %gather3A_506 = tpu.vector_load_idx %arg11[%mul3A_505, %select_n3A_278] masked %and3A_271 : memref<64x512xf32, #tpu.memory_space<vmem>>[vector<16xi32>, vector<16xi32>], vector<16xf32>, vector<16xi1>
        tpu.vector_store_idx %arg12[%sub3A_276, %mul3A_505], %gather3A_506 masked %and3A_271 : memref<112x128xf32, #tpu.memory_space<vmem>>[vector<16xi32>, vector<16xi32>], vector<16xf32>, vector<16xi1>
        %mul3A_507 = arith.constant 57 : i32
        %mul3A_508 = vector.broadcast %mul3A_507 : i32 to vector<16xi32>
        %mul3A_509 = arith.muli %broadcast_in_dim3A_1, %mul3A_508 : vector<16xi32>
        %gather3A_510 = tpu.vector_load_idx %arg11[%mul3A_509, %select_n3A_278] masked %and3A_271 : memref<64x512xf32, #tpu.memory_space<vmem>>[vector<16xi32>, vector<16xi32>], vector<16xf32>, vector<16xi1>
        tpu.vector_store_idx %arg12[%sub3A_276, %mul3A_509], %gather3A_510 masked %and3A_271 : memref<112x128xf32, #tpu.memory_space<vmem>>[vector<16xi32>, vector<16xi32>], vector<16xf32>, vector<16xi1>
        %mul3A_511 = arith.constant 58 : i32
        %mul3A_512 = vector.broadcast %mul3A_511 : i32 to vector<16xi32>
        %mul3A_513 = arith.muli %broadcast_in_dim3A_1, %mul3A_512 : vector<16xi32>
        %gather3A_514 = tpu.vector_load_idx %arg11[%mul3A_513, %select_n3A_278] masked %and3A_271 : memref<64x512xf32, #tpu.memory_space<vmem>>[vector<16xi32>, vector<16xi32>], vector<16xf32>, vector<16xi1>
        tpu.vector_store_idx %arg12[%sub3A_276, %mul3A_513], %gather3A_514 masked %and3A_271 : memref<112x128xf32, #tpu.memory_space<vmem>>[vector<16xi32>, vector<16xi32>], vector<16xf32>, vector<16xi1>
        %mul3A_515 = arith.constant 59 : i32
        %mul3A_516 = vector.broadcast %mul3A_515 : i32 to vector<16xi32>
        %mul3A_517 = arith.muli %broadcast_in_dim3A_1, %mul3A_516 : vector<16xi32>
        %gather3A_518 = tpu.vector_load_idx %arg11[%mul3A_517, %select_n3A_278] masked %and3A_271 : memref<64x512xf32, #tpu.memory_space<vmem>>[vector<16xi32>, vector<16xi32>], vector<16xf32>, vector<16xi1>
        tpu.vector_store_idx %arg12[%sub3A_276, %mul3A_517], %gather3A_518 masked %and3A_271 : memref<112x128xf32, #tpu.memory_space<vmem>>[vector<16xi32>, vector<16xi32>], vector<16xf32>, vector<16xi1>
        %mul3A_519 = arith.constant 60 : i32
        %mul3A_520 = vector.broadcast %mul3A_519 : i32 to vector<16xi32>
        %mul3A_521 = arith.muli %broadcast_in_dim3A_1, %mul3A_520 : vector<16xi32>
        %gather3A_522 = tpu.vector_load_idx %arg11[%mul3A_521, %select_n3A_278] masked %and3A_271 : memref<64x512xf32, #tpu.memory_space<vmem>>[vector<16xi32>, vector<16xi32>], vector<16xf32>, vector<16xi1>
        tpu.vector_store_idx %arg12[%sub3A_276, %mul3A_521], %gather3A_522 masked %and3A_271 : memref<112x128xf32, #tpu.memory_space<vmem>>[vector<16xi32>, vector<16xi32>], vector<16xf32>, vector<16xi1>
        %mul3A_523 = arith.constant 61 : i32
        %mul3A_524 = vector.broadcast %mul3A_523 : i32 to vector<16xi32>
        %mul3A_525 = arith.muli %broadcast_in_dim3A_1, %mul3A_524 : vector<16xi32>
        %gather3A_526 = tpu.vector_load_idx %arg11[%mul3A_525, %select_n3A_278] masked %and3A_271 : memref<64x512xf32, #tpu.memory_space<vmem>>[vector<16xi32>, vector<16xi32>], vector<16xf32>, vector<16xi1>
        tpu.vector_store_idx %arg12[%sub3A_276, %mul3A_525], %gather3A_526 masked %and3A_271 : memref<112x128xf32, #tpu.memory_space<vmem>>[vector<16xi32>, vector<16xi32>], vector<16xf32>, vector<16xi1>
        %mul3A_527 = arith.constant 62 : i32
        %mul3A_528 = vector.broadcast %mul3A_527 : i32 to vector<16xi32>
        %mul3A_529 = arith.muli %broadcast_in_dim3A_1, %mul3A_528 : vector<16xi32>
        %gather3A_530 = tpu.vector_load_idx %arg11[%mul3A_529, %select_n3A_278] masked %and3A_271 : memref<64x512xf32, #tpu.memory_space<vmem>>[vector<16xi32>, vector<16xi32>], vector<16xf32>, vector<16xi1>
        tpu.vector_store_idx %arg12[%sub3A_276, %mul3A_529], %gather3A_530 masked %and3A_271 : memref<112x128xf32, #tpu.memory_space<vmem>>[vector<16xi32>, vector<16xi32>], vector<16xf32>, vector<16xi1>
        %mul3A_531 = arith.constant 63 : i32
        %mul3A_532 = vector.broadcast %mul3A_531 : i32 to vector<16xi32>
        %mul3A_533 = arith.muli %broadcast_in_dim3A_1, %mul3A_532 : vector<16xi32>
        %gather3A_534 = tpu.vector_load_idx %arg11[%mul3A_533, %select_n3A_278] masked %and3A_271 : memref<64x512xf32, #tpu.memory_space<vmem>>[vector<16xi32>, vector<16xi32>], vector<16xf32>, vector<16xi1>
        tpu.vector_store_idx %arg12[%sub3A_276, %mul3A_533], %gather3A_534 masked %and3A_271 : memref<112x128xf32, #tpu.memory_space<vmem>>[vector<16xi32>, vector<16xi32>], vector<16xf32>, vector<16xi1>
        tpu.vector_store_idx %arg13[%sub3A_276], %get3A_264 masked %and3A_271 : memref<112xi32, #tpu.memory_space<vmem>>[vector<16xi32>], vector<16xi32>, vector<16xi1>
        %all_reduce_population_count3A = tpu.all_reduce %and3A_271 {dim = 0 : i64, kind = #tpu.reduction_kind<sum>} : vector<16xi1> -> vector<16xi32>
        %add3A_535 = arith.addi %cond3A_179, %all_reduce_population_count3A : vector<16xi32>
        %reduce_max3A_536 = arith.constant true
        %reduce_max3A_537 = vector.broadcast %reduce_max3A_536 : i1 to vector<16xi1>
        %reduce_max3A_538 = arith.constant -2147483648 : i32
        %reduce_max3A_539 = vector.broadcast %reduce_max3A_538 : i32 to vector<16xi32>
        %reduce_max3A_540 = arith.xori %add3A_535, %reduce_max3A_539 : vector<16xi32>
        %reduce_max3A_541 = tpu.scan <max>, %reduce_max3A_540 masked %reduce_max3A_537 : vector<16xi32>, vector<16xi1> -> vector<16xi32>
        %reduce_max3A_542 = arith.xori %reduce_max3A_541, %reduce_max3A_539 : vector<16xi32>
        %reduce_max3A_543 = vector.extract %reduce_max3A_542[15] : i32 from vector<16xi32>
        %gt3A_544 = arith.constant 96 : i32
        %gt3A_545 = arith.cmpi sgt, %reduce_max3A_543, %gt3A_544 : i32
        %convert_element_type3A_546 = arith.extui %gt3A_545 : i1 to i32
        %cond3A_547 = arith.constant 0 : i32
        %cond3A_548 = arith.cmpi ne, %convert_element_type3A_546, %cond3A_547 : i32
        scf.if %cond3A_548 {
          %dma_start3A = arith.constant 0 : i32
          %dma_start3A_550 = arith.constant 0 : i32
          %dma_start3A_551 = tpu.memref_slice %arg4[%dma_start3A, %dma_start3A_550] : memref<16400x128xf32, #tpu.memory_space<hbm>> -> memref<16400x128xf32, #tpu.memory_space<hbm>>
          tpu.enqueue_indirect_dma source(%arg12 : memref<112x128xf32, #tpu.memory_space<vmem>>) target(%dma_start3A_551 : memref<16400x128xf32, #tpu.memory_space<hbm>>) offsets(%arg13 : memref<112xi32, #tpu.memory_space<vmem>>) semaphore(%arg16 : memref<!tpu.dma_semaphore, #tpu.memory_space<semaphore_mem>>)
          %dma_wait3A = arith.constant 0 : i32
          %dma_wait3A_552 = arith.constant 0 : i32
          %dma_wait3A_553 = tpu.memref_slice %arg4[%dma_wait3A, %dma_wait3A_552] : memref<16400x128xf32, #tpu.memory_space<hbm>> -> memref<16400x128xf32, #tpu.memory_space<hbm>>
          tpu.wait_indirect_dma semaphore(%arg16 : memref<!tpu.dma_semaphore, #tpu.memory_space<semaphore_mem>>) src(%arg12 : memref<112x128xf32, #tpu.memory_space<vmem>>) dst(%dma_wait3A_553 : memref<16400x128xf32, #tpu.memory_space<hbm>>)
          %swap3A_554 = arith.constant 0 : index
          %swap3A_555 = tpu.vector_load %arg13[%swap3A_554] {strides = array<i32>} : memref<112xi32, #tpu.memory_space<vmem>>, vector<16xi32>,
          tpu.vector_store %arg13[%swap3A_554], %broadcast_in_dim3A_5 {strides = array<i32>} : memref<112xi32, #tpu.memory_space<vmem>>, vector<16xi32>,
          %swap3A_556 = arith.constant 16 : index
          %swap3A_557 = tpu.vector_load %arg13[%swap3A_556] {strides = array<i32>} : memref<112xi32, #tpu.memory_space<vmem>>, vector<16xi32>,
          tpu.vector_store %arg13[%swap3A_556], %broadcast_in_dim3A_5 {strides = array<i32>} : memref<112xi32, #tpu.memory_space<vmem>>, vector<16xi32>,
          %swap3A_558 = arith.constant 32 : index
          %swap3A_559 = tpu.vector_load %arg13[%swap3A_558] {strides = array<i32>} : memref<112xi32, #tpu.memory_space<vmem>>, vector<16xi32>,
          tpu.vector_store %arg13[%swap3A_558], %broadcast_in_dim3A_5 {strides = array<i32>} : memref<112xi32, #tpu.memory_space<vmem>>, vector<16xi32>,
          %swap3A_560 = arith.constant 48 : index
          %swap3A_561 = tpu.vector_load %arg13[%swap3A_560] {strides = array<i32>} : memref<112xi32, #tpu.memory_space<vmem>>, vector<16xi32>,
          tpu.vector_store %arg13[%swap3A_560], %broadcast_in_dim3A_5 {strides = array<i32>} : memref<112xi32, #tpu.memory_space<vmem>>, vector<16xi32>,
          %swap3A_562 = arith.constant 64 : index
          %swap3A_563 = tpu.vector_load %arg13[%swap3A_562] {strides = array<i32>} : memref<112xi32, #tpu.memory_space<vmem>>, vector<16xi32>,
          tpu.vector_store %arg13[%swap3A_562], %broadcast_in_dim3A_5 {strides = array<i32>} : memref<112xi32, #tpu.memory_space<vmem>>, vector<16xi32>,
          %swap3A_564 = arith.constant 80 : index
          %swap3A_565 = tpu.vector_load %arg13[%swap3A_564] {strides = array<i32>} : memref<112xi32, #tpu.memory_space<vmem>>, vector<16xi32>,
          tpu.vector_store %arg13[%swap3A_564], %broadcast_in_dim3A_5 {strides = array<i32>} : memref<112xi32, #tpu.memory_space<vmem>>, vector<16xi32>,
          %swap3A_566 = arith.constant 96 : index
          %swap3A_567 = tpu.vector_load %arg13[%swap3A_566] {strides = array<i32>} : memref<112xi32, #tpu.memory_space<vmem>>, vector<16xi32>,
          tpu.vector_store %arg13[%swap3A_566], %broadcast_in_dim3A_5 {strides = array<i32>} : memref<112xi32, #tpu.memory_space<vmem>>, vector<16xi32>,
        } else {
        }
        %select_n3A_549 = arith.select %gt3A_545, %broadcast_in_dim3A_3, %add3A_535 : vector<16xi32>
        scf.yield %select_n3A_549 : vector<16xi32>
      } else {
        scf.yield %cond3A_179 : vector<16xi32>
      }
      %add3A_233 = arith.constant 16 : i32
      %add3A_234 = vector.broadcast %add3A_233 : i32 to vector<16xi32>
      %add3A_235 = arith.addi %iota3A, %add3A_234 : vector<16xi32>
      %broadcast_in_dim3A_236 = arith.constant 24 : i32
      %broadcast_in_dim3A_237 = vector.broadcast %broadcast_in_dim3A_236 : i32 to vector<16xi32>
      %min3A_238 = arith.minsi %gather3A_208, %broadcast_in_dim3A_237 : vector<16xi32>
      %lt3A_239 = arith.cmpi slt, %add3A_235, %min3A_238 : vector<16xi32>
      %select_n3A_240 = arith.select %lt3A_239, %broadcast_in_dim3A_1, %broadcast_in_dim3A_3 : vector<16xi1>, vector<16xi32>
      %reduce_max3A_241 = arith.constant true
      %reduce_max3A_242 = vector.broadcast %reduce_max3A_241 : i1 to vector<16xi1>
      %reduce_max3A_243 = arith.constant -2147483648 : i32
      %reduce_max3A_244 = vector.broadcast %reduce_max3A_243 : i32 to vector<16xi32>
      %reduce_max3A_245 = arith.xori %select_n3A_240, %reduce_max3A_244 : vector<16xi32>
      %reduce_max3A_246 = tpu.scan <max>, %reduce_max3A_245 masked %reduce_max3A_242 : vector<16xi32>, vector<16xi1> -> vector<16xi32>
      %reduce_max3A_247 = arith.xori %reduce_max3A_246, %reduce_max3A_244 : vector<16xi32>
      %reduce_max3A_248 = vector.extract %reduce_max3A_247[15] : i32 from vector<16xi32>
      %gt3A_249 = arith.constant 0 : i32
      %gt3A_250 = arith.cmpi sgt, %reduce_max3A_248, %gt3A_249 : i32
      %convert_element_type3A_251 = arith.extui %gt3A_250 : i1 to i32
      %cond3A_252 = arith.constant 0 : i32
      %cond3A_253 = arith.cmpi ne, %convert_element_type3A_251, %cond3A_252 : i32
      %cond3A_254 = scf.if %cond3A_253 -> (vector<16xi32>) {
        %add3A_262 = arith.constant 16 : i32
        %add3A_263 = arith.addi %mul3A_210, %add3A_262 : i32
        %get3A = arith.index_cast %add3A_263 : i32 to index
        %get3A_264 = tpu.vector_load %arg8[%get3A] {strides = array<i32>} : memref<1504xi32, #tpu.memory_space<vmem>>, vector<16xi32>,
        %gather3A_265 = tpu.vector_load_idx %arg5[%get3A_264] masked %lt3A_239 : memref<16384xi32, #tpu.memory_space<vmem>>[vector<16xi32>], vector<16xi32>, vector<16xi1>
        %ge3A = arith.cmpi sge, %gather3A_265, %mul3A_205 : vector<16xi32>
        %and3A_266 = arith.andi %lt3A_239, %ge3A : vector<16xi1>
        %add3A_267 = arith.constant 512 : i32
        %add3A_268 = vector.broadcast %add3A_267 : i32 to vector<16xi32>
        %add3A_269 = arith.addi %mul3A_205, %add3A_268 : vector<16xi32>
        %lt3A_270 = arith.cmpi slt, %gather3A_265, %add3A_269 : vector<16xi32>
        %and3A_271 = arith.andi %and3A_266, %lt3A_270 : vector<16xi1>
        %convert_element_type3A_272 = arith.extui %and3A_271 : vector<16xi1> to vector<16xi32>
        %broadcast_in_dim3A_273 = arith.constant true
        %broadcast_in_dim3A_274 = vector.broadcast %broadcast_in_dim3A_273 : i1 to vector<16xi1>
        %masked_cumsum3A = tpu.scan <sum>, %convert_element_type3A_272 masked %broadcast_in_dim3A_274 : vector<16xi32>, vector<16xi1> -> vector<16xi32>
        %add3A_275 = arith.addi %cond3A_232, %masked_cumsum3A : vector<16xi32>
        %sub3A_276 = arith.subi %add3A_275, %convert_element_type3A_272 : vector<16xi32>
        %sub3A_277 = arith.subi %gather3A_265, %mul3A_205 : vector<16xi32>
        %select_n3A_278 = arith.select %and3A_271, %sub3A_277, %broadcast_in_dim3A_3 : vector<16xi1>, vector<16xi32>
        %mul3A_279 = arith.constant 0 : i32
        %mul3A_280 = vector.broadcast %mul3A_279 : i32 to vector<16xi32>
        %mul3A_281 = arith.muli %broadcast_in_dim3A_1, %mul3A_280 : vector<16xi32>
        %gather3A_282 = tpu.vector_load_idx %arg11[%mul3A_281, %select_n3A_278] masked %and3A_271 : memref<64x512xf32, #tpu.memory_space<vmem>>[vector<16xi32>, vector<16xi32>], vector<16xf32>, vector<16xi1>
        tpu.vector_store_idx %arg12[%sub3A_276, %mul3A_281], %gather3A_282 masked %and3A_271 : memref<112x128xf32, #tpu.memory_space<vmem>>[vector<16xi32>, vector<16xi32>], vector<16xf32>, vector<16xi1>
        %mul3A_283 = arith.constant 1 : i32
        %mul3A_284 = vector.broadcast %mul3A_283 : i32 to vector<16xi32>
        %mul3A_285 = arith.muli %broadcast_in_dim3A_1, %mul3A_284 : vector<16xi32>
        %gather3A_286 = tpu.vector_load_idx %arg11[%mul3A_285, %select_n3A_278] masked %and3A_271 : memref<64x512xf32, #tpu.memory_space<vmem>>[vector<16xi32>, vector<16xi32>], vector<16xf32>, vector<16xi1>
        tpu.vector_store_idx %arg12[%sub3A_276, %mul3A_285], %gather3A_286 masked %and3A_271 : memref<112x128xf32, #tpu.memory_space<vmem>>[vector<16xi32>, vector<16xi32>], vector<16xf32>, vector<16xi1>
        %mul3A_287 = arith.constant 2 : i32
        %mul3A_288 = vector.broadcast %mul3A_287 : i32 to vector<16xi32>
        %mul3A_289 = arith.muli %broadcast_in_dim3A_1, %mul3A_288 : vector<16xi32>
        %gather3A_290 = tpu.vector_load_idx %arg11[%mul3A_289, %select_n3A_278] masked %and3A_271 : memref<64x512xf32, #tpu.memory_space<vmem>>[vector<16xi32>, vector<16xi32>], vector<16xf32>, vector<16xi1>
        tpu.vector_store_idx %arg12[%sub3A_276, %mul3A_289], %gather3A_290 masked %and3A_271 : memref<112x128xf32, #tpu.memory_space<vmem>>[vector<16xi32>, vector<16xi32>], vector<16xf32>, vector<16xi1>
        %mul3A_291 = arith.constant 3 : i32
        %mul3A_292 = vector.broadcast %mul3A_291 : i32 to vector<16xi32>
        %mul3A_293 = arith.muli %broadcast_in_dim3A_1, %mul3A_292 : vector<16xi32>
        %gather3A_294 = tpu.vector_load_idx %arg11[%mul3A_293, %select_n3A_278] masked %and3A_271 : memref<64x512xf32, #tpu.memory_space<vmem>>[vector<16xi32>, vector<16xi32>], vector<16xf32>, vector<16xi1>
        tpu.vector_store_idx %arg12[%sub3A_276, %mul3A_293], %gather3A_294 masked %and3A_271 : memref<112x128xf32, #tpu.memory_space<vmem>>[vector<16xi32>, vector<16xi32>], vector<16xf32>, vector<16xi1>
        %mul3A_295 = arith.constant 4 : i32
        %mul3A_296 = vector.broadcast %mul3A_295 : i32 to vector<16xi32>
        %mul3A_297 = arith.muli %broadcast_in_dim3A_1, %mul3A_296 : vector<16xi32>
        %gather3A_298 = tpu.vector_load_idx %arg11[%mul3A_297, %select_n3A_278] masked %and3A_271 : memref<64x512xf32, #tpu.memory_space<vmem>>[vector<16xi32>, vector<16xi32>], vector<16xf32>, vector<16xi1>
        tpu.vector_store_idx %arg12[%sub3A_276, %mul3A_297], %gather3A_298 masked %and3A_271 : memref<112x128xf32, #tpu.memory_space<vmem>>[vector<16xi32>, vector<16xi32>], vector<16xf32>, vector<16xi1>
        %mul3A_299 = arith.constant 5 : i32
        %mul3A_300 = vector.broadcast %mul3A_299 : i32 to vector<16xi32>
        %mul3A_301 = arith.muli %broadcast_in_dim3A_1, %mul3A_300 : vector<16xi32>
        %gather3A_302 = tpu.vector_load_idx %arg11[%mul3A_301, %select_n3A_278] masked %and3A_271 : memref<64x512xf32, #tpu.memory_space<vmem>>[vector<16xi32>, vector<16xi32>], vector<16xf32>, vector<16xi1>
        tpu.vector_store_idx %arg12[%sub3A_276, %mul3A_301], %gather3A_302 masked %and3A_271 : memref<112x128xf32, #tpu.memory_space<vmem>>[vector<16xi32>, vector<16xi32>], vector<16xf32>, vector<16xi1>
        %mul3A_303 = arith.constant 6 : i32
        %mul3A_304 = vector.broadcast %mul3A_303 : i32 to vector<16xi32>
        %mul3A_305 = arith.muli %broadcast_in_dim3A_1, %mul3A_304 : vector<16xi32>
        %gather3A_306 = tpu.vector_load_idx %arg11[%mul3A_305, %select_n3A_278] masked %and3A_271 : memref<64x512xf32, #tpu.memory_space<vmem>>[vector<16xi32>, vector<16xi32>], vector<16xf32>, vector<16xi1>
        tpu.vector_store_idx %arg12[%sub3A_276, %mul3A_305], %gather3A_306 masked %and3A_271 : memref<112x128xf32, #tpu.memory_space<vmem>>[vector<16xi32>, vector<16xi32>], vector<16xf32>, vector<16xi1>
        %mul3A_307 = arith.constant 7 : i32
        %mul3A_308 = vector.broadcast %mul3A_307 : i32 to vector<16xi32>
        %mul3A_309 = arith.muli %broadcast_in_dim3A_1, %mul3A_308 : vector<16xi32>
        %gather3A_310 = tpu.vector_load_idx %arg11[%mul3A_309, %select_n3A_278] masked %and3A_271 : memref<64x512xf32, #tpu.memory_space<vmem>>[vector<16xi32>, vector<16xi32>], vector<16xf32>, vector<16xi1>
        tpu.vector_store_idx %arg12[%sub3A_276, %mul3A_309], %gather3A_310 masked %and3A_271 : memref<112x128xf32, #tpu.memory_space<vmem>>[vector<16xi32>, vector<16xi32>], vector<16xf32>, vector<16xi1>
        %mul3A_311 = arith.constant 8 : i32
        %mul3A_312 = vector.broadcast %mul3A_311 : i32 to vector<16xi32>
        %mul3A_313 = arith.muli %broadcast_in_dim3A_1, %mul3A_312 : vector<16xi32>
        %gather3A_314 = tpu.vector_load_idx %arg11[%mul3A_313, %select_n3A_278] masked %and3A_271 : memref<64x512xf32, #tpu.memory_space<vmem>>[vector<16xi32>, vector<16xi32>], vector<16xf32>, vector<16xi1>
        tpu.vector_store_idx %arg12[%sub3A_276, %mul3A_313], %gather3A_314 masked %and3A_271 : memref<112x128xf32, #tpu.memory_space<vmem>>[vector<16xi32>, vector<16xi32>], vector<16xf32>, vector<16xi1>
        %mul3A_315 = arith.constant 9 : i32
        %mul3A_316 = vector.broadcast %mul3A_315 : i32 to vector<16xi32>
        %mul3A_317 = arith.muli %broadcast_in_dim3A_1, %mul3A_316 : vector<16xi32>
        %gather3A_318 = tpu.vector_load_idx %arg11[%mul3A_317, %select_n3A_278] masked %and3A_271 : memref<64x512xf32, #tpu.memory_space<vmem>>[vector<16xi32>, vector<16xi32>], vector<16xf32>, vector<16xi1>
        tpu.vector_store_idx %arg12[%sub3A_276, %mul3A_317], %gather3A_318 masked %and3A_271 : memref<112x128xf32, #tpu.memory_space<vmem>>[vector<16xi32>, vector<16xi32>], vector<16xf32>, vector<16xi1>
        %mul3A_319 = arith.constant 10 : i32
        %mul3A_320 = vector.broadcast %mul3A_319 : i32 to vector<16xi32>
        %mul3A_321 = arith.muli %broadcast_in_dim3A_1, %mul3A_320 : vector<16xi32>
        %gather3A_322 = tpu.vector_load_idx %arg11[%mul3A_321, %select_n3A_278] masked %and3A_271 : memref<64x512xf32, #tpu.memory_space<vmem>>[vector<16xi32>, vector<16xi32>], vector<16xf32>, vector<16xi1>
        tpu.vector_store_idx %arg12[%sub3A_276, %mul3A_321], %gather3A_322 masked %and3A_271 : memref<112x128xf32, #tpu.memory_space<vmem>>[vector<16xi32>, vector<16xi32>], vector<16xf32>, vector<16xi1>
        %mul3A_323 = arith.constant 11 : i32
        %mul3A_324 = vector.broadcast %mul3A_323 : i32 to vector<16xi32>
        %mul3A_325 = arith.muli %broadcast_in_dim3A_1, %mul3A_324 : vector<16xi32>
        %gather3A_326 = tpu.vector_load_idx %arg11[%mul3A_325, %select_n3A_278] masked %and3A_271 : memref<64x512xf32, #tpu.memory_space<vmem>>[vector<16xi32>, vector<16xi32>], vector<16xf32>, vector<16xi1>
        tpu.vector_store_idx %arg12[%sub3A_276, %mul3A_325], %gather3A_326 masked %and3A_271 : memref<112x128xf32, #tpu.memory_space<vmem>>[vector<16xi32>, vector<16xi32>], vector<16xf32>, vector<16xi1>
        %mul3A_327 = arith.constant 12 : i32
        %mul3A_328 = vector.broadcast %mul3A_327 : i32 to vector<16xi32>
        %mul3A_329 = arith.muli %broadcast_in_dim3A_1, %mul3A_328 : vector<16xi32>
        %gather3A_330 = tpu.vector_load_idx %arg11[%mul3A_329, %select_n3A_278] masked %and3A_271 : memref<64x512xf32, #tpu.memory_space<vmem>>[vector<16xi32>, vector<16xi32>], vector<16xf32>, vector<16xi1>
        tpu.vector_store_idx %arg12[%sub3A_276, %mul3A_329], %gather3A_330 masked %and3A_271 : memref<112x128xf32, #tpu.memory_space<vmem>>[vector<16xi32>, vector<16xi32>], vector<16xf32>, vector<16xi1>
        %mul3A_331 = arith.constant 13 : i32
        %mul3A_332 = vector.broadcast %mul3A_331 : i32 to vector<16xi32>
        %mul3A_333 = arith.muli %broadcast_in_dim3A_1, %mul3A_332 : vector<16xi32>
        %gather3A_334 = tpu.vector_load_idx %arg11[%mul3A_333, %select_n3A_278] masked %and3A_271 : memref<64x512xf32, #tpu.memory_space<vmem>>[vector<16xi32>, vector<16xi32>], vector<16xf32>, vector<16xi1>
        tpu.vector_store_idx %arg12[%sub3A_276, %mul3A_333], %gather3A_334 masked %and3A_271 : memref<112x128xf32, #tpu.memory_space<vmem>>[vector<16xi32>, vector<16xi32>], vector<16xf32>, vector<16xi1>
        %mul3A_335 = arith.constant 14 : i32
        %mul3A_336 = vector.broadcast %mul3A_335 : i32 to vector<16xi32>
        %mul3A_337 = arith.muli %broadcast_in_dim3A_1, %mul3A_336 : vector<16xi32>
        %gather3A_338 = tpu.vector_load_idx %arg11[%mul3A_337, %select_n3A_278] masked %and3A_271 : memref<64x512xf32, #tpu.memory_space<vmem>>[vector<16xi32>, vector<16xi32>], vector<16xf32>, vector<16xi1>
        tpu.vector_store_idx %arg12[%sub3A_276, %mul3A_337], %gather3A_338 masked %and3A_271 : memref<112x128xf32, #tpu.memory_space<vmem>>[vector<16xi32>, vector<16xi32>], vector<16xf32>, vector<16xi1>
        %mul3A_339 = arith.constant 15 : i32
        %mul3A_340 = vector.broadcast %mul3A_339 : i32 to vector<16xi32>
        %mul3A_341 = arith.muli %broadcast_in_dim3A_1, %mul3A_340 : vector<16xi32>
        %gather3A_342 = tpu.vector_load_idx %arg11[%mul3A_341, %select_n3A_278] masked %and3A_271 : memref<64x512xf32, #tpu.memory_space<vmem>>[vector<16xi32>, vector<16xi32>], vector<16xf32>, vector<16xi1>
        tpu.vector_store_idx %arg12[%sub3A_276, %mul3A_341], %gather3A_342 masked %and3A_271 : memref<112x128xf32, #tpu.memory_space<vmem>>[vector<16xi32>, vector<16xi32>], vector<16xf32>, vector<16xi1>
        %mul3A_343 = arith.constant 16 : i32
        %mul3A_344 = vector.broadcast %mul3A_343 : i32 to vector<16xi32>
        %mul3A_345 = arith.muli %broadcast_in_dim3A_1, %mul3A_344 : vector<16xi32>
        %gather3A_346 = tpu.vector_load_idx %arg11[%mul3A_345, %select_n3A_278] masked %and3A_271 : memref<64x512xf32, #tpu.memory_space<vmem>>[vector<16xi32>, vector<16xi32>], vector<16xf32>, vector<16xi1>
        tpu.vector_store_idx %arg12[%sub3A_276, %mul3A_345], %gather3A_346 masked %and3A_271 : memref<112x128xf32, #tpu.memory_space<vmem>>[vector<16xi32>, vector<16xi32>], vector<16xf32>, vector<16xi1>
        %mul3A_347 = arith.constant 17 : i32
        %mul3A_348 = vector.broadcast %mul3A_347 : i32 to vector<16xi32>
        %mul3A_349 = arith.muli %broadcast_in_dim3A_1, %mul3A_348 : vector<16xi32>
        %gather3A_350 = tpu.vector_load_idx %arg11[%mul3A_349, %select_n3A_278] masked %and3A_271 : memref<64x512xf32, #tpu.memory_space<vmem>>[vector<16xi32>, vector<16xi32>], vector<16xf32>, vector<16xi1>
        tpu.vector_store_idx %arg12[%sub3A_276, %mul3A_349], %gather3A_350 masked %and3A_271 : memref<112x128xf32, #tpu.memory_space<vmem>>[vector<16xi32>, vector<16xi32>], vector<16xf32>, vector<16xi1>
        %mul3A_351 = arith.constant 18 : i32
        %mul3A_352 = vector.broadcast %mul3A_351 : i32 to vector<16xi32>
        %mul3A_353 = arith.muli %broadcast_in_dim3A_1, %mul3A_352 : vector<16xi32>
        %gather3A_354 = tpu.vector_load_idx %arg11[%mul3A_353, %select_n3A_278] masked %and3A_271 : memref<64x512xf32, #tpu.memory_space<vmem>>[vector<16xi32>, vector<16xi32>], vector<16xf32>, vector<16xi1>
        tpu.vector_store_idx %arg12[%sub3A_276, %mul3A_353], %gather3A_354 masked %and3A_271 : memref<112x128xf32, #tpu.memory_space<vmem>>[vector<16xi32>, vector<16xi32>], vector<16xf32>, vector<16xi1>
        %mul3A_355 = arith.constant 19 : i32
        %mul3A_356 = vector.broadcast %mul3A_355 : i32 to vector<16xi32>
        %mul3A_357 = arith.muli %broadcast_in_dim3A_1, %mul3A_356 : vector<16xi32>
        %gather3A_358 = tpu.vector_load_idx %arg11[%mul3A_357, %select_n3A_278] masked %and3A_271 : memref<64x512xf32, #tpu.memory_space<vmem>>[vector<16xi32>, vector<16xi32>], vector<16xf32>, vector<16xi1>
        tpu.vector_store_idx %arg12[%sub3A_276, %mul3A_357], %gather3A_358 masked %and3A_271 : memref<112x128xf32, #tpu.memory_space<vmem>>[vector<16xi32>, vector<16xi32>], vector<16xf32>, vector<16xi1>
        %mul3A_359 = arith.constant 20 : i32
        %mul3A_360 = vector.broadcast %mul3A_359 : i32 to vector<16xi32>
        %mul3A_361 = arith.muli %broadcast_in_dim3A_1, %mul3A_360 : vector<16xi32>
        %gather3A_362 = tpu.vector_load_idx %arg11[%mul3A_361, %select_n3A_278] masked %and3A_271 : memref<64x512xf32, #tpu.memory_space<vmem>>[vector<16xi32>, vector<16xi32>], vector<16xf32>, vector<16xi1>
        tpu.vector_store_idx %arg12[%sub3A_276, %mul3A_361], %gather3A_362 masked %and3A_271 : memref<112x128xf32, #tpu.memory_space<vmem>>[vector<16xi32>, vector<16xi32>], vector<16xf32>, vector<16xi1>
        %mul3A_363 = arith.constant 21 : i32
        %mul3A_364 = vector.broadcast %mul3A_363 : i32 to vector<16xi32>
        %mul3A_365 = arith.muli %broadcast_in_dim3A_1, %mul3A_364 : vector<16xi32>
        %gather3A_366 = tpu.vector_load_idx %arg11[%mul3A_365, %select_n3A_278] masked %and3A_271 : memref<64x512xf32, #tpu.memory_space<vmem>>[vector<16xi32>, vector<16xi32>], vector<16xf32>, vector<16xi1>
        tpu.vector_store_idx %arg12[%sub3A_276, %mul3A_365], %gather3A_366 masked %and3A_271 : memref<112x128xf32, #tpu.memory_space<vmem>>[vector<16xi32>, vector<16xi32>], vector<16xf32>, vector<16xi1>
        %mul3A_367 = arith.constant 22 : i32
        %mul3A_368 = vector.broadcast %mul3A_367 : i32 to vector<16xi32>
        %mul3A_369 = arith.muli %broadcast_in_dim3A_1, %mul3A_368 : vector<16xi32>
        %gather3A_370 = tpu.vector_load_idx %arg11[%mul3A_369, %select_n3A_278] masked %and3A_271 : memref<64x512xf32, #tpu.memory_space<vmem>>[vector<16xi32>, vector<16xi32>], vector<16xf32>, vector<16xi1>
        tpu.vector_store_idx %arg12[%sub3A_276, %mul3A_369], %gather3A_370 masked %and3A_271 : memref<112x128xf32, #tpu.memory_space<vmem>>[vector<16xi32>, vector<16xi32>], vector<16xf32>, vector<16xi1>
        %mul3A_371 = arith.constant 23 : i32
        %mul3A_372 = vector.broadcast %mul3A_371 : i32 to vector<16xi32>
        %mul3A_373 = arith.muli %broadcast_in_dim3A_1, %mul3A_372 : vector<16xi32>
        %gather3A_374 = tpu.vector_load_idx %arg11[%mul3A_373, %select_n3A_278] masked %and3A_271 : memref<64x512xf32, #tpu.memory_space<vmem>>[vector<16xi32>, vector<16xi32>], vector<16xf32>, vector<16xi1>
        tpu.vector_store_idx %arg12[%sub3A_276, %mul3A_373], %gather3A_374 masked %and3A_271 : memref<112x128xf32, #tpu.memory_space<vmem>>[vector<16xi32>, vector<16xi32>], vector<16xf32>, vector<16xi1>
        %mul3A_375 = arith.constant 24 : i32
        %mul3A_376 = vector.broadcast %mul3A_375 : i32 to vector<16xi32>
        %mul3A_377 = arith.muli %broadcast_in_dim3A_1, %mul3A_376 : vector<16xi32>
        %gather3A_378 = tpu.vector_load_idx %arg11[%mul3A_377, %select_n3A_278] masked %and3A_271 : memref<64x512xf32, #tpu.memory_space<vmem>>[vector<16xi32>, vector<16xi32>], vector<16xf32>, vector<16xi1>
        tpu.vector_store_idx %arg12[%sub3A_276, %mul3A_377], %gather3A_378 masked %and3A_271 : memref<112x128xf32, #tpu.memory_space<vmem>>[vector<16xi32>, vector<16xi32>], vector<16xf32>, vector<16xi1>
        %mul3A_379 = arith.constant 25 : i32
        %mul3A_380 = vector.broadcast %mul3A_379 : i32 to vector<16xi32>
        %mul3A_381 = arith.muli %broadcast_in_dim3A_1, %mul3A_380 : vector<16xi32>
        %gather3A_382 = tpu.vector_load_idx %arg11[%mul3A_381, %select_n3A_278] masked %and3A_271 : memref<64x512xf32, #tpu.memory_space<vmem>>[vector<16xi32>, vector<16xi32>], vector<16xf32>, vector<16xi1>
        tpu.vector_store_idx %arg12[%sub3A_276, %mul3A_381], %gather3A_382 masked %and3A_271 : memref<112x128xf32, #tpu.memory_space<vmem>>[vector<16xi32>, vector<16xi32>], vector<16xf32>, vector<16xi1>
        %mul3A_383 = arith.constant 26 : i32
        %mul3A_384 = vector.broadcast %mul3A_383 : i32 to vector<16xi32>
        %mul3A_385 = arith.muli %broadcast_in_dim3A_1, %mul3A_384 : vector<16xi32>
        %gather3A_386 = tpu.vector_load_idx %arg11[%mul3A_385, %select_n3A_278] masked %and3A_271 : memref<64x512xf32, #tpu.memory_space<vmem>>[vector<16xi32>, vector<16xi32>], vector<16xf32>, vector<16xi1>
        tpu.vector_store_idx %arg12[%sub3A_276, %mul3A_385], %gather3A_386 masked %and3A_271 : memref<112x128xf32, #tpu.memory_space<vmem>>[vector<16xi32>, vector<16xi32>], vector<16xf32>, vector<16xi1>
        %mul3A_387 = arith.constant 27 : i32
        %mul3A_388 = vector.broadcast %mul3A_387 : i32 to vector<16xi32>
        %mul3A_389 = arith.muli %broadcast_in_dim3A_1, %mul3A_388 : vector<16xi32>
        %gather3A_390 = tpu.vector_load_idx %arg11[%mul3A_389, %select_n3A_278] masked %and3A_271 : memref<64x512xf32, #tpu.memory_space<vmem>>[vector<16xi32>, vector<16xi32>], vector<16xf32>, vector<16xi1>
        tpu.vector_store_idx %arg12[%sub3A_276, %mul3A_389], %gather3A_390 masked %and3A_271 : memref<112x128xf32, #tpu.memory_space<vmem>>[vector<16xi32>, vector<16xi32>], vector<16xf32>, vector<16xi1>
        %mul3A_391 = arith.constant 28 : i32
        %mul3A_392 = vector.broadcast %mul3A_391 : i32 to vector<16xi32>
        %mul3A_393 = arith.muli %broadcast_in_dim3A_1, %mul3A_392 : vector<16xi32>
        %gather3A_394 = tpu.vector_load_idx %arg11[%mul3A_393, %select_n3A_278] masked %and3A_271 : memref<64x512xf32, #tpu.memory_space<vmem>>[vector<16xi32>, vector<16xi32>], vector<16xf32>, vector<16xi1>
        tpu.vector_store_idx %arg12[%sub3A_276, %mul3A_393], %gather3A_394 masked %and3A_271 : memref<112x128xf32, #tpu.memory_space<vmem>>[vector<16xi32>, vector<16xi32>], vector<16xf32>, vector<16xi1>
        %mul3A_395 = arith.constant 29 : i32
        %mul3A_396 = vector.broadcast %mul3A_395 : i32 to vector<16xi32>
        %mul3A_397 = arith.muli %broadcast_in_dim3A_1, %mul3A_396 : vector<16xi32>
        %gather3A_398 = tpu.vector_load_idx %arg11[%mul3A_397, %select_n3A_278] masked %and3A_271 : memref<64x512xf32, #tpu.memory_space<vmem>>[vector<16xi32>, vector<16xi32>], vector<16xf32>, vector<16xi1>
        tpu.vector_store_idx %arg12[%sub3A_276, %mul3A_397], %gather3A_398 masked %and3A_271 : memref<112x128xf32, #tpu.memory_space<vmem>>[vector<16xi32>, vector<16xi32>], vector<16xf32>, vector<16xi1>
        %mul3A_399 = arith.constant 30 : i32
        %mul3A_400 = vector.broadcast %mul3A_399 : i32 to vector<16xi32>
        %mul3A_401 = arith.muli %broadcast_in_dim3A_1, %mul3A_400 : vector<16xi32>
        %gather3A_402 = tpu.vector_load_idx %arg11[%mul3A_401, %select_n3A_278] masked %and3A_271 : memref<64x512xf32, #tpu.memory_space<vmem>>[vector<16xi32>, vector<16xi32>], vector<16xf32>, vector<16xi1>
        tpu.vector_store_idx %arg12[%sub3A_276, %mul3A_401], %gather3A_402 masked %and3A_271 : memref<112x128xf32, #tpu.memory_space<vmem>>[vector<16xi32>, vector<16xi32>], vector<16xf32>, vector<16xi1>
        %mul3A_403 = arith.constant 31 : i32
        %mul3A_404 = vector.broadcast %mul3A_403 : i32 to vector<16xi32>
        %mul3A_405 = arith.muli %broadcast_in_dim3A_1, %mul3A_404 : vector<16xi32>
        %gather3A_406 = tpu.vector_load_idx %arg11[%mul3A_405, %select_n3A_278] masked %and3A_271 : memref<64x512xf32, #tpu.memory_space<vmem>>[vector<16xi32>, vector<16xi32>], vector<16xf32>, vector<16xi1>
        tpu.vector_store_idx %arg12[%sub3A_276, %mul3A_405], %gather3A_406 masked %and3A_271 : memref<112x128xf32, #tpu.memory_space<vmem>>[vector<16xi32>, vector<16xi32>], vector<16xf32>, vector<16xi1>
        %mul3A_407 = arith.constant 32 : i32
        %mul3A_408 = vector.broadcast %mul3A_407 : i32 to vector<16xi32>
        %mul3A_409 = arith.muli %broadcast_in_dim3A_1, %mul3A_408 : vector<16xi32>
        %gather3A_410 = tpu.vector_load_idx %arg11[%mul3A_409, %select_n3A_278] masked %and3A_271 : memref<64x512xf32, #tpu.memory_space<vmem>>[vector<16xi32>, vector<16xi32>], vector<16xf32>, vector<16xi1>
        tpu.vector_store_idx %arg12[%sub3A_276, %mul3A_409], %gather3A_410 masked %and3A_271 : memref<112x128xf32, #tpu.memory_space<vmem>>[vector<16xi32>, vector<16xi32>], vector<16xf32>, vector<16xi1>
        %mul3A_411 = arith.constant 33 : i32
        %mul3A_412 = vector.broadcast %mul3A_411 : i32 to vector<16xi32>
        %mul3A_413 = arith.muli %broadcast_in_dim3A_1, %mul3A_412 : vector<16xi32>
        %gather3A_414 = tpu.vector_load_idx %arg11[%mul3A_413, %select_n3A_278] masked %and3A_271 : memref<64x512xf32, #tpu.memory_space<vmem>>[vector<16xi32>, vector<16xi32>], vector<16xf32>, vector<16xi1>
        tpu.vector_store_idx %arg12[%sub3A_276, %mul3A_413], %gather3A_414 masked %and3A_271 : memref<112x128xf32, #tpu.memory_space<vmem>>[vector<16xi32>, vector<16xi32>], vector<16xf32>, vector<16xi1>
        %mul3A_415 = arith.constant 34 : i32
        %mul3A_416 = vector.broadcast %mul3A_415 : i32 to vector<16xi32>
        %mul3A_417 = arith.muli %broadcast_in_dim3A_1, %mul3A_416 : vector<16xi32>
        %gather3A_418 = tpu.vector_load_idx %arg11[%mul3A_417, %select_n3A_278] masked %and3A_271 : memref<64x512xf32, #tpu.memory_space<vmem>>[vector<16xi32>, vector<16xi32>], vector<16xf32>, vector<16xi1>
        tpu.vector_store_idx %arg12[%sub3A_276, %mul3A_417], %gather3A_418 masked %and3A_271 : memref<112x128xf32, #tpu.memory_space<vmem>>[vector<16xi32>, vector<16xi32>], vector<16xf32>, vector<16xi1>
        %mul3A_419 = arith.constant 35 : i32
        %mul3A_420 = vector.broadcast %mul3A_419 : i32 to vector<16xi32>
        %mul3A_421 = arith.muli %broadcast_in_dim3A_1, %mul3A_420 : vector<16xi32>
        %gather3A_422 = tpu.vector_load_idx %arg11[%mul3A_421, %select_n3A_278] masked %and3A_271 : memref<64x512xf32, #tpu.memory_space<vmem>>[vector<16xi32>, vector<16xi32>], vector<16xf32>, vector<16xi1>
        tpu.vector_store_idx %arg12[%sub3A_276, %mul3A_421], %gather3A_422 masked %and3A_271 : memref<112x128xf32, #tpu.memory_space<vmem>>[vector<16xi32>, vector<16xi32>], vector<16xf32>, vector<16xi1>
        %mul3A_423 = arith.constant 36 : i32
        %mul3A_424 = vector.broadcast %mul3A_423 : i32 to vector<16xi32>
        %mul3A_425 = arith.muli %broadcast_in_dim3A_1, %mul3A_424 : vector<16xi32>
        %gather3A_426 = tpu.vector_load_idx %arg11[%mul3A_425, %select_n3A_278] masked %and3A_271 : memref<64x512xf32, #tpu.memory_space<vmem>>[vector<16xi32>, vector<16xi32>], vector<16xf32>, vector<16xi1>
        tpu.vector_store_idx %arg12[%sub3A_276, %mul3A_425], %gather3A_426 masked %and3A_271 : memref<112x128xf32, #tpu.memory_space<vmem>>[vector<16xi32>, vector<16xi32>], vector<16xf32>, vector<16xi1>
        %mul3A_427 = arith.constant 37 : i32
        %mul3A_428 = vector.broadcast %mul3A_427 : i32 to vector<16xi32>
        %mul3A_429 = arith.muli %broadcast_in_dim3A_1, %mul3A_428 : vector<16xi32>
        %gather3A_430 = tpu.vector_load_idx %arg11[%mul3A_429, %select_n3A_278] masked %and3A_271 : memref<64x512xf32, #tpu.memory_space<vmem>>[vector<16xi32>, vector<16xi32>], vector<16xf32>, vector<16xi1>
        tpu.vector_store_idx %arg12[%sub3A_276, %mul3A_429], %gather3A_430 masked %and3A_271 : memref<112x128xf32, #tpu.memory_space<vmem>>[vector<16xi32>, vector<16xi32>], vector<16xf32>, vector<16xi1>
        %mul3A_431 = arith.constant 38 : i32
        %mul3A_432 = vector.broadcast %mul3A_431 : i32 to vector<16xi32>
        %mul3A_433 = arith.muli %broadcast_in_dim3A_1, %mul3A_432 : vector<16xi32>
        %gather3A_434 = tpu.vector_load_idx %arg11[%mul3A_433, %select_n3A_278] masked %and3A_271 : memref<64x512xf32, #tpu.memory_space<vmem>>[vector<16xi32>, vector<16xi32>], vector<16xf32>, vector<16xi1>
        tpu.vector_store_idx %arg12[%sub3A_276, %mul3A_433], %gather3A_434 masked %and3A_271 : memref<112x128xf32, #tpu.memory_space<vmem>>[vector<16xi32>, vector<16xi32>], vector<16xf32>, vector<16xi1>
        %mul3A_435 = arith.constant 39 : i32
        %mul3A_436 = vector.broadcast %mul3A_435 : i32 to vector<16xi32>
        %mul3A_437 = arith.muli %broadcast_in_dim3A_1, %mul3A_436 : vector<16xi32>
        %gather3A_438 = tpu.vector_load_idx %arg11[%mul3A_437, %select_n3A_278] masked %and3A_271 : memref<64x512xf32, #tpu.memory_space<vmem>>[vector<16xi32>, vector<16xi32>], vector<16xf32>, vector<16xi1>
        tpu.vector_store_idx %arg12[%sub3A_276, %mul3A_437], %gather3A_438 masked %and3A_271 : memref<112x128xf32, #tpu.memory_space<vmem>>[vector<16xi32>, vector<16xi32>], vector<16xf32>, vector<16xi1>
        %mul3A_439 = arith.constant 40 : i32
        %mul3A_440 = vector.broadcast %mul3A_439 : i32 to vector<16xi32>
        %mul3A_441 = arith.muli %broadcast_in_dim3A_1, %mul3A_440 : vector<16xi32>
        %gather3A_442 = tpu.vector_load_idx %arg11[%mul3A_441, %select_n3A_278] masked %and3A_271 : memref<64x512xf32, #tpu.memory_space<vmem>>[vector<16xi32>, vector<16xi32>], vector<16xf32>, vector<16xi1>
        tpu.vector_store_idx %arg12[%sub3A_276, %mul3A_441], %gather3A_442 masked %and3A_271 : memref<112x128xf32, #tpu.memory_space<vmem>>[vector<16xi32>, vector<16xi32>], vector<16xf32>, vector<16xi1>
        %mul3A_443 = arith.constant 41 : i32
        %mul3A_444 = vector.broadcast %mul3A_443 : i32 to vector<16xi32>
        %mul3A_445 = arith.muli %broadcast_in_dim3A_1, %mul3A_444 : vector<16xi32>
        %gather3A_446 = tpu.vector_load_idx %arg11[%mul3A_445, %select_n3A_278] masked %and3A_271 : memref<64x512xf32, #tpu.memory_space<vmem>>[vector<16xi32>, vector<16xi32>], vector<16xf32>, vector<16xi1>
        tpu.vector_store_idx %arg12[%sub3A_276, %mul3A_445], %gather3A_446 masked %and3A_271 : memref<112x128xf32, #tpu.memory_space<vmem>>[vector<16xi32>, vector<16xi32>], vector<16xf32>, vector<16xi1>
        %mul3A_447 = arith.constant 42 : i32
        %mul3A_448 = vector.broadcast %mul3A_447 : i32 to vector<16xi32>
        %mul3A_449 = arith.muli %broadcast_in_dim3A_1, %mul3A_448 : vector<16xi32>
        %gather3A_450 = tpu.vector_load_idx %arg11[%mul3A_449, %select_n3A_278] masked %and3A_271 : memref<64x512xf32, #tpu.memory_space<vmem>>[vector<16xi32>, vector<16xi32>], vector<16xf32>, vector<16xi1>
        tpu.vector_store_idx %arg12[%sub3A_276, %mul3A_449], %gather3A_450 masked %and3A_271 : memref<112x128xf32, #tpu.memory_space<vmem>>[vector<16xi32>, vector<16xi32>], vector<16xf32>, vector<16xi1>
        %mul3A_451 = arith.constant 43 : i32
        %mul3A_452 = vector.broadcast %mul3A_451 : i32 to vector<16xi32>
        %mul3A_453 = arith.muli %broadcast_in_dim3A_1, %mul3A_452 : vector<16xi32>
        %gather3A_454 = tpu.vector_load_idx %arg11[%mul3A_453, %select_n3A_278] masked %and3A_271 : memref<64x512xf32, #tpu.memory_space<vmem>>[vector<16xi32>, vector<16xi32>], vector<16xf32>, vector<16xi1>
        tpu.vector_store_idx %arg12[%sub3A_276, %mul3A_453], %gather3A_454 masked %and3A_271 : memref<112x128xf32, #tpu.memory_space<vmem>>[vector<16xi32>, vector<16xi32>], vector<16xf32>, vector<16xi1>
        %mul3A_455 = arith.constant 44 : i32
        %mul3A_456 = vector.broadcast %mul3A_455 : i32 to vector<16xi32>
        %mul3A_457 = arith.muli %broadcast_in_dim3A_1, %mul3A_456 : vector<16xi32>
        %gather3A_458 = tpu.vector_load_idx %arg11[%mul3A_457, %select_n3A_278] masked %and3A_271 : memref<64x512xf32, #tpu.memory_space<vmem>>[vector<16xi32>, vector<16xi32>], vector<16xf32>, vector<16xi1>
        tpu.vector_store_idx %arg12[%sub3A_276, %mul3A_457], %gather3A_458 masked %and3A_271 : memref<112x128xf32, #tpu.memory_space<vmem>>[vector<16xi32>, vector<16xi32>], vector<16xf32>, vector<16xi1>
        %mul3A_459 = arith.constant 45 : i32
        %mul3A_460 = vector.broadcast %mul3A_459 : i32 to vector<16xi32>
        %mul3A_461 = arith.muli %broadcast_in_dim3A_1, %mul3A_460 : vector<16xi32>
        %gather3A_462 = tpu.vector_load_idx %arg11[%mul3A_461, %select_n3A_278] masked %and3A_271 : memref<64x512xf32, #tpu.memory_space<vmem>>[vector<16xi32>, vector<16xi32>], vector<16xf32>, vector<16xi1>
        tpu.vector_store_idx %arg12[%sub3A_276, %mul3A_461], %gather3A_462 masked %and3A_271 : memref<112x128xf32, #tpu.memory_space<vmem>>[vector<16xi32>, vector<16xi32>], vector<16xf32>, vector<16xi1>
        %mul3A_463 = arith.constant 46 : i32
        %mul3A_464 = vector.broadcast %mul3A_463 : i32 to vector<16xi32>
        %mul3A_465 = arith.muli %broadcast_in_dim3A_1, %mul3A_464 : vector<16xi32>
        %gather3A_466 = tpu.vector_load_idx %arg11[%mul3A_465, %select_n3A_278] masked %and3A_271 : memref<64x512xf32, #tpu.memory_space<vmem>>[vector<16xi32>, vector<16xi32>], vector<16xf32>, vector<16xi1>
        tpu.vector_store_idx %arg12[%sub3A_276, %mul3A_465], %gather3A_466 masked %and3A_271 : memref<112x128xf32, #tpu.memory_space<vmem>>[vector<16xi32>, vector<16xi32>], vector<16xf32>, vector<16xi1>
        %mul3A_467 = arith.constant 47 : i32
        %mul3A_468 = vector.broadcast %mul3A_467 : i32 to vector<16xi32>
        %mul3A_469 = arith.muli %broadcast_in_dim3A_1, %mul3A_468 : vector<16xi32>
        %gather3A_470 = tpu.vector_load_idx %arg11[%mul3A_469, %select_n3A_278] masked %and3A_271 : memref<64x512xf32, #tpu.memory_space<vmem>>[vector<16xi32>, vector<16xi32>], vector<16xf32>, vector<16xi1>
        tpu.vector_store_idx %arg12[%sub3A_276, %mul3A_469], %gather3A_470 masked %and3A_271 : memref<112x128xf32, #tpu.memory_space<vmem>>[vector<16xi32>, vector<16xi32>], vector<16xf32>, vector<16xi1>
        %mul3A_471 = arith.constant 48 : i32
        %mul3A_472 = vector.broadcast %mul3A_471 : i32 to vector<16xi32>
        %mul3A_473 = arith.muli %broadcast_in_dim3A_1, %mul3A_472 : vector<16xi32>
        %gather3A_474 = tpu.vector_load_idx %arg11[%mul3A_473, %select_n3A_278] masked %and3A_271 : memref<64x512xf32, #tpu.memory_space<vmem>>[vector<16xi32>, vector<16xi32>], vector<16xf32>, vector<16xi1>
        tpu.vector_store_idx %arg12[%sub3A_276, %mul3A_473], %gather3A_474 masked %and3A_271 : memref<112x128xf32, #tpu.memory_space<vmem>>[vector<16xi32>, vector<16xi32>], vector<16xf32>, vector<16xi1>
        %mul3A_475 = arith.constant 49 : i32
        %mul3A_476 = vector.broadcast %mul3A_475 : i32 to vector<16xi32>
        %mul3A_477 = arith.muli %broadcast_in_dim3A_1, %mul3A_476 : vector<16xi32>
        %gather3A_478 = tpu.vector_load_idx %arg11[%mul3A_477, %select_n3A_278] masked %and3A_271 : memref<64x512xf32, #tpu.memory_space<vmem>>[vector<16xi32>, vector<16xi32>], vector<16xf32>, vector<16xi1>
        tpu.vector_store_idx %arg12[%sub3A_276, %mul3A_477], %gather3A_478 masked %and3A_271 : memref<112x128xf32, #tpu.memory_space<vmem>>[vector<16xi32>, vector<16xi32>], vector<16xf32>, vector<16xi1>
        %mul3A_479 = arith.constant 50 : i32
        %mul3A_480 = vector.broadcast %mul3A_479 : i32 to vector<16xi32>
        %mul3A_481 = arith.muli %broadcast_in_dim3A_1, %mul3A_480 : vector<16xi32>
        %gather3A_482 = tpu.vector_load_idx %arg11[%mul3A_481, %select_n3A_278] masked %and3A_271 : memref<64x512xf32, #tpu.memory_space<vmem>>[vector<16xi32>, vector<16xi32>], vector<16xf32>, vector<16xi1>
        tpu.vector_store_idx %arg12[%sub3A_276, %mul3A_481], %gather3A_482 masked %and3A_271 : memref<112x128xf32, #tpu.memory_space<vmem>>[vector<16xi32>, vector<16xi32>], vector<16xf32>, vector<16xi1>
        %mul3A_483 = arith.constant 51 : i32
        %mul3A_484 = vector.broadcast %mul3A_483 : i32 to vector<16xi32>
        %mul3A_485 = arith.muli %broadcast_in_dim3A_1, %mul3A_484 : vector<16xi32>
        %gather3A_486 = tpu.vector_load_idx %arg11[%mul3A_485, %select_n3A_278] masked %and3A_271 : memref<64x512xf32, #tpu.memory_space<vmem>>[vector<16xi32>, vector<16xi32>], vector<16xf32>, vector<16xi1>
        tpu.vector_store_idx %arg12[%sub3A_276, %mul3A_485], %gather3A_486 masked %and3A_271 : memref<112x128xf32, #tpu.memory_space<vmem>>[vector<16xi32>, vector<16xi32>], vector<16xf32>, vector<16xi1>
        %mul3A_487 = arith.constant 52 : i32
        %mul3A_488 = vector.broadcast %mul3A_487 : i32 to vector<16xi32>
        %mul3A_489 = arith.muli %broadcast_in_dim3A_1, %mul3A_488 : vector<16xi32>
        %gather3A_490 = tpu.vector_load_idx %arg11[%mul3A_489, %select_n3A_278] masked %and3A_271 : memref<64x512xf32, #tpu.memory_space<vmem>>[vector<16xi32>, vector<16xi32>], vector<16xf32>, vector<16xi1>
        tpu.vector_store_idx %arg12[%sub3A_276, %mul3A_489], %gather3A_490 masked %and3A_271 : memref<112x128xf32, #tpu.memory_space<vmem>>[vector<16xi32>, vector<16xi32>], vector<16xf32>, vector<16xi1>
        %mul3A_491 = arith.constant 53 : i32
        %mul3A_492 = vector.broadcast %mul3A_491 : i32 to vector<16xi32>
        %mul3A_493 = arith.muli %broadcast_in_dim3A_1, %mul3A_492 : vector<16xi32>
        %gather3A_494 = tpu.vector_load_idx %arg11[%mul3A_493, %select_n3A_278] masked %and3A_271 : memref<64x512xf32, #tpu.memory_space<vmem>>[vector<16xi32>, vector<16xi32>], vector<16xf32>, vector<16xi1>
        tpu.vector_store_idx %arg12[%sub3A_276, %mul3A_493], %gather3A_494 masked %and3A_271 : memref<112x128xf32, #tpu.memory_space<vmem>>[vector<16xi32>, vector<16xi32>], vector<16xf32>, vector<16xi1>
        %mul3A_495 = arith.constant 54 : i32
        %mul3A_496 = vector.broadcast %mul3A_495 : i32 to vector<16xi32>
        %mul3A_497 = arith.muli %broadcast_in_dim3A_1, %mul3A_496 : vector<16xi32>
        %gather3A_498 = tpu.vector_load_idx %arg11[%mul3A_497, %select_n3A_278] masked %and3A_271 : memref<64x512xf32, #tpu.memory_space<vmem>>[vector<16xi32>, vector<16xi32>], vector<16xf32>, vector<16xi1>
        tpu.vector_store_idx %arg12[%sub3A_276, %mul3A_497], %gather3A_498 masked %and3A_271 : memref<112x128xf32, #tpu.memory_space<vmem>>[vector<16xi32>, vector<16xi32>], vector<16xf32>, vector<16xi1>
        %mul3A_499 = arith.constant 55 : i32
        %mul3A_500 = vector.broadcast %mul3A_499 : i32 to vector<16xi32>
        %mul3A_501 = arith.muli %broadcast_in_dim3A_1, %mul3A_500 : vector<16xi32>
        %gather3A_502 = tpu.vector_load_idx %arg11[%mul3A_501, %select_n3A_278] masked %and3A_271 : memref<64x512xf32, #tpu.memory_space<vmem>>[vector<16xi32>, vector<16xi32>], vector<16xf32>, vector<16xi1>
        tpu.vector_store_idx %arg12[%sub3A_276, %mul3A_501], %gather3A_502 masked %and3A_271 : memref<112x128xf32, #tpu.memory_space<vmem>>[vector<16xi32>, vector<16xi32>], vector<16xf32>, vector<16xi1>
        %mul3A_503 = arith.constant 56 : i32
        %mul3A_504 = vector.broadcast %mul3A_503 : i32 to vector<16xi32>
        %mul3A_505 = arith.muli %broadcast_in_dim3A_1, %mul3A_504 : vector<16xi32>
        %gather3A_506 = tpu.vector_load_idx %arg11[%mul3A_505, %select_n3A_278] masked %and3A_271 : memref<64x512xf32, #tpu.memory_space<vmem>>[vector<16xi32>, vector<16xi32>], vector<16xf32>, vector<16xi1>
        tpu.vector_store_idx %arg12[%sub3A_276, %mul3A_505], %gather3A_506 masked %and3A_271 : memref<112x128xf32, #tpu.memory_space<vmem>>[vector<16xi32>, vector<16xi32>], vector<16xf32>, vector<16xi1>
        %mul3A_507 = arith.constant 57 : i32
        %mul3A_508 = vector.broadcast %mul3A_507 : i32 to vector<16xi32>
        %mul3A_509 = arith.muli %broadcast_in_dim3A_1, %mul3A_508 : vector<16xi32>
        %gather3A_510 = tpu.vector_load_idx %arg11[%mul3A_509, %select_n3A_278] masked %and3A_271 : memref<64x512xf32, #tpu.memory_space<vmem>>[vector<16xi32>, vector<16xi32>], vector<16xf32>, vector<16xi1>
        tpu.vector_store_idx %arg12[%sub3A_276, %mul3A_509], %gather3A_510 masked %and3A_271 : memref<112x128xf32, #tpu.memory_space<vmem>>[vector<16xi32>, vector<16xi32>], vector<16xf32>, vector<16xi1>
        %mul3A_511 = arith.constant 58 : i32
        %mul3A_512 = vector.broadcast %mul3A_511 : i32 to vector<16xi32>
        %mul3A_513 = arith.muli %broadcast_in_dim3A_1, %mul3A_512 : vector<16xi32>
        %gather3A_514 = tpu.vector_load_idx %arg11[%mul3A_513, %select_n3A_278] masked %and3A_271 : memref<64x512xf32, #tpu.memory_space<vmem>>[vector<16xi32>, vector<16xi32>], vector<16xf32>, vector<16xi1>
        tpu.vector_store_idx %arg12[%sub3A_276, %mul3A_513], %gather3A_514 masked %and3A_271 : memref<112x128xf32, #tpu.memory_space<vmem>>[vector<16xi32>, vector<16xi32>], vector<16xf32>, vector<16xi1>
        %mul3A_515 = arith.constant 59 : i32
        %mul3A_516 = vector.broadcast %mul3A_515 : i32 to vector<16xi32>
        %mul3A_517 = arith.muli %broadcast_in_dim3A_1, %mul3A_516 : vector<16xi32>
        %gather3A_518 = tpu.vector_load_idx %arg11[%mul3A_517, %select_n3A_278] masked %and3A_271 : memref<64x512xf32, #tpu.memory_space<vmem>>[vector<16xi32>, vector<16xi32>], vector<16xf32>, vector<16xi1>
        tpu.vector_store_idx %arg12[%sub3A_276, %mul3A_517], %gather3A_518 masked %and3A_271 : memref<112x128xf32, #tpu.memory_space<vmem>>[vector<16xi32>, vector<16xi32>], vector<16xf32>, vector<16xi1>
        %mul3A_519 = arith.constant 60 : i32
        %mul3A_520 = vector.broadcast %mul3A_519 : i32 to vector<16xi32>
        %mul3A_521 = arith.muli %broadcast_in_dim3A_1, %mul3A_520 : vector<16xi32>
        %gather3A_522 = tpu.vector_load_idx %arg11[%mul3A_521, %select_n3A_278] masked %and3A_271 : memref<64x512xf32, #tpu.memory_space<vmem>>[vector<16xi32>, vector<16xi32>], vector<16xf32>, vector<16xi1>
        tpu.vector_store_idx %arg12[%sub3A_276, %mul3A_521], %gather3A_522 masked %and3A_271 : memref<112x128xf32, #tpu.memory_space<vmem>>[vector<16xi32>, vector<16xi32>], vector<16xf32>, vector<16xi1>
        %mul3A_523 = arith.constant 61 : i32
        %mul3A_524 = vector.broadcast %mul3A_523 : i32 to vector<16xi32>
        %mul3A_525 = arith.muli %broadcast_in_dim3A_1, %mul3A_524 : vector<16xi32>
        %gather3A_526 = tpu.vector_load_idx %arg11[%mul3A_525, %select_n3A_278] masked %and3A_271 : memref<64x512xf32, #tpu.memory_space<vmem>>[vector<16xi32>, vector<16xi32>], vector<16xf32>, vector<16xi1>
        tpu.vector_store_idx %arg12[%sub3A_276, %mul3A_525], %gather3A_526 masked %and3A_271 : memref<112x128xf32, #tpu.memory_space<vmem>>[vector<16xi32>, vector<16xi32>], vector<16xf32>, vector<16xi1>
        %mul3A_527 = arith.constant 62 : i32
        %mul3A_528 = vector.broadcast %mul3A_527 : i32 to vector<16xi32>
        %mul3A_529 = arith.muli %broadcast_in_dim3A_1, %mul3A_528 : vector<16xi32>
        %gather3A_530 = tpu.vector_load_idx %arg11[%mul3A_529, %select_n3A_278] masked %and3A_271 : memref<64x512xf32, #tpu.memory_space<vmem>>[vector<16xi32>, vector<16xi32>], vector<16xf32>, vector<16xi1>
        tpu.vector_store_idx %arg12[%sub3A_276, %mul3A_529], %gather3A_530 masked %and3A_271 : memref<112x128xf32, #tpu.memory_space<vmem>>[vector<16xi32>, vector<16xi32>], vector<16xf32>, vector<16xi1>
        %mul3A_531 = arith.constant 63 : i32
        %mul3A_532 = vector.broadcast %mul3A_531 : i32 to vector<16xi32>
        %mul3A_533 = arith.muli %broadcast_in_dim3A_1, %mul3A_532 : vector<16xi32>
        %gather3A_534 = tpu.vector_load_idx %arg11[%mul3A_533, %select_n3A_278] masked %and3A_271 : memref<64x512xf32, #tpu.memory_space<vmem>>[vector<16xi32>, vector<16xi32>], vector<16xf32>, vector<16xi1>
        tpu.vector_store_idx %arg12[%sub3A_276, %mul3A_533], %gather3A_534 masked %and3A_271 : memref<112x128xf32, #tpu.memory_space<vmem>>[vector<16xi32>, vector<16xi32>], vector<16xf32>, vector<16xi1>
        tpu.vector_store_idx %arg13[%sub3A_276], %get3A_264 masked %and3A_271 : memref<112xi32, #tpu.memory_space<vmem>>[vector<16xi32>], vector<16xi32>, vector<16xi1>
        %all_reduce_population_count3A = tpu.all_reduce %and3A_271 {dim = 0 : i64, kind = #tpu.reduction_kind<sum>} : vector<16xi1> -> vector<16xi32>
        %add3A_535 = arith.addi %cond3A_232, %all_reduce_population_count3A : vector<16xi32>
        %reduce_max3A_536 = arith.constant true
        %reduce_max3A_537 = vector.broadcast %reduce_max3A_536 : i1 to vector<16xi1>
        %reduce_max3A_538 = arith.constant -2147483648 : i32
        %reduce_max3A_539 = vector.broadcast %reduce_max3A_538 : i32 to vector<16xi32>
        %reduce_max3A_540 = arith.xori %add3A_535, %reduce_max3A_539 : vector<16xi32>
        %reduce_max3A_541 = tpu.scan <max>, %reduce_max3A_540 masked %reduce_max3A_537 : vector<16xi32>, vector<16xi1> -> vector<16xi32>
        %reduce_max3A_542 = arith.xori %reduce_max3A_541, %reduce_max3A_539 : vector<16xi32>
        %reduce_max3A_543 = vector.extract %reduce_max3A_542[15] : i32 from vector<16xi32>
        %gt3A_544 = arith.constant 96 : i32
        %gt3A_545 = arith.cmpi sgt, %reduce_max3A_543, %gt3A_544 : i32
        %convert_element_type3A_546 = arith.extui %gt3A_545 : i1 to i32
        %cond3A_547 = arith.constant 0 : i32
        %cond3A_548 = arith.cmpi ne, %convert_element_type3A_546, %cond3A_547 : i32
        scf.if %cond3A_548 {
          %dma_start3A = arith.constant 0 : i32
          %dma_start3A_550 = arith.constant 0 : i32
          %dma_start3A_551 = tpu.memref_slice %arg4[%dma_start3A, %dma_start3A_550] : memref<16400x128xf32, #tpu.memory_space<hbm>> -> memref<16400x128xf32, #tpu.memory_space<hbm>>
          tpu.enqueue_indirect_dma source(%arg12 : memref<112x128xf32, #tpu.memory_space<vmem>>) target(%dma_start3A_551 : memref<16400x128xf32, #tpu.memory_space<hbm>>) offsets(%arg13 : memref<112xi32, #tpu.memory_space<vmem>>) semaphore(%arg16 : memref<!tpu.dma_semaphore, #tpu.memory_space<semaphore_mem>>)
          %dma_wait3A = arith.constant 0 : i32
          %dma_wait3A_552 = arith.constant 0 : i32
          %dma_wait3A_553 = tpu.memref_slice %arg4[%dma_wait3A, %dma_wait3A_552] : memref<16400x128xf32, #tpu.memory_space<hbm>> -> memref<16400x128xf32, #tpu.memory_space<hbm>>
          tpu.wait_indirect_dma semaphore(%arg16 : memref<!tpu.dma_semaphore, #tpu.memory_space<semaphore_mem>>) src(%arg12 : memref<112x128xf32, #tpu.memory_space<vmem>>) dst(%dma_wait3A_553 : memref<16400x128xf32, #tpu.memory_space<hbm>>)
          %swap3A_554 = arith.constant 0 : index
          %swap3A_555 = tpu.vector_load %arg13[%swap3A_554] {strides = array<i32>} : memref<112xi32, #tpu.memory_space<vmem>>, vector<16xi32>,
          tpu.vector_store %arg13[%swap3A_554], %broadcast_in_dim3A_5 {strides = array<i32>} : memref<112xi32, #tpu.memory_space<vmem>>, vector<16xi32>,
          %swap3A_556 = arith.constant 16 : index
          %swap3A_557 = tpu.vector_load %arg13[%swap3A_556] {strides = array<i32>} : memref<112xi32, #tpu.memory_space<vmem>>, vector<16xi32>,
          tpu.vector_store %arg13[%swap3A_556], %broadcast_in_dim3A_5 {strides = array<i32>} : memref<112xi32, #tpu.memory_space<vmem>>, vector<16xi32>,
          %swap3A_558 = arith.constant 32 : index
          %swap3A_559 = tpu.vector_load %arg13[%swap3A_558] {strides = array<i32>} : memref<112xi32, #tpu.memory_space<vmem>>, vector<16xi32>,
          tpu.vector_store %arg13[%swap3A_558], %broadcast_in_dim3A_5 {strides = array<i32>} : memref<112xi32, #tpu.memory_space<vmem>>, vector<16xi32>,
          %swap3A_560 = arith.constant 48 : index
          %swap3A_561 = tpu.vector_load %arg13[%swap3A_560] {strides = array<i32>} : memref<112xi32, #tpu.memory_space<vmem>>, vector<16xi32>,
          tpu.vector_store %arg13[%swap3A_560], %broadcast_in_dim3A_5 {strides = array<i32>} : memref<112xi32, #tpu.memory_space<vmem>>, vector<16xi32>,
          %swap3A_562 = arith.constant 64 : index
          %swap3A_563 = tpu.vector_load %arg13[%swap3A_562] {strides = array<i32>} : memref<112xi32, #tpu.memory_space<vmem>>, vector<16xi32>,
          tpu.vector_store %arg13[%swap3A_562], %broadcast_in_dim3A_5 {strides = array<i32>} : memref<112xi32, #tpu.memory_space<vmem>>, vector<16xi32>,
          %swap3A_564 = arith.constant 80 : index
          %swap3A_565 = tpu.vector_load %arg13[%swap3A_564] {strides = array<i32>} : memref<112xi32, #tpu.memory_space<vmem>>, vector<16xi32>,
          tpu.vector_store %arg13[%swap3A_564], %broadcast_in_dim3A_5 {strides = array<i32>} : memref<112xi32, #tpu.memory_space<vmem>>, vector<16xi32>,
          %swap3A_566 = arith.constant 96 : index
          %swap3A_567 = tpu.vector_load %arg13[%swap3A_566] {strides = array<i32>} : memref<112xi32, #tpu.memory_space<vmem>>, vector<16xi32>,
          tpu.vector_store %arg13[%swap3A_566], %broadcast_in_dim3A_5 {strides = array<i32>} : memref<112xi32, #tpu.memory_space<vmem>>, vector<16xi32>,
        } else {
        }
        %select_n3A_549 = arith.select %gt3A_545, %broadcast_in_dim3A_3, %add3A_535 : vector<16xi32>
        scf.yield %select_n3A_549 : vector<16xi32>
      } else {
        scf.yield %cond3A_232 : vector<16xi32>
      }
      %add3A_255 = arith.constant 3 : i32
      %add3A_256 = arith.addi %mul3A_116, %add3A_255 : i32
      %lt3A_257 = arith.constant 62 : i32
      %lt3A_258 = arith.cmpi slt, %add3A_256, %lt3A_257 : i32
      %convert_element_type3A_259 = arith.extui %lt3A_258 : i1 to i32
      %cond3A_260 = arith.constant 0 : i32
      %cond3A_261 = arith.cmpi ne, %convert_element_type3A_259, %cond3A_260 : i32
      scf.if %cond3A_261 {
        %mul3A_262 = arith.constant 32 : i32
        %mul3A_263 = arith.muli %add3A_256, %mul3A_262 : i32
        %add3A_264 = arith.addi %mul3A_263, %add3A : i32
        %min3A_265 = arith.constant 1953 : i32
        %min3A_266 = arith.minsi %add3A_264, %min3A_265 : i32
        %mul3A_267 = arith.constant 512 : i32
        %mul3A_268 = arith.muli %min3A_266, %mul3A_267 : i32
        %min3A_269 = arith.constant 999552 : i32
        %min3A_270 = arith.minsi %mul3A_268, %min3A_269 : i32
        %multiple_of3A_271 = tpu.assume_multiple %min3A_270, 128 : i32
        %dma_start3A = arith.constant 0 : i32
        %dma_start3A_272 = tpu.memref_slice %arg3[%dma_start3A, %multiple_of3A_271] : memref<64x1000000xf32, #tpu.memory_space<hbm>> -> memref<64x512xf32, #tpu.memory_space<hbm>>
        %dma_start3A_273 = arith.constant 0 : i32
        %dma_start3A_274 = tpu.memref_slice %arg3[%dma_start3A_273, %multiple_of3A_271] : memref<64x1000000xf32, #tpu.memory_space<hbm>> -> memref<64x512xf32, #tpu.memory_space<hbm>>
        tpu.enqueue_dma source(%dma_start3A_274 : memref<64x512xf32, #tpu.memory_space<hbm>>) target(%arg11 : memref<64x512xf32, #tpu.memory_space<vmem>>) target_semaphore(%arg15 : memref<!tpu.dma_semaphore, #tpu.memory_space<semaphore_mem>>)
      } else {
      }
      scf.yield %cond3A_254 : vector<16xi32>
    }
    %scan3A_95 = arith.constant 31 : i32
    %reduce_max3A_96 = arith.constant true
    %reduce_max3A_97 = vector.broadcast %reduce_max3A_96 : i1 to vector<16xi1>
    %reduce_max3A_98 = arith.constant -2147483648 : i32
    %reduce_max3A_99 = vector.broadcast %reduce_max3A_98 : i32 to vector<16xi32>
    %reduce_max3A_100 = arith.xori %scan3A_94, %reduce_max3A_99 : vector<16xi32>
    %reduce_max3A_101 = tpu.scan <max>, %reduce_max3A_100 masked %reduce_max3A_97 : vector<16xi32>, vector<16xi1> -> vector<16xi32>
    %reduce_max3A_102 = arith.xori %reduce_max3A_101, %reduce_max3A_99 : vector<16xi32>
    %reduce_max3A_103 = vector.extract %reduce_max3A_102[15] : i32 from vector<16xi32>
    %gt3A = arith.constant 0 : i32
    %gt3A_104 = arith.cmpi sgt, %reduce_max3A_103, %gt3A : i32
    %convert_element_type3A_105 = arith.extui %gt3A_104 : i1 to i32
    %cond3A_106 = arith.constant 0 : i32
    %cond3A_107 = arith.cmpi ne, %convert_element_type3A_105, %cond3A_106 : i32
    scf.if %cond3A_107 {
      %dma_start3A = arith.constant 0 : i32
      %dma_start3A_113 = arith.constant 0 : i32
      %dma_start3A_114 = tpu.memref_slice %arg4[%dma_start3A, %dma_start3A_113] : memref<16400x128xf32, #tpu.memory_space<hbm>> -> memref<16400x128xf32, #tpu.memory_space<hbm>>
      tpu.enqueue_indirect_dma source(%arg12 : memref<112x128xf32, #tpu.memory_space<vmem>>) target(%dma_start3A_114 : memref<16400x128xf32, #tpu.memory_space<hbm>>) offsets(%arg13 : memref<112xi32, #tpu.memory_space<vmem>>) semaphore(%arg16 : memref<!tpu.dma_semaphore, #tpu.memory_space<semaphore_mem>>)
      %dma_wait3A = arith.constant 0 : i32
      %dma_wait3A_115 = arith.constant 0 : i32
      %dma_wait3A_116 = tpu.memref_slice %arg4[%dma_wait3A, %dma_wait3A_115] : memref<16400x128xf32, #tpu.memory_space<hbm>> -> memref<16400x128xf32, #tpu.memory_space<hbm>>
      tpu.wait_indirect_dma semaphore(%arg16 : memref<!tpu.dma_semaphore, #tpu.memory_space<semaphore_mem>>) src(%arg12 : memref<112x128xf32, #tpu.memory_space<vmem>>) dst(%dma_wait3A_116 : memref<16400x128xf32, #tpu.memory_space<hbm>>)
      %swap3A_117 = arith.constant 0 : index
      %swap3A_118 = tpu.vector_load %arg13[%swap3A_117] {strides = array<i32>} : memref<112xi32, #tpu.memory_space<vmem>>, vector<16xi32>,
      tpu.vector_store %arg13[%swap3A_117], %broadcast_in_dim3A_5 {strides = array<i32>} : memref<112xi32, #tpu.memory_space<vmem>>, vector<16xi32>,
      %swap3A_119 = arith.constant 16 : index
      %swap3A_120 = tpu.vector_load %arg13[%swap3A_119] {strides = array<i32>} : memref<112xi32, #tpu.memory_space<vmem>>, vector<16xi32>,
      tpu.vector_store %arg13[%swap3A_119], %broadcast_in_dim3A_5 {strides = array<i32>} : memref<112xi32, #tpu.memory_space<vmem>>, vector<16xi32>,
      %swap3A_121 = arith.constant 32 : index
      %swap3A_122 = tpu.vector_load %arg13[%swap3A_121] {strides = array<i32>} : memref<112xi32, #tpu.memory_space<vmem>>, vector<16xi32>,
      tpu.vector_store %arg13[%swap3A_121], %broadcast_in_dim3A_5 {strides = array<i32>} : memref<112xi32, #tpu.memory_space<vmem>>, vector<16xi32>,
      %swap3A_123 = arith.constant 48 : index
      %swap3A_124 = tpu.vector_load %arg13[%swap3A_123] {strides = array<i32>} : memref<112xi32, #tpu.memory_space<vmem>>, vector<16xi32>,
      tpu.vector_store %arg13[%swap3A_123], %broadcast_in_dim3A_5 {strides = array<i32>} : memref<112xi32, #tpu.memory_space<vmem>>, vector<16xi32>,
      %swap3A_125 = arith.constant 64 : index
      %swap3A_126 = tpu.vector_load %arg13[%swap3A_125] {strides = array<i32>} : memref<112xi32, #tpu.memory_space<vmem>>, vector<16xi32>,
      tpu.vector_store %arg13[%swap3A_125], %broadcast_in_dim3A_5 {strides = array<i32>} : memref<112xi32, #tpu.memory_space<vmem>>, vector<16xi32>,
      %swap3A_127 = arith.constant 80 : index
      %swap3A_128 = tpu.vector_load %arg13[%swap3A_127] {strides = array<i32>} : memref<112xi32, #tpu.memory_space<vmem>>, vector<16xi32>,
      tpu.vector_store %arg13[%swap3A_127], %broadcast_in_dim3A_5 {strides = array<i32>} : memref<112xi32, #tpu.memory_space<vmem>>, vector<16xi32>,
      %swap3A_129 = arith.constant 96 : index
      %swap3A_130 = tpu.vector_load %arg13[%swap3A_129] {strides = array<i32>} : memref<112xi32, #tpu.memory_space<vmem>>, vector<16xi32>,
      tpu.vector_store %arg13[%swap3A_129], %broadcast_in_dim3A_5 {strides = array<i32>} : memref<112xi32, #tpu.memory_space<vmem>>, vector<16xi32>,
    } else {
    }
    %gt3A_108 = arith.constant 0 : i32
    %gt3A_109 = arith.cmpi sgt, %reduce_max3A_75, %gt3A_108 : i32
    %convert_element_type3A_110 = arith.extui %gt3A_109 : i1 to i32
    %cond3A_111 = arith.constant 0 : i32
    %cond3A_112 = arith.cmpi ne, %convert_element_type3A_110, %cond3A_111 : i32
    scf.if %cond3A_112 {
      %add3A_113 = arith.constant 16 : i32
      %add3A_114 = arith.addi %reduce_max3A_75, %add3A_113 : i32
      %sub3A_115 = arith.constant 1 : i32
      %sub3A_116 = arith.subi %add3A_114, %sub3A_115 : i32
      %jit3A_117 = arith.constant 16 : i32
      %div3A_118 = arith.divsi %sub3A_116, %jit3A_117 : i32
      %sign3A_119 = arith.constant 0 : i32
      %sign3A_120 = arith.cmpi sgt, %sub3A_116, %sign3A_119 : i32
      %sign3A_121 = arith.extui %sign3A_120 : i1 to i32
      %sign3A_122 = arith.constant 0 : i32
      %sign3A_123 = arith.cmpi slt, %sub3A_116, %sign3A_122 : i32
      %sign3A_124 = arith.extui %sign3A_123 : i1 to i32
      %sign3A_125 = arith.subi %sign3A_121, %sign3A_124 : i32
      %sign3A_126 = arith.constant 0 : i32
      %sign3A_127 = arith.cmpi sgt, %jit3A_117, %sign3A_126 : i32
      %sign3A_128 = arith.extui %sign3A_127 : i1 to i32
      %sign3A_129 = arith.constant 0 : i32
      %sign3A_130 = arith.cmpi slt, %jit3A_117, %sign3A_129 : i32
      %sign3A_131 = arith.extui %sign3A_130 : i1 to i32
      %sign3A_132 = arith.subi %sign3A_128, %sign3A_131 : i32
      %ne3A_133 = arith.cmpi ne, %sign3A_125, %sign3A_132 : i32
      %rem3A_134 = arith.remsi %sub3A_116, %jit3A_117 : i32
      %ne3A_135 = arith.constant 0 : i32
      %ne3A_136 = arith.cmpi ne, %rem3A_134, %ne3A_135 : i32
      %and3A_137 = arith.andi %ne3A_133, %ne3A_136 : i1
      %sub3A_138 = arith.constant 1 : i32
      %sub3A_139 = arith.subi %div3A_118, %sub3A_138 : i32
      %select_n3A_140 = arith.select %and3A_137, %sub3A_139, %div3A_118 : i32
      %scan3A_141 = arith.constant 0 : i32
      %scan3A_142 = arith.constant 62 : i32
      %scan3A_143 = arith.addi %scan3A_141, %scan3A_142 : i32
      %scan3A_144 = arith.constant 1 : i32
      %scan3A_145 = scf.for %scan3A_160 = %scan3A_141 to %scan3A_143 step %scan3A_144 iter_args(%scan3A_161 = %broadcast_in_dim3A_3) -> (vector<16xi32>)  : i32 {
        %mul3A_162 = arith.constant 32 : i32
        %mul3A_163 = arith.muli %scan3A_160, %mul3A_162 : i32
        %add3A_164 = arith.addi %mul3A_163, %add3A : i32
        %min3A = arith.constant 1953 : i32
        %min3A_165 = arith.minsi %add3A_164, %min3A : i32
        %mul3A_166 = arith.constant 512 : i32
        %mul3A_167 = arith.muli %min3A_165, %mul3A_166 : i32
        %min3A_168 = arith.constant 999552 : i32
        %min3A_169 = arith.minsi %mul3A_167, %min3A_168 : i32
        %multiple_of3A = tpu.assume_multiple %min3A_169, 128 : i32
        %dma_start3A = arith.constant 0 : i32
        %dma_start3A_170 = tpu.memref_slice %arg3[%dma_start3A, %multiple_of3A] : memref<64x1000000xf32, #tpu.memory_space<hbm>> -> memref<64x512xf32, #tpu.memory_space<hbm>>
        %dma_start3A_171 = arith.constant 0 : i32
        %dma_start3A_172 = tpu.memref_slice %arg3[%dma_start3A_171, %multiple_of3A] : memref<64x1000000xf32, #tpu.memory_space<hbm>> -> memref<64x512xf32, #tpu.memory_space<hbm>>
        tpu.enqueue_dma source(%dma_start3A_172 : memref<64x512xf32, #tpu.memory_space<hbm>>) target(%arg10 : memref<64x512xf32, #tpu.memory_space<vmem>>) target_semaphore(%arg14 : memref<!tpu.dma_semaphore, #tpu.memory_space<semaphore_mem>>)
        %dma_wait3A = arith.constant 0 : i32
        %dma_wait3A_173 = tpu.memref_slice %arg3[%dma_wait3A, %multiple_of3A] : memref<64x1000000xf32, #tpu.memory_space<hbm>> -> memref<64x512xf32, #tpu.memory_space<hbm>>
        %dma_wait3A_174 = arith.constant 0 : i32
        %dma_wait3A_175 = tpu.memref_slice %arg3[%dma_wait3A_174, %multiple_of3A] : memref<64x1000000xf32, #tpu.memory_space<hbm>> -> memref<64x512xf32, #tpu.memory_space<hbm>>
        tpu.wait_dma2 semaphore(%arg14 : memref<!tpu.dma_semaphore, #tpu.memory_space<semaphore_mem>>) src(%dma_wait3A_175 : memref<64x512xf32, #tpu.memory_space<hbm>>) dst(%arg10 : memref<64x512xf32, #tpu.memory_space<vmem>>)
        %mul3A_176 = vector.broadcast %multiple_of3A : i32 to vector<16xi32>
        %mul3A_177 = arith.muli %broadcast_in_dim3A_1, %mul3A_176 : vector<16xi32>
        %while3A_178 = arith.constant 0 : i32
        %while3A_179 = arith.subi %select_n3A_140, %while3A_178 : i32
        %while3A_180 = arith.addi %while3A_178, %while3A_179 : i32
        %while3A_181 = arith.constant 1 : i32
        %while3A_182 = arith.divsi %while3A_179, %while3A_181 : i32
        %while3A_183 = arith.muli %while3A_182, %while3A_181 : i32
        %while3A_184 = arith.addi %while3A_178, %while3A_183 : i32
        %while3A_185 = arith.constant 1 : i32
        %while3A_186 = scf.for %while3A_189 = %while3A_178 to %while3A_184 step %while3A_185 iter_args(%while3A_190 = %scan3A_161) -> (vector<16xi32>)  : i32 {
          %mul3A_191 = arith.constant 16 : i32
          %mul3A_192 = arith.muli %while3A_189, %mul3A_191 : i32
          %add3A_193 = vector.broadcast %mul3A_192 : i32 to vector<16xi32>
          %add3A_194 = arith.addi %add3A_193, %iota3A : vector<16xi32>
          %lt3A_195 = arith.cmpi slt, %add3A_194, %while3A_67 : vector<16xi32>
          %mul3A_196 = arith.constant 16 : i32
          %mul3A_197 = arith.muli %while3A_189, %mul3A_196 : i32
          %get3A = arith.index_cast %mul3A_197 : i32 to index
          %get3A_198 = tpu.vector_load %arg7[%get3A] {strides = array<i32>} : memref<16384xi32, #tpu.memory_space<vmem>>, vector<16xi32>,
          %gather3A = tpu.vector_load_idx %arg5[%get3A_198] masked %lt3A_195 : memref<16384xi32, #tpu.memory_space<vmem>>[vector<16xi32>], vector<16xi32>, vector<16xi1>
          %ge3A = arith.cmpi sge, %gather3A, %mul3A_177 : vector<16xi32>
          %and3A_199 = arith.andi %lt3A_195, %ge3A : vector<16xi1>
          %add3A_200 = arith.constant 512 : i32
          %add3A_201 = vector.broadcast %add3A_200 : i32 to vector<16xi32>
          %add3A_202 = arith.addi %mul3A_177, %add3A_201 : vector<16xi32>
          %lt3A_203 = arith.cmpi slt, %gather3A, %add3A_202 : vector<16xi32>
          %and3A_204 = arith.andi %and3A_199, %lt3A_203 : vector<16xi1>
          %convert_element_type3A_205 = arith.extui %and3A_204 : vector<16xi1> to vector<16xi32>
          %broadcast_in_dim3A_206 = arith.constant true
          %broadcast_in_dim3A_207 = vector.broadcast %broadcast_in_dim3A_206 : i1 to vector<16xi1>
          %masked_cumsum3A = tpu.scan <sum>, %convert_element_type3A_205 masked %broadcast_in_dim3A_207 : vector<16xi32>, vector<16xi1> -> vector<16xi32>
          %add3A_208 = arith.addi %while3A_190, %masked_cumsum3A : vector<16xi32>
          %sub3A_209 = arith.subi %add3A_208, %convert_element_type3A_205 : vector<16xi32>
          %sub3A_210 = arith.subi %gather3A, %mul3A_177 : vector<16xi32>
          %select_n3A_211 = arith.select %and3A_204, %sub3A_210, %broadcast_in_dim3A_3 : vector<16xi1>, vector<16xi32>
          %mul3A_212 = arith.constant 0 : i32
          %mul3A_213 = vector.broadcast %mul3A_212 : i32 to vector<16xi32>
          %mul3A_214 = arith.muli %broadcast_in_dim3A_1, %mul3A_213 : vector<16xi32>
          %gather3A_215 = tpu.vector_load_idx %arg10[%mul3A_214, %select_n3A_211] masked %and3A_204 : memref<64x512xf32, #tpu.memory_space<vmem>>[vector<16xi32>, vector<16xi32>], vector<16xf32>, vector<16xi1>
          tpu.vector_store_idx %arg12[%sub3A_209, %mul3A_214], %gather3A_215 masked %and3A_204 : memref<112x128xf32, #tpu.memory_space<vmem>>[vector<16xi32>, vector<16xi32>], vector<16xf32>, vector<16xi1>
          %mul3A_216 = arith.constant 1 : i32
          %mul3A_217 = vector.broadcast %mul3A_216 : i32 to vector<16xi32>
          %mul3A_218 = arith.muli %broadcast_in_dim3A_1, %mul3A_217 : vector<16xi32>
          %gather3A_219 = tpu.vector_load_idx %arg10[%mul3A_218, %select_n3A_211] masked %and3A_204 : memref<64x512xf32, #tpu.memory_space<vmem>>[vector<16xi32>, vector<16xi32>], vector<16xf32>, vector<16xi1>
          tpu.vector_store_idx %arg12[%sub3A_209, %mul3A_218], %gather3A_219 masked %and3A_204 : memref<112x128xf32, #tpu.memory_space<vmem>>[vector<16xi32>, vector<16xi32>], vector<16xf32>, vector<16xi1>
          %mul3A_220 = arith.constant 2 : i32
          %mul3A_221 = vector.broadcast %mul3A_220 : i32 to vector<16xi32>
          %mul3A_222 = arith.muli %broadcast_in_dim3A_1, %mul3A_221 : vector<16xi32>
          %gather3A_223 = tpu.vector_load_idx %arg10[%mul3A_222, %select_n3A_211] masked %and3A_204 : memref<64x512xf32, #tpu.memory_space<vmem>>[vector<16xi32>, vector<16xi32>], vector<16xf32>, vector<16xi1>
          tpu.vector_store_idx %arg12[%sub3A_209, %mul3A_222], %gather3A_223 masked %and3A_204 : memref<112x128xf32, #tpu.memory_space<vmem>>[vector<16xi32>, vector<16xi32>], vector<16xf32>, vector<16xi1>
          %mul3A_224 = arith.constant 3 : i32
          %mul3A_225 = vector.broadcast %mul3A_224 : i32 to vector<16xi32>
          %mul3A_226 = arith.muli %broadcast_in_dim3A_1, %mul3A_225 : vector<16xi32>
          %gather3A_227 = tpu.vector_load_idx %arg10[%mul3A_226, %select_n3A_211] masked %and3A_204 : memref<64x512xf32, #tpu.memory_space<vmem>>[vector<16xi32>, vector<16xi32>], vector<16xf32>, vector<16xi1>
          tpu.vector_store_idx %arg12[%sub3A_209, %mul3A_226], %gather3A_227 masked %and3A_204 : memref<112x128xf32, #tpu.memory_space<vmem>>[vector<16xi32>, vector<16xi32>], vector<16xf32>, vector<16xi1>
          %mul3A_228 = arith.constant 4 : i32
          %mul3A_229 = vector.broadcast %mul3A_228 : i32 to vector<16xi32>
          %mul3A_230 = arith.muli %broadcast_in_dim3A_1, %mul3A_229 : vector<16xi32>
          %gather3A_231 = tpu.vector_load_idx %arg10[%mul3A_230, %select_n3A_211] masked %and3A_204 : memref<64x512xf32, #tpu.memory_space<vmem>>[vector<16xi32>, vector<16xi32>], vector<16xf32>, vector<16xi1>
          tpu.vector_store_idx %arg12[%sub3A_209, %mul3A_230], %gather3A_231 masked %and3A_204 : memref<112x128xf32, #tpu.memory_space<vmem>>[vector<16xi32>, vector<16xi32>], vector<16xf32>, vector<16xi1>
          %mul3A_232 = arith.constant 5 : i32
          %mul3A_233 = vector.broadcast %mul3A_232 : i32 to vector<16xi32>
          %mul3A_234 = arith.muli %broadcast_in_dim3A_1, %mul3A_233 : vector<16xi32>
          %gather3A_235 = tpu.vector_load_idx %arg10[%mul3A_234, %select_n3A_211] masked %and3A_204 : memref<64x512xf32, #tpu.memory_space<vmem>>[vector<16xi32>, vector<16xi32>], vector<16xf32>, vector<16xi1>
          tpu.vector_store_idx %arg12[%sub3A_209, %mul3A_234], %gather3A_235 masked %and3A_204 : memref<112x128xf32, #tpu.memory_space<vmem>>[vector<16xi32>, vector<16xi32>], vector<16xf32>, vector<16xi1>
          %mul3A_236 = arith.constant 6 : i32
          %mul3A_237 = vector.broadcast %mul3A_236 : i32 to vector<16xi32>
          %mul3A_238 = arith.muli %broadcast_in_dim3A_1, %mul3A_237 : vector<16xi32>
          %gather3A_239 = tpu.vector_load_idx %arg10[%mul3A_238, %select_n3A_211] masked %and3A_204 : memref<64x512xf32, #tpu.memory_space<vmem>>[vector<16xi32>, vector<16xi32>], vector<16xf32>, vector<16xi1>
          tpu.vector_store_idx %arg12[%sub3A_209, %mul3A_238], %gather3A_239 masked %and3A_204 : memref<112x128xf32, #tpu.memory_space<vmem>>[vector<16xi32>, vector<16xi32>], vector<16xf32>, vector<16xi1>
          %mul3A_240 = arith.constant 7 : i32
          %mul3A_241 = vector.broadcast %mul3A_240 : i32 to vector<16xi32>
          %mul3A_242 = arith.muli %broadcast_in_dim3A_1, %mul3A_241 : vector<16xi32>
          %gather3A_243 = tpu.vector_load_idx %arg10[%mul3A_242, %select_n3A_211] masked %and3A_204 : memref<64x512xf32, #tpu.memory_space<vmem>>[vector<16xi32>, vector<16xi32>], vector<16xf32>, vector<16xi1>
          tpu.vector_store_idx %arg12[%sub3A_209, %mul3A_242], %gather3A_243 masked %and3A_204 : memref<112x128xf32, #tpu.memory_space<vmem>>[vector<16xi32>, vector<16xi32>], vector<16xf32>, vector<16xi1>
          %mul3A_244 = arith.constant 8 : i32
          %mul3A_245 = vector.broadcast %mul3A_244 : i32 to vector<16xi32>
          %mul3A_246 = arith.muli %broadcast_in_dim3A_1, %mul3A_245 : vector<16xi32>
          %gather3A_247 = tpu.vector_load_idx %arg10[%mul3A_246, %select_n3A_211] masked %and3A_204 : memref<64x512xf32, #tpu.memory_space<vmem>>[vector<16xi32>, vector<16xi32>], vector<16xf32>, vector<16xi1>
          tpu.vector_store_idx %arg12[%sub3A_209, %mul3A_246], %gather3A_247 masked %and3A_204 : memref<112x128xf32, #tpu.memory_space<vmem>>[vector<16xi32>, vector<16xi32>], vector<16xf32>, vector<16xi1>
          %mul3A_248 = arith.constant 9 : i32
          %mul3A_249 = vector.broadcast %mul3A_248 : i32 to vector<16xi32>
          %mul3A_250 = arith.muli %broadcast_in_dim3A_1, %mul3A_249 : vector<16xi32>
          %gather3A_251 = tpu.vector_load_idx %arg10[%mul3A_250, %select_n3A_211] masked %and3A_204 : memref<64x512xf32, #tpu.memory_space<vmem>>[vector<16xi32>, vector<16xi32>], vector<16xf32>, vector<16xi1>
          tpu.vector_store_idx %arg12[%sub3A_209, %mul3A_250], %gather3A_251 masked %and3A_204 : memref<112x128xf32, #tpu.memory_space<vmem>>[vector<16xi32>, vector<16xi32>], vector<16xf32>, vector<16xi1>
          %mul3A_252 = arith.constant 10 : i32
          %mul3A_253 = vector.broadcast %mul3A_252 : i32 to vector<16xi32>
          %mul3A_254 = arith.muli %broadcast_in_dim3A_1, %mul3A_253 : vector<16xi32>
          %gather3A_255 = tpu.vector_load_idx %arg10[%mul3A_254, %select_n3A_211] masked %and3A_204 : memref<64x512xf32, #tpu.memory_space<vmem>>[vector<16xi32>, vector<16xi32>], vector<16xf32>, vector<16xi1>
          tpu.vector_store_idx %arg12[%sub3A_209, %mul3A_254], %gather3A_255 masked %and3A_204 : memref<112x128xf32, #tpu.memory_space<vmem>>[vector<16xi32>, vector<16xi32>], vector<16xf32>, vector<16xi1>
          %mul3A_256 = arith.constant 11 : i32
          %mul3A_257 = vector.broadcast %mul3A_256 : i32 to vector<16xi32>
          %mul3A_258 = arith.muli %broadcast_in_dim3A_1, %mul3A_257 : vector<16xi32>
          %gather3A_259 = tpu.vector_load_idx %arg10[%mul3A_258, %select_n3A_211] masked %and3A_204 : memref<64x512xf32, #tpu.memory_space<vmem>>[vector<16xi32>, vector<16xi32>], vector<16xf32>, vector<16xi1>
          tpu.vector_store_idx %arg12[%sub3A_209, %mul3A_258], %gather3A_259 masked %and3A_204 : memref<112x128xf32, #tpu.memory_space<vmem>>[vector<16xi32>, vector<16xi32>], vector<16xf32>, vector<16xi1>
          %mul3A_260 = arith.constant 12 : i32
          %mul3A_261 = vector.broadcast %mul3A_260 : i32 to vector<16xi32>
          %mul3A_262 = arith.muli %broadcast_in_dim3A_1, %mul3A_261 : vector<16xi32>
          %gather3A_263 = tpu.vector_load_idx %arg10[%mul3A_262, %select_n3A_211] masked %and3A_204 : memref<64x512xf32, #tpu.memory_space<vmem>>[vector<16xi32>, vector<16xi32>], vector<16xf32>, vector<16xi1>
          tpu.vector_store_idx %arg12[%sub3A_209, %mul3A_262], %gather3A_263 masked %and3A_204 : memref<112x128xf32, #tpu.memory_space<vmem>>[vector<16xi32>, vector<16xi32>], vector<16xf32>, vector<16xi1>
          %mul3A_264 = arith.constant 13 : i32
          %mul3A_265 = vector.broadcast %mul3A_264 : i32 to vector<16xi32>
          %mul3A_266 = arith.muli %broadcast_in_dim3A_1, %mul3A_265 : vector<16xi32>
          %gather3A_267 = tpu.vector_load_idx %arg10[%mul3A_266, %select_n3A_211] masked %and3A_204 : memref<64x512xf32, #tpu.memory_space<vmem>>[vector<16xi32>, vector<16xi32>], vector<16xf32>, vector<16xi1>
          tpu.vector_store_idx %arg12[%sub3A_209, %mul3A_266], %gather3A_267 masked %and3A_204 : memref<112x128xf32, #tpu.memory_space<vmem>>[vector<16xi32>, vector<16xi32>], vector<16xf32>, vector<16xi1>
          %mul3A_268 = arith.constant 14 : i32
          %mul3A_269 = vector.broadcast %mul3A_268 : i32 to vector<16xi32>
          %mul3A_270 = arith.muli %broadcast_in_dim3A_1, %mul3A_269 : vector<16xi32>
          %gather3A_271 = tpu.vector_load_idx %arg10[%mul3A_270, %select_n3A_211] masked %and3A_204 : memref<64x512xf32, #tpu.memory_space<vmem>>[vector<16xi32>, vector<16xi32>], vector<16xf32>, vector<16xi1>
          tpu.vector_store_idx %arg12[%sub3A_209, %mul3A_270], %gather3A_271 masked %and3A_204 : memref<112x128xf32, #tpu.memory_space<vmem>>[vector<16xi32>, vector<16xi32>], vector<16xf32>, vector<16xi1>
          %mul3A_272 = arith.constant 15 : i32
          %mul3A_273 = vector.broadcast %mul3A_272 : i32 to vector<16xi32>
          %mul3A_274 = arith.muli %broadcast_in_dim3A_1, %mul3A_273 : vector<16xi32>
          %gather3A_275 = tpu.vector_load_idx %arg10[%mul3A_274, %select_n3A_211] masked %and3A_204 : memref<64x512xf32, #tpu.memory_space<vmem>>[vector<16xi32>, vector<16xi32>], vector<16xf32>, vector<16xi1>
          tpu.vector_store_idx %arg12[%sub3A_209, %mul3A_274], %gather3A_275 masked %and3A_204 : memref<112x128xf32, #tpu.memory_space<vmem>>[vector<16xi32>, vector<16xi32>], vector<16xf32>, vector<16xi1>
          %mul3A_276 = arith.constant 16 : i32
          %mul3A_277 = vector.broadcast %mul3A_276 : i32 to vector<16xi32>
          %mul3A_278 = arith.muli %broadcast_in_dim3A_1, %mul3A_277 : vector<16xi32>
          %gather3A_279 = tpu.vector_load_idx %arg10[%mul3A_278, %select_n3A_211] masked %and3A_204 : memref<64x512xf32, #tpu.memory_space<vmem>>[vector<16xi32>, vector<16xi32>], vector<16xf32>, vector<16xi1>
          tpu.vector_store_idx %arg12[%sub3A_209, %mul3A_278], %gather3A_279 masked %and3A_204 : memref<112x128xf32, #tpu.memory_space<vmem>>[vector<16xi32>, vector<16xi32>], vector<16xf32>, vector<16xi1>
          %mul3A_280 = arith.constant 17 : i32
          %mul3A_281 = vector.broadcast %mul3A_280 : i32 to vector<16xi32>
          %mul3A_282 = arith.muli %broadcast_in_dim3A_1, %mul3A_281 : vector<16xi32>
          %gather3A_283 = tpu.vector_load_idx %arg10[%mul3A_282, %select_n3A_211] masked %and3A_204 : memref<64x512xf32, #tpu.memory_space<vmem>>[vector<16xi32>, vector<16xi32>], vector<16xf32>, vector<16xi1>
          tpu.vector_store_idx %arg12[%sub3A_209, %mul3A_282], %gather3A_283 masked %and3A_204 : memref<112x128xf32, #tpu.memory_space<vmem>>[vector<16xi32>, vector<16xi32>], vector<16xf32>, vector<16xi1>
          %mul3A_284 = arith.constant 18 : i32
          %mul3A_285 = vector.broadcast %mul3A_284 : i32 to vector<16xi32>
          %mul3A_286 = arith.muli %broadcast_in_dim3A_1, %mul3A_285 : vector<16xi32>
          %gather3A_287 = tpu.vector_load_idx %arg10[%mul3A_286, %select_n3A_211] masked %and3A_204 : memref<64x512xf32, #tpu.memory_space<vmem>>[vector<16xi32>, vector<16xi32>], vector<16xf32>, vector<16xi1>
          tpu.vector_store_idx %arg12[%sub3A_209, %mul3A_286], %gather3A_287 masked %and3A_204 : memref<112x128xf32, #tpu.memory_space<vmem>>[vector<16xi32>, vector<16xi32>], vector<16xf32>, vector<16xi1>
          %mul3A_288 = arith.constant 19 : i32
          %mul3A_289 = vector.broadcast %mul3A_288 : i32 to vector<16xi32>
          %mul3A_290 = arith.muli %broadcast_in_dim3A_1, %mul3A_289 : vector<16xi32>
          %gather3A_291 = tpu.vector_load_idx %arg10[%mul3A_290, %select_n3A_211] masked %and3A_204 : memref<64x512xf32, #tpu.memory_space<vmem>>[vector<16xi32>, vector<16xi32>], vector<16xf32>, vector<16xi1>
          tpu.vector_store_idx %arg12[%sub3A_209, %mul3A_290], %gather3A_291 masked %and3A_204 : memref<112x128xf32, #tpu.memory_space<vmem>>[vector<16xi32>, vector<16xi32>], vector<16xf32>, vector<16xi1>
          %mul3A_292 = arith.constant 20 : i32
          %mul3A_293 = vector.broadcast %mul3A_292 : i32 to vector<16xi32>
          %mul3A_294 = arith.muli %broadcast_in_dim3A_1, %mul3A_293 : vector<16xi32>
          %gather3A_295 = tpu.vector_load_idx %arg10[%mul3A_294, %select_n3A_211] masked %and3A_204 : memref<64x512xf32, #tpu.memory_space<vmem>>[vector<16xi32>, vector<16xi32>], vector<16xf32>, vector<16xi1>
          tpu.vector_store_idx %arg12[%sub3A_209, %mul3A_294], %gather3A_295 masked %and3A_204 : memref<112x128xf32, #tpu.memory_space<vmem>>[vector<16xi32>, vector<16xi32>], vector<16xf32>, vector<16xi1>
          %mul3A_296 = arith.constant 21 : i32
          %mul3A_297 = vector.broadcast %mul3A_296 : i32 to vector<16xi32>
          %mul3A_298 = arith.muli %broadcast_in_dim3A_1, %mul3A_297 : vector<16xi32>
          %gather3A_299 = tpu.vector_load_idx %arg10[%mul3A_298, %select_n3A_211] masked %and3A_204 : memref<64x512xf32, #tpu.memory_space<vmem>>[vector<16xi32>, vector<16xi32>], vector<16xf32>, vector<16xi1>
          tpu.vector_store_idx %arg12[%sub3A_209, %mul3A_298], %gather3A_299 masked %and3A_204 : memref<112x128xf32, #tpu.memory_space<vmem>>[vector<16xi32>, vector<16xi32>], vector<16xf32>, vector<16xi1>
          %mul3A_300 = arith.constant 22 : i32
          %mul3A_301 = vector.broadcast %mul3A_300 : i32 to vector<16xi32>
          %mul3A_302 = arith.muli %broadcast_in_dim3A_1, %mul3A_301 : vector<16xi32>
          %gather3A_303 = tpu.vector_load_idx %arg10[%mul3A_302, %select_n3A_211] masked %and3A_204 : memref<64x512xf32, #tpu.memory_space<vmem>>[vector<16xi32>, vector<16xi32>], vector<16xf32>, vector<16xi1>
          tpu.vector_store_idx %arg12[%sub3A_209, %mul3A_302], %gather3A_303 masked %and3A_204 : memref<112x128xf32, #tpu.memory_space<vmem>>[vector<16xi32>, vector<16xi32>], vector<16xf32>, vector<16xi1>
          %mul3A_304 = arith.constant 23 : i32
          %mul3A_305 = vector.broadcast %mul3A_304 : i32 to vector<16xi32>
          %mul3A_306 = arith.muli %broadcast_in_dim3A_1, %mul3A_305 : vector<16xi32>
          %gather3A_307 = tpu.vector_load_idx %arg10[%mul3A_306, %select_n3A_211] masked %and3A_204 : memref<64x512xf32, #tpu.memory_space<vmem>>[vector<16xi32>, vector<16xi32>], vector<16xf32>, vector<16xi1>
          tpu.vector_store_idx %arg12[%sub3A_209, %mul3A_306], %gather3A_307 masked %and3A_204 : memref<112x128xf32, #tpu.memory_space<vmem>>[vector<16xi32>, vector<16xi32>], vector<16xf32>, vector<16xi1>
          %mul3A_308 = arith.constant 24 : i32
          %mul3A_309 = vector.broadcast %mul3A_308 : i32 to vector<16xi32>
          %mul3A_310 = arith.muli %broadcast_in_dim3A_1, %mul3A_309 : vector<16xi32>
          %gather3A_311 = tpu.vector_load_idx %arg10[%mul3A_310, %select_n3A_211] masked %and3A_204 : memref<64x512xf32, #tpu.memory_space<vmem>>[vector<16xi32>, vector<16xi32>], vector<16xf32>, vector<16xi1>
          tpu.vector_store_idx %arg12[%sub3A_209, %mul3A_310], %gather3A_311 masked %and3A_204 : memref<112x128xf32, #tpu.memory_space<vmem>>[vector<16xi32>, vector<16xi32>], vector<16xf32>, vector<16xi1>
          %mul3A_312 = arith.constant 25 : i32
          %mul3A_313 = vector.broadcast %mul3A_312 : i32 to vector<16xi32>
          %mul3A_314 = arith.muli %broadcast_in_dim3A_1, %mul3A_313 : vector<16xi32>
          %gather3A_315 = tpu.vector_load_idx %arg10[%mul3A_314, %select_n3A_211] masked %and3A_204 : memref<64x512xf32, #tpu.memory_space<vmem>>[vector<16xi32>, vector<16xi32>], vector<16xf32>, vector<16xi1>
          tpu.vector_store_idx %arg12[%sub3A_209, %mul3A_314], %gather3A_315 masked %and3A_204 : memref<112x128xf32, #tpu.memory_space<vmem>>[vector<16xi32>, vector<16xi32>], vector<16xf32>, vector<16xi1>
          %mul3A_316 = arith.constant 26 : i32
          %mul3A_317 = vector.broadcast %mul3A_316 : i32 to vector<16xi32>
          %mul3A_318 = arith.muli %broadcast_in_dim3A_1, %mul3A_317 : vector<16xi32>
          %gather3A_319 = tpu.vector_load_idx %arg10[%mul3A_318, %select_n3A_211] masked %and3A_204 : memref<64x512xf32, #tpu.memory_space<vmem>>[vector<16xi32>, vector<16xi32>], vector<16xf32>, vector<16xi1>
          tpu.vector_store_idx %arg12[%sub3A_209, %mul3A_318], %gather3A_319 masked %and3A_204 : memref<112x128xf32, #tpu.memory_space<vmem>>[vector<16xi32>, vector<16xi32>], vector<16xf32>, vector<16xi1>
          %mul3A_320 = arith.constant 27 : i32
          %mul3A_321 = vector.broadcast %mul3A_320 : i32 to vector<16xi32>
          %mul3A_322 = arith.muli %broadcast_in_dim3A_1, %mul3A_321 : vector<16xi32>
          %gather3A_323 = tpu.vector_load_idx %arg10[%mul3A_322, %select_n3A_211] masked %and3A_204 : memref<64x512xf32, #tpu.memory_space<vmem>>[vector<16xi32>, vector<16xi32>], vector<16xf32>, vector<16xi1>
          tpu.vector_store_idx %arg12[%sub3A_209, %mul3A_322], %gather3A_323 masked %and3A_204 : memref<112x128xf32, #tpu.memory_space<vmem>>[vector<16xi32>, vector<16xi32>], vector<16xf32>, vector<16xi1>
          %mul3A_324 = arith.constant 28 : i32
          %mul3A_325 = vector.broadcast %mul3A_324 : i32 to vector<16xi32>
          %mul3A_326 = arith.muli %broadcast_in_dim3A_1, %mul3A_325 : vector<16xi32>
          %gather3A_327 = tpu.vector_load_idx %arg10[%mul3A_326, %select_n3A_211] masked %and3A_204 : memref<64x512xf32, #tpu.memory_space<vmem>>[vector<16xi32>, vector<16xi32>], vector<16xf32>, vector<16xi1>
          tpu.vector_store_idx %arg12[%sub3A_209, %mul3A_326], %gather3A_327 masked %and3A_204 : memref<112x128xf32, #tpu.memory_space<vmem>>[vector<16xi32>, vector<16xi32>], vector<16xf32>, vector<16xi1>
          %mul3A_328 = arith.constant 29 : i32
          %mul3A_329 = vector.broadcast %mul3A_328 : i32 to vector<16xi32>
          %mul3A_330 = arith.muli %broadcast_in_dim3A_1, %mul3A_329 : vector<16xi32>
          %gather3A_331 = tpu.vector_load_idx %arg10[%mul3A_330, %select_n3A_211] masked %and3A_204 : memref<64x512xf32, #tpu.memory_space<vmem>>[vector<16xi32>, vector<16xi32>], vector<16xf32>, vector<16xi1>
          tpu.vector_store_idx %arg12[%sub3A_209, %mul3A_330], %gather3A_331 masked %and3A_204 : memref<112x128xf32, #tpu.memory_space<vmem>>[vector<16xi32>, vector<16xi32>], vector<16xf32>, vector<16xi1>
          %mul3A_332 = arith.constant 30 : i32
          %mul3A_333 = vector.broadcast %mul3A_332 : i32 to vector<16xi32>
          %mul3A_334 = arith.muli %broadcast_in_dim3A_1, %mul3A_333 : vector<16xi32>
          %gather3A_335 = tpu.vector_load_idx %arg10[%mul3A_334, %select_n3A_211] masked %and3A_204 : memref<64x512xf32, #tpu.memory_space<vmem>>[vector<16xi32>, vector<16xi32>], vector<16xf32>, vector<16xi1>
          tpu.vector_store_idx %arg12[%sub3A_209, %mul3A_334], %gather3A_335 masked %and3A_204 : memref<112x128xf32, #tpu.memory_space<vmem>>[vector<16xi32>, vector<16xi32>], vector<16xf32>, vector<16xi1>
          %mul3A_336 = arith.constant 31 : i32
          %mul3A_337 = vector.broadcast %mul3A_336 : i32 to vector<16xi32>
          %mul3A_338 = arith.muli %broadcast_in_dim3A_1, %mul3A_337 : vector<16xi32>
          %gather3A_339 = tpu.vector_load_idx %arg10[%mul3A_338, %select_n3A_211] masked %and3A_204 : memref<64x512xf32, #tpu.memory_space<vmem>>[vector<16xi32>, vector<16xi32>], vector<16xf32>, vector<16xi1>
          tpu.vector_store_idx %arg12[%sub3A_209, %mul3A_338], %gather3A_339 masked %and3A_204 : memref<112x128xf32, #tpu.memory_space<vmem>>[vector<16xi32>, vector<16xi32>], vector<16xf32>, vector<16xi1>
          %mul3A_340 = arith.constant 32 : i32
          %mul3A_341 = vector.broadcast %mul3A_340 : i32 to vector<16xi32>
          %mul3A_342 = arith.muli %broadcast_in_dim3A_1, %mul3A_341 : vector<16xi32>
          %gather3A_343 = tpu.vector_load_idx %arg10[%mul3A_342, %select_n3A_211] masked %and3A_204 : memref<64x512xf32, #tpu.memory_space<vmem>>[vector<16xi32>, vector<16xi32>], vector<16xf32>, vector<16xi1>
          tpu.vector_store_idx %arg12[%sub3A_209, %mul3A_342], %gather3A_343 masked %and3A_204 : memref<112x128xf32, #tpu.memory_space<vmem>>[vector<16xi32>, vector<16xi32>], vector<16xf32>, vector<16xi1>
          %mul3A_344 = arith.constant 33 : i32
          %mul3A_345 = vector.broadcast %mul3A_344 : i32 to vector<16xi32>
          %mul3A_346 = arith.muli %broadcast_in_dim3A_1, %mul3A_345 : vector<16xi32>
          %gather3A_347 = tpu.vector_load_idx %arg10[%mul3A_346, %select_n3A_211] masked %and3A_204 : memref<64x512xf32, #tpu.memory_space<vmem>>[vector<16xi32>, vector<16xi32>], vector<16xf32>, vector<16xi1>
          tpu.vector_store_idx %arg12[%sub3A_209, %mul3A_346], %gather3A_347 masked %and3A_204 : memref<112x128xf32, #tpu.memory_space<vmem>>[vector<16xi32>, vector<16xi32>], vector<16xf32>, vector<16xi1>
          %mul3A_348 = arith.constant 34 : i32
          %mul3A_349 = vector.broadcast %mul3A_348 : i32 to vector<16xi32>
          %mul3A_350 = arith.muli %broadcast_in_dim3A_1, %mul3A_349 : vector<16xi32>
          %gather3A_351 = tpu.vector_load_idx %arg10[%mul3A_350, %select_n3A_211] masked %and3A_204 : memref<64x512xf32, #tpu.memory_space<vmem>>[vector<16xi32>, vector<16xi32>], vector<16xf32>, vector<16xi1>
          tpu.vector_store_idx %arg12[%sub3A_209, %mul3A_350], %gather3A_351 masked %and3A_204 : memref<112x128xf32, #tpu.memory_space<vmem>>[vector<16xi32>, vector<16xi32>], vector<16xf32>, vector<16xi1>
          %mul3A_352 = arith.constant 35 : i32
          %mul3A_353 = vector.broadcast %mul3A_352 : i32 to vector<16xi32>
          %mul3A_354 = arith.muli %broadcast_in_dim3A_1, %mul3A_353 : vector<16xi32>
          %gather3A_355 = tpu.vector_load_idx %arg10[%mul3A_354, %select_n3A_211] masked %and3A_204 : memref<64x512xf32, #tpu.memory_space<vmem>>[vector<16xi32>, vector<16xi32>], vector<16xf32>, vector<16xi1>
          tpu.vector_store_idx %arg12[%sub3A_209, %mul3A_354], %gather3A_355 masked %and3A_204 : memref<112x128xf32, #tpu.memory_space<vmem>>[vector<16xi32>, vector<16xi32>], vector<16xf32>, vector<16xi1>
          %mul3A_356 = arith.constant 36 : i32
          %mul3A_357 = vector.broadcast %mul3A_356 : i32 to vector<16xi32>
          %mul3A_358 = arith.muli %broadcast_in_dim3A_1, %mul3A_357 : vector<16xi32>
          %gather3A_359 = tpu.vector_load_idx %arg10[%mul3A_358, %select_n3A_211] masked %and3A_204 : memref<64x512xf32, #tpu.memory_space<vmem>>[vector<16xi32>, vector<16xi32>], vector<16xf32>, vector<16xi1>
          tpu.vector_store_idx %arg12[%sub3A_209, %mul3A_358], %gather3A_359 masked %and3A_204 : memref<112x128xf32, #tpu.memory_space<vmem>>[vector<16xi32>, vector<16xi32>], vector<16xf32>, vector<16xi1>
          %mul3A_360 = arith.constant 37 : i32
          %mul3A_361 = vector.broadcast %mul3A_360 : i32 to vector<16xi32>
          %mul3A_362 = arith.muli %broadcast_in_dim3A_1, %mul3A_361 : vector<16xi32>
          %gather3A_363 = tpu.vector_load_idx %arg10[%mul3A_362, %select_n3A_211] masked %and3A_204 : memref<64x512xf32, #tpu.memory_space<vmem>>[vector<16xi32>, vector<16xi32>], vector<16xf32>, vector<16xi1>
          tpu.vector_store_idx %arg12[%sub3A_209, %mul3A_362], %gather3A_363 masked %and3A_204 : memref<112x128xf32, #tpu.memory_space<vmem>>[vector<16xi32>, vector<16xi32>], vector<16xf32>, vector<16xi1>
          %mul3A_364 = arith.constant 38 : i32
          %mul3A_365 = vector.broadcast %mul3A_364 : i32 to vector<16xi32>
          %mul3A_366 = arith.muli %broadcast_in_dim3A_1, %mul3A_365 : vector<16xi32>
          %gather3A_367 = tpu.vector_load_idx %arg10[%mul3A_366, %select_n3A_211] masked %and3A_204 : memref<64x512xf32, #tpu.memory_space<vmem>>[vector<16xi32>, vector<16xi32>], vector<16xf32>, vector<16xi1>
          tpu.vector_store_idx %arg12[%sub3A_209, %mul3A_366], %gather3A_367 masked %and3A_204 : memref<112x128xf32, #tpu.memory_space<vmem>>[vector<16xi32>, vector<16xi32>], vector<16xf32>, vector<16xi1>
          %mul3A_368 = arith.constant 39 : i32
          %mul3A_369 = vector.broadcast %mul3A_368 : i32 to vector<16xi32>
          %mul3A_370 = arith.muli %broadcast_in_dim3A_1, %mul3A_369 : vector<16xi32>
          %gather3A_371 = tpu.vector_load_idx %arg10[%mul3A_370, %select_n3A_211] masked %and3A_204 : memref<64x512xf32, #tpu.memory_space<vmem>>[vector<16xi32>, vector<16xi32>], vector<16xf32>, vector<16xi1>
          tpu.vector_store_idx %arg12[%sub3A_209, %mul3A_370], %gather3A_371 masked %and3A_204 : memref<112x128xf32, #tpu.memory_space<vmem>>[vector<16xi32>, vector<16xi32>], vector<16xf32>, vector<16xi1>
          %mul3A_372 = arith.constant 40 : i32
          %mul3A_373 = vector.broadcast %mul3A_372 : i32 to vector<16xi32>
          %mul3A_374 = arith.muli %broadcast_in_dim3A_1, %mul3A_373 : vector<16xi32>
          %gather3A_375 = tpu.vector_load_idx %arg10[%mul3A_374, %select_n3A_211] masked %and3A_204 : memref<64x512xf32, #tpu.memory_space<vmem>>[vector<16xi32>, vector<16xi32>], vector<16xf32>, vector<16xi1>
          tpu.vector_store_idx %arg12[%sub3A_209, %mul3A_374], %gather3A_375 masked %and3A_204 : memref<112x128xf32, #tpu.memory_space<vmem>>[vector<16xi32>, vector<16xi32>], vector<16xf32>, vector<16xi1>
          %mul3A_376 = arith.constant 41 : i32
          %mul3A_377 = vector.broadcast %mul3A_376 : i32 to vector<16xi32>
          %mul3A_378 = arith.muli %broadcast_in_dim3A_1, %mul3A_377 : vector<16xi32>
          %gather3A_379 = tpu.vector_load_idx %arg10[%mul3A_378, %select_n3A_211] masked %and3A_204 : memref<64x512xf32, #tpu.memory_space<vmem>>[vector<16xi32>, vector<16xi32>], vector<16xf32>, vector<16xi1>
          tpu.vector_store_idx %arg12[%sub3A_209, %mul3A_378], %gather3A_379 masked %and3A_204 : memref<112x128xf32, #tpu.memory_space<vmem>>[vector<16xi32>, vector<16xi32>], vector<16xf32>, vector<16xi1>
          %mul3A_380 = arith.constant 42 : i32
          %mul3A_381 = vector.broadcast %mul3A_380 : i32 to vector<16xi32>
          %mul3A_382 = arith.muli %broadcast_in_dim3A_1, %mul3A_381 : vector<16xi32>
          %gather3A_383 = tpu.vector_load_idx %arg10[%mul3A_382, %select_n3A_211] masked %and3A_204 : memref<64x512xf32, #tpu.memory_space<vmem>>[vector<16xi32>, vector<16xi32>], vector<16xf32>, vector<16xi1>
          tpu.vector_store_idx %arg12[%sub3A_209, %mul3A_382], %gather3A_383 masked %and3A_204 : memref<112x128xf32, #tpu.memory_space<vmem>>[vector<16xi32>, vector<16xi32>], vector<16xf32>, vector<16xi1>
          %mul3A_384 = arith.constant 43 : i32
          %mul3A_385 = vector.broadcast %mul3A_384 : i32 to vector<16xi32>
          %mul3A_386 = arith.muli %broadcast_in_dim3A_1, %mul3A_385 : vector<16xi32>
          %gather3A_387 = tpu.vector_load_idx %arg10[%mul3A_386, %select_n3A_211] masked %and3A_204 : memref<64x512xf32, #tpu.memory_space<vmem>>[vector<16xi32>, vector<16xi32>], vector<16xf32>, vector<16xi1>
          tpu.vector_store_idx %arg12[%sub3A_209, %mul3A_386], %gather3A_387 masked %and3A_204 : memref<112x128xf32, #tpu.memory_space<vmem>>[vector<16xi32>, vector<16xi32>], vector<16xf32>, vector<16xi1>
          %mul3A_388 = arith.constant 44 : i32
          %mul3A_389 = vector.broadcast %mul3A_388 : i32 to vector<16xi32>
          %mul3A_390 = arith.muli %broadcast_in_dim3A_1, %mul3A_389 : vector<16xi32>
          %gather3A_391 = tpu.vector_load_idx %arg10[%mul3A_390, %select_n3A_211] masked %and3A_204 : memref<64x512xf32, #tpu.memory_space<vmem>>[vector<16xi32>, vector<16xi32>], vector<16xf32>, vector<16xi1>
          tpu.vector_store_idx %arg12[%sub3A_209, %mul3A_390], %gather3A_391 masked %and3A_204 : memref<112x128xf32, #tpu.memory_space<vmem>>[vector<16xi32>, vector<16xi32>], vector<16xf32>, vector<16xi1>
          %mul3A_392 = arith.constant 45 : i32
          %mul3A_393 = vector.broadcast %mul3A_392 : i32 to vector<16xi32>
          %mul3A_394 = arith.muli %broadcast_in_dim3A_1, %mul3A_393 : vector<16xi32>
          %gather3A_395 = tpu.vector_load_idx %arg10[%mul3A_394, %select_n3A_211] masked %and3A_204 : memref<64x512xf32, #tpu.memory_space<vmem>>[vector<16xi32>, vector<16xi32>], vector<16xf32>, vector<16xi1>
          tpu.vector_store_idx %arg12[%sub3A_209, %mul3A_394], %gather3A_395 masked %and3A_204 : memref<112x128xf32, #tpu.memory_space<vmem>>[vector<16xi32>, vector<16xi32>], vector<16xf32>, vector<16xi1>
          %mul3A_396 = arith.constant 46 : i32
          %mul3A_397 = vector.broadcast %mul3A_396 : i32 to vector<16xi32>
          %mul3A_398 = arith.muli %broadcast_in_dim3A_1, %mul3A_397 : vector<16xi32>
          %gather3A_399 = tpu.vector_load_idx %arg10[%mul3A_398, %select_n3A_211] masked %and3A_204 : memref<64x512xf32, #tpu.memory_space<vmem>>[vector<16xi32>, vector<16xi32>], vector<16xf32>, vector<16xi1>
          tpu.vector_store_idx %arg12[%sub3A_209, %mul3A_398], %gather3A_399 masked %and3A_204 : memref<112x128xf32, #tpu.memory_space<vmem>>[vector<16xi32>, vector<16xi32>], vector<16xf32>, vector<16xi1>
          %mul3A_400 = arith.constant 47 : i32
          %mul3A_401 = vector.broadcast %mul3A_400 : i32 to vector<16xi32>
          %mul3A_402 = arith.muli %broadcast_in_dim3A_1, %mul3A_401 : vector<16xi32>
          %gather3A_403 = tpu.vector_load_idx %arg10[%mul3A_402, %select_n3A_211] masked %and3A_204 : memref<64x512xf32, #tpu.memory_space<vmem>>[vector<16xi32>, vector<16xi32>], vector<16xf32>, vector<16xi1>
          tpu.vector_store_idx %arg12[%sub3A_209, %mul3A_402], %gather3A_403 masked %and3A_204 : memref<112x128xf32, #tpu.memory_space<vmem>>[vector<16xi32>, vector<16xi32>], vector<16xf32>, vector<16xi1>
          %mul3A_404 = arith.constant 48 : i32
          %mul3A_405 = vector.broadcast %mul3A_404 : i32 to vector<16xi32>
          %mul3A_406 = arith.muli %broadcast_in_dim3A_1, %mul3A_405 : vector<16xi32>
          %gather3A_407 = tpu.vector_load_idx %arg10[%mul3A_406, %select_n3A_211] masked %and3A_204 : memref<64x512xf32, #tpu.memory_space<vmem>>[vector<16xi32>, vector<16xi32>], vector<16xf32>, vector<16xi1>
          tpu.vector_store_idx %arg12[%sub3A_209, %mul3A_406], %gather3A_407 masked %and3A_204 : memref<112x128xf32, #tpu.memory_space<vmem>>[vector<16xi32>, vector<16xi32>], vector<16xf32>, vector<16xi1>
          %mul3A_408 = arith.constant 49 : i32
          %mul3A_409 = vector.broadcast %mul3A_408 : i32 to vector<16xi32>
          %mul3A_410 = arith.muli %broadcast_in_dim3A_1, %mul3A_409 : vector<16xi32>
          %gather3A_411 = tpu.vector_load_idx %arg10[%mul3A_410, %select_n3A_211] masked %and3A_204 : memref<64x512xf32, #tpu.memory_space<vmem>>[vector<16xi32>, vector<16xi32>], vector<16xf32>, vector<16xi1>
          tpu.vector_store_idx %arg12[%sub3A_209, %mul3A_410], %gather3A_411 masked %and3A_204 : memref<112x128xf32, #tpu.memory_space<vmem>>[vector<16xi32>, vector<16xi32>], vector<16xf32>, vector<16xi1>
          %mul3A_412 = arith.constant 50 : i32
          %mul3A_413 = vector.broadcast %mul3A_412 : i32 to vector<16xi32>
          %mul3A_414 = arith.muli %broadcast_in_dim3A_1, %mul3A_413 : vector<16xi32>
          %gather3A_415 = tpu.vector_load_idx %arg10[%mul3A_414, %select_n3A_211] masked %and3A_204 : memref<64x512xf32, #tpu.memory_space<vmem>>[vector<16xi32>, vector<16xi32>], vector<16xf32>, vector<16xi1>
          tpu.vector_store_idx %arg12[%sub3A_209, %mul3A_414], %gather3A_415 masked %and3A_204 : memref<112x128xf32, #tpu.memory_space<vmem>>[vector<16xi32>, vector<16xi32>], vector<16xf32>, vector<16xi1>
          %mul3A_416 = arith.constant 51 : i32
          %mul3A_417 = vector.broadcast %mul3A_416 : i32 to vector<16xi32>
          %mul3A_418 = arith.muli %broadcast_in_dim3A_1, %mul3A_417 : vector<16xi32>
          %gather3A_419 = tpu.vector_load_idx %arg10[%mul3A_418, %select_n3A_211] masked %and3A_204 : memref<64x512xf32, #tpu.memory_space<vmem>>[vector<16xi32>, vector<16xi32>], vector<16xf32>, vector<16xi1>
          tpu.vector_store_idx %arg12[%sub3A_209, %mul3A_418], %gather3A_419 masked %and3A_204 : memref<112x128xf32, #tpu.memory_space<vmem>>[vector<16xi32>, vector<16xi32>], vector<16xf32>, vector<16xi1>
          %mul3A_420 = arith.constant 52 : i32
          %mul3A_421 = vector.broadcast %mul3A_420 : i32 to vector<16xi32>
          %mul3A_422 = arith.muli %broadcast_in_dim3A_1, %mul3A_421 : vector<16xi32>
          %gather3A_423 = tpu.vector_load_idx %arg10[%mul3A_422, %select_n3A_211] masked %and3A_204 : memref<64x512xf32, #tpu.memory_space<vmem>>[vector<16xi32>, vector<16xi32>], vector<16xf32>, vector<16xi1>
          tpu.vector_store_idx %arg12[%sub3A_209, %mul3A_422], %gather3A_423 masked %and3A_204 : memref<112x128xf32, #tpu.memory_space<vmem>>[vector<16xi32>, vector<16xi32>], vector<16xf32>, vector<16xi1>
          %mul3A_424 = arith.constant 53 : i32
          %mul3A_425 = vector.broadcast %mul3A_424 : i32 to vector<16xi32>
          %mul3A_426 = arith.muli %broadcast_in_dim3A_1, %mul3A_425 : vector<16xi32>
          %gather3A_427 = tpu.vector_load_idx %arg10[%mul3A_426, %select_n3A_211] masked %and3A_204 : memref<64x512xf32, #tpu.memory_space<vmem>>[vector<16xi32>, vector<16xi32>], vector<16xf32>, vector<16xi1>
          tpu.vector_store_idx %arg12[%sub3A_209, %mul3A_426], %gather3A_427 masked %and3A_204 : memref<112x128xf32, #tpu.memory_space<vmem>>[vector<16xi32>, vector<16xi32>], vector<16xf32>, vector<16xi1>
          %mul3A_428 = arith.constant 54 : i32
          %mul3A_429 = vector.broadcast %mul3A_428 : i32 to vector<16xi32>
          %mul3A_430 = arith.muli %broadcast_in_dim3A_1, %mul3A_429 : vector<16xi32>
          %gather3A_431 = tpu.vector_load_idx %arg10[%mul3A_430, %select_n3A_211] masked %and3A_204 : memref<64x512xf32, #tpu.memory_space<vmem>>[vector<16xi32>, vector<16xi32>], vector<16xf32>, vector<16xi1>
          tpu.vector_store_idx %arg12[%sub3A_209, %mul3A_430], %gather3A_431 masked %and3A_204 : memref<112x128xf32, #tpu.memory_space<vmem>>[vector<16xi32>, vector<16xi32>], vector<16xf32>, vector<16xi1>
          %mul3A_432 = arith.constant 55 : i32
          %mul3A_433 = vector.broadcast %mul3A_432 : i32 to vector<16xi32>
          %mul3A_434 = arith.muli %broadcast_in_dim3A_1, %mul3A_433 : vector<16xi32>
          %gather3A_435 = tpu.vector_load_idx %arg10[%mul3A_434, %select_n3A_211] masked %and3A_204 : memref<64x512xf32, #tpu.memory_space<vmem>>[vector<16xi32>, vector<16xi32>], vector<16xf32>, vector<16xi1>
          tpu.vector_store_idx %arg12[%sub3A_209, %mul3A_434], %gather3A_435 masked %and3A_204 : memref<112x128xf32, #tpu.memory_space<vmem>>[vector<16xi32>, vector<16xi32>], vector<16xf32>, vector<16xi1>
          %mul3A_436 = arith.constant 56 : i32
          %mul3A_437 = vector.broadcast %mul3A_436 : i32 to vector<16xi32>
          %mul3A_438 = arith.muli %broadcast_in_dim3A_1, %mul3A_437 : vector<16xi32>
          %gather3A_439 = tpu.vector_load_idx %arg10[%mul3A_438, %select_n3A_211] masked %and3A_204 : memref<64x512xf32, #tpu.memory_space<vmem>>[vector<16xi32>, vector<16xi32>], vector<16xf32>, vector<16xi1>
          tpu.vector_store_idx %arg12[%sub3A_209, %mul3A_438], %gather3A_439 masked %and3A_204 : memref<112x128xf32, #tpu.memory_space<vmem>>[vector<16xi32>, vector<16xi32>], vector<16xf32>, vector<16xi1>
          %mul3A_440 = arith.constant 57 : i32
          %mul3A_441 = vector.broadcast %mul3A_440 : i32 to vector<16xi32>
          %mul3A_442 = arith.muli %broadcast_in_dim3A_1, %mul3A_441 : vector<16xi32>
          %gather3A_443 = tpu.vector_load_idx %arg10[%mul3A_442, %select_n3A_211] masked %and3A_204 : memref<64x512xf32, #tpu.memory_space<vmem>>[vector<16xi32>, vector<16xi32>], vector<16xf32>, vector<16xi1>
          tpu.vector_store_idx %arg12[%sub3A_209, %mul3A_442], %gather3A_443 masked %and3A_204 : memref<112x128xf32, #tpu.memory_space<vmem>>[vector<16xi32>, vector<16xi32>], vector<16xf32>, vector<16xi1>
          %mul3A_444 = arith.constant 58 : i32
          %mul3A_445 = vector.broadcast %mul3A_444 : i32 to vector<16xi32>
          %mul3A_446 = arith.muli %broadcast_in_dim3A_1, %mul3A_445 : vector<16xi32>
          %gather3A_447 = tpu.vector_load_idx %arg10[%mul3A_446, %select_n3A_211] masked %and3A_204 : memref<64x512xf32, #tpu.memory_space<vmem>>[vector<16xi32>, vector<16xi32>], vector<16xf32>, vector<16xi1>
          tpu.vector_store_idx %arg12[%sub3A_209, %mul3A_446], %gather3A_447 masked %and3A_204 : memref<112x128xf32, #tpu.memory_space<vmem>>[vector<16xi32>, vector<16xi32>], vector<16xf32>, vector<16xi1>
          %mul3A_448 = arith.constant 59 : i32
          %mul3A_449 = vector.broadcast %mul3A_448 : i32 to vector<16xi32>
          %mul3A_450 = arith.muli %broadcast_in_dim3A_1, %mul3A_449 : vector<16xi32>
          %gather3A_451 = tpu.vector_load_idx %arg10[%mul3A_450, %select_n3A_211] masked %and3A_204 : memref<64x512xf32, #tpu.memory_space<vmem>>[vector<16xi32>, vector<16xi32>], vector<16xf32>, vector<16xi1>
          tpu.vector_store_idx %arg12[%sub3A_209, %mul3A_450], %gather3A_451 masked %and3A_204 : memref<112x128xf32, #tpu.memory_space<vmem>>[vector<16xi32>, vector<16xi32>], vector<16xf32>, vector<16xi1>
          %mul3A_452 = arith.constant 60 : i32
          %mul3A_453 = vector.broadcast %mul3A_452 : i32 to vector<16xi32>
          %mul3A_454 = arith.muli %broadcast_in_dim3A_1, %mul3A_453 : vector<16xi32>
          %gather3A_455 = tpu.vector_load_idx %arg10[%mul3A_454, %select_n3A_211] masked %and3A_204 : memref<64x512xf32, #tpu.memory_space<vmem>>[vector<16xi32>, vector<16xi32>], vector<16xf32>, vector<16xi1>
          tpu.vector_store_idx %arg12[%sub3A_209, %mul3A_454], %gather3A_455 masked %and3A_204 : memref<112x128xf32, #tpu.memory_space<vmem>>[vector<16xi32>, vector<16xi32>], vector<16xf32>, vector<16xi1>
          %mul3A_456 = arith.constant 61 : i32
          %mul3A_457 = vector.broadcast %mul3A_456 : i32 to vector<16xi32>
          %mul3A_458 = arith.muli %broadcast_in_dim3A_1, %mul3A_457 : vector<16xi32>
          %gather3A_459 = tpu.vector_load_idx %arg10[%mul3A_458, %select_n3A_211] masked %and3A_204 : memref<64x512xf32, #tpu.memory_space<vmem>>[vector<16xi32>, vector<16xi32>], vector<16xf32>, vector<16xi1>
          tpu.vector_store_idx %arg12[%sub3A_209, %mul3A_458], %gather3A_459 masked %and3A_204 : memref<112x128xf32, #tpu.memory_space<vmem>>[vector<16xi32>, vector<16xi32>], vector<16xf32>, vector<16xi1>
          %mul3A_460 = arith.constant 62 : i32
          %mul3A_461 = vector.broadcast %mul3A_460 : i32 to vector<16xi32>
          %mul3A_462 = arith.muli %broadcast_in_dim3A_1, %mul3A_461 : vector<16xi32>
          %gather3A_463 = tpu.vector_load_idx %arg10[%mul3A_462, %select_n3A_211] masked %and3A_204 : memref<64x512xf32, #tpu.memory_space<vmem>>[vector<16xi32>, vector<16xi32>], vector<16xf32>, vector<16xi1>
          tpu.vector_store_idx %arg12[%sub3A_209, %mul3A_462], %gather3A_463 masked %and3A_204 : memref<112x128xf32, #tpu.memory_space<vmem>>[vector<16xi32>, vector<16xi32>], vector<16xf32>, vector<16xi1>
          %mul3A_464 = arith.constant 63 : i32
          %mul3A_465 = vector.broadcast %mul3A_464 : i32 to vector<16xi32>
          %mul3A_466 = arith.muli %broadcast_in_dim3A_1, %mul3A_465 : vector<16xi32>
          %gather3A_467 = tpu.vector_load_idx %arg10[%mul3A_466, %select_n3A_211] masked %and3A_204 : memref<64x512xf32, #tpu.memory_space<vmem>>[vector<16xi32>, vector<16xi32>], vector<16xf32>, vector<16xi1>
          tpu.vector_store_idx %arg12[%sub3A_209, %mul3A_466], %gather3A_467 masked %and3A_204 : memref<112x128xf32, #tpu.memory_space<vmem>>[vector<16xi32>, vector<16xi32>], vector<16xf32>, vector<16xi1>
          tpu.vector_store_idx %arg13[%sub3A_209], %get3A_198 masked %and3A_204 : memref<112xi32, #tpu.memory_space<vmem>>[vector<16xi32>], vector<16xi32>, vector<16xi1>
          %all_reduce_population_count3A = tpu.all_reduce %and3A_204 {dim = 0 : i64, kind = #tpu.reduction_kind<sum>} : vector<16xi1> -> vector<16xi32>
          %add3A_468 = arith.addi %while3A_190, %all_reduce_population_count3A : vector<16xi32>
          %reduce_max3A_469 = arith.constant true
          %reduce_max3A_470 = vector.broadcast %reduce_max3A_469 : i1 to vector<16xi1>
          %reduce_max3A_471 = arith.constant -2147483648 : i32
          %reduce_max3A_472 = vector.broadcast %reduce_max3A_471 : i32 to vector<16xi32>
          %reduce_max3A_473 = arith.xori %add3A_468, %reduce_max3A_472 : vector<16xi32>
          %reduce_max3A_474 = tpu.scan <max>, %reduce_max3A_473 masked %reduce_max3A_470 : vector<16xi32>, vector<16xi1> -> vector<16xi32>
          %reduce_max3A_475 = arith.xori %reduce_max3A_474, %reduce_max3A_472 : vector<16xi32>
          %reduce_max3A_476 = vector.extract %reduce_max3A_475[15] : i32 from vector<16xi32>
          %gt3A_477 = arith.constant 96 : i32
          %gt3A_478 = arith.cmpi sgt, %reduce_max3A_476, %gt3A_477 : i32
          %convert_element_type3A_479 = arith.extui %gt3A_478 : i1 to i32
          %cond3A_480 = arith.constant 0 : i32
          %cond3A_481 = arith.cmpi ne, %convert_element_type3A_479, %cond3A_480 : i32
          scf.if %cond3A_481 {
            %dma_start3A_483 = arith.constant 0 : i32
            %dma_start3A_484 = arith.constant 0 : i32
            %dma_start3A_485 = tpu.memref_slice %arg4[%dma_start3A_483, %dma_start3A_484] : memref<16400x128xf32, #tpu.memory_space<hbm>> -> memref<16400x128xf32, #tpu.memory_space<hbm>>
            tpu.enqueue_indirect_dma source(%arg12 : memref<112x128xf32, #tpu.memory_space<vmem>>) target(%dma_start3A_485 : memref<16400x128xf32, #tpu.memory_space<hbm>>) offsets(%arg13 : memref<112xi32, #tpu.memory_space<vmem>>) semaphore(%arg16 : memref<!tpu.dma_semaphore, #tpu.memory_space<semaphore_mem>>)
            %dma_wait3A_486 = arith.constant 0 : i32
            %dma_wait3A_487 = arith.constant 0 : i32
            %dma_wait3A_488 = tpu.memref_slice %arg4[%dma_wait3A_486, %dma_wait3A_487] : memref<16400x128xf32, #tpu.memory_space<hbm>> -> memref<16400x128xf32, #tpu.memory_space<hbm>>
            tpu.wait_indirect_dma semaphore(%arg16 : memref<!tpu.dma_semaphore, #tpu.memory_space<semaphore_mem>>) src(%arg12 : memref<112x128xf32, #tpu.memory_space<vmem>>) dst(%dma_wait3A_488 : memref<16400x128xf32, #tpu.memory_space<hbm>>)
            %swap3A_489 = arith.constant 0 : index
            %swap3A_490 = tpu.vector_load %arg13[%swap3A_489] {strides = array<i32>} : memref<112xi32, #tpu.memory_space<vmem>>, vector<16xi32>,
            tpu.vector_store %arg13[%swap3A_489], %broadcast_in_dim3A_5 {strides = array<i32>} : memref<112xi32, #tpu.memory_space<vmem>>, vector<16xi32>,
            %swap3A_491 = arith.constant 16 : index
            %swap3A_492 = tpu.vector_load %arg13[%swap3A_491] {strides = array<i32>} : memref<112xi32, #tpu.memory_space<vmem>>, vector<16xi32>,
            tpu.vector_store %arg13[%swap3A_491], %broadcast_in_dim3A_5 {strides = array<i32>} : memref<112xi32, #tpu.memory_space<vmem>>, vector<16xi32>,
            %swap3A_493 = arith.constant 32 : index
            %swap3A_494 = tpu.vector_load %arg13[%swap3A_493] {strides = array<i32>} : memref<112xi32, #tpu.memory_space<vmem>>, vector<16xi32>,
            tpu.vector_store %arg13[%swap3A_493], %broadcast_in_dim3A_5 {strides = array<i32>} : memref<112xi32, #tpu.memory_space<vmem>>, vector<16xi32>,
            %swap3A_495 = arith.constant 48 : index
            %swap3A_496 = tpu.vector_load %arg13[%swap3A_495] {strides = array<i32>} : memref<112xi32, #tpu.memory_space<vmem>>, vector<16xi32>,
            tpu.vector_store %arg13[%swap3A_495], %broadcast_in_dim3A_5 {strides = array<i32>} : memref<112xi32, #tpu.memory_space<vmem>>, vector<16xi32>,
            %swap3A_497 = arith.constant 64 : index
            %swap3A_498 = tpu.vector_load %arg13[%swap3A_497] {strides = array<i32>} : memref<112xi32, #tpu.memory_space<vmem>>, vector<16xi32>,
            tpu.vector_store %arg13[%swap3A_497], %broadcast_in_dim3A_5 {strides = array<i32>} : memref<112xi32, #tpu.memory_space<vmem>>, vector<16xi32>,
            %swap3A_499 = arith.constant 80 : index
            %swap3A_500 = tpu.vector_load %arg13[%swap3A_499] {strides = array<i32>} : memref<112xi32, #tpu.memory_space<vmem>>, vector<16xi32>,
            tpu.vector_store %arg13[%swap3A_499], %broadcast_in_dim3A_5 {strides = array<i32>} : memref<112xi32, #tpu.memory_space<vmem>>, vector<16xi32>,
            %swap3A_501 = arith.constant 96 : index
            %swap3A_502 = tpu.vector_load %arg13[%swap3A_501] {strides = array<i32>} : memref<112xi32, #tpu.memory_space<vmem>>, vector<16xi32>,
            tpu.vector_store %arg13[%swap3A_501], %broadcast_in_dim3A_5 {strides = array<i32>} : memref<112xi32, #tpu.memory_space<vmem>>, vector<16xi32>,
          } else {
          }
          %select_n3A_482 = arith.select %gt3A_478, %broadcast_in_dim3A_3, %add3A_468 : vector<16xi32>
          scf.yield %select_n3A_482 : vector<16xi32>
        }
        %while3A_187 = arith.constant 1 : i32
        %while3A_188 = scf.for %while3A_189 = %while3A_184 to %while3A_180 step %while3A_187 iter_args(%while3A_190 = %while3A_186) -> (vector<16xi32>)  : i32 {
          %mul3A_191 = arith.constant 16 : i32
          %mul3A_192 = arith.muli %while3A_189, %mul3A_191 : i32
          %add3A_193 = vector.broadcast %mul3A_192 : i32 to vector<16xi32>
          %add3A_194 = arith.addi %add3A_193, %iota3A : vector<16xi32>
          %lt3A_195 = arith.cmpi slt, %add3A_194, %while3A_67 : vector<16xi32>
          %mul3A_196 = arith.constant 16 : i32
          %mul3A_197 = arith.muli %while3A_189, %mul3A_196 : i32
          %get3A = arith.index_cast %mul3A_197 : i32 to index
          %get3A_198 = tpu.vector_load %arg7[%get3A] {strides = array<i32>} : memref<16384xi32, #tpu.memory_space<vmem>>, vector<16xi32>,
          %gather3A = tpu.vector_load_idx %arg5[%get3A_198] masked %lt3A_195 : memref<16384xi32, #tpu.memory_space<vmem>>[vector<16xi32>], vector<16xi32>, vector<16xi1>
          %ge3A = arith.cmpi sge, %gather3A, %mul3A_177 : vector<16xi32>
          %and3A_199 = arith.andi %lt3A_195, %ge3A : vector<16xi1>
          %add3A_200 = arith.constant 512 : i32
          %add3A_201 = vector.broadcast %add3A_200 : i32 to vector<16xi32>
          %add3A_202 = arith.addi %mul3A_177, %add3A_201 : vector<16xi32>
          %lt3A_203 = arith.cmpi slt, %gather3A, %add3A_202 : vector<16xi32>
          %and3A_204 = arith.andi %and3A_199, %lt3A_203 : vector<16xi1>
          %convert_element_type3A_205 = arith.extui %and3A_204 : vector<16xi1> to vector<16xi32>
          %broadcast_in_dim3A_206 = arith.constant true
          %broadcast_in_dim3A_207 = vector.broadcast %broadcast_in_dim3A_206 : i1 to vector<16xi1>
          %masked_cumsum3A = tpu.scan <sum>, %convert_element_type3A_205 masked %broadcast_in_dim3A_207 : vector<16xi32>, vector<16xi1> -> vector<16xi32>
          %add3A_208 = arith.addi %while3A_190, %masked_cumsum3A : vector<16xi32>
          %sub3A_209 = arith.subi %add3A_208, %convert_element_type3A_205 : vector<16xi32>
          %sub3A_210 = arith.subi %gather3A, %mul3A_177 : vector<16xi32>
          %select_n3A_211 = arith.select %and3A_204, %sub3A_210, %broadcast_in_dim3A_3 : vector<16xi1>, vector<16xi32>
          %mul3A_212 = arith.constant 0 : i32
          %mul3A_213 = vector.broadcast %mul3A_212 : i32 to vector<16xi32>
          %mul3A_214 = arith.muli %broadcast_in_dim3A_1, %mul3A_213 : vector<16xi32>
          %gather3A_215 = tpu.vector_load_idx %arg10[%mul3A_214, %select_n3A_211] masked %and3A_204 : memref<64x512xf32, #tpu.memory_space<vmem>>[vector<16xi32>, vector<16xi32>], vector<16xf32>, vector<16xi1>
          tpu.vector_store_idx %arg12[%sub3A_209, %mul3A_214], %gather3A_215 masked %and3A_204 : memref<112x128xf32, #tpu.memory_space<vmem>>[vector<16xi32>, vector<16xi32>], vector<16xf32>, vector<16xi1>
          %mul3A_216 = arith.constant 1 : i32
          %mul3A_217 = vector.broadcast %mul3A_216 : i32 to vector<16xi32>
          %mul3A_218 = arith.muli %broadcast_in_dim3A_1, %mul3A_217 : vector<16xi32>
          %gather3A_219 = tpu.vector_load_idx %arg10[%mul3A_218, %select_n3A_211] masked %and3A_204 : memref<64x512xf32, #tpu.memory_space<vmem>>[vector<16xi32>, vector<16xi32>], vector<16xf32>, vector<16xi1>
          tpu.vector_store_idx %arg12[%sub3A_209, %mul3A_218], %gather3A_219 masked %and3A_204 : memref<112x128xf32, #tpu.memory_space<vmem>>[vector<16xi32>, vector<16xi32>], vector<16xf32>, vector<16xi1>
          %mul3A_220 = arith.constant 2 : i32
          %mul3A_221 = vector.broadcast %mul3A_220 : i32 to vector<16xi32>
          %mul3A_222 = arith.muli %broadcast_in_dim3A_1, %mul3A_221 : vector<16xi32>
          %gather3A_223 = tpu.vector_load_idx %arg10[%mul3A_222, %select_n3A_211] masked %and3A_204 : memref<64x512xf32, #tpu.memory_space<vmem>>[vector<16xi32>, vector<16xi32>], vector<16xf32>, vector<16xi1>
          tpu.vector_store_idx %arg12[%sub3A_209, %mul3A_222], %gather3A_223 masked %and3A_204 : memref<112x128xf32, #tpu.memory_space<vmem>>[vector<16xi32>, vector<16xi32>], vector<16xf32>, vector<16xi1>
          %mul3A_224 = arith.constant 3 : i32
          %mul3A_225 = vector.broadcast %mul3A_224 : i32 to vector<16xi32>
          %mul3A_226 = arith.muli %broadcast_in_dim3A_1, %mul3A_225 : vector<16xi32>
          %gather3A_227 = tpu.vector_load_idx %arg10[%mul3A_226, %select_n3A_211] masked %and3A_204 : memref<64x512xf32, #tpu.memory_space<vmem>>[vector<16xi32>, vector<16xi32>], vector<16xf32>, vector<16xi1>
          tpu.vector_store_idx %arg12[%sub3A_209, %mul3A_226], %gather3A_227 masked %and3A_204 : memref<112x128xf32, #tpu.memory_space<vmem>>[vector<16xi32>, vector<16xi32>], vector<16xf32>, vector<16xi1>
          %mul3A_228 = arith.constant 4 : i32
          %mul3A_229 = vector.broadcast %mul3A_228 : i32 to vector<16xi32>
          %mul3A_230 = arith.muli %broadcast_in_dim3A_1, %mul3A_229 : vector<16xi32>
          %gather3A_231 = tpu.vector_load_idx %arg10[%mul3A_230, %select_n3A_211] masked %and3A_204 : memref<64x512xf32, #tpu.memory_space<vmem>>[vector<16xi32>, vector<16xi32>], vector<16xf32>, vector<16xi1>
          tpu.vector_store_idx %arg12[%sub3A_209, %mul3A_230], %gather3A_231 masked %and3A_204 : memref<112x128xf32, #tpu.memory_space<vmem>>[vector<16xi32>, vector<16xi32>], vector<16xf32>, vector<16xi1>
          %mul3A_232 = arith.constant 5 : i32
          %mul3A_233 = vector.broadcast %mul3A_232 : i32 to vector<16xi32>
          %mul3A_234 = arith.muli %broadcast_in_dim3A_1, %mul3A_233 : vector<16xi32>
          %gather3A_235 = tpu.vector_load_idx %arg10[%mul3A_234, %select_n3A_211] masked %and3A_204 : memref<64x512xf32, #tpu.memory_space<vmem>>[vector<16xi32>, vector<16xi32>], vector<16xf32>, vector<16xi1>
          tpu.vector_store_idx %arg12[%sub3A_209, %mul3A_234], %gather3A_235 masked %and3A_204 : memref<112x128xf32, #tpu.memory_space<vmem>>[vector<16xi32>, vector<16xi32>], vector<16xf32>, vector<16xi1>
          %mul3A_236 = arith.constant 6 : i32
          %mul3A_237 = vector.broadcast %mul3A_236 : i32 to vector<16xi32>
          %mul3A_238 = arith.muli %broadcast_in_dim3A_1, %mul3A_237 : vector<16xi32>
          %gather3A_239 = tpu.vector_load_idx %arg10[%mul3A_238, %select_n3A_211] masked %and3A_204 : memref<64x512xf32, #tpu.memory_space<vmem>>[vector<16xi32>, vector<16xi32>], vector<16xf32>, vector<16xi1>
          tpu.vector_store_idx %arg12[%sub3A_209, %mul3A_238], %gather3A_239 masked %and3A_204 : memref<112x128xf32, #tpu.memory_space<vmem>>[vector<16xi32>, vector<16xi32>], vector<16xf32>, vector<16xi1>
          %mul3A_240 = arith.constant 7 : i32
          %mul3A_241 = vector.broadcast %mul3A_240 : i32 to vector<16xi32>
          %mul3A_242 = arith.muli %broadcast_in_dim3A_1, %mul3A_241 : vector<16xi32>
          %gather3A_243 = tpu.vector_load_idx %arg10[%mul3A_242, %select_n3A_211] masked %and3A_204 : memref<64x512xf32, #tpu.memory_space<vmem>>[vector<16xi32>, vector<16xi32>], vector<16xf32>, vector<16xi1>
          tpu.vector_store_idx %arg12[%sub3A_209, %mul3A_242], %gather3A_243 masked %and3A_204 : memref<112x128xf32, #tpu.memory_space<vmem>>[vector<16xi32>, vector<16xi32>], vector<16xf32>, vector<16xi1>
          %mul3A_244 = arith.constant 8 : i32
          %mul3A_245 = vector.broadcast %mul3A_244 : i32 to vector<16xi32>
          %mul3A_246 = arith.muli %broadcast_in_dim3A_1, %mul3A_245 : vector<16xi32>
          %gather3A_247 = tpu.vector_load_idx %arg10[%mul3A_246, %select_n3A_211] masked %and3A_204 : memref<64x512xf32, #tpu.memory_space<vmem>>[vector<16xi32>, vector<16xi32>], vector<16xf32>, vector<16xi1>
          tpu.vector_store_idx %arg12[%sub3A_209, %mul3A_246], %gather3A_247 masked %and3A_204 : memref<112x128xf32, #tpu.memory_space<vmem>>[vector<16xi32>, vector<16xi32>], vector<16xf32>, vector<16xi1>
          %mul3A_248 = arith.constant 9 : i32
          %mul3A_249 = vector.broadcast %mul3A_248 : i32 to vector<16xi32>
          %mul3A_250 = arith.muli %broadcast_in_dim3A_1, %mul3A_249 : vector<16xi32>
          %gather3A_251 = tpu.vector_load_idx %arg10[%mul3A_250, %select_n3A_211] masked %and3A_204 : memref<64x512xf32, #tpu.memory_space<vmem>>[vector<16xi32>, vector<16xi32>], vector<16xf32>, vector<16xi1>
          tpu.vector_store_idx %arg12[%sub3A_209, %mul3A_250], %gather3A_251 masked %and3A_204 : memref<112x128xf32, #tpu.memory_space<vmem>>[vector<16xi32>, vector<16xi32>], vector<16xf32>, vector<16xi1>
          %mul3A_252 = arith.constant 10 : i32
          %mul3A_253 = vector.broadcast %mul3A_252 : i32 to vector<16xi32>
          %mul3A_254 = arith.muli %broadcast_in_dim3A_1, %mul3A_253 : vector<16xi32>
          %gather3A_255 = tpu.vector_load_idx %arg10[%mul3A_254, %select_n3A_211] masked %and3A_204 : memref<64x512xf32, #tpu.memory_space<vmem>>[vector<16xi32>, vector<16xi32>], vector<16xf32>, vector<16xi1>
          tpu.vector_store_idx %arg12[%sub3A_209, %mul3A_254], %gather3A_255 masked %and3A_204 : memref<112x128xf32, #tpu.memory_space<vmem>>[vector<16xi32>, vector<16xi32>], vector<16xf32>, vector<16xi1>
          %mul3A_256 = arith.constant 11 : i32
          %mul3A_257 = vector.broadcast %mul3A_256 : i32 to vector<16xi32>
          %mul3A_258 = arith.muli %broadcast_in_dim3A_1, %mul3A_257 : vector<16xi32>
          %gather3A_259 = tpu.vector_load_idx %arg10[%mul3A_258, %select_n3A_211] masked %and3A_204 : memref<64x512xf32, #tpu.memory_space<vmem>>[vector<16xi32>, vector<16xi32>], vector<16xf32>, vector<16xi1>
          tpu.vector_store_idx %arg12[%sub3A_209, %mul3A_258], %gather3A_259 masked %and3A_204 : memref<112x128xf32, #tpu.memory_space<vmem>>[vector<16xi32>, vector<16xi32>], vector<16xf32>, vector<16xi1>
          %mul3A_260 = arith.constant 12 : i32
          %mul3A_261 = vector.broadcast %mul3A_260 : i32 to vector<16xi32>
          %mul3A_262 = arith.muli %broadcast_in_dim3A_1, %mul3A_261 : vector<16xi32>
          %gather3A_263 = tpu.vector_load_idx %arg10[%mul3A_262, %select_n3A_211] masked %and3A_204 : memref<64x512xf32, #tpu.memory_space<vmem>>[vector<16xi32>, vector<16xi32>], vector<16xf32>, vector<16xi1>
          tpu.vector_store_idx %arg12[%sub3A_209, %mul3A_262], %gather3A_263 masked %and3A_204 : memref<112x128xf32, #tpu.memory_space<vmem>>[vector<16xi32>, vector<16xi32>], vector<16xf32>, vector<16xi1>
          %mul3A_264 = arith.constant 13 : i32
          %mul3A_265 = vector.broadcast %mul3A_264 : i32 to vector<16xi32>
          %mul3A_266 = arith.muli %broadcast_in_dim3A_1, %mul3A_265 : vector<16xi32>
          %gather3A_267 = tpu.vector_load_idx %arg10[%mul3A_266, %select_n3A_211] masked %and3A_204 : memref<64x512xf32, #tpu.memory_space<vmem>>[vector<16xi32>, vector<16xi32>], vector<16xf32>, vector<16xi1>
          tpu.vector_store_idx %arg12[%sub3A_209, %mul3A_266], %gather3A_267 masked %and3A_204 : memref<112x128xf32, #tpu.memory_space<vmem>>[vector<16xi32>, vector<16xi32>], vector<16xf32>, vector<16xi1>
          %mul3A_268 = arith.constant 14 : i32
          %mul3A_269 = vector.broadcast %mul3A_268 : i32 to vector<16xi32>
          %mul3A_270 = arith.muli %broadcast_in_dim3A_1, %mul3A_269 : vector<16xi32>
          %gather3A_271 = tpu.vector_load_idx %arg10[%mul3A_270, %select_n3A_211] masked %and3A_204 : memref<64x512xf32, #tpu.memory_space<vmem>>[vector<16xi32>, vector<16xi32>], vector<16xf32>, vector<16xi1>
          tpu.vector_store_idx %arg12[%sub3A_209, %mul3A_270], %gather3A_271 masked %and3A_204 : memref<112x128xf32, #tpu.memory_space<vmem>>[vector<16xi32>, vector<16xi32>], vector<16xf32>, vector<16xi1>
          %mul3A_272 = arith.constant 15 : i32
          %mul3A_273 = vector.broadcast %mul3A_272 : i32 to vector<16xi32>
          %mul3A_274 = arith.muli %broadcast_in_dim3A_1, %mul3A_273 : vector<16xi32>
          %gather3A_275 = tpu.vector_load_idx %arg10[%mul3A_274, %select_n3A_211] masked %and3A_204 : memref<64x512xf32, #tpu.memory_space<vmem>>[vector<16xi32>, vector<16xi32>], vector<16xf32>, vector<16xi1>
          tpu.vector_store_idx %arg12[%sub3A_209, %mul3A_274], %gather3A_275 masked %and3A_204 : memref<112x128xf32, #tpu.memory_space<vmem>>[vector<16xi32>, vector<16xi32>], vector<16xf32>, vector<16xi1>
          %mul3A_276 = arith.constant 16 : i32
          %mul3A_277 = vector.broadcast %mul3A_276 : i32 to vector<16xi32>
          %mul3A_278 = arith.muli %broadcast_in_dim3A_1, %mul3A_277 : vector<16xi32>
          %gather3A_279 = tpu.vector_load_idx %arg10[%mul3A_278, %select_n3A_211] masked %and3A_204 : memref<64x512xf32, #tpu.memory_space<vmem>>[vector<16xi32>, vector<16xi32>], vector<16xf32>, vector<16xi1>
          tpu.vector_store_idx %arg12[%sub3A_209, %mul3A_278], %gather3A_279 masked %and3A_204 : memref<112x128xf32, #tpu.memory_space<vmem>>[vector<16xi32>, vector<16xi32>], vector<16xf32>, vector<16xi1>
          %mul3A_280 = arith.constant 17 : i32
          %mul3A_281 = vector.broadcast %mul3A_280 : i32 to vector<16xi32>
          %mul3A_282 = arith.muli %broadcast_in_dim3A_1, %mul3A_281 : vector<16xi32>
          %gather3A_283 = tpu.vector_load_idx %arg10[%mul3A_282, %select_n3A_211] masked %and3A_204 : memref<64x512xf32, #tpu.memory_space<vmem>>[vector<16xi32>, vector<16xi32>], vector<16xf32>, vector<16xi1>
          tpu.vector_store_idx %arg12[%sub3A_209, %mul3A_282], %gather3A_283 masked %and3A_204 : memref<112x128xf32, #tpu.memory_space<vmem>>[vector<16xi32>, vector<16xi32>], vector<16xf32>, vector<16xi1>
          %mul3A_284 = arith.constant 18 : i32
          %mul3A_285 = vector.broadcast %mul3A_284 : i32 to vector<16xi32>
          %mul3A_286 = arith.muli %broadcast_in_dim3A_1, %mul3A_285 : vector<16xi32>
          %gather3A_287 = tpu.vector_load_idx %arg10[%mul3A_286, %select_n3A_211] masked %and3A_204 : memref<64x512xf32, #tpu.memory_space<vmem>>[vector<16xi32>, vector<16xi32>], vector<16xf32>, vector<16xi1>
          tpu.vector_store_idx %arg12[%sub3A_209, %mul3A_286], %gather3A_287 masked %and3A_204 : memref<112x128xf32, #tpu.memory_space<vmem>>[vector<16xi32>, vector<16xi32>], vector<16xf32>, vector<16xi1>
          %mul3A_288 = arith.constant 19 : i32
          %mul3A_289 = vector.broadcast %mul3A_288 : i32 to vector<16xi32>
          %mul3A_290 = arith.muli %broadcast_in_dim3A_1, %mul3A_289 : vector<16xi32>
          %gather3A_291 = tpu.vector_load_idx %arg10[%mul3A_290, %select_n3A_211] masked %and3A_204 : memref<64x512xf32, #tpu.memory_space<vmem>>[vector<16xi32>, vector<16xi32>], vector<16xf32>, vector<16xi1>
          tpu.vector_store_idx %arg12[%sub3A_209, %mul3A_290], %gather3A_291 masked %and3A_204 : memref<112x128xf32, #tpu.memory_space<vmem>>[vector<16xi32>, vector<16xi32>], vector<16xf32>, vector<16xi1>
          %mul3A_292 = arith.constant 20 : i32
          %mul3A_293 = vector.broadcast %mul3A_292 : i32 to vector<16xi32>
          %mul3A_294 = arith.muli %broadcast_in_dim3A_1, %mul3A_293 : vector<16xi32>
          %gather3A_295 = tpu.vector_load_idx %arg10[%mul3A_294, %select_n3A_211] masked %and3A_204 : memref<64x512xf32, #tpu.memory_space<vmem>>[vector<16xi32>, vector<16xi32>], vector<16xf32>, vector<16xi1>
          tpu.vector_store_idx %arg12[%sub3A_209, %mul3A_294], %gather3A_295 masked %and3A_204 : memref<112x128xf32, #tpu.memory_space<vmem>>[vector<16xi32>, vector<16xi32>], vector<16xf32>, vector<16xi1>
          %mul3A_296 = arith.constant 21 : i32
          %mul3A_297 = vector.broadcast %mul3A_296 : i32 to vector<16xi32>
          %mul3A_298 = arith.muli %broadcast_in_dim3A_1, %mul3A_297 : vector<16xi32>
          %gather3A_299 = tpu.vector_load_idx %arg10[%mul3A_298, %select_n3A_211] masked %and3A_204 : memref<64x512xf32, #tpu.memory_space<vmem>>[vector<16xi32>, vector<16xi32>], vector<16xf32>, vector<16xi1>
          tpu.vector_store_idx %arg12[%sub3A_209, %mul3A_298], %gather3A_299 masked %and3A_204 : memref<112x128xf32, #tpu.memory_space<vmem>>[vector<16xi32>, vector<16xi32>], vector<16xf32>, vector<16xi1>
          %mul3A_300 = arith.constant 22 : i32
          %mul3A_301 = vector.broadcast %mul3A_300 : i32 to vector<16xi32>
          %mul3A_302 = arith.muli %broadcast_in_dim3A_1, %mul3A_301 : vector<16xi32>
          %gather3A_303 = tpu.vector_load_idx %arg10[%mul3A_302, %select_n3A_211] masked %and3A_204 : memref<64x512xf32, #tpu.memory_space<vmem>>[vector<16xi32>, vector<16xi32>], vector<16xf32>, vector<16xi1>
          tpu.vector_store_idx %arg12[%sub3A_209, %mul3A_302], %gather3A_303 masked %and3A_204 : memref<112x128xf32, #tpu.memory_space<vmem>>[vector<16xi32>, vector<16xi32>], vector<16xf32>, vector<16xi1>
          %mul3A_304 = arith.constant 23 : i32
          %mul3A_305 = vector.broadcast %mul3A_304 : i32 to vector<16xi32>
          %mul3A_306 = arith.muli %broadcast_in_dim3A_1, %mul3A_305 : vector<16xi32>
          %gather3A_307 = tpu.vector_load_idx %arg10[%mul3A_306, %select_n3A_211] masked %and3A_204 : memref<64x512xf32, #tpu.memory_space<vmem>>[vector<16xi32>, vector<16xi32>], vector<16xf32>, vector<16xi1>
          tpu.vector_store_idx %arg12[%sub3A_209, %mul3A_306], %gather3A_307 masked %and3A_204 : memref<112x128xf32, #tpu.memory_space<vmem>>[vector<16xi32>, vector<16xi32>], vector<16xf32>, vector<16xi1>
          %mul3A_308 = arith.constant 24 : i32
          %mul3A_309 = vector.broadcast %mul3A_308 : i32 to vector<16xi32>
          %mul3A_310 = arith.muli %broadcast_in_dim3A_1, %mul3A_309 : vector<16xi32>
          %gather3A_311 = tpu.vector_load_idx %arg10[%mul3A_310, %select_n3A_211] masked %and3A_204 : memref<64x512xf32, #tpu.memory_space<vmem>>[vector<16xi32>, vector<16xi32>], vector<16xf32>, vector<16xi1>
          tpu.vector_store_idx %arg12[%sub3A_209, %mul3A_310], %gather3A_311 masked %and3A_204 : memref<112x128xf32, #tpu.memory_space<vmem>>[vector<16xi32>, vector<16xi32>], vector<16xf32>, vector<16xi1>
          %mul3A_312 = arith.constant 25 : i32
          %mul3A_313 = vector.broadcast %mul3A_312 : i32 to vector<16xi32>
          %mul3A_314 = arith.muli %broadcast_in_dim3A_1, %mul3A_313 : vector<16xi32>
          %gather3A_315 = tpu.vector_load_idx %arg10[%mul3A_314, %select_n3A_211] masked %and3A_204 : memref<64x512xf32, #tpu.memory_space<vmem>>[vector<16xi32>, vector<16xi32>], vector<16xf32>, vector<16xi1>
          tpu.vector_store_idx %arg12[%sub3A_209, %mul3A_314], %gather3A_315 masked %and3A_204 : memref<112x128xf32, #tpu.memory_space<vmem>>[vector<16xi32>, vector<16xi32>], vector<16xf32>, vector<16xi1>
          %mul3A_316 = arith.constant 26 : i32
          %mul3A_317 = vector.broadcast %mul3A_316 : i32 to vector<16xi32>
          %mul3A_318 = arith.muli %broadcast_in_dim3A_1, %mul3A_317 : vector<16xi32>
          %gather3A_319 = tpu.vector_load_idx %arg10[%mul3A_318, %select_n3A_211] masked %and3A_204 : memref<64x512xf32, #tpu.memory_space<vmem>>[vector<16xi32>, vector<16xi32>], vector<16xf32>, vector<16xi1>
          tpu.vector_store_idx %arg12[%sub3A_209, %mul3A_318], %gather3A_319 masked %and3A_204 : memref<112x128xf32, #tpu.memory_space<vmem>>[vector<16xi32>, vector<16xi32>], vector<16xf32>, vector<16xi1>
          %mul3A_320 = arith.constant 27 : i32
          %mul3A_321 = vector.broadcast %mul3A_320 : i32 to vector<16xi32>
          %mul3A_322 = arith.muli %broadcast_in_dim3A_1, %mul3A_321 : vector<16xi32>
          %gather3A_323 = tpu.vector_load_idx %arg10[%mul3A_322, %select_n3A_211] masked %and3A_204 : memref<64x512xf32, #tpu.memory_space<vmem>>[vector<16xi32>, vector<16xi32>], vector<16xf32>, vector<16xi1>
          tpu.vector_store_idx %arg12[%sub3A_209, %mul3A_322], %gather3A_323 masked %and3A_204 : memref<112x128xf32, #tpu.memory_space<vmem>>[vector<16xi32>, vector<16xi32>], vector<16xf32>, vector<16xi1>
          %mul3A_324 = arith.constant 28 : i32
          %mul3A_325 = vector.broadcast %mul3A_324 : i32 to vector<16xi32>
          %mul3A_326 = arith.muli %broadcast_in_dim3A_1, %mul3A_325 : vector<16xi32>
          %gather3A_327 = tpu.vector_load_idx %arg10[%mul3A_326, %select_n3A_211] masked %and3A_204 : memref<64x512xf32, #tpu.memory_space<vmem>>[vector<16xi32>, vector<16xi32>], vector<16xf32>, vector<16xi1>
          tpu.vector_store_idx %arg12[%sub3A_209, %mul3A_326], %gather3A_327 masked %and3A_204 : memref<112x128xf32, #tpu.memory_space<vmem>>[vector<16xi32>, vector<16xi32>], vector<16xf32>, vector<16xi1>
          %mul3A_328 = arith.constant 29 : i32
          %mul3A_329 = vector.broadcast %mul3A_328 : i32 to vector<16xi32>
          %mul3A_330 = arith.muli %broadcast_in_dim3A_1, %mul3A_329 : vector<16xi32>
          %gather3A_331 = tpu.vector_load_idx %arg10[%mul3A_330, %select_n3A_211] masked %and3A_204 : memref<64x512xf32, #tpu.memory_space<vmem>>[vector<16xi32>, vector<16xi32>], vector<16xf32>, vector<16xi1>
          tpu.vector_store_idx %arg12[%sub3A_209, %mul3A_330], %gather3A_331 masked %and3A_204 : memref<112x128xf32, #tpu.memory_space<vmem>>[vector<16xi32>, vector<16xi32>], vector<16xf32>, vector<16xi1>
          %mul3A_332 = arith.constant 30 : i32
          %mul3A_333 = vector.broadcast %mul3A_332 : i32 to vector<16xi32>
          %mul3A_334 = arith.muli %broadcast_in_dim3A_1, %mul3A_333 : vector<16xi32>
          %gather3A_335 = tpu.vector_load_idx %arg10[%mul3A_334, %select_n3A_211] masked %and3A_204 : memref<64x512xf32, #tpu.memory_space<vmem>>[vector<16xi32>, vector<16xi32>], vector<16xf32>, vector<16xi1>
          tpu.vector_store_idx %arg12[%sub3A_209, %mul3A_334], %gather3A_335 masked %and3A_204 : memref<112x128xf32, #tpu.memory_space<vmem>>[vector<16xi32>, vector<16xi32>], vector<16xf32>, vector<16xi1>
          %mul3A_336 = arith.constant 31 : i32
          %mul3A_337 = vector.broadcast %mul3A_336 : i32 to vector<16xi32>
          %mul3A_338 = arith.muli %broadcast_in_dim3A_1, %mul3A_337 : vector<16xi32>
          %gather3A_339 = tpu.vector_load_idx %arg10[%mul3A_338, %select_n3A_211] masked %and3A_204 : memref<64x512xf32, #tpu.memory_space<vmem>>[vector<16xi32>, vector<16xi32>], vector<16xf32>, vector<16xi1>
          tpu.vector_store_idx %arg12[%sub3A_209, %mul3A_338], %gather3A_339 masked %and3A_204 : memref<112x128xf32, #tpu.memory_space<vmem>>[vector<16xi32>, vector<16xi32>], vector<16xf32>, vector<16xi1>
          %mul3A_340 = arith.constant 32 : i32
          %mul3A_341 = vector.broadcast %mul3A_340 : i32 to vector<16xi32>
          %mul3A_342 = arith.muli %broadcast_in_dim3A_1, %mul3A_341 : vector<16xi32>
          %gather3A_343 = tpu.vector_load_idx %arg10[%mul3A_342, %select_n3A_211] masked %and3A_204 : memref<64x512xf32, #tpu.memory_space<vmem>>[vector<16xi32>, vector<16xi32>], vector<16xf32>, vector<16xi1>
          tpu.vector_store_idx %arg12[%sub3A_209, %mul3A_342], %gather3A_343 masked %and3A_204 : memref<112x128xf32, #tpu.memory_space<vmem>>[vector<16xi32>, vector<16xi32>], vector<16xf32>, vector<16xi1>
          %mul3A_344 = arith.constant 33 : i32
          %mul3A_345 = vector.broadcast %mul3A_344 : i32 to vector<16xi32>
          %mul3A_346 = arith.muli %broadcast_in_dim3A_1, %mul3A_345 : vector<16xi32>
          %gather3A_347 = tpu.vector_load_idx %arg10[%mul3A_346, %select_n3A_211] masked %and3A_204 : memref<64x512xf32, #tpu.memory_space<vmem>>[vector<16xi32>, vector<16xi32>], vector<16xf32>, vector<16xi1>
          tpu.vector_store_idx %arg12[%sub3A_209, %mul3A_346], %gather3A_347 masked %and3A_204 : memref<112x128xf32, #tpu.memory_space<vmem>>[vector<16xi32>, vector<16xi32>], vector<16xf32>, vector<16xi1>
          %mul3A_348 = arith.constant 34 : i32
          %mul3A_349 = vector.broadcast %mul3A_348 : i32 to vector<16xi32>
          %mul3A_350 = arith.muli %broadcast_in_dim3A_1, %mul3A_349 : vector<16xi32>
          %gather3A_351 = tpu.vector_load_idx %arg10[%mul3A_350, %select_n3A_211] masked %and3A_204 : memref<64x512xf32, #tpu.memory_space<vmem>>[vector<16xi32>, vector<16xi32>], vector<16xf32>, vector<16xi1>
          tpu.vector_store_idx %arg12[%sub3A_209, %mul3A_350], %gather3A_351 masked %and3A_204 : memref<112x128xf32, #tpu.memory_space<vmem>>[vector<16xi32>, vector<16xi32>], vector<16xf32>, vector<16xi1>
          %mul3A_352 = arith.constant 35 : i32
          %mul3A_353 = vector.broadcast %mul3A_352 : i32 to vector<16xi32>
          %mul3A_354 = arith.muli %broadcast_in_dim3A_1, %mul3A_353 : vector<16xi32>
          %gather3A_355 = tpu.vector_load_idx %arg10[%mul3A_354, %select_n3A_211] masked %and3A_204 : memref<64x512xf32, #tpu.memory_space<vmem>>[vector<16xi32>, vector<16xi32>], vector<16xf32>, vector<16xi1>
          tpu.vector_store_idx %arg12[%sub3A_209, %mul3A_354], %gather3A_355 masked %and3A_204 : memref<112x128xf32, #tpu.memory_space<vmem>>[vector<16xi32>, vector<16xi32>], vector<16xf32>, vector<16xi1>
          %mul3A_356 = arith.constant 36 : i32
          %mul3A_357 = vector.broadcast %mul3A_356 : i32 to vector<16xi32>
          %mul3A_358 = arith.muli %broadcast_in_dim3A_1, %mul3A_357 : vector<16xi32>
          %gather3A_359 = tpu.vector_load_idx %arg10[%mul3A_358, %select_n3A_211] masked %and3A_204 : memref<64x512xf32, #tpu.memory_space<vmem>>[vector<16xi32>, vector<16xi32>], vector<16xf32>, vector<16xi1>
          tpu.vector_store_idx %arg12[%sub3A_209, %mul3A_358], %gather3A_359 masked %and3A_204 : memref<112x128xf32, #tpu.memory_space<vmem>>[vector<16xi32>, vector<16xi32>], vector<16xf32>, vector<16xi1>
          %mul3A_360 = arith.constant 37 : i32
          %mul3A_361 = vector.broadcast %mul3A_360 : i32 to vector<16xi32>
          %mul3A_362 = arith.muli %broadcast_in_dim3A_1, %mul3A_361 : vector<16xi32>
          %gather3A_363 = tpu.vector_load_idx %arg10[%mul3A_362, %select_n3A_211] masked %and3A_204 : memref<64x512xf32, #tpu.memory_space<vmem>>[vector<16xi32>, vector<16xi32>], vector<16xf32>, vector<16xi1>
          tpu.vector_store_idx %arg12[%sub3A_209, %mul3A_362], %gather3A_363 masked %and3A_204 : memref<112x128xf32, #tpu.memory_space<vmem>>[vector<16xi32>, vector<16xi32>], vector<16xf32>, vector<16xi1>
          %mul3A_364 = arith.constant 38 : i32
          %mul3A_365 = vector.broadcast %mul3A_364 : i32 to vector<16xi32>
          %mul3A_366 = arith.muli %broadcast_in_dim3A_1, %mul3A_365 : vector<16xi32>
          %gather3A_367 = tpu.vector_load_idx %arg10[%mul3A_366, %select_n3A_211] masked %and3A_204 : memref<64x512xf32, #tpu.memory_space<vmem>>[vector<16xi32>, vector<16xi32>], vector<16xf32>, vector<16xi1>
          tpu.vector_store_idx %arg12[%sub3A_209, %mul3A_366], %gather3A_367 masked %and3A_204 : memref<112x128xf32, #tpu.memory_space<vmem>>[vector<16xi32>, vector<16xi32>], vector<16xf32>, vector<16xi1>
          %mul3A_368 = arith.constant 39 : i32
          %mul3A_369 = vector.broadcast %mul3A_368 : i32 to vector<16xi32>
          %mul3A_370 = arith.muli %broadcast_in_dim3A_1, %mul3A_369 : vector<16xi32>
          %gather3A_371 = tpu.vector_load_idx %arg10[%mul3A_370, %select_n3A_211] masked %and3A_204 : memref<64x512xf32, #tpu.memory_space<vmem>>[vector<16xi32>, vector<16xi32>], vector<16xf32>, vector<16xi1>
          tpu.vector_store_idx %arg12[%sub3A_209, %mul3A_370], %gather3A_371 masked %and3A_204 : memref<112x128xf32, #tpu.memory_space<vmem>>[vector<16xi32>, vector<16xi32>], vector<16xf32>, vector<16xi1>
          %mul3A_372 = arith.constant 40 : i32
          %mul3A_373 = vector.broadcast %mul3A_372 : i32 to vector<16xi32>
          %mul3A_374 = arith.muli %broadcast_in_dim3A_1, %mul3A_373 : vector<16xi32>
          %gather3A_375 = tpu.vector_load_idx %arg10[%mul3A_374, %select_n3A_211] masked %and3A_204 : memref<64x512xf32, #tpu.memory_space<vmem>>[vector<16xi32>, vector<16xi32>], vector<16xf32>, vector<16xi1>
          tpu.vector_store_idx %arg12[%sub3A_209, %mul3A_374], %gather3A_375 masked %and3A_204 : memref<112x128xf32, #tpu.memory_space<vmem>>[vector<16xi32>, vector<16xi32>], vector<16xf32>, vector<16xi1>
          %mul3A_376 = arith.constant 41 : i32
          %mul3A_377 = vector.broadcast %mul3A_376 : i32 to vector<16xi32>
          %mul3A_378 = arith.muli %broadcast_in_dim3A_1, %mul3A_377 : vector<16xi32>
          %gather3A_379 = tpu.vector_load_idx %arg10[%mul3A_378, %select_n3A_211] masked %and3A_204 : memref<64x512xf32, #tpu.memory_space<vmem>>[vector<16xi32>, vector<16xi32>], vector<16xf32>, vector<16xi1>
          tpu.vector_store_idx %arg12[%sub3A_209, %mul3A_378], %gather3A_379 masked %and3A_204 : memref<112x128xf32, #tpu.memory_space<vmem>>[vector<16xi32>, vector<16xi32>], vector<16xf32>, vector<16xi1>
          %mul3A_380 = arith.constant 42 : i32
          %mul3A_381 = vector.broadcast %mul3A_380 : i32 to vector<16xi32>
          %mul3A_382 = arith.muli %broadcast_in_dim3A_1, %mul3A_381 : vector<16xi32>
          %gather3A_383 = tpu.vector_load_idx %arg10[%mul3A_382, %select_n3A_211] masked %and3A_204 : memref<64x512xf32, #tpu.memory_space<vmem>>[vector<16xi32>, vector<16xi32>], vector<16xf32>, vector<16xi1>
          tpu.vector_store_idx %arg12[%sub3A_209, %mul3A_382], %gather3A_383 masked %and3A_204 : memref<112x128xf32, #tpu.memory_space<vmem>>[vector<16xi32>, vector<16xi32>], vector<16xf32>, vector<16xi1>
          %mul3A_384 = arith.constant 43 : i32
          %mul3A_385 = vector.broadcast %mul3A_384 : i32 to vector<16xi32>
          %mul3A_386 = arith.muli %broadcast_in_dim3A_1, %mul3A_385 : vector<16xi32>
          %gather3A_387 = tpu.vector_load_idx %arg10[%mul3A_386, %select_n3A_211] masked %and3A_204 : memref<64x512xf32, #tpu.memory_space<vmem>>[vector<16xi32>, vector<16xi32>], vector<16xf32>, vector<16xi1>
          tpu.vector_store_idx %arg12[%sub3A_209, %mul3A_386], %gather3A_387 masked %and3A_204 : memref<112x128xf32, #tpu.memory_space<vmem>>[vector<16xi32>, vector<16xi32>], vector<16xf32>, vector<16xi1>
          %mul3A_388 = arith.constant 44 : i32
          %mul3A_389 = vector.broadcast %mul3A_388 : i32 to vector<16xi32>
          %mul3A_390 = arith.muli %broadcast_in_dim3A_1, %mul3A_389 : vector<16xi32>
          %gather3A_391 = tpu.vector_load_idx %arg10[%mul3A_390, %select_n3A_211] masked %and3A_204 : memref<64x512xf32, #tpu.memory_space<vmem>>[vector<16xi32>, vector<16xi32>], vector<16xf32>, vector<16xi1>
          tpu.vector_store_idx %arg12[%sub3A_209, %mul3A_390], %gather3A_391 masked %and3A_204 : memref<112x128xf32, #tpu.memory_space<vmem>>[vector<16xi32>, vector<16xi32>], vector<16xf32>, vector<16xi1>
          %mul3A_392 = arith.constant 45 : i32
          %mul3A_393 = vector.broadcast %mul3A_392 : i32 to vector<16xi32>
          %mul3A_394 = arith.muli %broadcast_in_dim3A_1, %mul3A_393 : vector<16xi32>
          %gather3A_395 = tpu.vector_load_idx %arg10[%mul3A_394, %select_n3A_211] masked %and3A_204 : memref<64x512xf32, #tpu.memory_space<vmem>>[vector<16xi32>, vector<16xi32>], vector<16xf32>, vector<16xi1>
          tpu.vector_store_idx %arg12[%sub3A_209, %mul3A_394], %gather3A_395 masked %and3A_204 : memref<112x128xf32, #tpu.memory_space<vmem>>[vector<16xi32>, vector<16xi32>], vector<16xf32>, vector<16xi1>
          %mul3A_396 = arith.constant 46 : i32
          %mul3A_397 = vector.broadcast %mul3A_396 : i32 to vector<16xi32>
          %mul3A_398 = arith.muli %broadcast_in_dim3A_1, %mul3A_397 : vector<16xi32>
          %gather3A_399 = tpu.vector_load_idx %arg10[%mul3A_398, %select_n3A_211] masked %and3A_204 : memref<64x512xf32, #tpu.memory_space<vmem>>[vector<16xi32>, vector<16xi32>], vector<16xf32>, vector<16xi1>
          tpu.vector_store_idx %arg12[%sub3A_209, %mul3A_398], %gather3A_399 masked %and3A_204 : memref<112x128xf32, #tpu.memory_space<vmem>>[vector<16xi32>, vector<16xi32>], vector<16xf32>, vector<16xi1>
          %mul3A_400 = arith.constant 47 : i32
          %mul3A_401 = vector.broadcast %mul3A_400 : i32 to vector<16xi32>
          %mul3A_402 = arith.muli %broadcast_in_dim3A_1, %mul3A_401 : vector<16xi32>
          %gather3A_403 = tpu.vector_load_idx %arg10[%mul3A_402, %select_n3A_211] masked %and3A_204 : memref<64x512xf32, #tpu.memory_space<vmem>>[vector<16xi32>, vector<16xi32>], vector<16xf32>, vector<16xi1>
          tpu.vector_store_idx %arg12[%sub3A_209, %mul3A_402], %gather3A_403 masked %and3A_204 : memref<112x128xf32, #tpu.memory_space<vmem>>[vector<16xi32>, vector<16xi32>], vector<16xf32>, vector<16xi1>
          %mul3A_404 = arith.constant 48 : i32
          %mul3A_405 = vector.broadcast %mul3A_404 : i32 to vector<16xi32>
          %mul3A_406 = arith.muli %broadcast_in_dim3A_1, %mul3A_405 : vector<16xi32>
          %gather3A_407 = tpu.vector_load_idx %arg10[%mul3A_406, %select_n3A_211] masked %and3A_204 : memref<64x512xf32, #tpu.memory_space<vmem>>[vector<16xi32>, vector<16xi32>], vector<16xf32>, vector<16xi1>
          tpu.vector_store_idx %arg12[%sub3A_209, %mul3A_406], %gather3A_407 masked %and3A_204 : memref<112x128xf32, #tpu.memory_space<vmem>>[vector<16xi32>, vector<16xi32>], vector<16xf32>, vector<16xi1>
          %mul3A_408 = arith.constant 49 : i32
          %mul3A_409 = vector.broadcast %mul3A_408 : i32 to vector<16xi32>
          %mul3A_410 = arith.muli %broadcast_in_dim3A_1, %mul3A_409 : vector<16xi32>
          %gather3A_411 = tpu.vector_load_idx %arg10[%mul3A_410, %select_n3A_211] masked %and3A_204 : memref<64x512xf32, #tpu.memory_space<vmem>>[vector<16xi32>, vector<16xi32>], vector<16xf32>, vector<16xi1>
          tpu.vector_store_idx %arg12[%sub3A_209, %mul3A_410], %gather3A_411 masked %and3A_204 : memref<112x128xf32, #tpu.memory_space<vmem>>[vector<16xi32>, vector<16xi32>], vector<16xf32>, vector<16xi1>
          %mul3A_412 = arith.constant 50 : i32
          %mul3A_413 = vector.broadcast %mul3A_412 : i32 to vector<16xi32>
          %mul3A_414 = arith.muli %broadcast_in_dim3A_1, %mul3A_413 : vector<16xi32>
          %gather3A_415 = tpu.vector_load_idx %arg10[%mul3A_414, %select_n3A_211] masked %and3A_204 : memref<64x512xf32, #tpu.memory_space<vmem>>[vector<16xi32>, vector<16xi32>], vector<16xf32>, vector<16xi1>
          tpu.vector_store_idx %arg12[%sub3A_209, %mul3A_414], %gather3A_415 masked %and3A_204 : memref<112x128xf32, #tpu.memory_space<vmem>>[vector<16xi32>, vector<16xi32>], vector<16xf32>, vector<16xi1>
          %mul3A_416 = arith.constant 51 : i32
          %mul3A_417 = vector.broadcast %mul3A_416 : i32 to vector<16xi32>
          %mul3A_418 = arith.muli %broadcast_in_dim3A_1, %mul3A_417 : vector<16xi32>
          %gather3A_419 = tpu.vector_load_idx %arg10[%mul3A_418, %select_n3A_211] masked %and3A_204 : memref<64x512xf32, #tpu.memory_space<vmem>>[vector<16xi32>, vector<16xi32>], vector<16xf32>, vector<16xi1>
          tpu.vector_store_idx %arg12[%sub3A_209, %mul3A_418], %gather3A_419 masked %and3A_204 : memref<112x128xf32, #tpu.memory_space<vmem>>[vector<16xi32>, vector<16xi32>], vector<16xf32>, vector<16xi1>
          %mul3A_420 = arith.constant 52 : i32
          %mul3A_421 = vector.broadcast %mul3A_420 : i32 to vector<16xi32>
          %mul3A_422 = arith.muli %broadcast_in_dim3A_1, %mul3A_421 : vector<16xi32>
          %gather3A_423 = tpu.vector_load_idx %arg10[%mul3A_422, %select_n3A_211] masked %and3A_204 : memref<64x512xf32, #tpu.memory_space<vmem>>[vector<16xi32>, vector<16xi32>], vector<16xf32>, vector<16xi1>
          tpu.vector_store_idx %arg12[%sub3A_209, %mul3A_422], %gather3A_423 masked %and3A_204 : memref<112x128xf32, #tpu.memory_space<vmem>>[vector<16xi32>, vector<16xi32>], vector<16xf32>, vector<16xi1>
          %mul3A_424 = arith.constant 53 : i32
          %mul3A_425 = vector.broadcast %mul3A_424 : i32 to vector<16xi32>
          %mul3A_426 = arith.muli %broadcast_in_dim3A_1, %mul3A_425 : vector<16xi32>
          %gather3A_427 = tpu.vector_load_idx %arg10[%mul3A_426, %select_n3A_211] masked %and3A_204 : memref<64x512xf32, #tpu.memory_space<vmem>>[vector<16xi32>, vector<16xi32>], vector<16xf32>, vector<16xi1>
          tpu.vector_store_idx %arg12[%sub3A_209, %mul3A_426], %gather3A_427 masked %and3A_204 : memref<112x128xf32, #tpu.memory_space<vmem>>[vector<16xi32>, vector<16xi32>], vector<16xf32>, vector<16xi1>
          %mul3A_428 = arith.constant 54 : i32
          %mul3A_429 = vector.broadcast %mul3A_428 : i32 to vector<16xi32>
          %mul3A_430 = arith.muli %broadcast_in_dim3A_1, %mul3A_429 : vector<16xi32>
          %gather3A_431 = tpu.vector_load_idx %arg10[%mul3A_430, %select_n3A_211] masked %and3A_204 : memref<64x512xf32, #tpu.memory_space<vmem>>[vector<16xi32>, vector<16xi32>], vector<16xf32>, vector<16xi1>
          tpu.vector_store_idx %arg12[%sub3A_209, %mul3A_430], %gather3A_431 masked %and3A_204 : memref<112x128xf32, #tpu.memory_space<vmem>>[vector<16xi32>, vector<16xi32>], vector<16xf32>, vector<16xi1>
          %mul3A_432 = arith.constant 55 : i32
          %mul3A_433 = vector.broadcast %mul3A_432 : i32 to vector<16xi32>
          %mul3A_434 = arith.muli %broadcast_in_dim3A_1, %mul3A_433 : vector<16xi32>
          %gather3A_435 = tpu.vector_load_idx %arg10[%mul3A_434, %select_n3A_211] masked %and3A_204 : memref<64x512xf32, #tpu.memory_space<vmem>>[vector<16xi32>, vector<16xi32>], vector<16xf32>, vector<16xi1>
          tpu.vector_store_idx %arg12[%sub3A_209, %mul3A_434], %gather3A_435 masked %and3A_204 : memref<112x128xf32, #tpu.memory_space<vmem>>[vector<16xi32>, vector<16xi32>], vector<16xf32>, vector<16xi1>
          %mul3A_436 = arith.constant 56 : i32
          %mul3A_437 = vector.broadcast %mul3A_436 : i32 to vector<16xi32>
          %mul3A_438 = arith.muli %broadcast_in_dim3A_1, %mul3A_437 : vector<16xi32>
          %gather3A_439 = tpu.vector_load_idx %arg10[%mul3A_438, %select_n3A_211] masked %and3A_204 : memref<64x512xf32, #tpu.memory_space<vmem>>[vector<16xi32>, vector<16xi32>], vector<16xf32>, vector<16xi1>
          tpu.vector_store_idx %arg12[%sub3A_209, %mul3A_438], %gather3A_439 masked %and3A_204 : memref<112x128xf32, #tpu.memory_space<vmem>>[vector<16xi32>, vector<16xi32>], vector<16xf32>, vector<16xi1>
          %mul3A_440 = arith.constant 57 : i32
          %mul3A_441 = vector.broadcast %mul3A_440 : i32 to vector<16xi32>
          %mul3A_442 = arith.muli %broadcast_in_dim3A_1, %mul3A_441 : vector<16xi32>
          %gather3A_443 = tpu.vector_load_idx %arg10[%mul3A_442, %select_n3A_211] masked %and3A_204 : memref<64x512xf32, #tpu.memory_space<vmem>>[vector<16xi32>, vector<16xi32>], vector<16xf32>, vector<16xi1>
          tpu.vector_store_idx %arg12[%sub3A_209, %mul3A_442], %gather3A_443 masked %and3A_204 : memref<112x128xf32, #tpu.memory_space<vmem>>[vector<16xi32>, vector<16xi32>], vector<16xf32>, vector<16xi1>
          %mul3A_444 = arith.constant 58 : i32
          %mul3A_445 = vector.broadcast %mul3A_444 : i32 to vector<16xi32>
          %mul3A_446 = arith.muli %broadcast_in_dim3A_1, %mul3A_445 : vector<16xi32>
          %gather3A_447 = tpu.vector_load_idx %arg10[%mul3A_446, %select_n3A_211] masked %and3A_204 : memref<64x512xf32, #tpu.memory_space<vmem>>[vector<16xi32>, vector<16xi32>], vector<16xf32>, vector<16xi1>
          tpu.vector_store_idx %arg12[%sub3A_209, %mul3A_446], %gather3A_447 masked %and3A_204 : memref<112x128xf32, #tpu.memory_space<vmem>>[vector<16xi32>, vector<16xi32>], vector<16xf32>, vector<16xi1>
          %mul3A_448 = arith.constant 59 : i32
          %mul3A_449 = vector.broadcast %mul3A_448 : i32 to vector<16xi32>
          %mul3A_450 = arith.muli %broadcast_in_dim3A_1, %mul3A_449 : vector<16xi32>
          %gather3A_451 = tpu.vector_load_idx %arg10[%mul3A_450, %select_n3A_211] masked %and3A_204 : memref<64x512xf32, #tpu.memory_space<vmem>>[vector<16xi32>, vector<16xi32>], vector<16xf32>, vector<16xi1>
          tpu.vector_store_idx %arg12[%sub3A_209, %mul3A_450], %gather3A_451 masked %and3A_204 : memref<112x128xf32, #tpu.memory_space<vmem>>[vector<16xi32>, vector<16xi32>], vector<16xf32>, vector<16xi1>
          %mul3A_452 = arith.constant 60 : i32
          %mul3A_453 = vector.broadcast %mul3A_452 : i32 to vector<16xi32>
          %mul3A_454 = arith.muli %broadcast_in_dim3A_1, %mul3A_453 : vector<16xi32>
          %gather3A_455 = tpu.vector_load_idx %arg10[%mul3A_454, %select_n3A_211] masked %and3A_204 : memref<64x512xf32, #tpu.memory_space<vmem>>[vector<16xi32>, vector<16xi32>], vector<16xf32>, vector<16xi1>
          tpu.vector_store_idx %arg12[%sub3A_209, %mul3A_454], %gather3A_455 masked %and3A_204 : memref<112x128xf32, #tpu.memory_space<vmem>>[vector<16xi32>, vector<16xi32>], vector<16xf32>, vector<16xi1>
          %mul3A_456 = arith.constant 61 : i32
          %mul3A_457 = vector.broadcast %mul3A_456 : i32 to vector<16xi32>
          %mul3A_458 = arith.muli %broadcast_in_dim3A_1, %mul3A_457 : vector<16xi32>
          %gather3A_459 = tpu.vector_load_idx %arg10[%mul3A_458, %select_n3A_211] masked %and3A_204 : memref<64x512xf32, #tpu.memory_space<vmem>>[vector<16xi32>, vector<16xi32>], vector<16xf32>, vector<16xi1>
          tpu.vector_store_idx %arg12[%sub3A_209, %mul3A_458], %gather3A_459 masked %and3A_204 : memref<112x128xf32, #tpu.memory_space<vmem>>[vector<16xi32>, vector<16xi32>], vector<16xf32>, vector<16xi1>
          %mul3A_460 = arith.constant 62 : i32
          %mul3A_461 = vector.broadcast %mul3A_460 : i32 to vector<16xi32>
          %mul3A_462 = arith.muli %broadcast_in_dim3A_1, %mul3A_461 : vector<16xi32>
          %gather3A_463 = tpu.vector_load_idx %arg10[%mul3A_462, %select_n3A_211] masked %and3A_204 : memref<64x512xf32, #tpu.memory_space<vmem>>[vector<16xi32>, vector<16xi32>], vector<16xf32>, vector<16xi1>
          tpu.vector_store_idx %arg12[%sub3A_209, %mul3A_462], %gather3A_463 masked %and3A_204 : memref<112x128xf32, #tpu.memory_space<vmem>>[vector<16xi32>, vector<16xi32>], vector<16xf32>, vector<16xi1>
          %mul3A_464 = arith.constant 63 : i32
          %mul3A_465 = vector.broadcast %mul3A_464 : i32 to vector<16xi32>
          %mul3A_466 = arith.muli %broadcast_in_dim3A_1, %mul3A_465 : vector<16xi32>
          %gather3A_467 = tpu.vector_load_idx %arg10[%mul3A_466, %select_n3A_211] masked %and3A_204 : memref<64x512xf32, #tpu.memory_space<vmem>>[vector<16xi32>, vector<16xi32>], vector<16xf32>, vector<16xi1>
          tpu.vector_store_idx %arg12[%sub3A_209, %mul3A_466], %gather3A_467 masked %and3A_204 : memref<112x128xf32, #tpu.memory_space<vmem>>[vector<16xi32>, vector<16xi32>], vector<16xf32>, vector<16xi1>
          tpu.vector_store_idx %arg13[%sub3A_209], %get3A_198 masked %and3A_204 : memref<112xi32, #tpu.memory_space<vmem>>[vector<16xi32>], vector<16xi32>, vector<16xi1>
          %all_reduce_population_count3A = tpu.all_reduce %and3A_204 {dim = 0 : i64, kind = #tpu.reduction_kind<sum>} : vector<16xi1> -> vector<16xi32>
          %add3A_468 = arith.addi %while3A_190, %all_reduce_population_count3A : vector<16xi32>
          %reduce_max3A_469 = arith.constant true
          %reduce_max3A_470 = vector.broadcast %reduce_max3A_469 : i1 to vector<16xi1>
          %reduce_max3A_471 = arith.constant -2147483648 : i32
          %reduce_max3A_472 = vector.broadcast %reduce_max3A_471 : i32 to vector<16xi32>
          %reduce_max3A_473 = arith.xori %add3A_468, %reduce_max3A_472 : vector<16xi32>
          %reduce_max3A_474 = tpu.scan <max>, %reduce_max3A_473 masked %reduce_max3A_470 : vector<16xi32>, vector<16xi1> -> vector<16xi32>
          %reduce_max3A_475 = arith.xori %reduce_max3A_474, %reduce_max3A_472 : vector<16xi32>
          %reduce_max3A_476 = vector.extract %reduce_max3A_475[15] : i32 from vector<16xi32>
          %gt3A_477 = arith.constant 96 : i32
          %gt3A_478 = arith.cmpi sgt, %reduce_max3A_476, %gt3A_477 : i32
          %convert_element_type3A_479 = arith.extui %gt3A_478 : i1 to i32
          %cond3A_480 = arith.constant 0 : i32
          %cond3A_481 = arith.cmpi ne, %convert_element_type3A_479, %cond3A_480 : i32
          scf.if %cond3A_481 {
            %dma_start3A_483 = arith.constant 0 : i32
            %dma_start3A_484 = arith.constant 0 : i32
            %dma_start3A_485 = tpu.memref_slice %arg4[%dma_start3A_483, %dma_start3A_484] : memref<16400x128xf32, #tpu.memory_space<hbm>> -> memref<16400x128xf32, #tpu.memory_space<hbm>>
            tpu.enqueue_indirect_dma source(%arg12 : memref<112x128xf32, #tpu.memory_space<vmem>>) target(%dma_start3A_485 : memref<16400x128xf32, #tpu.memory_space<hbm>>) offsets(%arg13 : memref<112xi32, #tpu.memory_space<vmem>>) semaphore(%arg16 : memref<!tpu.dma_semaphore, #tpu.memory_space<semaphore_mem>>)
            %dma_wait3A_486 = arith.constant 0 : i32
            %dma_wait3A_487 = arith.constant 0 : i32
            %dma_wait3A_488 = tpu.memref_slice %arg4[%dma_wait3A_486, %dma_wait3A_487] : memref<16400x128xf32, #tpu.memory_space<hbm>> -> memref<16400x128xf32, #tpu.memory_space<hbm>>
            tpu.wait_indirect_dma semaphore(%arg16 : memref<!tpu.dma_semaphore, #tpu.memory_space<semaphore_mem>>) src(%arg12 : memref<112x128xf32, #tpu.memory_space<vmem>>) dst(%dma_wait3A_488 : memref<16400x128xf32, #tpu.memory_space<hbm>>)
            %swap3A_489 = arith.constant 0 : index
            %swap3A_490 = tpu.vector_load %arg13[%swap3A_489] {strides = array<i32>} : memref<112xi32, #tpu.memory_space<vmem>>, vector<16xi32>,
            tpu.vector_store %arg13[%swap3A_489], %broadcast_in_dim3A_5 {strides = array<i32>} : memref<112xi32, #tpu.memory_space<vmem>>, vector<16xi32>,
            %swap3A_491 = arith.constant 16 : index
            %swap3A_492 = tpu.vector_load %arg13[%swap3A_491] {strides = array<i32>} : memref<112xi32, #tpu.memory_space<vmem>>, vector<16xi32>,
            tpu.vector_store %arg13[%swap3A_491], %broadcast_in_dim3A_5 {strides = array<i32>} : memref<112xi32, #tpu.memory_space<vmem>>, vector<16xi32>,
            %swap3A_493 = arith.constant 32 : index
            %swap3A_494 = tpu.vector_load %arg13[%swap3A_493] {strides = array<i32>} : memref<112xi32, #tpu.memory_space<vmem>>, vector<16xi32>,
            tpu.vector_store %arg13[%swap3A_493], %broadcast_in_dim3A_5 {strides = array<i32>} : memref<112xi32, #tpu.memory_space<vmem>>, vector<16xi32>,
            %swap3A_495 = arith.constant 48 : index
            %swap3A_496 = tpu.vector_load %arg13[%swap3A_495] {strides = array<i32>} : memref<112xi32, #tpu.memory_space<vmem>>, vector<16xi32>,
            tpu.vector_store %arg13[%swap3A_495], %broadcast_in_dim3A_5 {strides = array<i32>} : memref<112xi32, #tpu.memory_space<vmem>>, vector<16xi32>,
            %swap3A_497 = arith.constant 64 : index
            %swap3A_498 = tpu.vector_load %arg13[%swap3A_497] {strides = array<i32>} : memref<112xi32, #tpu.memory_space<vmem>>, vector<16xi32>,
            tpu.vector_store %arg13[%swap3A_497], %broadcast_in_dim3A_5 {strides = array<i32>} : memref<112xi32, #tpu.memory_space<vmem>>, vector<16xi32>,
            %swap3A_499 = arith.constant 80 : index
            %swap3A_500 = tpu.vector_load %arg13[%swap3A_499] {strides = array<i32>} : memref<112xi32, #tpu.memory_space<vmem>>, vector<16xi32>,
            tpu.vector_store %arg13[%swap3A_499], %broadcast_in_dim3A_5 {strides = array<i32>} : memref<112xi32, #tpu.memory_space<vmem>>, vector<16xi32>,
            %swap3A_501 = arith.constant 96 : index
            %swap3A_502 = tpu.vector_load %arg13[%swap3A_501] {strides = array<i32>} : memref<112xi32, #tpu.memory_space<vmem>>, vector<16xi32>,
            tpu.vector_store %arg13[%swap3A_501], %broadcast_in_dim3A_5 {strides = array<i32>} : memref<112xi32, #tpu.memory_space<vmem>>, vector<16xi32>,
          } else {
          }
          %select_n3A_482 = arith.select %gt3A_478, %broadcast_in_dim3A_3, %add3A_468 : vector<16xi32>
          scf.yield %select_n3A_482 : vector<16xi32>
        }
        scf.yield %while3A_188 : vector<16xi32>
      }
      %scan3A_146 = arith.constant 62 : i32
      %reduce_max3A_147 = arith.constant true
      %reduce_max3A_148 = vector.broadcast %reduce_max3A_147 : i1 to vector<16xi1>
      %reduce_max3A_149 = arith.constant -2147483648 : i32
      %reduce_max3A_150 = vector.broadcast %reduce_max3A_149 : i32 to vector<16xi32>
      %reduce_max3A_151 = arith.xori %scan3A_145, %reduce_max3A_150 : vector<16xi32>
      %reduce_max3A_152 = tpu.scan <max>, %reduce_max3A_151 masked %reduce_max3A_148 : vector<16xi32>, vector<16xi1> -> vector<16xi32>
      %reduce_max3A_153 = arith.xori %reduce_max3A_152, %reduce_max3A_150 : vector<16xi32>
      %reduce_max3A_154 = vector.extract %reduce_max3A_153[15] : i32 from vector<16xi32>
      %gt3A_155 = arith.constant 0 : i32
      %gt3A_156 = arith.cmpi sgt, %reduce_max3A_154, %gt3A_155 : i32
      %convert_element_type3A_157 = arith.extui %gt3A_156 : i1 to i32
      %cond3A_158 = arith.constant 0 : i32
      %cond3A_159 = arith.cmpi ne, %convert_element_type3A_157, %cond3A_158 : i32
      scf.if %cond3A_159 {
        %dma_start3A = arith.constant 0 : i32
        %dma_start3A_160 = arith.constant 0 : i32
        %dma_start3A_161 = tpu.memref_slice %arg4[%dma_start3A, %dma_start3A_160] : memref<16400x128xf32, #tpu.memory_space<hbm>> -> memref<16400x128xf32, #tpu.memory_space<hbm>>
        tpu.enqueue_indirect_dma source(%arg12 : memref<112x128xf32, #tpu.memory_space<vmem>>) target(%dma_start3A_161 : memref<16400x128xf32, #tpu.memory_space<hbm>>) offsets(%arg13 : memref<112xi32, #tpu.memory_space<vmem>>) semaphore(%arg16 : memref<!tpu.dma_semaphore, #tpu.memory_space<semaphore_mem>>)
        %dma_wait3A = arith.constant 0 : i32
        %dma_wait3A_162 = arith.constant 0 : i32
        %dma_wait3A_163 = tpu.memref_slice %arg4[%dma_wait3A, %dma_wait3A_162] : memref<16400x128xf32, #tpu.memory_space<hbm>> -> memref<16400x128xf32, #tpu.memory_space<hbm>>
        tpu.wait_indirect_dma semaphore(%arg16 : memref<!tpu.dma_semaphore, #tpu.memory_space<semaphore_mem>>) src(%arg12 : memref<112x128xf32, #tpu.memory_space<vmem>>) dst(%dma_wait3A_163 : memref<16400x128xf32, #tpu.memory_space<hbm>>)
      } else {
      }
    } else {
    }
    return
  }
}

</mosaic_0001>

<sc_bundles>
// kernel: kernel.3.cloned.1.call-start
scs
__scs_entry_jumppad:
0x0: {  	(pc) =	sbr.rel $0x88, $3  }
0x1: {  	(tag) =	ssettag $0x0;
	lr =	simm.s32 $0x1  }
0x2: {  	[smem:$0x3F9F] =	sst lr;
	_ =	strace $0xD0000000  }
0x3: {  	_ = 	snop  }
0x4: {  	_ = 	snop  }
0x5: {  	_ = 	snop  }
0x6: {  	_ = 	snop  }
0x7: {  	_ = 	snop  }
__scs_overlays_trampoline_lowered:
0x8: {  	[smem:$0x3FAE] =	sst s0  }
0x9: {  	[smem:$0x3FAF] =	sst s1  }
0xa: {  	[smem:$0x3FB0] =	sst s2  }
0xb: {  	[smem:$0x3FB1] =	sst s3  }
0xc: {  	[smem:$0x3FB2] =	sst s4  }
0xd: {  	[smem:$0x3FB3] =	sst s5  }
0xe: {  	[smem:$0x3FB4] =	sst s6  }
0xf: {  	[smem:$0x3FB5] =	sst s7  }
0x10: {  	[smem:$0x3FB6] =	sst s8  }
0x11: {  	[smem:$0x3FB7] =	sst s9;
	s0 =	simm.s32 @!p0 $0x0  }
0x12: {  	s1 =	sld [smem:$0x3F9D];
	s0 =	simm.s32 @p0 $0x1  }
0x13: {  	[smem:$0x3FB8] =	sst s0;
	s0 =	simm.s32 @!p1 $0x0  }
0x14: {  	s2 =	sld [smem:$0x3F9C];
	s0 =	simm.s32 @p1 $0x1  }
0x15: {  	[smem:$0x3FB9] =	sst s0;
	s0 =	simm.s32 @!p2 $0x0  }
0x16: {  	s3 =	sld [smem:$0x3FDB];
	s0 =	simm.s32 @p2 $0x1  }
0x17: {  	s4 =	simm.s32 $0x1BF5;
	[smem:$0x3FBB] =	sst s0  }
0x18: {  	s0 =	sld [smem:$0x3F9E];
	_ =	swait.ge [sflag:s4], $0x0  }
0x19: {  	s7 =	sld [smem:$0x3F9F]  }
0x1a: {  	s8 =	sadd.s32 $0xFFFFE003, lr  }
0x1b: {  	s9 =	sadd.s32 $0xFFFFFEF7, lr;
	s5 =	simm.s32 $0xFFFFFFFF;
	p2 =	slt.u32 s8, $0xFFFFF086  }
0x1c: {  	p1 =	slt.u32 s9, $0xF7A;
	s5 =	simm.s32 @!p2 $0x0  }
0x1d: {  	s5 =	simm.s32 @p1 $0x1;
	p0 =	seq.s32 s7, s2  }
0x1e: {  	s7 =	smul.u32 @!p0 $0xF7A, s2;
	p2 =	seq.s32 @!p0 s5, $0x0  }
0x1f: {  	s9 =	smul.u32 $0xF7A, s1;
	s8 =	simm.s32 @!p0 $0x1BF5;
	p2 =	por !p2, p0  }
0x20: {  	[sflag:s8] =	ssyncset.s32 @!p0 $0xFFFFF086;
	s6 =	sadd.s32 @!p0 s3, s7;
	s7 =	simm.s32 @!p0 $0x108  }
0x21: {  	s3 =	sadd.s32 s3, s9;
	s6 =	sadd.s32 @!p0 $0x88, s6;
	s7 =	simm.s32 @p2 $0x1082  }
0x22: {  	[simem:s7], [sflag:s8] =	dma.local @!p0 [hbm:s6], $0xF7A  }
0x23: {  	s9 =	sor.u32 $0xD0000000, s2;
	s6 =	simm.s32 $0x108;
	_ =	swait.ge @!p0 [sflag:s8], $0x0  }
0x24: {  	s3 =	sadd.s32 $0x88, s3;
	s6 =	simm.s32 @!p1 $0x1082;
	[sflag:s4] =	ssyncset.s32 $0xFFFFF086  }
0x25: {  	[simem:s6], [sflag:s4] =	dma.local [hbm:s3], $0xF7A  }
0x26: {  	[smem:$0x3F9F] =	sst s1;
	(tag) =	ssettag s2;
	_ =	strace s9  }
0x27: {  	s1 =	sld [smem:$0x3FAF]  }
0x28: {  	s2 =	sld [smem:$0x3FB0]  }
0x29: {  	s4 =	sld [smem:$0x3FB2]  }
0x2a: {  	p0 =	seq.s32 s5, $0x0;
	s5 =	sld [smem:$0x3FB3]  }
0x2b: {  	s6 =	sld [smem:$0x3FB4]  }
0x2c: {  	s7 =	sld [smem:$0x3FB5]  }
0x2d: {  	s3 =	simm.s32 $0x108;
	s8 =	sld [smem:$0x3FB6]  }
0x2e: {  	s3 =	simm.s32 @!p0 $0x1082;
	s9 =	sld [smem:$0x3FB7]  }
0x2f: {  	lr =	sadd.s32 s0, s3;
	s0 =	sld [smem:$0x3FAE]  }
0x30: {  	s3 =	sld [smem:$0x3FB1]  }
0x31: {  	[smem:$0x3FBA] =	sst s10  }
0x32: {  	s10 =	sld [smem:$0x3FB8];
	_ =	sdelay $0x3  }
0x33: {  	p0 =	seq.s32 s10, $0x1;
	s10 =	sld [smem:$0x3FBA];
	_ =	sdelay $0x3  }
0x34: {  	[smem:$0x3FBA] =	sst s10  }
0x35: {  	s10 =	sld [smem:$0x3FB9];
	_ =	sdelay $0x3  }
0x36: {  	p1 =	seq.s32 s10, $0x1;
	s10 =	sld [smem:$0x3FBA];
	_ =	sdelay $0x3  }
0x37: {  	[smem:$0x3FBA] =	sst s10  }
0x38: {  	s10 =	sld [smem:$0x3FBB]  }
0x39: {  	_ = 	snop;
	(pc) =	sbr.ind lr, $3  }
0x3a: {  	_ = 	snop  }
0x3b: {  	_ = 	snop  }
0x3c: {  	p2 =	seq.s32 s10, $0x1;
	s10 =	sld [smem:$0x3FBA]  }
0x3d: {  	_ =	shalt  }
0x3e: {  	_ =	shalt  }
0x3f: {  	_ =	shalt  }
0x40: {  	_ =	shalt  }
0x41: {  	_ =	shalt  }
0x42: {  	_ =	shalt  }
0x43: {  	_ =	shalt  }
0x44: {  	_ =	shalt  }
0x45: {  	_ =	shalt  }
0x46: {  	_ =	shalt  }
0x47: {  	_ =	shalt  }
0x48: {  	_ =	shalt  }
0x49: {  	_ =	shalt  }
0x4a: {  	_ =	shalt  }
0x4b: {  	_ =	shalt  }
0x4c: {  	_ =	shalt  }
0x4d: {  	_ =	shalt  }
0x4e: {  	_ =	shalt  }
0x4f: {  	_ =	shalt  }
0x50: {  	_ =	shalt  }
0x51: {  	_ =	shalt  }
0x52: {  	_ =	shalt  }
0x53: {  	_ =	shalt  }
0x54: {  	_ =	shalt  }
0x55: {  	_ =	shalt  }
0x56: {  	_ =	shalt  }
0x57: {  	_ =	shalt  }
0x58: {  	_ =	shalt  }
0x59: {  	_ =	shalt  }
0x5a: {  	_ =	shalt  }
0x5b: {  	_ =	shalt  }
0x5c: {  	_ =	shalt  }
0x5d: {  	_ =	shalt  }
0x5e: {  	_ =	shalt  }
0x5f: {  	_ =	shalt  }
0x60: {  	_ =	shalt  }
0x61: {  	_ =	shalt  }
0x62: {  	_ =	shalt  }
0x63: {  	_ =	shalt  }
0x64: {  	_ =	shalt  }
0x65: {  	_ =	shalt  }
0x66: {  	_ =	shalt  }
0x67: {  	_ =	shalt  }
0x68: {  	_ =	shalt  }
0x69: {  	_ =	shalt  }
0x6a: {  	_ =	shalt  }
0x6b: {  	_ =	shalt  }
0x6c: {  	_ =	shalt  }
0x6d: {  	_ =	shalt  }
0x6e: {  	_ =	shalt  }
0x6f: {  	_ =	shalt  }
0x70: {  	_ =	shalt  }
0x71: {  	_ =	shalt  }
0x72: {  	_ =	shalt  }
0x73: {  	_ =	shalt  }
0x74: {  	_ =	shalt  }
0x75: {  	_ =	shalt  }
0x76: {  	_ =	shalt  }
0x77: {  	_ =	shalt  }
0x78: {  	_ =	shalt  }
0x79: {  	_ =	shalt  }
0x7a: {  	_ =	shalt  }
0x7b: {  	_ =	shalt  }
0x7c: {  	_ =	shalt  }
0x7d: {  	_ =	shalt  }
0x7e: {  	_ =	shalt  }
0x7f: {  	_ =	shalt  }
0x80: {  	_ =	shalt  }
0x81: {  	_ =	shalt  }
0x82: {  	_ =	shalt  }
0x83: {  	_ =	shalt  }
0x84: {  	_ =	shalt  }
0x85: {  	_ =	shalt  }
0x86: {  	_ =	shalt  }
0x87: {  	_ =	shalt  }
.Lfunc_end0:
.L_simem_size_0:
called_computation_lowered:
.L_overlay_start_0:
0x88: {  	s2 =	sld [smem:$0x3FD9]  }
0x89: {  	s3 =	sld [smem:$0x3FFE];
	_ =	sdelay $0x1  }
0x8a: {  	s1 =	srdreg.scid  }
0x8b: {  	s0 =	sand.u32 $0x1, s1  }
0x8c: {  	s17 =	sshll.u32 s0, $0xA;
	s2 =	sadd.s32 s3, s2  }
0x8d: {  	s2 =	sadd.s32 s2, s17  }
0x8e: {  	[smem:$0x3FC6] =	sst s2  }
0x8f: {  	_ = 	snop  }
0x90: {  	s2 =	sld [smem:$0x3FC9]  }
0x91: {  	s18 =	sld [smem:$0x3FC8];
	(tm) =	ssettm $0x1  }
0x92: {  	s4 =	sld [smem:$0x3FFB];
	_ =	sdelay $0x3  }
0x93: {  	_ =	strace s4  }
0x94: {  	s4 =	sld [smem:$0x3FFC];
	_ =	sdelay $0x3  }
0x95: {  	_ =	strace s4  }
0x96: {  	s4 =	sld [smem:$0x3FFD];
	_ =	sdelay $0x3  }
0x97: {  	_ =	strace s4  }
0x98: {  	_ =	strace $0x8FFFFFFF  }
0x99: {  	s19 =	sld [smem:$0x3FDB];
	_ =	sdelay $0x1  }
0x9a: {  	s5 =	simm.s32 $_scs_section_size  }
0x9b: {  	s6 =	simm.s32 $_size__tile_overlayer_lowered;
	s7 =	simm.s32 $_tile_overlayer_lowered  }
0x9c: {  	s22 =	simm.s32 $0x1BFF;
	s21 =	sshll.u32 s7, $0x1;
	s4 =	sadd.s32 s5, s19  }
0x9d: {  	s8 =	simm.s32 $0x0;
	s20 =	sshll.u32 s6, $0x1;
	s6 =	sadd.s32 s21, s4  }
0x9e: {  	[timem:s8], [sflag:s22] =	dma.local [hbm:s6], s20  }
0x9f: {  	_ =	swait.ge [sflag:s22], s20  }
0xa0: {  	s5 =	ssub.s32 $0x0, s20;
	[sflag:s22] =	ssyncset.done $0x0  }
0xa1: {  	[sflag:s22] =	ssyncadd.s32 s5;
	_ =	sdelay $0x1  }
0xa2: {  	s23 =	simm.s32 $0x1B8B  }
0xa3: {  	_ =	swait.ge [sflag:s23], $0x1  }
0xa4: {  	[sflag:s23] =	ssyncset.done $0x0  }
0xa5: {  	s25 =	simm.s32 $0x1B8E;
	s24 =	sld [smem:$0x3FFE];
	[sflag:s23] =	ssyncadd.s32 $0xFFFFFFFF  }
0xa6: {  	s26 =	simm.s32 $execute0_lowered;
	[smem:$0x3FD2] =	sst s25  }
0xa7: {  	s6 =	sshll.u32 s26, $0x1;
	_ =	strace $0x80000046;
	[dreg:$0x1] =	wrdreg $0xFFFFFFFF  }
0xa8: {  	s28 =	simm.s32 $_size_execute0_lowered;
	s4 =	sadd.s32 s4, s6;
	[dreg:$0x0] =	wrdreg $0x0  }
0xa9: {  	s6 =	sshll.u32 s28, $0x1;
	[dreg:$0x2] =	wrdreg s4  }
0xaa: {  	[dreg:$0x3] =	wrdreg s6  }
0xab: {  	[dreg:$0x4] =	wrdreg $0xC0  }
0xac: {  	_ =	task [dreg:s8], $0x5FFFF  }
0xad: {  	[dreg:$0x1] =	wrdreg $0xFFFFFFFF  }
0xae: {  	[dreg:$0x0] =	wrdreg $0x60  }
0xaf: {  	[dreg:$0x2] =	wrdreg s2  }
0xb0: {  	[dreg:$0x3] =	wrdreg s18  }
0xb1: {  	[dreg:$0x4] =	wrdreg s24  }
0xb2: {  	[dreg:$0x5] =	wrdreg $0x9  }
0xb3: {  	_ =	task.clear_ibuf [dreg:s8], $0x6FFFF;
	_ =	strace $0x90000046  }
0xb4: {  	s29 =	simm.s32 $0x9;
	_ =	strace $0x80000048  }
0xb5: {  	_ =	swait.ge [sflag:s29], $0x1  }
0xb6: {  	[sflag:s29] =	ssyncadd.s32 $0xFFFFFFFF  }
0xb7: {  	_ =	strace $0x90000048  }
0xb8: {  	_ =	sfence  }
0xb9: {  	s30 =	sld [smem:$0x0];
	_ =	sdelay $0x2  }
0xba: {  	s31 =	sshll.u32 s1, $0xD;
	s1 =	sshrl.u32 s1, $0x2  }
0xbb: {  	s3 =	sand.u32 $0x4000, s31;
	s1 =	sadd.s32 s1, s30  }
0xbc: {  	s0 =	sor.u32 s3, s0;
	s1 =	sshll.u32 s1, $0x11  }
0xbd: {  	s0 =	sor.u32 s1, s0  }
0xbe: {  	s0 =	sadd.s32 $0x8F2B, s0  }
0xbf: {  	[sflag:s0] =	ssyncadd.remote.s32 $0x1  }
0xc0: {  	_ =	sfence.sel $0xFFFF  }
0xc1: {  	[dreg:$0x0] =	wrdreg $0xFFFFFFFF;
	(pc) =	sbr.abs _section_cstart, $3  }
0xc2: {  	[dreg:$0x1] =	wrdreg $0xFFFFFFFF  }
0xc3: {  	_ =	task.clear_ibuf [dreg:s8], $0x2FFFF;
	_ =	strace $0x9FFFFFFF  }
0xc4: {  	(tm) =	ssettm $0x7FFFFFFF  }
0xc5: {  	_ =	shalt  }
tec
execute0_lowered:
.L_overlay_start_1:
0x0: {  	(tag) =	ssettag $0x1  }
0x1: {  	s1 =	rddreg [dreg:$0x0]  }
0x2: {  	s3 =	rddreg [dreg:$0x1]  }
0x3: {  	s2 =	srdreg.scid;
	s0 =	stileid.u32  }
0x4: {  	s7 =	rddreg [dreg:$0x2];
	s4 =	simm.s32 $0x0;
	s12 =	simm.s32 $0x7A1400  }
0x5: {  	s13 =	simm.s32 $0x1000;
	s14 =	simm.s32 $0xC680;
	s15 =	simm.s32 $0x14680  }
0x6: {  	s16 =	simm.s32 $0x4000;
	s17 =	simm.s32 $0x1;
	s18 =	simm.s32 $0xC600  }
0x7: {  	s19 =	simm.s32 $0xC000;
	s20 =	simm.s32 $0x8000;
	s21 =	simm.s32 $0x1C680  }
0x8: {  	s22 =	simm.s32 $0x1FE80;
	s23 =	simm.s32 $0x2;
	s24 =	simm.s32 $0x0  }
0x9: {  	s10 =	sand.u32 $0x1, s2;
	s5 =	sshll.u32 s0, $0x1;
	[smem:$0x7FF] =	sst s4  }
.Ltmp0:
0xa: {  	v1 =	vimm.s32 $0x0;
	v2 =	vlaneseq.u32;
	vm6 =	vmmov $0x1;
	s7 =	sadd.s32 $0x400, s7;
	s11 =	sshll.u32 s0, $0xA;
	(pc) =	sbr.rel .LBB2_1-.Ltmp0, $4  }
0xb: {  	vm7 =	vcmask $0x1310;
	vm8 =	vcmask $0x1714;
	vm9 =	vcmask $0x1B18;
	s5 =	sor.u32 s10, s5;
	s8 =	ssub.s32 $0x2, s10;
	_ =	strace $0x80000047  }
0xc: {  	vm10 =	vcmask $0x1F1C;
	vm11 =	vcmask $0x2320;
	vm12 =	vcmask $0x2724;
	s10 =	sshll.u32 s10, $0x9;
	s6 =	sshll.u32 s5, $0x9;
	s9 =	sshrl.u32 s8, $0x1  }
0xd: {  	vm13 =	vcmask $0x2B28;
	vm15 =	vcmask $0x2F2C;
	v3 =	vimm.s32 $0x4000;
	s10 =	sor.u32 s10, s11;
	s6 =	sadd.s32 s3, s6;
	s9 =	ssub.s32 s8, s9  }
0xe: {  	vm5 =	vcmask $0x3B38;
	vm0 =	vcmask $0x3F3C;
	v0 =	vmov s5;
	s11 =	simm.s32 $0x4;
	s8 =	sadd.s32 $0x4000, s6;
	s9 =	smax.u32 s9, $0x1  }
.LBB2_23:
0xf: {  	v4 =	vxor.u32 $0x80000000, v7  }
0x10: {  	(xrf0) =	vmax.scan.msk.u32 $0xffff, v4;
	_ =	sdelay $0x5  }
0x11: {  	v4, _, _ =	vpop (xrf0)  }
0x12: {  	(v2sf) =	vpush v4, $0xF;
	_ =	sdelay $0xe  }
0x13: {  	s0 =	spop (v2sf)  }
0x14: {  	p0 =	slt.u32 s0, $0x80000001  }
0x15: {  	s0 =	simm.s32 @!p0 $0x70;
	s2 =	simm.s32 @!p0 $0x1FE80;
	s25 =	simm.s32 @!p0 $0x1C680  }
0x16: {  	[hbm4b:s7+s0] =	stream.indirect.scatter @!p0 [tilespmem:s25], [sflag:$0x3], $0x80, s2, s0, $0xb8;
	[tilespmem:$0x1FF00] =	vst v63  }
0x17: {  	s0 =	simm.s32 @!p0 $0x3  }
0x18: {  	_ =	swait.ge @!p0 [sflag:s0], $0x3800  }
0x19: {  	[sflag:s0] =	ssyncset.done @!p0 $0x0  }
0x1a: {  	[sflag:s0] =	ssyncadd.s32 @!p0 $0xFFFFC800  }
.LBB2_24:
0x1b: {  	s24 =	sadd.s32 $0x1, s24  }
0x1c: {  	p0 =	sne.s32 s24, s9  }
.Ltmp1:
0x1d: {  	_ = 	snop;
	(pc) =	sbr.rel @!p0 .LBB2_25-.Ltmp1, $1  }
0x1e: {  	_ =	sdelay $0x3  }
.LBB2_1:
0x1f: {  	[tilespmem:s4], [sflag:$0x4] =	stream.linear.gather [hbm4b:s1+s4], $0x4000, $0x38;
	[tilespmem:$0x1FF00] =	vst v63  }
0x20: {  	_ =	swait.ge [sflag:s11], $0x4000  }
0x21: {  	[sflag:s11] =	ssyncset.done $0x0  }
0x22: {  	[sflag:s11] =	ssyncadd.s32 $0xFFFFC000  }
0x23: {  	[tilespmem:s14], [sflag:$0x1] =	stream.strided.gather [hbm4b:s6+s13], $0x8000, s12, s13, $0x38;
	[tilespmem:$0x1FF00] =	vst v63  }
0x24: {  	vm14 =	vmmov vm13;
	vm13 =	vmmov vm12;
	vm12 =	vmmov vm11  }
0x25: {  	vm11 =	vmmov vm10;
	vm10 =	vmmov vm9;
	vm9 =	vmmov vm8;
	[tilespmem:s15], [sflag:$0x2] =	stream.strided.gather [hbm4b:s8+s13], $0x8000, s12, s13, $0x38;
	[tilespmem:$0x1FF00] =	vst v63  }
0x26: {  	vm8 =	vmmov vm7;
	s26 =	simm.s32 $0x10;
	v5 =	vimm.s32 $0x0;
	v4 =	vimm.s32 $0x0;
	s25 =	simm.s32 $0x0;
	s28 =	simm.s32 $0x0;
	v6 =	vld [tilespmem:s4+$0x0]  }
.LBB2_2:
0x27: {  	p0 =	sne.s32 s26, $0x3FF0;
	_ =	sdelay $0x3  }
0x28: {  	v6 =	vshrl.u32 v6, $0x9  }
0x29: {  	v6 =	vand.u32 $0x1F, v6  }
0x2a: {  	vm1 =	veq.s32 v6, v0  }
0x2b: {  	v6 =	vsel vm1, $0x1, v1;
	v7 =	vmpcnt.ones.xlane vm1  }
0x2c: {  	(xrf0) =	vadd.scan.msk.s32 $0xffff, v6  }
0x2d: {  	v5 =	vadd.s32 v5, v7;
	_ =	sdelay $0x3  }
0x2e: {  	v6 =	vsel vm1, $0xFFFFFFFF, v1  }
0x2f: {  	v6 =	vadd.s32 v6, v4;
	v4 =	vmov v5;
	v7, _, _ =	vpop (xrf0)  }
0x30: {  	v6 =	vadd.s32 v7, v6;
	_ =	sdelay $0x1  }
.Ltmp2:
0x31: {  	(pc) =	sbr.rel @p0 .LBB2_2-.Ltmp2, $4  }
0x32: {  	_ = 	snop  }
0x33: {  	v7 =	vor.u32 s25, v2;
	s25 =	smov.u32 s26  }
0x34: {  	s28 =	sadd.s32 $0x10, s28;
	[tilespmem:v6+s16+$0x0] =	vst.idx.msk vm1, v7  }
0x35: {  	s26 =	sadd.s32 $0x10, s26;
	v6 =	vld [tilespmem:s28+$0x0]  }
0x36: {  	_ =	sdelay $0x3  }
0x37: {  	v6 =	vshrl.u32 v6, $0x9  }
0x38: {  	v6 =	vand.u32 $0x1F, v6  }
0x39: {  	vm1 =	veq.s32 v6, v0  }
0x3a: {  	v6 =	vmpcnt.ones.xlane vm1;
	_ =	sdelay $0x1  }
0x3b: {  	v7 =	vsel vm1, $0x1, v1;
	v6 =	vadd.s32 v5, v6  }
0x3c: {  	(xrf0) =	vadd.scan.msk.s32 $0xffff, v7;
	v5 =	vxor.u32 $0x80000000, v6  }
0x3d: {  	(xrf0) =	vmax.scan.msk.u32 $0xffff, v5;
	_ =	sdelay $0x4  }
0x3e: {  	v5, _, _ =	vpop (xrf0)  }
0x3f: {  	v7, _, _ =	vpop (xrf0)  }
0x40: {  	(v2sf) =	vpush v7, $0xF;
	_ =	sdelay $0xe  }
0x41: {  	s26 =	spop (v2sf)  }
0x42: {  	s26 =	sadd.s32 $0x8000000F, s26  }
0x43: {  	v7 =	vsel vm1, $0xFFFFFFFF, v1;
	s28 =	sand.u32 $0xF, s26  }
0x44: {  	v4 =	vadd.s32 v7, v4;
	s30 =	sshra.s32 s26, $0x1F;
	p1 =	slt.s32 s26, $0x1;
	p0 =	sne.s32 s28, $0x0  }
0x45: {  	v4 =	vadd.s32 v5, v4;
	s31 =	sshrl.u32 s30, $0x1C;
	p0 =	por !p1, !p0  }
0x46: {  	v5 =	vor.u32 s25, v2;
	s25 =	sadd.s32 s31, s26;
	s26 =	simm.s32 $0x1;
	p0 =	por !p0, !p0  }
0x47: {  	s25 =	sshra.s32 s25, $0x4;
	s26 =	simm.s32 @!p0 $0x0  }
0x48: {  	s25 =	ssub.s32 s25, s26  }
0x49: {  	p0 =	slt.s32 s25, $0x1  }
.Ltmp3:
0x4a: {  	[tilespmem:v4+s16+$0x0] =	vst.idx.msk vm1, v5;
	v5 =	vimm.s32 $0x0;
	(pc) =	sbr.rel @p0 .LBB2_6-.Ltmp3, $4  }
0x4b: {  	[tilespmem:$0xC600] =	vst v5  }
0x4c: {  	[tilespmem:$0xC610] =	vst v5  }
0x4d: {  	[tilespmem:$0xC620] =	vst v5  }
0x4e: {  	vm7 =	vcmask $0x3734;
	v4 =	vimm.s32 $0x0;
	[tilespmem:$0xC630] =	vst v5  }
0x4f: {  	s26 =	simm.s32 $0x4000;
	s28 =	simm.s32 $0x0;
	v4 =	vimm.s32 $0x0  }
.LBB2_5:
0x50: {  	v7 =	vld [tilespmem:s26+$0x0]  }
0x51: {  	v8 =	vor.u32 s28, v2  }
0x52: {  	vm1 =	vlt.s32 v8, v6;
	_ =	sdelay $0x5  }
0x53: {  	v8 =	vld.idx.msk [tilespmem:v7+s4+$0x0], vm1;
	_ =	sdelay $0x3  }
0x54: {  	vm2 =	vmand vm1, vm6  }
0x55: {  	v8 =	vshra.s32 v8, $0xE;
	_ =	sdelay $0x4  }
0x56: {  	v10 =	vld.idx.msk [tilespmem:v8+s18+$0x0], vm2;
	_ =	sdelay $0x4  }
0x57: {  	v9 =	vmul.u32 $0x18, v8;
	vm3 =	vlt.s32 v10, $0x18  }
0x58: {  	vm3 =	vmand vm2, vm3  }
0x59: {  	vm4 =	vge.s32 v10, $0x18;
	v11 =	vadd.s32 v10, v9  }
0x5a: {  	vm2 =	vmand vm2, vm4;
	vm4 =	vcmask $0x704  }
0x5b: {  	vm4 =	vmand vm1, vm4;
	_ =	sdelay $0x2  }
0x5c: {  	v10 =	vadd.s32 $0x1, v10;
	[tilespmem:v11+s19+$0x0] =	vst.idx.msk vm3, v7  }
0x5d: {  	[tilespmem:v8+s18+$0x0] =	vst.idx.msk vm3, v10  }
0x5e: {  	[tilespmem:v4+s20+$0x0] =	vst.idx.msk vm2, v7  }
0x5f: {  	v10 =	vld.idx.msk [tilespmem:v8+s18+$0x0], vm4;
	_ =	sdelay $0x4  }
0x60: {  	vm3 =	vlt.s32 v10, $0x18  }
0x61: {  	vm3 =	vmand vm4, vm3  }
0x62: {  	v34 =	vmpcnt.ones.xlane vm2;
	vm2 =	vge.s32 v10, $0x18;
	v12 =	vadd.s32 v9, v10  }
0x63: {  	vm2 =	vmand vm4, vm2;
	vm4 =	vcmask $0xB08  }
0x64: {  	v4 =	vadd.s32 v4, v34;
	vm4 =	vmand vm1, vm4;
	_ =	sdelay $0x2  }
0x65: {  	v10 =	vadd.s32 $0x1, v10;
	[tilespmem:v12+s19+$0x0] =	vst.idx.msk vm3, v7  }
0x66: {  	[tilespmem:v8+s18+$0x0] =	vst.idx.msk vm3, v10  }
0x67: {  	[tilespmem:v4+s20+$0x0] =	vst.idx.msk vm2, v7  }
0x68: {  	v10 =	vld.idx.msk [tilespmem:v8+s18+$0x0], vm4;
	_ =	sdelay $0x4  }
0x69: {  	vm3 =	vlt.s32 v10, $0x18  }
0x6a: {  	vm3 =	vmand vm4, vm3  }
0x6b: {  	v35 =	vmpcnt.ones.xlane vm2;
	vm2 =	vge.s32 v10, $0x18;
	v36 =	vadd.s32 v9, v10  }
0x6c: {  	vm2 =	vmand vm4, vm2;
	vm4 =	vcmask $0xF0C  }
0x6d: {  	v4 =	vadd.s32 v4, v35;
	vm4 =	vmand vm1, vm4;
	_ =	sdelay $0x2  }
0x6e: {  	v10 =	vadd.s32 $0x1, v10;
	[tilespmem:v36+s19+$0x0] =	vst.idx.msk vm3, v7  }
0x6f: {  	[tilespmem:v8+s18+$0x0] =	vst.idx.msk vm3, v10  }
0x70: {  	[tilespmem:v4+s20+$0x0] =	vst.idx.msk vm2, v7  }
0x71: {  	v10 =	vld.idx.msk [tilespmem:v8+s18+$0x0], vm4;
	_ =	sdelay $0x4  }
0x72: {  	vm3 =	vlt.s32 v10, $0x18  }
0x73: {  	vm3 =	vmand vm4, vm3  }
0x74: {  	v37 =	vmpcnt.ones.xlane vm2;
	vm2 =	vge.s32 v10, $0x18;
	v38 =	vadd.s32 v9, v10  }
0x75: {  	vm2 =	vmand vm4, vm2  }
0x76: {  	v4 =	vadd.s32 v4, v37;
	vm4 =	vmand vm1, vm8;
	_ =	sdelay $0x2  }
0x77: {  	v10 =	vadd.s32 $0x1, v10;
	[tilespmem:v38+s19+$0x0] =	vst.idx.msk vm3, v7  }
0x78: {  	[tilespmem:v8+s18+$0x0] =	vst.idx.msk vm3, v10  }
0x79: {  	[tilespmem:v4+s20+$0x0] =	vst.idx.msk vm2, v7  }
0x7a: {  	v10 =	vld.idx.msk [tilespmem:v8+s18+$0x0], vm4;
	_ =	sdelay $0x4  }
0x7b: {  	vm3 =	vlt.s32 v10, $0x18  }
0x7c: {  	vm3 =	vmand vm4, vm3  }
0x7d: {  	v39 =	vmpcnt.ones.xlane vm2;
	vm2 =	vge.s32 v10, $0x18;
	v40 =	vadd.s32 v9, v10  }
0x7e: {  	vm2 =	vmand vm4, vm2  }
0x7f: {  	v4 =	vadd.s32 v4, v39;
	vm4 =	vmand vm1, vm9;
	_ =	sdelay $0x2  }
0x80: {  	v10 =	vadd.s32 $0x1, v10;
	[tilespmem:v40+s19+$0x0] =	vst.idx.msk vm3, v7  }
0x81: {  	[tilespmem:v8+s18+$0x0] =	vst.idx.msk vm3, v10  }
0x82: {  	[tilespmem:v4+s20+$0x0] =	vst.idx.msk vm2, v7  }
0x83: {  	v10 =	vld.idx.msk [tilespmem:v8+s18+$0x0], vm4;
	_ =	sdelay $0x4  }
0x84: {  	vm3 =	vlt.s32 v10, $0x18  }
0x85: {  	vm3 =	vmand vm4, vm3  }
0x86: {  	v41 =	vmpcnt.ones.xlane vm2;
	vm2 =	vge.s32 v10, $0x18;
	v42 =	vadd.s32 v9, v10  }
0x87: {  	vm2 =	vmand vm4, vm2  }
0x88: {  	v4 =	vadd.s32 v4, v41;
	vm4 =	vmand vm1, vm10;
	_ =	sdelay $0x2  }
0x89: {  	v10 =	vadd.s32 $0x1, v10;
	[tilespmem:v42+s19+$0x0] =	vst.idx.msk vm3, v7  }
0x8a: {  	[tilespmem:v8+s18+$0x0] =	vst.idx.msk vm3, v10  }
0x8b: {  	[tilespmem:v4+s20+$0x0] =	vst.idx.msk vm2, v7  }
0x8c: {  	v10 =	vld.idx.msk [tilespmem:v8+s18+$0x0], vm4;
	_ =	sdelay $0x4  }
0x8d: {  	vm3 =	vlt.s32 v10, $0x18  }
0x8e: {  	vm3 =	vmand vm4, vm3  }
0x8f: {  	v43 =	vmpcnt.ones.xlane vm2;
	vm2 =	vge.s32 v10, $0x18;
	v44 =	vadd.s32 v9, v10  }
0x90: {  	vm2 =	vmand vm4, vm2  }
0x91: {  	v4 =	vadd.s32 v4, v43;
	vm4 =	vmand vm1, vm11;
	_ =	sdelay $0x2  }
0x92: {  	v10 =	vadd.s32 $0x1, v10;
	[tilespmem:v44+s19+$0x0] =	vst.idx.msk vm3, v7  }
0x93: {  	[tilespmem:v8+s18+$0x0] =	vst.idx.msk vm3, v10  }
0x94: {  	[tilespmem:v4+s20+$0x0] =	vst.idx.msk vm2, v7  }
0x95: {  	v10 =	vld.idx.msk [tilespmem:v8+s18+$0x0], vm4;
	_ =	sdelay $0x4  }
0x96: {  	vm3 =	vlt.s32 v10, $0x18  }
0x97: {  	vm3 =	vmand vm4, vm3  }
0x98: {  	v45 =	vmpcnt.ones.xlane vm2;
	vm2 =	vge.s32 v10, $0x18;
	v46 =	vadd.s32 v9, v10  }
0x99: {  	vm2 =	vmand vm4, vm2  }
0x9a: {  	v4 =	vadd.s32 v4, v45;
	vm4 =	vmand vm1, vm12;
	_ =	sdelay $0x2  }
0x9b: {  	v10 =	vadd.s32 $0x1, v10;
	[tilespmem:v46+s19+$0x0] =	vst.idx.msk vm3, v7  }
0x9c: {  	[tilespmem:v8+s18+$0x0] =	vst.idx.msk vm3, v10  }
0x9d: {  	[tilespmem:v4+s20+$0x0] =	vst.idx.msk vm2, v7  }
0x9e: {  	v10 =	vld.idx.msk [tilespmem:v8+s18+$0x0], vm4;
	_ =	sdelay $0x4  }
0x9f: {  	vm3 =	vlt.s32 v10, $0x18  }
0xa0: {  	vm3 =	vmand vm4, vm3  }
0xa1: {  	v47 =	vmpcnt.ones.xlane vm2;
	vm2 =	vge.s32 v10, $0x18;
	v48 =	vadd.s32 v9, v10  }
0xa2: {  	vm2 =	vmand vm4, vm2  }
0xa3: {  	v4 =	vadd.s32 v4, v47;
	vm4 =	vmand vm1, vm13;
	_ =	sdelay $0x2  }
0xa4: {  	v10 =	vadd.s32 $0x1, v10;
	[tilespmem:v48+s19+$0x0] =	vst.idx.msk vm3, v7  }
0xa5: {  	[tilespmem:v8+s18+$0x0] =	vst.idx.msk vm3, v10  }
0xa6: {  	[tilespmem:v4+s20+$0x0] =	vst.idx.msk vm2, v7  }
0xa7: {  	v10 =	vld.idx.msk [tilespmem:v8+s18+$0x0], vm4;
	_ =	sdelay $0x4  }
0xa8: {  	vm3 =	vlt.s32 v10, $0x18  }
0xa9: {  	vm3 =	vmand vm4, vm3  }
0xaa: {  	v49 =	vmpcnt.ones.xlane vm2;
	vm2 =	vge.s32 v10, $0x18;
	v50 =	vadd.s32 v9, v10  }
0xab: {  	vm2 =	vmand vm4, vm2  }
0xac: {  	v4 =	vadd.s32 v4, v49;
	vm4 =	vmand vm1, vm14;
	_ =	sdelay $0x2  }
0xad: {  	v10 =	vadd.s32 $0x1, v10;
	[tilespmem:v50+s19+$0x0] =	vst.idx.msk vm3, v7  }
0xae: {  	[tilespmem:v8+s18+$0x0] =	vst.idx.msk vm3, v10  }
0xaf: {  	[tilespmem:v4+s20+$0x0] =	vst.idx.msk vm2, v7  }
0xb0: {  	v10 =	vld.idx.msk [tilespmem:v8+s18+$0x0], vm4;
	_ =	sdelay $0x4  }
0xb1: {  	vm3 =	vlt.s32 v10, $0x18  }
0xb2: {  	vm3 =	vmand vm4, vm3  }
0xb3: {  	v51 =	vmpcnt.ones.xlane vm2;
	vm2 =	vge.s32 v10, $0x18;
	v52 =	vadd.s32 v9, v10  }
0xb4: {  	vm2 =	vmand vm4, vm2  }
0xb5: {  	v4 =	vadd.s32 v4, v51;
	vm4 =	vmand vm1, vm15;
	_ =	sdelay $0x2  }
0xb6: {  	v10 =	vadd.s32 $0x1, v10;
	[tilespmem:v52+s19+$0x0] =	vst.idx.msk vm3, v7  }
0xb7: {  	[tilespmem:v8+s18+$0x0] =	vst.idx.msk vm3, v10  }
0xb8: {  	[tilespmem:v4+s20+$0x0] =	vst.idx.msk vm2, v7  }
0xb9: {  	v10 =	vld.idx.msk [tilespmem:v8+s18+$0x0], vm4;
	_ =	sdelay $0x4  }
0xba: {  	vm3 =	vlt.s32 v10, $0x18  }
0xbb: {  	vm3 =	vmand vm4, vm3  }
0xbc: {  	v53 =	vmpcnt.ones.xlane vm2;
	vm2 =	vge.s32 v10, $0x18;
	v54 =	vadd.s32 v9, v10  }
0xbd: {  	vm2 =	vmand vm4, vm2;
	vm4 =	vcmask $0x3330  }
0xbe: {  	v4 =	vadd.s32 v4, v53;
	vm4 =	vmand vm1, vm4;
	_ =	sdelay $0x2  }
0xbf: {  	v10 =	vadd.s32 $0x1, v10;
	[tilespmem:v54+s19+$0x0] =	vst.idx.msk vm3, v7  }
0xc0: {  	[tilespmem:v8+s18+$0x0] =	vst.idx.msk vm3, v10  }
0xc1: {  	[tilespmem:v4+s20+$0x0] =	vst.idx.msk vm2, v7  }
0xc2: {  	v10 =	vld.idx.msk [tilespmem:v8+s18+$0x0], vm4;
	_ =	sdelay $0x4  }
0xc3: {  	vm3 =	vlt.s32 v10, $0x18  }
0xc4: {  	vm3 =	vmand vm4, vm3  }
0xc5: {  	v55 =	vmpcnt.ones.xlane vm2;
	vm2 =	vge.s32 v10, $0x18;
	v56 =	vadd.s32 v9, v10  }
0xc6: {  	vm2 =	vmand vm4, vm2  }
0xc7: {  	v4 =	vadd.s32 v4, v55;
	vm4 =	vmand vm1, vm7;
	_ =	sdelay $0x2  }
0xc8: {  	v10 =	vadd.s32 $0x1, v10;
	[tilespmem:v56+s19+$0x0] =	vst.idx.msk vm3, v7  }
0xc9: {  	[tilespmem:v8+s18+$0x0] =	vst.idx.msk vm3, v10  }
0xca: {  	[tilespmem:v4+s20+$0x0] =	vst.idx.msk vm2, v7  }
0xcb: {  	v10 =	vld.idx.msk [tilespmem:v8+s18+$0x0], vm4;
	_ =	sdelay $0x4  }
0xcc: {  	vm3 =	vlt.s32 v10, $0x18  }
0xcd: {  	vm3 =	vmand vm4, vm3  }
0xce: {  	v57 =	vmpcnt.ones.xlane vm2;
	vm2 =	vge.s32 v10, $0x18;
	v58 =	vadd.s32 v9, v10  }
0xcf: {  	vm2 =	vmand vm4, vm2  }
0xd0: {  	v4 =	vadd.s32 v4, v57;
	vm4 =	vmand vm1, vm5;
	_ =	sdelay $0x2  }
0xd1: {  	v10 =	vadd.s32 $0x1, v10;
	[tilespmem:v58+s19+$0x0] =	vst.idx.msk vm3, v7  }
0xd2: {  	[tilespmem:v8+s18+$0x0] =	vst.idx.msk vm3, v10  }
0xd3: {  	[tilespmem:v4+s20+$0x0] =	vst.idx.msk vm2, v7  }
0xd4: {  	v10 =	vld.idx.msk [tilespmem:v8+s18+$0x0], vm4;
	_ =	sdelay $0x4  }
0xd5: {  	vm3 =	vlt.s32 v10, $0x18  }
0xd6: {  	vm3 =	vmand vm4, vm3  }
0xd7: {  	v59 =	vmpcnt.ones.xlane vm2;
	vm2 =	vge.s32 v10, $0x18;
	v60 =	vadd.s32 v9, v10  }
0xd8: {  	vm2 =	vmand vm4, vm2  }
0xd9: {  	vm1 =	vmand vm1, vm0;
	v4 =	vadd.s32 v4, v59;
	_ =	sdelay $0x2  }
0xda: {  	v10 =	vadd.s32 $0x1, v10;
	[tilespmem:v60+s19+$0x0] =	vst.idx.msk vm3, v7  }
0xdb: {  	[tilespmem:v8+s18+$0x0] =	vst.idx.msk vm3, v10  }
0xdc: {  	[tilespmem:v4+s20+$0x0] =	vst.idx.msk vm2, v7  }
0xdd: {  	v10 =	vld.idx.msk [tilespmem:v8+s18+$0x0], vm1;
	_ =	sdelay $0x4  }
0xde: {  	vm3 =	vlt.s32 v10, $0x18  }
0xdf: {  	vm3 =	vmand vm1, vm3  }
0xe0: {  	v61 =	vmpcnt.ones.xlane vm2;
	vm2 =	vge.s32 v10, $0x18;
	v9 =	vadd.s32 v9, v10  }
0xe1: {  	vm1 =	vmand vm1, vm2  }
0xe2: {  	p0 =	sne.s32 s25, $0x1;
	v4 =	vadd.s32 v4, v61  }
.Ltmp4:
0xe3: {  	_ = 	snop;
	(pc) =	sbr.rel @p0 .LBB2_5-.Ltmp4, $4  }
0xe4: {  	_ = 	snop  }
0xe5: {  	v62 =	vadd.s32 $0x1, v10;
	v63 =	vmpcnt.ones.xlane vm1;
	[tilespmem:v9+s19+$0x0] =	vst.idx.msk vm3, v7  }
0xe6: {  	[tilespmem:v8+s18+$0x0] =	vst.idx.msk vm3, v62  }
0xe7: {  	s26 =	sadd.s32 $0x10, s26;
	s28 =	sadd.s32 $0x10, s28;
	s25 =	sadd.s32 $0xFFFFFFFF, s25;
	[tilespmem:v4+s20+$0x0] =	vst.idx.msk vm1, v7;
	v4 =	vadd.s32 v4, v63  }
.LBB2_6:
0xe8: {  	[tilespmem:$0x1FE80] =	vst v3  }
0xe9: {  	[tilespmem:$0x1FE90] =	vst v3  }
0xea: {  	[tilespmem:$0x1FEA0] =	vst v3  }
0xeb: {  	[tilespmem:$0x1FEB0] =	vst v3  }
0xec: {  	[tilespmem:$0x1FEC0] =	vst v3;
	vm7 =	vmmov vm8  }
0xed: {  	[tilespmem:$0x1FED0] =	vst v3;
	s25 =	simm.s32 $0x0;
	vm8 =	vmmov vm9;
	vm9 =	vmmov vm10;
	vm10 =	vmmov vm11  }
0xee: {  	[tilespmem:$0x1FEE0] =	vst v3;
	s26 =	simm.s32 $0xC018;
	s28 =	smov.u32 s10;
	s29 =	simm.s32 $0x0;
	vm11 =	vmmov vm12;
	vm12 =	vmmov vm13;
	vm13 =	vmmov vm14  }
.LBB2_7:
0xef: {  	v6 =	vmov s25  }
0xf0: {  	v6 =	vand.u32 $0xFFFFFFFE, v6  }
0xf1: {  	v6 =	vbroadcast v6, $0x0;
	_ =	sdelay $0x2  }
0xf2: {  	_ =	swait.ge [sflag:s17], $0x8000  }
0xf3: {  	[sflag:s17] =	ssyncset.done $0x0  }
0xf4: {  	[sflag:s17] =	ssyncadd.s32 $0xFFFF8000  }
0xf5: {  	v6 =	vld.idx.msk [tilespmem:v6+s18+$0x0], $0xffff;
	_ =	sdelay $0x4  }
0xf6: {  	vm1 =	vgt.s32 v6, v2  }
0xf7: {  	v7 =	vsel vm1, $0x1, v1  }
0xf8: {  	v7 =	vor.u32 $0x80000000, v7  }
0xf9: {  	(xrf0) =	vmax.scan.msk.u32 $0xffff, v7;
	_ =	sdelay $0x5  }
0xfa: {  	v7, _, _ =	vpop (xrf0)  }
0xfb: {  	(v2sf) =	vpush v7, $0xF;
	_ =	sdelay $0xe  }
0xfc: {  	s30 =	spop (v2sf)  }
0xfd: {  	p0 =	slt.u32 s30, $0x80000001  }
.Ltmp5:
0xfe: {  	_ = 	snop;
	(pc) =	sbr.rel @p0 .LBB2_9-.Ltmp5, $3  }
0xff: {  	_ =	sdelay $0x1  }
0x100: {  	v7 =	vmov s28  }
0x101: {  	v8 =	vadd.s32 $0x200, v7  }
0x102: {  	v9 =	vld [tilespmem:s26+$0xFFFFFFE8];
	_ =	sdelay $0x7  }
0x103: {  	v10 =	vld.idx.msk [tilespmem:v9+s4+$0x0], vm1;
	_ =	sdelay $0x4  }
0x104: {  	vm2 =	vge.s32 v10, v7;
	vm3 =	vlt.s32 v10, v8  }
0x105: {  	vm2 =	vmand vm2, vm3  }
0x106: {  	vm1 =	vmand vm1, vm2  }
0x107: {  	v10 =	vsub.s32 v10, v7;
	v11 =	vsel vm1, $0x1, v1  }
0x108: {  	v10 =	vnsel vm1, $0x0, v10;
	(xrf0) =	vadd.scan.msk.s32 $0xffff, v11  }
0x109: {  	v11 =	vshll.u32 v10, $0x3  }
0x10a: {  	v10 =	vand.u32 $0x7F, v10;
	v11 =	vand.u32 $0xFFFFFC00, v11  }
0x10b: {  	v11 =	vor.u32 v10, v11;
	_ =	sdelay $0x1  }
0x10c: {  	v10 =	vsel vm1, $0xFFFFFFFF, v1  }
0x10d: {  	v10 =	vadd.s32 v10, v5;
	v12, _, _ =	vpop (xrf0)  }
0x10e: {  	v10 =	vadd.s32 v12, v10  }
0x10f: {  	v13 =	vld.idx.msk [tilespmem:v11+s14+$0x0], vm1;
	v12 =	vshll.u32 v10, $0x7  }
0x110: {  	v14 =	vor.u32 $0x80, v11;
	_ =	sdelay $0x3  }
0x111: {  	[tilespmem:v12+s21+$0x0] =	vst.idx.msk vm1, v13  }
0x112: {  	v32 =	vor.u32 $0x1, v12;
	v13 =	vld.idx.msk [tilespmem:v14+s14+$0x0], vm1  }
0x113: {  	v15 =	vor.u32 $0x100, v11;
	_ =	sdelay $0x3  }
0x114: {  	[tilespmem:v32+s21+$0x0] =	vst.idx.msk vm1, v13  }
0x115: {  	v33 =	vor.u32 $0x2, v12;
	v13 =	vld.idx.msk [tilespmem:v15+s14+$0x0], vm1  }
0x116: {  	v34 =	vor.u32 $0x180, v11;
	_ =	sdelay $0x3  }
0x117: {  	[tilespmem:v33+s21+$0x0] =	vst.idx.msk vm1, v13  }
0x118: {  	v35 =	vor.u32 $0x3, v12;
	v13 =	vld.idx.msk [tilespmem:v34+s14+$0x0], vm1  }
0x119: {  	v36 =	vor.u32 $0x200, v11;
	_ =	sdelay $0x3  }
0x11a: {  	[tilespmem:v35+s21+$0x0] =	vst.idx.msk vm1, v13  }
0x11b: {  	v37 =	vor.u32 $0x4, v12;
	v13 =	vld.idx.msk [tilespmem:v36+s14+$0x0], vm1  }
0x11c: {  	v38 =	vor.u32 $0x280, v11;
	_ =	sdelay $0x3  }
0x11d: {  	[tilespmem:v37+s21+$0x0] =	vst.idx.msk vm1, v13  }
0x11e: {  	v39 =	vor.u32 $0x5, v12;
	v13 =	vld.idx.msk [tilespmem:v38+s14+$0x0], vm1  }
0x11f: {  	v40 =	vor.u32 $0x300, v11;
	_ =	sdelay $0x3  }
0x120: {  	[tilespmem:v39+s21+$0x0] =	vst.idx.msk vm1, v13  }
0x121: {  	v41 =	vor.u32 $0x6, v12;
	v13 =	vld.idx.msk [tilespmem:v40+s14+$0x0], vm1  }
0x122: {  	v42 =	vor.u32 $0x380, v11;
	_ =	sdelay $0x3  }
0x123: {  	[tilespmem:v41+s21+$0x0] =	vst.idx.msk vm1, v13  }
0x124: {  	v43 =	vor.u32 $0x7, v12;
	v13 =	vld.idx.msk [tilespmem:v42+s14+$0x0], vm1  }
0x125: {  	v44 =	vadd.s32 $0x1000, v11;
	_ =	sdelay $0x3  }
0x126: {  	[tilespmem:v43+s21+$0x0] =	vst.idx.msk vm1, v13  }
0x127: {  	v45 =	vor.u32 $0x8, v12;
	v13 =	vld.idx.msk [tilespmem:v44+s14+$0x0], vm1  }
0x128: {  	v46 =	vadd.s32 $0x1080, v11;
	_ =	sdelay $0x3  }
0x129: {  	[tilespmem:v45+s21+$0x0] =	vst.idx.msk vm1, v13  }
0x12a: {  	v47 =	vor.u32 $0x9, v12;
	v13 =	vld.idx.msk [tilespmem:v46+s14+$0x0], vm1  }
0x12b: {  	v48 =	vadd.s32 $0x1100, v11;
	_ =	sdelay $0x3  }
0x12c: {  	[tilespmem:v47+s21+$0x0] =	vst.idx.msk vm1, v13  }
0x12d: {  	v49 =	vor.u32 $0xA, v12;
	v13 =	vld.idx.msk [tilespmem:v48+s14+$0x0], vm1  }
0x12e: {  	v50 =	vadd.s32 $0x1180, v11;
	_ =	sdelay $0x3  }
0x12f: {  	[tilespmem:v49+s21+$0x0] =	vst.idx.msk vm1, v13  }
0x130: {  	v51 =	vor.u32 $0xB, v12;
	v13 =	vld.idx.msk [tilespmem:v50+s14+$0x0], vm1  }
0x131: {  	v52 =	vadd.s32 $0x1200, v11;
	_ =	sdelay $0x3  }
0x132: {  	[tilespmem:v51+s21+$0x0] =	vst.idx.msk vm1, v13  }
0x133: {  	v53 =	vor.u32 $0xC, v12;
	v13 =	vld.idx.msk [tilespmem:v52+s14+$0x0], vm1  }
0x134: {  	v54 =	vadd.s32 $0x1280, v11;
	_ =	sdelay $0x3  }
0x135: {  	[tilespmem:v53+s21+$0x0] =	vst.idx.msk vm1, v13  }
0x136: {  	v55 =	vor.u32 $0xD, v12;
	v13 =	vld.idx.msk [tilespmem:v54+s14+$0x0], vm1  }
0x137: {  	v56 =	vadd.s32 $0x1300, v11;
	_ =	sdelay $0x3  }
0x138: {  	[tilespmem:v55+s21+$0x0] =	vst.idx.msk vm1, v13  }
0x139: {  	v57 =	vor.u32 $0xE, v12;
	v13 =	vld.idx.msk [tilespmem:v56+s14+$0x0], vm1  }
0x13a: {  	v58 =	vadd.s32 $0x1380, v11;
	_ =	sdelay $0x3  }
0x13b: {  	[tilespmem:v57+s21+$0x0] =	vst.idx.msk vm1, v13  }
0x13c: {  	v59 =	vor.u32 $0xF, v12;
	v13 =	vld.idx.msk [tilespmem:v58+s14+$0x0], vm1  }
0x13d: {  	v60 =	vadd.s32 $0x2000, v11;
	_ =	sdelay $0x3  }
0x13e: {  	[tilespmem:v59+s21+$0x0] =	vst.idx.msk vm1, v13  }
0x13f: {  	v61 =	vor.u32 $0x10, v12;
	v13 =	vld.idx.msk [tilespmem:v60+s14+$0x0], vm1  }
0x140: {  	v62 =	vadd.s32 $0x2080, v11;
	_ =	sdelay $0x3  }
0x141: {  	[tilespmem:v61+s21+$0x0] =	vst.idx.msk vm1, v13  }
0x142: {  	v63 =	vor.u32 $0x11, v12;
	v13 =	vld.idx.msk [tilespmem:v62+s14+$0x0], vm1  }
0x143: {  	v18 =	vadd.s32 $0x2100, v11;
	_ =	sdelay $0x3  }
0x144: {  	[tilespmem:v63+s21+$0x0] =	vst.idx.msk vm1, v13  }
0x145: {  	v19 =	vor.u32 $0x12, v12;
	v13 =	vld.idx.msk [tilespmem:v18+s14+$0x0], vm1  }
0x146: {  	v20 =	vadd.s32 $0x2180, v11;
	_ =	sdelay $0x3  }
0x147: {  	[tilespmem:v19+s21+$0x0] =	vst.idx.msk vm1, v13  }
0x148: {  	v21 =	vor.u32 $0x13, v12;
	v13 =	vld.idx.msk [tilespmem:v20+s14+$0x0], vm1  }
0x149: {  	v22 =	vadd.s32 $0x2200, v11;
	_ =	sdelay $0x3  }
0x14a: {  	[tilespmem:v21+s21+$0x0] =	vst.idx.msk vm1, v13  }
0x14b: {  	v23 =	vor.u32 $0x14, v12;
	v13 =	vld.idx.msk [tilespmem:v22+s14+$0x0], vm1  }
0x14c: {  	v24 =	vadd.s32 $0x2280, v11;
	_ =	sdelay $0x3  }
0x14d: {  	[tilespmem:v23+s21+$0x0] =	vst.idx.msk vm1, v13  }
0x14e: {  	v25 =	vor.u32 $0x15, v12;
	v13 =	vld.idx.msk [tilespmem:v24+s14+$0x0], vm1  }
0x14f: {  	v26 =	vadd.s32 $0x2300, v11;
	_ =	sdelay $0x3  }
0x150: {  	[tilespmem:v25+s21+$0x0] =	vst.idx.msk vm1, v13  }
0x151: {  	v27 =	vor.u32 $0x16, v12;
	v13 =	vld.idx.msk [tilespmem:v26+s14+$0x0], vm1  }
0x152: {  	v28 =	vadd.s32 $0x2380, v11;
	_ =	sdelay $0x3  }
0x153: {  	[tilespmem:v27+s21+$0x0] =	vst.idx.msk vm1, v13  }
0x154: {  	v29 =	vor.u32 $0x17, v12;
	v13 =	vld.idx.msk [tilespmem:v28+s14+$0x0], vm1  }
0x155: {  	v30 =	vadd.s32 $0x3000, v11;
	_ =	sdelay $0x3  }
0x156: {  	[tilespmem:v29+s21+$0x0] =	vst.idx.msk vm1, v13  }
0x157: {  	v31 =	vor.u32 $0x18, v12;
	v13 =	vld.idx.msk [tilespmem:v30+s14+$0x0], vm1  }
0x158: {  	v32 =	vadd.s32 $0x3080, v11;
	_ =	sdelay $0x3  }
0x159: {  	[tilespmem:v31+s21+$0x0] =	vst.idx.msk vm1, v13  }
0x15a: {  	v33 =	vor.u32 $0x19, v12;
	v13 =	vld.idx.msk [tilespmem:v32+s14+$0x0], vm1  }
0x15b: {  	v34 =	vadd.s32 $0x3100, v11;
	_ =	sdelay $0x3  }
0x15c: {  	[tilespmem:v33+s21+$0x0] =	vst.idx.msk vm1, v13  }
0x15d: {  	v35 =	vor.u32 $0x1A, v12;
	v13 =	vld.idx.msk [tilespmem:v34+s14+$0x0], vm1  }
0x15e: {  	v36 =	vadd.s32 $0x3180, v11;
	_ =	sdelay $0x3  }
0x15f: {  	[tilespmem:v35+s21+$0x0] =	vst.idx.msk vm1, v13  }
0x160: {  	v37 =	vor.u32 $0x1B, v12;
	v13 =	vld.idx.msk [tilespmem:v36+s14+$0x0], vm1  }
0x161: {  	v38 =	vadd.s32 $0x3200, v11;
	_ =	sdelay $0x3  }
0x162: {  	[tilespmem:v37+s21+$0x0] =	vst.idx.msk vm1, v13  }
0x163: {  	v39 =	vor.u32 $0x1C, v12;
	v13 =	vld.idx.msk [tilespmem:v38+s14+$0x0], vm1  }
0x164: {  	v40 =	vadd.s32 $0x3280, v11;
	_ =	sdelay $0x3  }
0x165: {  	[tilespmem:v39+s21+$0x0] =	vst.idx.msk vm1, v13  }
0x166: {  	v41 =	vor.u32 $0x1D, v12;
	v13 =	vld.idx.msk [tilespmem:v40+s14+$0x0], vm1  }
0x167: {  	v42 =	vadd.s32 $0x3300, v11;
	_ =	sdelay $0x3  }
0x168: {  	[tilespmem:v41+s21+$0x0] =	vst.idx.msk vm1, v13  }
0x169: {  	v43 =	vor.u32 $0x1E, v12;
	v13 =	vld.idx.msk [tilespmem:v42+s14+$0x0], vm1  }
0x16a: {  	v44 =	vadd.s32 $0x3380, v11;
	_ =	sdelay $0x3  }
0x16b: {  	[tilespmem:v43+s21+$0x0] =	vst.idx.msk vm1, v13  }
0x16c: {  	v45 =	vor.u32 $0x1F, v12;
	v13 =	vld.idx.msk [tilespmem:v44+s14+$0x0], vm1  }
0x16d: {  	v46 =	vadd.s32 $0x4000, v11;
	_ =	sdelay $0x3  }
0x16e: {  	[tilespmem:v45+s21+$0x0] =	vst.idx.msk vm1, v13  }
0x16f: {  	v47 =	vor.u32 $0x20, v12;
	v13 =	vld.idx.msk [tilespmem:v46+s14+$0x0], vm1  }
0x170: {  	v48 =	vadd.s32 $0x4080, v11;
	_ =	sdelay $0x3  }
0x171: {  	[tilespmem:v47+s21+$0x0] =	vst.idx.msk vm1, v13  }
0x172: {  	v49 =	vor.u32 $0x21, v12;
	v13 =	vld.idx.msk [tilespmem:v48+s14+$0x0], vm1  }
0x173: {  	v50 =	vadd.s32 $0x4100, v11;
	_ =	sdelay $0x3  }
0x174: {  	[tilespmem:v49+s21+$0x0] =	vst.idx.msk vm1, v13  }
0x175: {  	v51 =	vor.u32 $0x22, v12;
	v13 =	vld.idx.msk [tilespmem:v50+s14+$0x0], vm1  }
0x176: {  	v52 =	vadd.s32 $0x4180, v11;
	_ =	sdelay $0x3  }
0x177: {  	[tilespmem:v51+s21+$0x0] =	vst.idx.msk vm1, v13  }
0x178: {  	v53 =	vor.u32 $0x23, v12;
	v13 =	vld.idx.msk [tilespmem:v52+s14+$0x0], vm1  }
0x179: {  	v54 =	vadd.s32 $0x4200, v11;
	_ =	sdelay $0x3  }
0x17a: {  	[tilespmem:v53+s21+$0x0] =	vst.idx.msk vm1, v13  }
0x17b: {  	v55 =	vor.u32 $0x24, v12;
	v13 =	vld.idx.msk [tilespmem:v54+s14+$0x0], vm1  }
0x17c: {  	v56 =	vadd.s32 $0x4280, v11;
	_ =	sdelay $0x3  }
0x17d: {  	[tilespmem:v55+s21+$0x0] =	vst.idx.msk vm1, v13  }
0x17e: {  	v57 =	vor.u32 $0x25, v12;
	v13 =	vld.idx.msk [tilespmem:v56+s14+$0x0], vm1  }
0x17f: {  	v58 =	vadd.s32 $0x4300, v11;
	_ =	sdelay $0x3  }
0x180: {  	[tilespmem:v57+s21+$0x0] =	vst.idx.msk vm1, v13  }
0x181: {  	v59 =	vor.u32 $0x26, v12;
	v13 =	vld.idx.msk [tilespmem:v58+s14+$0x0], vm1  }
0x182: {  	v60 =	vadd.s32 $0x4380, v11;
	_ =	sdelay $0x3  }
0x183: {  	[tilespmem:v59+s21+$0x0] =	vst.idx.msk vm1, v13  }
0x184: {  	v61 =	vor.u32 $0x27, v12;
	v13 =	vld.idx.msk [tilespmem:v60+s14+$0x0], vm1  }
0x185: {  	v62 =	vadd.s32 $0x5000, v11;
	_ =	sdelay $0x3  }
0x186: {  	[tilespmem:v61+s21+$0x0] =	vst.idx.msk vm1, v13  }
0x187: {  	v63 =	vor.u32 $0x28, v12;
	v13 =	vld.idx.msk [tilespmem:v62+s14+$0x0], vm1  }
0x188: {  	v18 =	vadd.s32 $0x5080, v11;
	_ =	sdelay $0x3  }
0x189: {  	[tilespmem:v63+s21+$0x0] =	vst.idx.msk vm1, v13  }
0x18a: {  	v19 =	vor.u32 $0x29, v12;
	v13 =	vld.idx.msk [tilespmem:v18+s14+$0x0], vm1  }
0x18b: {  	v20 =	vadd.s32 $0x5100, v11;
	_ =	sdelay $0x3  }
0x18c: {  	[tilespmem:v19+s21+$0x0] =	vst.idx.msk vm1, v13  }
0x18d: {  	v21 =	vor.u32 $0x2A, v12;
	v13 =	vld.idx.msk [tilespmem:v20+s14+$0x0], vm1  }
0x18e: {  	v22 =	vadd.s32 $0x5180, v11;
	_ =	sdelay $0x3  }
0x18f: {  	[tilespmem:v21+s21+$0x0] =	vst.idx.msk vm1, v13  }
0x190: {  	v23 =	vor.u32 $0x2B, v12;
	v13 =	vld.idx.msk [tilespmem:v22+s14+$0x0], vm1  }
0x191: {  	v24 =	vadd.s32 $0x5200, v11;
	_ =	sdelay $0x3  }
0x192: {  	[tilespmem:v23+s21+$0x0] =	vst.idx.msk vm1, v13  }
0x193: {  	v25 =	vor.u32 $0x2C, v12;
	v13 =	vld.idx.msk [tilespmem:v24+s14+$0x0], vm1  }
0x194: {  	v26 =	vadd.s32 $0x5280, v11;
	_ =	sdelay $0x3  }
0x195: {  	[tilespmem:v25+s21+$0x0] =	vst.idx.msk vm1, v13  }
0x196: {  	v27 =	vor.u32 $0x2D, v12;
	v13 =	vld.idx.msk [tilespmem:v26+s14+$0x0], vm1  }
0x197: {  	v28 =	vadd.s32 $0x5300, v11;
	_ =	sdelay $0x3  }
0x198: {  	[tilespmem:v27+s21+$0x0] =	vst.idx.msk vm1, v13  }
0x199: {  	v29 =	vor.u32 $0x2E, v12;
	v13 =	vld.idx.msk [tilespmem:v28+s14+$0x0], vm1  }
0x19a: {  	v30 =	vadd.s32 $0x5380, v11;
	_ =	sdelay $0x3  }
0x19b: {  	[tilespmem:v29+s21+$0x0] =	vst.idx.msk vm1, v13  }
0x19c: {  	v31 =	vor.u32 $0x2F, v12;
	v13 =	vld.idx.msk [tilespmem:v30+s14+$0x0], vm1  }
0x19d: {  	v32 =	vadd.s32 $0x6000, v11;
	_ =	sdelay $0x3  }
0x19e: {  	[tilespmem:v31+s21+$0x0] =	vst.idx.msk vm1, v13  }
0x19f: {  	v33 =	vor.u32 $0x30, v12;
	v13 =	vld.idx.msk [tilespmem:v32+s14+$0x0], vm1  }
0x1a0: {  	v34 =	vadd.s32 $0x6080, v11;
	_ =	sdelay $0x3  }
0x1a1: {  	[tilespmem:v33+s21+$0x0] =	vst.idx.msk vm1, v13  }
0x1a2: {  	v35 =	vor.u32 $0x31, v12;
	v13 =	vld.idx.msk [tilespmem:v34+s14+$0x0], vm1  }
0x1a3: {  	v36 =	vadd.s32 $0x6100, v11;
	_ =	sdelay $0x3  }
0x1a4: {  	[tilespmem:v35+s21+$0x0] =	vst.idx.msk vm1, v13  }
0x1a5: {  	v37 =	vor.u32 $0x32, v12;
	v13 =	vld.idx.msk [tilespmem:v36+s14+$0x0], vm1  }
0x1a6: {  	v38 =	vadd.s32 $0x6180, v11;
	_ =	sdelay $0x3  }
0x1a7: {  	[tilespmem:v37+s21+$0x0] =	vst.idx.msk vm1, v13  }
0x1a8: {  	v39 =	vor.u32 $0x33, v12;
	v13 =	vld.idx.msk [tilespmem:v38+s14+$0x0], vm1  }
0x1a9: {  	v40 =	vadd.s32 $0x6200, v11;
	_ =	sdelay $0x3  }
0x1aa: {  	[tilespmem:v39+s21+$0x0] =	vst.idx.msk vm1, v13  }
0x1ab: {  	v41 =	vor.u32 $0x34, v12;
	v13 =	vld.idx.msk [tilespmem:v40+s14+$0x0], vm1  }
0x1ac: {  	v42 =	vadd.s32 $0x6280, v11;
	_ =	sdelay $0x3  }
0x1ad: {  	[tilespmem:v41+s21+$0x0] =	vst.idx.msk vm1, v13  }
0x1ae: {  	v43 =	vor.u32 $0x35, v12;
	v13 =	vld.idx.msk [tilespmem:v42+s14+$0x0], vm1  }
0x1af: {  	v44 =	vadd.s32 $0x6300, v11;
	_ =	sdelay $0x3  }
0x1b0: {  	[tilespmem:v43+s21+$0x0] =	vst.idx.msk vm1, v13  }
0x1b1: {  	v45 =	vor.u32 $0x36, v12;
	v13 =	vld.idx.msk [tilespmem:v44+s14+$0x0], vm1  }
0x1b2: {  	v46 =	vadd.s32 $0x6380, v11;
	_ =	sdelay $0x3  }
0x1b3: {  	[tilespmem:v45+s21+$0x0] =	vst.idx.msk vm1, v13  }
0x1b4: {  	v47 =	vor.u32 $0x37, v12;
	v13 =	vld.idx.msk [tilespmem:v46+s14+$0x0], vm1  }
0x1b5: {  	v48 =	vadd.s32 $0x7000, v11;
	_ =	sdelay $0x3  }
0x1b6: {  	[tilespmem:v47+s21+$0x0] =	vst.idx.msk vm1, v13  }
0x1b7: {  	v49 =	vor.u32 $0x38, v12;
	v13 =	vld.idx.msk [tilespmem:v48+s14+$0x0], vm1  }
0x1b8: {  	v50 =	vadd.s32 $0x7080, v11;
	_ =	sdelay $0x3  }
0x1b9: {  	[tilespmem:v49+s21+$0x0] =	vst.idx.msk vm1, v13  }
0x1ba: {  	v51 =	vor.u32 $0x39, v12;
	v13 =	vld.idx.msk [tilespmem:v50+s14+$0x0], vm1  }
0x1bb: {  	v52 =	vadd.s32 $0x7100, v11;
	_ =	sdelay $0x3  }
0x1bc: {  	[tilespmem:v51+s21+$0x0] =	vst.idx.msk vm1, v13  }
0x1bd: {  	v53 =	vor.u32 $0x3A, v12;
	v13 =	vld.idx.msk [tilespmem:v52+s14+$0x0], vm1  }
0x1be: {  	v54 =	vadd.s32 $0x7180, v11;
	_ =	sdelay $0x3  }
0x1bf: {  	[tilespmem:v53+s21+$0x0] =	vst.idx.msk vm1, v13  }
0x1c0: {  	v55 =	vor.u32 $0x3B, v12;
	v13 =	vld.idx.msk [tilespmem:v54+s14+$0x0], vm1  }
0x1c1: {  	v56 =	vadd.s32 $0x7200, v11  }
0x1c2: {  	v16 =	vmpcnt.ones.xlane vm1;
	_ =	sdelay $0x1  }
0x1c3: {  	v5 =	vadd.s32 v5, v16  }
0x1c4: {  	v57 =	vxor.u32 $0x80000000, v5;
	[tilespmem:v55+s21+$0x0] =	vst.idx.msk vm1, v13  }
0x1c5: {  	v58 =	vor.u32 $0x3C, v12;
	(xrf0) =	vmax.scan.msk.u32 $0xffff, v57;
	v14 =	vld.idx.msk [tilespmem:v56+s14+$0x0], vm1  }
0x1c6: {  	v59 =	vadd.s32 $0x7280, v11;
	_ =	sdelay $0x3  }
0x1c7: {  	[tilespmem:v58+s21+$0x0] =	vst.idx.msk vm1, v14  }
0x1c8: {  	v60 =	vor.u32 $0x3D, v12;
	v61, _, _ =	vpop (xrf0);
	v13 =	vld.idx.msk [tilespmem:v59+s14+$0x0], vm1  }
0x1c9: {  	(v2sf) =	vpush v61, $0xF;
	v62 =	vadd.s32 $0x7300, v11;
	_ =	sdelay $0x3  }
0x1ca: {  	[tilespmem:v60+s21+$0x0] =	vst.idx.msk vm1, v13  }
0x1cb: {  	v63 =	vor.u32 $0x3E, v12;
	v13 =	vld.idx.msk [tilespmem:v62+s14+$0x0], vm1  }
0x1cc: {  	v11 =	vadd.s32 $0x7380, v11;
	_ =	sdelay $0x3  }
0x1cd: {  	[tilespmem:v63+s21+$0x0] =	vst.idx.msk vm1, v13  }
0x1ce: {  	v12 =	vor.u32 $0x3F, v12;
	v11 =	vld.idx.msk [tilespmem:v11+s14+$0x0], vm1;
	_ =	sdelay $0x3  }
0x1cf: {  	s30 =	spop (v2sf)  }
0x1d0: {  	p0 =	slt.u32 s30, $0x80000061;
	[tilespmem:v12+s21+$0x0] =	vst.idx.msk vm1, v11  }
0x1d1: {  	s30 =	simm.s32 @!p0 $0x70;
	s31 =	simm.s32 @!p0 $0x1FE80;
	s2 =	simm.s32 @!p0 $0x1C680;
	[tilespmem:v10+s22+$0x0] =	vst.idx.msk vm1, v9  }
0x1d2: {  	[hbm4b:s7+s30] =	stream.indirect.scatter @!p0 [tilespmem:s2], [sflag:$0x3], $0x80, s31, s30, $0xb8;
	[tilespmem:$0x1FF00] =	vst v63  }
0x1d3: {  	s2 =	simm.s32 @!p0 $0x3  }
0x1d4: {  	_ =	swait.ge @!p0 [sflag:s2], $0x3800  }
0x1d5: {  	[sflag:s2] =	ssyncset.done @!p0 $0x0  }
0x1d6: {  	v9 =	vimm.s32 @!p0 $0x4000;
	[sflag:s2] =	ssyncadd.s32 @!p0 $0xFFFFC800  }
0x1d7: {  	[tilespmem:$0x1FE80] =	vst @!p0 v9  }
0x1d8: {  	[tilespmem:$0x1FE90] =	vst @!p0 v9  }
0x1d9: {  	[tilespmem:$0x1FEA0] =	vst @!p0 v9  }
0x1da: {  	[tilespmem:$0x1FEB0] =	vst @!p0 v9  }
0x1db: {  	[tilespmem:$0x1FEC0] =	vst @!p0 v9  }
0x1dc: {  	[tilespmem:$0x1FED0] =	vst @!p0 v9  }
0x1dd: {  	v5 =	vpsel !p0, $0x0, v5;
	[tilespmem:$0x1FEE0] =	vst @!p0 v9  }
.LBB2_9:
0x1de: {  	vm1 =	vlt.s32 v6, $0x18  }
0x1df: {  	v9 =	vnsel vm1, $0x18, v6;
	v6 =	vor.u32 $0x10, v2  }
0x1e0: {  	vm1 =	vgt.s32 v9, v6  }
0x1e1: {  	v9 =	vsel vm1, $0x1, v1  }
0x1e2: {  	v9 =	vor.u32 $0x80000000, v9  }
0x1e3: {  	(xrf0) =	vmax.scan.msk.u32 $0xffff, v9;
	_ =	sdelay $0x5  }
0x1e4: {  	v9, _, _ =	vpop (xrf0)  }
0x1e5: {  	(v2sf) =	vpush v9, $0xF;
	_ =	sdelay $0xe  }
0x1e6: {  	s2 =	spop (v2sf)  }
0x1e7: {  	p0 =	slt.u32 s2, $0x80000001  }
.Ltmp6:
0x1e8: {  	_ = 	snop;
	(pc) =	sbr.rel @p0 .LBB2_11-.Ltmp6, $1  }
0x1e9: {  	_ =	sdelay $0x3  }
0x1ea: {  	v9 =	vld [tilespmem:s26+$0xFFFFFFF8];
	_ =	sdelay $0x7  }
0x1eb: {  	v10 =	vld.idx.msk [tilespmem:v9+s4+$0x0], vm1;
	_ =	sdelay $0x4  }
0x1ec: {  	vm2 =	vge.s32 v10, v7;
	vm3 =	vlt.s32 v10, v8  }
0x1ed: {  	vm2 =	vmand vm2, vm3  }
0x1ee: {  	vm1 =	vmand vm1, vm2  }
0x1ef: {  	v7 =	vsub.s32 v10, v7;
	v8 =	vsel vm1, $0x1, v1  }
0x1f0: {  	v7 =	vnsel vm1, $0x0, v7;
	(xrf0) =	vadd.scan.msk.s32 $0xffff, v8  }
0x1f1: {  	v8 =	vshll.u32 v7, $0x3  }
0x1f2: {  	v7 =	vand.u32 $0x7F, v7;
	v8 =	vand.u32 $0xFFFFFC00, v8  }
0x1f3: {  	v8 =	vor.u32 v7, v8;
	_ =	sdelay $0x1  }
0x1f4: {  	v7 =	vsel vm1, $0xFFFFFFFF, v1  }
0x1f5: {  	v7 =	vadd.s32 v7, v5;
	v35, _, _ =	vpop (xrf0)  }
0x1f6: {  	v7 =	vadd.s32 v35, v7  }
0x1f7: {  	v11 =	vld.idx.msk [tilespmem:v8+s14+$0x0], vm1;
	v10 =	vshll.u32 v7, $0x7  }
0x1f8: {  	v12 =	vor.u32 $0x80, v8;
	_ =	sdelay $0x3  }
0x1f9: {  	[tilespmem:v10+s21+$0x0] =	vst.idx.msk vm1, v11  }
0x1fa: {  	v36 =	vor.u32 $0x1, v10;
	v11 =	vld.idx.msk [tilespmem:v12+s14+$0x0], vm1  }
0x1fb: {  	v13 =	vor.u32 $0x100, v8;
	_ =	sdelay $0x3  }
0x1fc: {  	[tilespmem:v36+s21+$0x0] =	vst.idx.msk vm1, v11  }
0x1fd: {  	v37 =	vor.u32 $0x2, v10;
	v11 =	vld.idx.msk [tilespmem:v13+s14+$0x0], vm1  }
0x1fe: {  	v38 =	vor.u32 $0x180, v8;
	_ =	sdelay $0x3  }
0x1ff: {  	[tilespmem:v37+s21+$0x0] =	vst.idx.msk vm1, v11  }
0x200: {  	v39 =	vor.u32 $0x3, v10;
	v11 =	vld.idx.msk [tilespmem:v38+s14+$0x0], vm1  }
0x201: {  	v40 =	vor.u32 $0x200, v8;
	_ =	sdelay $0x3  }
0x202: {  	[tilespmem:v39+s21+$0x0] =	vst.idx.msk vm1, v11  }
0x203: {  	v41 =	vor.u32 $0x4, v10;
	v11 =	vld.idx.msk [tilespmem:v40+s14+$0x0], vm1  }
0x204: {  	v42 =	vor.u32 $0x280, v8;
	_ =	sdelay $0x3  }
0x205: {  	[tilespmem:v41+s21+$0x0] =	vst.idx.msk vm1, v11  }
0x206: {  	v43 =	vor.u32 $0x5, v10;
	v11 =	vld.idx.msk [tilespmem:v42+s14+$0x0], vm1  }
0x207: {  	v44 =	vor.u32 $0x300, v8;
	_ =	sdelay $0x3  }
0x208: {  	[tilespmem:v43+s21+$0x0] =	vst.idx.msk vm1, v11  }
0x209: {  	v45 =	vor.u32 $0x6, v10;
	v11 =	vld.idx.msk [tilespmem:v44+s14+$0x0], vm1  }
0x20a: {  	v46 =	vor.u32 $0x380, v8;
	_ =	sdelay $0x3  }
0x20b: {  	[tilespmem:v45+s21+$0x0] =	vst.idx.msk vm1, v11  }
0x20c: {  	v47 =	vor.u32 $0x7, v10;
	v11 =	vld.idx.msk [tilespmem:v46+s14+$0x0], vm1  }
0x20d: {  	v48 =	vadd.s32 $0x1000, v8;
	_ =	sdelay $0x3  }
0x20e: {  	[tilespmem:v47+s21+$0x0] =	vst.idx.msk vm1, v11  }
0x20f: {  	v49 =	vor.u32 $0x8, v10;
	v11 =	vld.idx.msk [tilespmem:v48+s14+$0x0], vm1  }
0x210: {  	v50 =	vadd.s32 $0x1080, v8;
	_ =	sdelay $0x3  }
0x211: {  	[tilespmem:v49+s21+$0x0] =	vst.idx.msk vm1, v11  }
0x212: {  	v51 =	vor.u32 $0x9, v10;
	v11 =	vld.idx.msk [tilespmem:v50+s14+$0x0], vm1  }
0x213: {  	v52 =	vadd.s32 $0x1100, v8;
	_ =	sdelay $0x3  }
0x214: {  	[tilespmem:v51+s21+$0x0] =	vst.idx.msk vm1, v11  }
0x215: {  	v53 =	vor.u32 $0xA, v10;
	v11 =	vld.idx.msk [tilespmem:v52+s14+$0x0], vm1  }
0x216: {  	v54 =	vadd.s32 $0x1180, v8;
	_ =	sdelay $0x3  }
0x217: {  	[tilespmem:v53+s21+$0x0] =	vst.idx.msk vm1, v11  }
0x218: {  	v55 =	vor.u32 $0xB, v10;
	v11 =	vld.idx.msk [tilespmem:v54+s14+$0x0], vm1  }
0x219: {  	v56 =	vadd.s32 $0x1200, v8;
	_ =	sdelay $0x3  }
0x21a: {  	[tilespmem:v55+s21+$0x0] =	vst.idx.msk vm1, v11  }
0x21b: {  	v57 =	vor.u32 $0xC, v10;
	v11 =	vld.idx.msk [tilespmem:v56+s14+$0x0], vm1  }
0x21c: {  	v58 =	vadd.s32 $0x1280, v8;
	_ =	sdelay $0x3  }
0x21d: {  	[tilespmem:v57+s21+$0x0] =	vst.idx.msk vm1, v11  }
0x21e: {  	v59 =	vor.u32 $0xD, v10;
	v11 =	vld.idx.msk [tilespmem:v58+s14+$0x0], vm1  }
0x21f: {  	v60 =	vadd.s32 $0x1300, v8;
	_ =	sdelay $0x3  }
0x220: {  	[tilespmem:v59+s21+$0x0] =	vst.idx.msk vm1, v11  }
0x221: {  	v61 =	vor.u32 $0xE, v10;
	v11 =	vld.idx.msk [tilespmem:v60+s14+$0x0], vm1  }
0x222: {  	v62 =	vadd.s32 $0x1380, v8;
	_ =	sdelay $0x3  }
0x223: {  	[tilespmem:v61+s21+$0x0] =	vst.idx.msk vm1, v11  }
0x224: {  	v63 =	vor.u32 $0xF, v10;
	v11 =	vld.idx.msk [tilespmem:v62+s14+$0x0], vm1  }
0x225: {  	v16 =	vadd.s32 $0x2000, v8;
	_ =	sdelay $0x3  }
0x226: {  	[tilespmem:v63+s21+$0x0] =	vst.idx.msk vm1, v11  }
0x227: {  	v17 =	vor.u32 $0x10, v10;
	v11 =	vld.idx.msk [tilespmem:v16+s14+$0x0], vm1  }
0x228: {  	v18 =	vadd.s32 $0x2080, v8;
	_ =	sdelay $0x3  }
0x229: {  	[tilespmem:v17+s21+$0x0] =	vst.idx.msk vm1, v11  }
0x22a: {  	v19 =	vor.u32 $0x11, v10;
	v11 =	vld.idx.msk [tilespmem:v18+s14+$0x0], vm1  }
0x22b: {  	v20 =	vadd.s32 $0x2100, v8;
	_ =	sdelay $0x3  }
0x22c: {  	[tilespmem:v19+s21+$0x0] =	vst.idx.msk vm1, v11  }
0x22d: {  	v21 =	vor.u32 $0x12, v10;
	v11 =	vld.idx.msk [tilespmem:v20+s14+$0x0], vm1  }
0x22e: {  	v22 =	vadd.s32 $0x2180, v8;
	_ =	sdelay $0x3  }
0x22f: {  	[tilespmem:v21+s21+$0x0] =	vst.idx.msk vm1, v11  }
0x230: {  	v23 =	vor.u32 $0x13, v10;
	v11 =	vld.idx.msk [tilespmem:v22+s14+$0x0], vm1  }
0x231: {  	v24 =	vadd.s32 $0x2200, v8;
	_ =	sdelay $0x3  }
0x232: {  	[tilespmem:v23+s21+$0x0] =	vst.idx.msk vm1, v11  }
0x233: {  	v25 =	vor.u32 $0x14, v10;
	v11 =	vld.idx.msk [tilespmem:v24+s14+$0x0], vm1  }
0x234: {  	v26 =	vadd.s32 $0x2280, v8;
	_ =	sdelay $0x3  }
0x235: {  	[tilespmem:v25+s21+$0x0] =	vst.idx.msk vm1, v11  }
0x236: {  	v27 =	vor.u32 $0x15, v10;
	v11 =	vld.idx.msk [tilespmem:v26+s14+$0x0], vm1  }
0x237: {  	v28 =	vadd.s32 $0x2300, v8;
	_ =	sdelay $0x3  }
0x238: {  	[tilespmem:v27+s21+$0x0] =	vst.idx.msk vm1, v11  }
0x239: {  	v29 =	vor.u32 $0x16, v10;
	v11 =	vld.idx.msk [tilespmem:v28+s14+$0x0], vm1  }
0x23a: {  	v30 =	vadd.s32 $0x2380, v8;
	_ =	sdelay $0x3  }
0x23b: {  	[tilespmem:v29+s21+$0x0] =	vst.idx.msk vm1, v11  }
0x23c: {  	v31 =	vor.u32 $0x17, v10;
	v11 =	vld.idx.msk [tilespmem:v30+s14+$0x0], vm1  }
0x23d: {  	v32 =	vadd.s32 $0x3000, v8;
	_ =	sdelay $0x3  }
0x23e: {  	[tilespmem:v31+s21+$0x0] =	vst.idx.msk vm1, v11  }
0x23f: {  	v33 =	vor.u32 $0x18, v10;
	v11 =	vld.idx.msk [tilespmem:v32+s14+$0x0], vm1  }
0x240: {  	v34 =	vadd.s32 $0x3080, v8;
	_ =	sdelay $0x3  }
0x241: {  	[tilespmem:v33+s21+$0x0] =	vst.idx.msk vm1, v11  }
0x242: {  	v35 =	vor.u32 $0x19, v10;
	v11 =	vld.idx.msk [tilespmem:v34+s14+$0x0], vm1  }
0x243: {  	v36 =	vadd.s32 $0x3100, v8;
	_ =	sdelay $0x3  }
0x244: {  	[tilespmem:v35+s21+$0x0] =	vst.idx.msk vm1, v11  }
0x245: {  	v37 =	vor.u32 $0x1A, v10;
	v11 =	vld.idx.msk [tilespmem:v36+s14+$0x0], vm1  }
0x246: {  	v38 =	vadd.s32 $0x3180, v8;
	_ =	sdelay $0x3  }
0x247: {  	[tilespmem:v37+s21+$0x0] =	vst.idx.msk vm1, v11  }
0x248: {  	v39 =	vor.u32 $0x1B, v10;
	v11 =	vld.idx.msk [tilespmem:v38+s14+$0x0], vm1  }
0x249: {  	v40 =	vadd.s32 $0x3200, v8;
	_ =	sdelay $0x3  }
0x24a: {  	[tilespmem:v39+s21+$0x0] =	vst.idx.msk vm1, v11  }
0x24b: {  	v41 =	vor.u32 $0x1C, v10;
	v11 =	vld.idx.msk [tilespmem:v40+s14+$0x0], vm1  }
0x24c: {  	v42 =	vadd.s32 $0x3280, v8;
	_ =	sdelay $0x3  }
0x24d: {  	[tilespmem:v41+s21+$0x0] =	vst.idx.msk vm1, v11  }
0x24e: {  	v43 =	vor.u32 $0x1D, v10;
	v11 =	vld.idx.msk [tilespmem:v42+s14+$0x0], vm1  }
0x24f: {  	v44 =	vadd.s32 $0x3300, v8;
	_ =	sdelay $0x3  }
0x250: {  	[tilespmem:v43+s21+$0x0] =	vst.idx.msk vm1, v11  }
0x251: {  	v45 =	vor.u32 $0x1E, v10;
	v11 =	vld.idx.msk [tilespmem:v44+s14+$0x0], vm1  }
0x252: {  	v46 =	vadd.s32 $0x3380, v8;
	_ =	sdelay $0x3  }
0x253: {  	[tilespmem:v45+s21+$0x0] =	vst.idx.msk vm1, v11  }
0x254: {  	v47 =	vor.u32 $0x1F, v10;
	v11 =	vld.idx.msk [tilespmem:v46+s14+$0x0], vm1  }
0x255: {  	v48 =	vadd.s32 $0x4000, v8;
	_ =	sdelay $0x3  }
0x256: {  	[tilespmem:v47+s21+$0x0] =	vst.idx.msk vm1, v11  }
0x257: {  	v49 =	vor.u32 $0x20, v10;
	v11 =	vld.idx.msk [tilespmem:v48+s14+$0x0], vm1  }
0x258: {  	v50 =	vadd.s32 $0x4080, v8;
	_ =	sdelay $0x3  }
0x259: {  	[tilespmem:v49+s21+$0x0] =	vst.idx.msk vm1, v11  }
0x25a: {  	v51 =	vor.u32 $0x21, v10;
	v11 =	vld.idx.msk [tilespmem:v50+s14+$0x0], vm1  }
0x25b: {  	v52 =	vadd.s32 $0x4100, v8;
	_ =	sdelay $0x3  }
0x25c: {  	[tilespmem:v51+s21+$0x0] =	vst.idx.msk vm1, v11  }
0x25d: {  	v53 =	vor.u32 $0x22, v10;
	v11 =	vld.idx.msk [tilespmem:v52+s14+$0x0], vm1  }
0x25e: {  	v54 =	vadd.s32 $0x4180, v8;
	_ =	sdelay $0x3  }
0x25f: {  	[tilespmem:v53+s21+$0x0] =	vst.idx.msk vm1, v11  }
0x260: {  	v55 =	vor.u32 $0x23, v10;
	v11 =	vld.idx.msk [tilespmem:v54+s14+$0x0], vm1  }
0x261: {  	v56 =	vadd.s32 $0x4200, v8;
	_ =	sdelay $0x3  }
0x262: {  	[tilespmem:v55+s21+$0x0] =	vst.idx.msk vm1, v11  }
0x263: {  	v57 =	vor.u32 $0x24, v10;
	v11 =	vld.idx.msk [tilespmem:v56+s14+$0x0], vm1  }
0x264: {  	v58 =	vadd.s32 $0x4280, v8;
	_ =	sdelay $0x3  }
0x265: {  	[tilespmem:v57+s21+$0x0] =	vst.idx.msk vm1, v11  }
0x266: {  	v59 =	vor.u32 $0x25, v10;
	v11 =	vld.idx.msk [tilespmem:v58+s14+$0x0], vm1  }
0x267: {  	v60 =	vadd.s32 $0x4300, v8;
	_ =	sdelay $0x3  }
0x268: {  	[tilespmem:v59+s21+$0x0] =	vst.idx.msk vm1, v11  }
0x269: {  	v61 =	vor.u32 $0x26, v10;
	v11 =	vld.idx.msk [tilespmem:v60+s14+$0x0], vm1  }
0x26a: {  	v62 =	vadd.s32 $0x4380, v8;
	_ =	sdelay $0x3  }
0x26b: {  	[tilespmem:v61+s21+$0x0] =	vst.idx.msk vm1, v11  }
0x26c: {  	v63 =	vor.u32 $0x27, v10;
	v11 =	vld.idx.msk [tilespmem:v62+s14+$0x0], vm1  }
0x26d: {  	v16 =	vadd.s32 $0x5000, v8;
	_ =	sdelay $0x3  }
0x26e: {  	[tilespmem:v63+s21+$0x0] =	vst.idx.msk vm1, v11  }
0x26f: {  	v17 =	vor.u32 $0x28, v10;
	v11 =	vld.idx.msk [tilespmem:v16+s14+$0x0], vm1  }
0x270: {  	v18 =	vadd.s32 $0x5080, v8;
	_ =	sdelay $0x3  }
0x271: {  	[tilespmem:v17+s21+$0x0] =	vst.idx.msk vm1, v11  }
0x272: {  	v19 =	vor.u32 $0x29, v10;
	v11 =	vld.idx.msk [tilespmem:v18+s14+$0x0], vm1  }
0x273: {  	v20 =	vadd.s32 $0x5100, v8;
	_ =	sdelay $0x3  }
0x274: {  	[tilespmem:v19+s21+$0x0] =	vst.idx.msk vm1, v11  }
0x275: {  	v21 =	vor.u32 $0x2A, v10;
	v11 =	vld.idx.msk [tilespmem:v20+s14+$0x0], vm1  }
0x276: {  	v22 =	vadd.s32 $0x5180, v8;
	_ =	sdelay $0x3  }
0x277: {  	[tilespmem:v21+s21+$0x0] =	vst.idx.msk vm1, v11  }
0x278: {  	v23 =	vor.u32 $0x2B, v10;
	v11 =	vld.idx.msk [tilespmem:v22+s14+$0x0], vm1  }
0x279: {  	v24 =	vadd.s32 $0x5200, v8;
	_ =	sdelay $0x3  }
0x27a: {  	[tilespmem:v23+s21+$0x0] =	vst.idx.msk vm1, v11  }
0x27b: {  	v25 =	vor.u32 $0x2C, v10;
	v11 =	vld.idx.msk [tilespmem:v24+s14+$0x0], vm1  }
0x27c: {  	v26 =	vadd.s32 $0x5280, v8;
	_ =	sdelay $0x3  }
0x27d: {  	[tilespmem:v25+s21+$0x0] =	vst.idx.msk vm1, v11  }
0x27e: {  	v27 =	vor.u32 $0x2D, v10;
	v11 =	vld.idx.msk [tilespmem:v26+s14+$0x0], vm1  }
0x27f: {  	v28 =	vadd.s32 $0x5300, v8;
	_ =	sdelay $0x3  }
0x280: {  	[tilespmem:v27+s21+$0x0] =	vst.idx.msk vm1, v11  }
0x281: {  	v29 =	vor.u32 $0x2E, v10;
	v11 =	vld.idx.msk [tilespmem:v28+s14+$0x0], vm1  }
0x282: {  	v30 =	vadd.s32 $0x5380, v8;
	_ =	sdelay $0x3  }
0x283: {  	[tilespmem:v29+s21+$0x0] =	vst.idx.msk vm1, v11  }
0x284: {  	v31 =	vor.u32 $0x2F, v10;
	v11 =	vld.idx.msk [tilespmem:v30+s14+$0x0], vm1  }
0x285: {  	v32 =	vadd.s32 $0x6000, v8;
	_ =	sdelay $0x3  }
0x286: {  	[tilespmem:v31+s21+$0x0] =	vst.idx.msk vm1, v11  }
0x287: {  	v33 =	vor.u32 $0x30, v10;
	v11 =	vld.idx.msk [tilespmem:v32+s14+$0x0], vm1  }
0x288: {  	v34 =	vadd.s32 $0x6080, v8;
	_ =	sdelay $0x3  }
0x289: {  	[tilespmem:v33+s21+$0x0] =	vst.idx.msk vm1, v11  }
0x28a: {  	v35 =	vor.u32 $0x31, v10;
	v11 =	vld.idx.msk [tilespmem:v34+s14+$0x0], vm1  }
0x28b: {  	v36 =	vadd.s32 $0x6100, v8;
	_ =	sdelay $0x3  }
0x28c: {  	[tilespmem:v35+s21+$0x0] =	vst.idx.msk vm1, v11  }
0x28d: {  	v37 =	vor.u32 $0x32, v10;
	v11 =	vld.idx.msk [tilespmem:v36+s14+$0x0], vm1  }
0x28e: {  	v38 =	vadd.s32 $0x6180, v8;
	_ =	sdelay $0x3  }
0x28f: {  	[tilespmem:v37+s21+$0x0] =	vst.idx.msk vm1, v11  }
0x290: {  	v39 =	vor.u32 $0x33, v10;
	v11 =	vld.idx.msk [tilespmem:v38+s14+$0x0], vm1  }
0x291: {  	v40 =	vadd.s32 $0x6200, v8;
	_ =	sdelay $0x3  }
0x292: {  	[tilespmem:v39+s21+$0x0] =	vst.idx.msk vm1, v11  }
0x293: {  	v41 =	vor.u32 $0x34, v10;
	v11 =	vld.idx.msk [tilespmem:v40+s14+$0x0], vm1  }
0x294: {  	v42 =	vadd.s32 $0x6280, v8;
	_ =	sdelay $0x3  }
0x295: {  	[tilespmem:v41+s21+$0x0] =	vst.idx.msk vm1, v11  }
0x296: {  	v43 =	vor.u32 $0x35, v10;
	v11 =	vld.idx.msk [tilespmem:v42+s14+$0x0], vm1  }
0x297: {  	v44 =	vadd.s32 $0x6300, v8;
	_ =	sdelay $0x3  }
0x298: {  	[tilespmem:v43+s21+$0x0] =	vst.idx.msk vm1, v11  }
0x299: {  	v45 =	vor.u32 $0x36, v10;
	v11 =	vld.idx.msk [tilespmem:v44+s14+$0x0], vm1  }
0x29a: {  	v46 =	vadd.s32 $0x6380, v8;
	_ =	sdelay $0x3  }
0x29b: {  	[tilespmem:v45+s21+$0x0] =	vst.idx.msk vm1, v11  }
0x29c: {  	v47 =	vor.u32 $0x37, v10;
	v11 =	vld.idx.msk [tilespmem:v46+s14+$0x0], vm1  }
0x29d: {  	v48 =	vadd.s32 $0x7000, v8;
	_ =	sdelay $0x3  }
0x29e: {  	[tilespmem:v47+s21+$0x0] =	vst.idx.msk vm1, v11  }
0x29f: {  	v49 =	vor.u32 $0x38, v10;
	v11 =	vld.idx.msk [tilespmem:v48+s14+$0x0], vm1  }
0x2a0: {  	v50 =	vadd.s32 $0x7080, v8;
	_ =	sdelay $0x3  }
0x2a1: {  	[tilespmem:v49+s21+$0x0] =	vst.idx.msk vm1, v11  }
0x2a2: {  	v51 =	vor.u32 $0x39, v10;
	v11 =	vld.idx.msk [tilespmem:v50+s14+$0x0], vm1  }
0x2a3: {  	v52 =	vadd.s32 $0x7100, v8;
	_ =	sdelay $0x3  }
0x2a4: {  	[tilespmem:v51+s21+$0x0] =	vst.idx.msk vm1, v11  }
0x2a5: {  	v53 =	vor.u32 $0x3A, v10;
	v11 =	vld.idx.msk [tilespmem:v52+s14+$0x0], vm1  }
0x2a6: {  	v54 =	vadd.s32 $0x7180, v8;
	_ =	sdelay $0x3  }
0x2a7: {  	[tilespmem:v53+s21+$0x0] =	vst.idx.msk vm1, v11  }
0x2a8: {  	v55 =	vor.u32 $0x3B, v10;
	v11 =	vld.idx.msk [tilespmem:v54+s14+$0x0], vm1  }
0x2a9: {  	v56 =	vadd.s32 $0x7200, v8  }
0x2aa: {  	v14 =	vmpcnt.ones.xlane vm1;
	_ =	sdelay $0x1  }
0x2ab: {  	v5 =	vadd.s32 v5, v14  }
0x2ac: {  	v57 =	vxor.u32 $0x80000000, v5;
	[tilespmem:v55+s21+$0x0] =	vst.idx.msk vm1, v11  }
0x2ad: {  	v58 =	vor.u32 $0x3C, v10;
	(xrf0) =	vmax.scan.msk.u32 $0xffff, v57;
	v12 =	vld.idx.msk [tilespmem:v56+s14+$0x0], vm1  }
0x2ae: {  	v59 =	vadd.s32 $0x7280, v8;
	_ =	sdelay $0x3  }
0x2af: {  	[tilespmem:v58+s21+$0x0] =	vst.idx.msk vm1, v12  }
0x2b0: {  	v60 =	vor.u32 $0x3D, v10;
	v61, _, _ =	vpop (xrf0);
	v11 =	vld.idx.msk [tilespmem:v59+s14+$0x0], vm1  }
0x2b1: {  	(v2sf) =	vpush v61, $0xF;
	v62 =	vadd.s32 $0x7300, v8;
	_ =	sdelay $0x3  }
0x2b2: {  	[tilespmem:v60+s21+$0x0] =	vst.idx.msk vm1, v11  }
0x2b3: {  	v63 =	vor.u32 $0x3E, v10;
	v11 =	vld.idx.msk [tilespmem:v62+s14+$0x0], vm1  }
0x2b4: {  	v8 =	vadd.s32 $0x7380, v8;
	_ =	sdelay $0x3  }
0x2b5: {  	[tilespmem:v63+s21+$0x0] =	vst.idx.msk vm1, v11  }
0x2b6: {  	v10 =	vor.u32 $0x3F, v10;
	v8 =	vld.idx.msk [tilespmem:v8+s14+$0x0], vm1;
	_ =	sdelay $0x3  }
0x2b7: {  	s2 =	spop (v2sf)  }
0x2b8: {  	p0 =	slt.u32 s2, $0x80000061;
	[tilespmem:v10+s21+$0x0] =	vst.idx.msk vm1, v8  }
0x2b9: {  	s2 =	simm.s32 @!p0 $0x70;
	s30 =	simm.s32 @!p0 $0x1FE80;
	s31 =	simm.s32 @!p0 $0x1C680;
	[tilespmem:v7+s22+$0x0] =	vst.idx.msk vm1, v9  }
0x2ba: {  	[hbm4b:s7+s2] =	stream.indirect.scatter @!p0 [tilespmem:s31], [sflag:$0x3], $0x80, s30, s2, $0xb8;
	[tilespmem:$0x1FF00] =	vst v63  }
0x2bb: {  	s2 =	simm.s32 @!p0 $0x3  }
0x2bc: {  	_ =	swait.ge @!p0 [sflag:s2], $0x3800  }
0x2bd: {  	[sflag:s2] =	ssyncset.done @!p0 $0x0  }
0x2be: {  	v7 =	vimm.s32 @!p0 $0x4000;
	[sflag:s2] =	ssyncadd.s32 @!p0 $0xFFFFC800  }
0x2bf: {  	[tilespmem:$0x1FE80] =	vst @!p0 v7  }
0x2c0: {  	[tilespmem:$0x1FE90] =	vst @!p0 v7  }
0x2c1: {  	[tilespmem:$0x1FEA0] =	vst @!p0 v7  }
0x2c2: {  	[tilespmem:$0x1FEB0] =	vst @!p0 v7  }
0x2c3: {  	[tilespmem:$0x1FEC0] =	vst @!p0 v7  }
0x2c4: {  	[tilespmem:$0x1FED0] =	vst @!p0 v7  }
0x2c5: {  	v5 =	vpsel !p0, $0x0, v5;
	[tilespmem:$0x1FEE0] =	vst @!p0 v7  }
.LBB2_11:
0x2c6: {  	p0 =	seq.s32 s29, $0x780  }
0x2c7: {  	s2 =	sadd.s32 @!p0 s29, s5  }
0x2c8: {  	s2 =	sadd.s32 @!p0 $0x40, s2  }
0x2c9: {  	p1 =	slt.s32 @!p0 s2, $0x7A1  }
0x2ca: {  	p1 =	por !p1, p0  }
0x2cb: {  	s2 =	simm.s32 @p1 $0x7A1  }
0x2cc: {  	s2 =	sshll.u32 @!p0 s2, $0x9  }
0x2cd: {  	s30 =	sadd.s32 $0x1, s25;
	s31 =	simm.s32 @!p0 $0x1000;
	s2 =	smin.u32 @!p0 s2, $0xF4080  }
0x2ce: {  	s0 =	simm.s32 @!p0 $0x7A1400;
	v7 =	vmov s30;
	s30 =	simm.s32 @!p0 $0xC680;
	s2 =	sadd.s32 @!p0 s3, s2  }
0x2cf: {  	[tilespmem:s30], [sflag:$0x1] =	stream.strided.gather @!p0 [hbm4b:s2+s31], $0x8000, s0, s31, $0x38;
	[tilespmem:$0x1FF00] =	vst v63  }
0x2d0: {  	_ =	swait.ge [sflag:s23], $0x8000  }
0x2d1: {  	[sflag:s23] =	ssyncset.done $0x0  }
0x2d2: {  	[sflag:s23] =	ssyncadd.s32 $0xFFFF8000  }
0x2d3: {  	v8 =	vld.idx.msk [tilespmem:v7+s18+$0x0], $0xffff;
	_ =	sdelay $0x4  }
0x2d4: {  	vm1 =	vgt.s32 v8, v2  }
0x2d5: {  	v7 =	vsel vm1, $0x1, v1  }
0x2d6: {  	v7 =	vor.u32 $0x80000000, v7  }
0x2d7: {  	(xrf0) =	vmax.scan.msk.u32 $0xffff, v7;
	_ =	sdelay $0x5  }
0x2d8: {  	v7, _, _ =	vpop (xrf0)  }
0x2d9: {  	(v2sf) =	vpush v7, $0xF;
	_ =	sdelay $0xc  }
0x2da: {  	s30 =	sadd.s32 s29, s5  }
0x2db: {  	s0 =	sadd.s32 $0x20, s30  }
0x2dc: {  	p1 =	slt.s32 s0, $0x7A1;
	s31 =	spop (v2sf)  }
0x2dd: {  	s0 =	simm.s32 @!p1 $0x7A1;
	p1 =	slt.u32 s31, $0x80000001  }
.Ltmp7:
0x2de: {  	_ = 	snop;
	(pc) =	sbr.rel @p1 .LBB2_13-.Ltmp7, $4  }
0x2df: {  	s0 =	sshll.u32 s0, $0x9  }
0x2e0: {  	s0 =	smin.u32 s0, $0xF4080  }
0x2e1: {  	v7 =	vmov s0  }
0x2e2: {  	v9 =	vadd.s32 $0x200, v7  }
0x2e3: {  	v10 =	vld [tilespmem:s26+$0x0];
	_ =	sdelay $0x7  }
0x2e4: {  	v11 =	vld.idx.msk [tilespmem:v10+s4+$0x0], vm1;
	_ =	sdelay $0x4  }
0x2e5: {  	vm2 =	vge.s32 v11, v7;
	vm3 =	vlt.s32 v11, v9  }
0x2e6: {  	vm2 =	vmand vm2, vm3  }
0x2e7: {  	vm1 =	vmand vm1, vm2  }
0x2e8: {  	v11 =	vsub.s32 v11, v7;
	v12 =	vsel vm1, $0x1, v1  }
0x2e9: {  	v11 =	vnsel vm1, $0x0, v11;
	(xrf0) =	vadd.scan.msk.s32 $0xffff, v12  }
0x2ea: {  	v27 =	vshll.u32 v11, $0x3  }
0x2eb: {  	v11 =	vand.u32 $0x7F, v11;
	v12 =	vand.u32 $0xFFFFFC00, v27  }
0x2ec: {  	v12 =	vor.u32 v11, v12;
	_ =	sdelay $0x1  }
0x2ed: {  	v11 =	vsel vm1, $0xFFFFFFFF, v1  }
0x2ee: {  	v11 =	vadd.s32 v11, v5;
	v13, _, _ =	vpop (xrf0)  }
0x2ef: {  	v11 =	vadd.s32 v13, v11  }
0x2f0: {  	v14 =	vld.idx.msk [tilespmem:v12+s15+$0x0], vm1;
	v13 =	vshll.u32 v11, $0x7  }
0x2f1: {  	v15 =	vor.u32 $0x80, v12;
	_ =	sdelay $0x3  }
0x2f2: {  	[tilespmem:v13+s21+$0x0] =	vst.idx.msk vm1, v14  }
0x2f3: {  	v28 =	vor.u32 $0x1, v13;
	v14 =	vld.idx.msk [tilespmem:v15+s15+$0x0], vm1  }
0x2f4: {  	v16 =	vor.u32 $0x100, v12;
	_ =	sdelay $0x3  }
0x2f5: {  	[tilespmem:v28+s21+$0x0] =	vst.idx.msk vm1, v14  }
0x2f6: {  	v29 =	vor.u32 $0x2, v13;
	v14 =	vld.idx.msk [tilespmem:v16+s15+$0x0], vm1  }
0x2f7: {  	v30 =	vor.u32 $0x180, v12;
	_ =	sdelay $0x3  }
0x2f8: {  	[tilespmem:v29+s21+$0x0] =	vst.idx.msk vm1, v14  }
0x2f9: {  	v31 =	vor.u32 $0x3, v13;
	v14 =	vld.idx.msk [tilespmem:v30+s15+$0x0], vm1  }
0x2fa: {  	v32 =	vor.u32 $0x200, v12;
	_ =	sdelay $0x3  }
0x2fb: {  	[tilespmem:v31+s21+$0x0] =	vst.idx.msk vm1, v14  }
0x2fc: {  	v33 =	vor.u32 $0x4, v13;
	v14 =	vld.idx.msk [tilespmem:v32+s15+$0x0], vm1  }
0x2fd: {  	v34 =	vor.u32 $0x280, v12;
	_ =	sdelay $0x3  }
0x2fe: {  	[tilespmem:v33+s21+$0x0] =	vst.idx.msk vm1, v14  }
0x2ff: {  	v35 =	vor.u32 $0x5, v13;
	v14 =	vld.idx.msk [tilespmem:v34+s15+$0x0], vm1  }
0x300: {  	v36 =	vor.u32 $0x300, v12;
	_ =	sdelay $0x3  }
0x301: {  	[tilespmem:v35+s21+$0x0] =	vst.idx.msk vm1, v14  }
0x302: {  	v37 =	vor.u32 $0x6, v13;
	v14 =	vld.idx.msk [tilespmem:v36+s15+$0x0], vm1  }
0x303: {  	v38 =	vor.u32 $0x380, v12;
	_ =	sdelay $0x3  }
0x304: {  	[tilespmem:v37+s21+$0x0] =	vst.idx.msk vm1, v14  }
0x305: {  	v39 =	vor.u32 $0x7, v13;
	v14 =	vld.idx.msk [tilespmem:v38+s15+$0x0], vm1  }
0x306: {  	v40 =	vadd.s32 $0x1000, v12;
	_ =	sdelay $0x3  }
0x307: {  	[tilespmem:v39+s21+$0x0] =	vst.idx.msk vm1, v14  }
0x308: {  	v41 =	vor.u32 $0x8, v13;
	v14 =	vld.idx.msk [tilespmem:v40+s15+$0x0], vm1  }
0x309: {  	v42 =	vadd.s32 $0x1080, v12;
	_ =	sdelay $0x3  }
0x30a: {  	[tilespmem:v41+s21+$0x0] =	vst.idx.msk vm1, v14  }
0x30b: {  	v43 =	vor.u32 $0x9, v13;
	v14 =	vld.idx.msk [tilespmem:v42+s15+$0x0], vm1  }
0x30c: {  	v44 =	vadd.s32 $0x1100, v12;
	_ =	sdelay $0x3  }
0x30d: {  	[tilespmem:v43+s21+$0x0] =	vst.idx.msk vm1, v14  }
0x30e: {  	v45 =	vor.u32 $0xA, v13;
	v14 =	vld.idx.msk [tilespmem:v44+s15+$0x0], vm1  }
0x30f: {  	v46 =	vadd.s32 $0x1180, v12;
	_ =	sdelay $0x3  }
0x310: {  	[tilespmem:v45+s21+$0x0] =	vst.idx.msk vm1, v14  }
0x311: {  	v47 =	vor.u32 $0xB, v13;
	v14 =	vld.idx.msk [tilespmem:v46+s15+$0x0], vm1  }
0x312: {  	v48 =	vadd.s32 $0x1200, v12;
	_ =	sdelay $0x3  }
0x313: {  	[tilespmem:v47+s21+$0x0] =	vst.idx.msk vm1, v14  }
0x314: {  	v49 =	vor.u32 $0xC, v13;
	v14 =	vld.idx.msk [tilespmem:v48+s15+$0x0], vm1  }
0x315: {  	v50 =	vadd.s32 $0x1280, v12;
	_ =	sdelay $0x3  }
0x316: {  	[tilespmem:v49+s21+$0x0] =	vst.idx.msk vm1, v14  }
0x317: {  	v51 =	vor.u32 $0xD, v13;
	v14 =	vld.idx.msk [tilespmem:v50+s15+$0x0], vm1  }
0x318: {  	v52 =	vadd.s32 $0x1300, v12;
	_ =	sdelay $0x3  }
0x319: {  	[tilespmem:v51+s21+$0x0] =	vst.idx.msk vm1, v14  }
0x31a: {  	v53 =	vor.u32 $0xE, v13;
	v14 =	vld.idx.msk [tilespmem:v52+s15+$0x0], vm1  }
0x31b: {  	v54 =	vadd.s32 $0x1380, v12;
	_ =	sdelay $0x3  }
0x31c: {  	[tilespmem:v53+s21+$0x0] =	vst.idx.msk vm1, v14  }
0x31d: {  	v55 =	vor.u32 $0xF, v13;
	v14 =	vld.idx.msk [tilespmem:v54+s15+$0x0], vm1  }
0x31e: {  	v56 =	vadd.s32 $0x2000, v12;
	_ =	sdelay $0x3  }
0x31f: {  	[tilespmem:v55+s21+$0x0] =	vst.idx.msk vm1, v14  }
0x320: {  	v57 =	vor.u32 $0x10, v13;
	v14 =	vld.idx.msk [tilespmem:v56+s15+$0x0], vm1  }
0x321: {  	v58 =	vadd.s32 $0x2080, v12;
	_ =	sdelay $0x3  }
0x322: {  	[tilespmem:v57+s21+$0x0] =	vst.idx.msk vm1, v14  }
0x323: {  	v59 =	vor.u32 $0x11, v13;
	v14 =	vld.idx.msk [tilespmem:v58+s15+$0x0], vm1  }
0x324: {  	v60 =	vadd.s32 $0x2100, v12;
	_ =	sdelay $0x3  }
0x325: {  	[tilespmem:v59+s21+$0x0] =	vst.idx.msk vm1, v14  }
0x326: {  	v61 =	vor.u32 $0x12, v13;
	v14 =	vld.idx.msk [tilespmem:v60+s15+$0x0], vm1  }
0x327: {  	v62 =	vadd.s32 $0x2180, v12;
	_ =	sdelay $0x3  }
0x328: {  	[tilespmem:v61+s21+$0x0] =	vst.idx.msk vm1, v14  }
0x329: {  	v63 =	vor.u32 $0x13, v13;
	v14 =	vld.idx.msk [tilespmem:v62+s15+$0x0], vm1  }
0x32a: {  	v20 =	vadd.s32 $0x2200, v12;
	_ =	sdelay $0x3  }
0x32b: {  	[tilespmem:v63+s21+$0x0] =	vst.idx.msk vm1, v14  }
0x32c: {  	v21 =	vor.u32 $0x14, v13;
	v14 =	vld.idx.msk [tilespmem:v20+s15+$0x0], vm1  }
0x32d: {  	v22 =	vadd.s32 $0x2280, v12;
	_ =	sdelay $0x3  }
0x32e: {  	[tilespmem:v21+s21+$0x0] =	vst.idx.msk vm1, v14  }
0x32f: {  	v23 =	vor.u32 $0x15, v13;
	v14 =	vld.idx.msk [tilespmem:v22+s15+$0x0], vm1  }
0x330: {  	v24 =	vadd.s32 $0x2300, v12;
	_ =	sdelay $0x3  }
0x331: {  	[tilespmem:v23+s21+$0x0] =	vst.idx.msk vm1, v14  }
0x332: {  	v25 =	vor.u32 $0x16, v13;
	v14 =	vld.idx.msk [tilespmem:v24+s15+$0x0], vm1  }
0x333: {  	v26 =	vadd.s32 $0x2380, v12;
	_ =	sdelay $0x3  }
0x334: {  	[tilespmem:v25+s21+$0x0] =	vst.idx.msk vm1, v14  }
0x335: {  	v27 =	vor.u32 $0x17, v13;
	v14 =	vld.idx.msk [tilespmem:v26+s15+$0x0], vm1  }
0x336: {  	v28 =	vadd.s32 $0x3000, v12;
	_ =	sdelay $0x3  }
0x337: {  	[tilespmem:v27+s21+$0x0] =	vst.idx.msk vm1, v14  }
0x338: {  	v29 =	vor.u32 $0x18, v13;
	v14 =	vld.idx.msk [tilespmem:v28+s15+$0x0], vm1  }
0x339: {  	v30 =	vadd.s32 $0x3080, v12;
	_ =	sdelay $0x3  }
0x33a: {  	[tilespmem:v29+s21+$0x0] =	vst.idx.msk vm1, v14  }
0x33b: {  	v31 =	vor.u32 $0x19, v13;
	v14 =	vld.idx.msk [tilespmem:v30+s15+$0x0], vm1  }
0x33c: {  	v32 =	vadd.s32 $0x3100, v12;
	_ =	sdelay $0x3  }
0x33d: {  	[tilespmem:v31+s21+$0x0] =	vst.idx.msk vm1, v14  }
0x33e: {  	v33 =	vor.u32 $0x1A, v13;
	v14 =	vld.idx.msk [tilespmem:v32+s15+$0x0], vm1  }
0x33f: {  	v34 =	vadd.s32 $0x3180, v12;
	_ =	sdelay $0x3  }
0x340: {  	[tilespmem:v33+s21+$0x0] =	vst.idx.msk vm1, v14  }
0x341: {  	v35 =	vor.u32 $0x1B, v13;
	v14 =	vld.idx.msk [tilespmem:v34+s15+$0x0], vm1  }
0x342: {  	v36 =	vadd.s32 $0x3200, v12;
	_ =	sdelay $0x3  }
0x343: {  	[tilespmem:v35+s21+$0x0] =	vst.idx.msk vm1, v14  }
0x344: {  	v37 =	vor.u32 $0x1C, v13;
	v14 =	vld.idx.msk [tilespmem:v36+s15+$0x0], vm1  }
0x345: {  	v38 =	vadd.s32 $0x3280, v12;
	_ =	sdelay $0x3  }
0x346: {  	[tilespmem:v37+s21+$0x0] =	vst.idx.msk vm1, v14  }
0x347: {  	v39 =	vor.u32 $0x1D, v13;
	v14 =	vld.idx.msk [tilespmem:v38+s15+$0x0], vm1  }
0x348: {  	v40 =	vadd.s32 $0x3300, v12;
	_ =	sdelay $0x3  }
0x349: {  	[tilespmem:v39+s21+$0x0] =	vst.idx.msk vm1, v14  }
0x34a: {  	v41 =	vor.u32 $0x1E, v13;
	v14 =	vld.idx.msk [tilespmem:v40+s15+$0x0], vm1  }
0x34b: {  	v42 =	vadd.s32 $0x3380, v12;
	_ =	sdelay $0x3  }
0x34c: {  	[tilespmem:v41+s21+$0x0] =	vst.idx.msk vm1, v14  }
0x34d: {  	v43 =	vor.u32 $0x1F, v13;
	v14 =	vld.idx.msk [tilespmem:v42+s15+$0x0], vm1  }
0x34e: {  	v44 =	vadd.s32 $0x4000, v12;
	_ =	sdelay $0x3  }
0x34f: {  	[tilespmem:v43+s21+$0x0] =	vst.idx.msk vm1, v14  }
0x350: {  	v45 =	vor.u32 $0x20, v13;
	v14 =	vld.idx.msk [tilespmem:v44+s15+$0x0], vm1  }
0x351: {  	v46 =	vadd.s32 $0x4080, v12;
	_ =	sdelay $0x3  }
0x352: {  	[tilespmem:v45+s21+$0x0] =	vst.idx.msk vm1, v14  }
0x353: {  	v47 =	vor.u32 $0x21, v13;
	v14 =	vld.idx.msk [tilespmem:v46+s15+$0x0], vm1  }
0x354: {  	v48 =	vadd.s32 $0x4100, v12;
	_ =	sdelay $0x3  }
0x355: {  	[tilespmem:v47+s21+$0x0] =	vst.idx.msk vm1, v14  }
0x356: {  	v49 =	vor.u32 $0x22, v13;
	v14 =	vld.idx.msk [tilespmem:v48+s15+$0x0], vm1  }
0x357: {  	v50 =	vadd.s32 $0x4180, v12;
	_ =	sdelay $0x3  }
0x358: {  	[tilespmem:v49+s21+$0x0] =	vst.idx.msk vm1, v14  }
0x359: {  	v51 =	vor.u32 $0x23, v13;
	v14 =	vld.idx.msk [tilespmem:v50+s15+$0x0], vm1  }
0x35a: {  	v52 =	vadd.s32 $0x4200, v12;
	_ =	sdelay $0x3  }
0x35b: {  	[tilespmem:v51+s21+$0x0] =	vst.idx.msk vm1, v14  }
0x35c: {  	v53 =	vor.u32 $0x24, v13;
	v14 =	vld.idx.msk [tilespmem:v52+s15+$0x0], vm1  }
0x35d: {  	v54 =	vadd.s32 $0x4280, v12;
	_ =	sdelay $0x3  }
0x35e: {  	[tilespmem:v53+s21+$0x0] =	vst.idx.msk vm1, v14  }
0x35f: {  	v55 =	vor.u32 $0x25, v13;
	v14 =	vld.idx.msk [tilespmem:v54+s15+$0x0], vm1  }
0x360: {  	v56 =	vadd.s32 $0x4300, v12;
	_ =	sdelay $0x3  }
0x361: {  	[tilespmem:v55+s21+$0x0] =	vst.idx.msk vm1, v14  }
0x362: {  	v57 =	vor.u32 $0x26, v13;
	v14 =	vld.idx.msk [tilespmem:v56+s15+$0x0], vm1  }
0x363: {  	v58 =	vadd.s32 $0x4380, v12;
	_ =	sdelay $0x3  }
0x364: {  	[tilespmem:v57+s21+$0x0] =	vst.idx.msk vm1, v14  }
0x365: {  	v59 =	vor.u32 $0x27, v13;
	v14 =	vld.idx.msk [tilespmem:v58+s15+$0x0], vm1  }
0x366: {  	v60 =	vadd.s32 $0x5000, v12;
	_ =	sdelay $0x3  }
0x367: {  	[tilespmem:v59+s21+$0x0] =	vst.idx.msk vm1, v14  }
0x368: {  	v61 =	vor.u32 $0x28, v13;
	v14 =	vld.idx.msk [tilespmem:v60+s15+$0x0], vm1  }
0x369: {  	v62 =	vadd.s32 $0x5080, v12;
	_ =	sdelay $0x3  }
0x36a: {  	[tilespmem:v61+s21+$0x0] =	vst.idx.msk vm1, v14  }
0x36b: {  	v63 =	vor.u32 $0x29, v13;
	v14 =	vld.idx.msk [tilespmem:v62+s15+$0x0], vm1  }
0x36c: {  	v20 =	vadd.s32 $0x5100, v12;
	_ =	sdelay $0x3  }
0x36d: {  	[tilespmem:v63+s21+$0x0] =	vst.idx.msk vm1, v14  }
0x36e: {  	v21 =	vor.u32 $0x2A, v13;
	v14 =	vld.idx.msk [tilespmem:v20+s15+$0x0], vm1  }
0x36f: {  	v22 =	vadd.s32 $0x5180, v12;
	_ =	sdelay $0x3  }
0x370: {  	[tilespmem:v21+s21+$0x0] =	vst.idx.msk vm1, v14  }
0x371: {  	v23 =	vor.u32 $0x2B, v13;
	v14 =	vld.idx.msk [tilespmem:v22+s15+$0x0], vm1  }
0x372: {  	v24 =	vadd.s32 $0x5200, v12;
	_ =	sdelay $0x3  }
0x373: {  	[tilespmem:v23+s21+$0x0] =	vst.idx.msk vm1, v14  }
0x374: {  	v25 =	vor.u32 $0x2C, v13;
	v14 =	vld.idx.msk [tilespmem:v24+s15+$0x0], vm1  }
0x375: {  	v26 =	vadd.s32 $0x5280, v12;
	_ =	sdelay $0x3  }
0x376: {  	[tilespmem:v25+s21+$0x0] =	vst.idx.msk vm1, v14  }
0x377: {  	v27 =	vor.u32 $0x2D, v13;
	v14 =	vld.idx.msk [tilespmem:v26+s15+$0x0], vm1  }
0x378: {  	v28 =	vadd.s32 $0x5300, v12;
	_ =	sdelay $0x3  }
0x379: {  	[tilespmem:v27+s21+$0x0] =	vst.idx.msk vm1, v14  }
0x37a: {  	v29 =	vor.u32 $0x2E, v13;
	v14 =	vld.idx.msk [tilespmem:v28+s15+$0x0], vm1  }
0x37b: {  	v30 =	vadd.s32 $0x5380, v12;
	_ =	sdelay $0x3  }
0x37c: {  	[tilespmem:v29+s21+$0x0] =	vst.idx.msk vm1, v14  }
0x37d: {  	v31 =	vor.u32 $0x2F, v13;
	v14 =	vld.idx.msk [tilespmem:v30+s15+$0x0], vm1  }
0x37e: {  	v32 =	vadd.s32 $0x6000, v12;
	_ =	sdelay $0x3  }
0x37f: {  	[tilespmem:v31+s21+$0x0] =	vst.idx.msk vm1, v14  }
0x380: {  	v33 =	vor.u32 $0x30, v13;
	v14 =	vld.idx.msk [tilespmem:v32+s15+$0x0], vm1  }
0x381: {  	v34 =	vadd.s32 $0x6080, v12;
	_ =	sdelay $0x3  }
0x382: {  	[tilespmem:v33+s21+$0x0] =	vst.idx.msk vm1, v14  }
0x383: {  	v35 =	vor.u32 $0x31, v13;
	v14 =	vld.idx.msk [tilespmem:v34+s15+$0x0], vm1  }
0x384: {  	v36 =	vadd.s32 $0x6100, v12;
	_ =	sdelay $0x3  }
0x385: {  	[tilespmem:v35+s21+$0x0] =	vst.idx.msk vm1, v14  }
0x386: {  	v37 =	vor.u32 $0x32, v13;
	v14 =	vld.idx.msk [tilespmem:v36+s15+$0x0], vm1  }
0x387: {  	v38 =	vadd.s32 $0x6180, v12;
	_ =	sdelay $0x3  }
0x388: {  	[tilespmem:v37+s21+$0x0] =	vst.idx.msk vm1, v14  }
0x389: {  	v39 =	vor.u32 $0x33, v13;
	v14 =	vld.idx.msk [tilespmem:v38+s15+$0x0], vm1  }
0x38a: {  	v40 =	vadd.s32 $0x6200, v12;
	_ =	sdelay $0x3  }
0x38b: {  	[tilespmem:v39+s21+$0x0] =	vst.idx.msk vm1, v14  }
0x38c: {  	v41 =	vor.u32 $0x34, v13;
	v14 =	vld.idx.msk [tilespmem:v40+s15+$0x0], vm1  }
0x38d: {  	v42 =	vadd.s32 $0x6280, v12;
	_ =	sdelay $0x3  }
0x38e: {  	[tilespmem:v41+s21+$0x0] =	vst.idx.msk vm1, v14  }
0x38f: {  	v43 =	vor.u32 $0x35, v13;
	v14 =	vld.idx.msk [tilespmem:v42+s15+$0x0], vm1  }
0x390: {  	v44 =	vadd.s32 $0x6300, v12;
	_ =	sdelay $0x3  }
0x391: {  	[tilespmem:v43+s21+$0x0] =	vst.idx.msk vm1, v14  }
0x392: {  	v45 =	vor.u32 $0x36, v13;
	v14 =	vld.idx.msk [tilespmem:v44+s15+$0x0], vm1  }
0x393: {  	v46 =	vadd.s32 $0x6380, v12;
	_ =	sdelay $0x3  }
0x394: {  	[tilespmem:v45+s21+$0x0] =	vst.idx.msk vm1, v14  }
0x395: {  	v47 =	vor.u32 $0x37, v13;
	v14 =	vld.idx.msk [tilespmem:v46+s15+$0x0], vm1  }
0x396: {  	v48 =	vadd.s32 $0x7000, v12;
	_ =	sdelay $0x3  }
0x397: {  	[tilespmem:v47+s21+$0x0] =	vst.idx.msk vm1, v14  }
0x398: {  	v49 =	vor.u32 $0x38, v13;
	v14 =	vld.idx.msk [tilespmem:v48+s15+$0x0], vm1  }
0x399: {  	v50 =	vadd.s32 $0x7080, v12;
	_ =	sdelay $0x3  }
0x39a: {  	[tilespmem:v49+s21+$0x0] =	vst.idx.msk vm1, v14  }
0x39b: {  	v51 =	vor.u32 $0x39, v13;
	v14 =	vld.idx.msk [tilespmem:v50+s15+$0x0], vm1  }
0x39c: {  	v52 =	vadd.s32 $0x7100, v12;
	_ =	sdelay $0x3  }
0x39d: {  	[tilespmem:v51+s21+$0x0] =	vst.idx.msk vm1, v14  }
0x39e: {  	v53 =	vor.u32 $0x3A, v13;
	v14 =	vld.idx.msk [tilespmem:v52+s15+$0x0], vm1  }
0x39f: {  	v54 =	vadd.s32 $0x7180, v12;
	_ =	sdelay $0x3  }
0x3a0: {  	[tilespmem:v53+s21+$0x0] =	vst.idx.msk vm1, v14  }
0x3a1: {  	v55 =	vor.u32 $0x3B, v13;
	v14 =	vld.idx.msk [tilespmem:v54+s15+$0x0], vm1  }
0x3a2: {  	v56 =	vadd.s32 $0x7200, v12  }
0x3a3: {  	v17 =	vmpcnt.ones.xlane vm1;
	_ =	sdelay $0x1  }
0x3a4: {  	v5 =	vadd.s32 v5, v17  }
0x3a5: {  	v57 =	vxor.u32 $0x80000000, v5;
	[tilespmem:v55+s21+$0x0] =	vst.idx.msk vm1, v14  }
0x3a6: {  	v58 =	vor.u32 $0x3C, v13;
	(xrf0) =	vmax.scan.msk.u32 $0xffff, v57;
	v15 =	vld.idx.msk [tilespmem:v56+s15+$0x0], vm1  }
0x3a7: {  	v59 =	vadd.s32 $0x7280, v12;
	_ =	sdelay $0x3  }
0x3a8: {  	[tilespmem:v58+s21+$0x0] =	vst.idx.msk vm1, v15  }
0x3a9: {  	v60 =	vor.u32 $0x3D, v13;
	v61, _, _ =	vpop (xrf0);
	v14 =	vld.idx.msk [tilespmem:v59+s15+$0x0], vm1  }
0x3aa: {  	(v2sf) =	vpush v61, $0xF;
	v62 =	vadd.s32 $0x7300, v12;
	_ =	sdelay $0x3  }
0x3ab: {  	[tilespmem:v60+s21+$0x0] =	vst.idx.msk vm1, v14  }
0x3ac: {  	v63 =	vor.u32 $0x3E, v13;
	v14 =	vld.idx.msk [tilespmem:v62+s15+$0x0], vm1  }
0x3ad: {  	v12 =	vadd.s32 $0x7380, v12;
	_ =	sdelay $0x3  }
0x3ae: {  	[tilespmem:v63+s21+$0x0] =	vst.idx.msk vm1, v14  }
0x3af: {  	v13 =	vor.u32 $0x3F, v13;
	v12 =	vld.idx.msk [tilespmem:v12+s15+$0x0], vm1;
	_ =	sdelay $0x3  }
0x3b0: {  	s0 =	spop (v2sf)  }
0x3b1: {  	p1 =	slt.u32 s0, $0x80000061;
	[tilespmem:v13+s21+$0x0] =	vst.idx.msk vm1, v12  }
0x3b2: {  	s0 =	simm.s32 @!p1 $0x70;
	s2 =	simm.s32 @!p1 $0x1FE80;
	s31 =	simm.s32 @!p1 $0x1C680;
	[tilespmem:v11+s22+$0x0] =	vst.idx.msk vm1, v10  }
0x3b3: {  	[hbm4b:s7+s0] =	stream.indirect.scatter @!p1 [tilespmem:s31], [sflag:$0x3], $0x80, s2, s0, $0xb8;
	[tilespmem:$0x1FF00] =	vst v63  }
0x3b4: {  	s0 =	simm.s32 @!p1 $0x3  }
0x3b5: {  	_ =	swait.ge @!p1 [sflag:s0], $0x3800  }
0x3b6: {  	[sflag:s0] =	ssyncset.done @!p1 $0x0  }
0x3b7: {  	v10 =	vimm.s32 @!p1 $0x4000;
	[sflag:s0] =	ssyncadd.s32 @!p1 $0xFFFFC800  }
0x3b8: {  	[tilespmem:$0x1FE80] =	vst @!p1 v10  }
0x3b9: {  	[tilespmem:$0x1FE90] =	vst @!p1 v10  }
0x3ba: {  	[tilespmem:$0x1FEA0] =	vst @!p1 v10  }
0x3bb: {  	[tilespmem:$0x1FEB0] =	vst @!p1 v10  }
0x3bc: {  	[tilespmem:$0x1FEC0] =	vst @!p1 v10  }
0x3bd: {  	[tilespmem:$0x1FED0] =	vst @!p1 v10  }
0x3be: {  	v5 =	vpsel !p1, $0x0, v5;
	[tilespmem:$0x1FEE0] =	vst @!p1 v10  }
.LBB2_13:
0x3bf: {  	vm1 =	vlt.s32 v8, $0x18  }
0x3c0: {  	v8 =	vnsel vm1, $0x18, v8  }
0x3c1: {  	vm1 =	vgt.s32 v8, v6  }
0x3c2: {  	v6 =	vsel vm1, $0x1, v1  }
0x3c3: {  	v6 =	vor.u32 $0x80000000, v6  }
0x3c4: {  	(xrf0) =	vmax.scan.msk.u32 $0xffff, v6;
	_ =	sdelay $0x5  }
0x3c5: {  	v6, _, _ =	vpop (xrf0)  }
0x3c6: {  	(v2sf) =	vpush v6, $0xF;
	_ =	sdelay $0xe  }
0x3c7: {  	s0 =	spop (v2sf)  }
0x3c8: {  	p1 =	slt.u32 s0, $0x80000001  }
.Ltmp8:
0x3c9: {  	_ = 	snop;
	(pc) =	sbr.rel @p1 .LBB2_15-.Ltmp8, $1  }
0x3ca: {  	_ =	sdelay $0x3  }
0x3cb: {  	v6 =	vld [tilespmem:s26+$0x10];
	_ =	sdelay $0x7  }
0x3cc: {  	v8 =	vld.idx.msk [tilespmem:v6+s4+$0x0], vm1;
	_ =	sdelay $0x4  }
0x3cd: {  	vm2 =	vge.s32 v8, v7;
	vm3 =	vlt.s32 v8, v9  }
0x3ce: {  	vm2 =	vmand vm2, vm3  }
0x3cf: {  	vm1 =	vmand vm1, vm2  }
0x3d0: {  	v7 =	vsub.s32 v8, v7;
	v34 =	vsel vm1, $0x1, v1  }
0x3d1: {  	v7 =	vnsel vm1, $0x0, v7;
	(xrf0) =	vadd.scan.msk.s32 $0xffff, v34  }
0x3d2: {  	v35 =	vshll.u32 v7, $0x3  }
0x3d3: {  	v7 =	vand.u32 $0x7F, v7;
	v8 =	vand.u32 $0xFFFFFC00, v35  }
0x3d4: {  	v8 =	vor.u32 v7, v8;
	_ =	sdelay $0x1  }
0x3d5: {  	v7 =	vsel vm1, $0xFFFFFFFF, v1  }
0x3d6: {  	v7 =	vadd.s32 v7, v5;
	v9, _, _ =	vpop (xrf0)  }
0x3d7: {  	v7 =	vadd.s32 v9, v7  }
0x3d8: {  	v10 =	vld.idx.msk [tilespmem:v8+s15+$0x0], vm1;
	v9 =	vshll.u32 v7, $0x7  }
0x3d9: {  	v11 =	vor.u32 $0x80, v8;
	_ =	sdelay $0x3  }
0x3da: {  	[tilespmem:v9+s21+$0x0] =	vst.idx.msk vm1, v10  }
0x3db: {  	v36 =	vor.u32 $0x1, v9;
	v10 =	vld.idx.msk [tilespmem:v11+s15+$0x0], vm1  }
0x3dc: {  	v12 =	vor.u32 $0x100, v8;
	_ =	sdelay $0x3  }
0x3dd: {  	[tilespmem:v36+s21+$0x0] =	vst.idx.msk vm1, v10  }
0x3de: {  	v37 =	vor.u32 $0x2, v9;
	v10 =	vld.idx.msk [tilespmem:v12+s15+$0x0], vm1  }
0x3df: {  	v38 =	vor.u32 $0x180, v8;
	_ =	sdelay $0x3  }
0x3e0: {  	[tilespmem:v37+s21+$0x0] =	vst.idx.msk vm1, v10  }
0x3e1: {  	v39 =	vor.u32 $0x3, v9;
	v10 =	vld.idx.msk [tilespmem:v38+s15+$0x0], vm1  }
0x3e2: {  	v40 =	vor.u32 $0x200, v8;
	_ =	sdelay $0x3  }
0x3e3: {  	[tilespmem:v39+s21+$0x0] =	vst.idx.msk vm1, v10  }
0x3e4: {  	v41 =	vor.u32 $0x4, v9;
	v10 =	vld.idx.msk [tilespmem:v40+s15+$0x0], vm1  }
0x3e5: {  	v42 =	vor.u32 $0x280, v8;
	_ =	sdelay $0x3  }
0x3e6: {  	[tilespmem:v41+s21+$0x0] =	vst.idx.msk vm1, v10  }
0x3e7: {  	v43 =	vor.u32 $0x5, v9;
	v10 =	vld.idx.msk [tilespmem:v42+s15+$0x0], vm1  }
0x3e8: {  	v44 =	vor.u32 $0x300, v8;
	_ =	sdelay $0x3  }
0x3e9: {  	[tilespmem:v43+s21+$0x0] =	vst.idx.msk vm1, v10  }
0x3ea: {  	v45 =	vor.u32 $0x6, v9;
	v10 =	vld.idx.msk [tilespmem:v44+s15+$0x0], vm1  }
0x3eb: {  	v46 =	vor.u32 $0x380, v8;
	_ =	sdelay $0x3  }
0x3ec: {  	[tilespmem:v45+s21+$0x0] =	vst.idx.msk vm1, v10  }
0x3ed: {  	v47 =	vor.u32 $0x7, v9;
	v10 =	vld.idx.msk [tilespmem:v46+s15+$0x0], vm1  }
0x3ee: {  	v48 =	vadd.s32 $0x1000, v8;
	_ =	sdelay $0x3  }
0x3ef: {  	[tilespmem:v47+s21+$0x0] =	vst.idx.msk vm1, v10  }
0x3f0: {  	v49 =	vor.u32 $0x8, v9;
	v10 =	vld.idx.msk [tilespmem:v48+s15+$0x0], vm1  }
0x3f1: {  	v50 =	vadd.s32 $0x1080, v8;
	_ =	sdelay $0x3  }
0x3f2: {  	[tilespmem:v49+s21+$0x0] =	vst.idx.msk vm1, v10  }
0x3f3: {  	v51 =	vor.u32 $0x9, v9;
	v10 =	vld.idx.msk [tilespmem:v50+s15+$0x0], vm1  }
0x3f4: {  	v52 =	vadd.s32 $0x1100, v8;
	_ =	sdelay $0x3  }
0x3f5: {  	[tilespmem:v51+s21+$0x0] =	vst.idx.msk vm1, v10  }
0x3f6: {  	v53 =	vor.u32 $0xA, v9;
	v10 =	vld.idx.msk [tilespmem:v52+s15+$0x0], vm1  }
0x3f7: {  	v54 =	vadd.s32 $0x1180, v8;
	_ =	sdelay $0x3  }
0x3f8: {  	[tilespmem:v53+s21+$0x0] =	vst.idx.msk vm1, v10  }
0x3f9: {  	v55 =	vor.u32 $0xB, v9;
	v10 =	vld.idx.msk [tilespmem:v54+s15+$0x0], vm1  }
0x3fa: {  	v56 =	vadd.s32 $0x1200, v8;
	_ =	sdelay $0x3  }
0x3fb: {  	[tilespmem:v55+s21+$0x0] =	vst.idx.msk vm1, v10  }
0x3fc: {  	v57 =	vor.u32 $0xC, v9;
	v10 =	vld.idx.msk [tilespmem:v56+s15+$0x0], vm1  }
0x3fd: {  	v58 =	vadd.s32 $0x1280, v8;
	_ =	sdelay $0x3  }
0x3fe: {  	[tilespmem:v57+s21+$0x0] =	vst.idx.msk vm1, v10  }
0x3ff: {  	v59 =	vor.u32 $0xD, v9;
	v10 =	vld.idx.msk [tilespmem:v58+s15+$0x0], vm1  }
0x400: {  	v60 =	vadd.s32 $0x1300, v8;
	_ =	sdelay $0x3  }
0x401: {  	[tilespmem:v59+s21+$0x0] =	vst.idx.msk vm1, v10  }
0x402: {  	v61 =	vor.u32 $0xE, v9;
	v10 =	vld.idx.msk [tilespmem:v60+s15+$0x0], vm1  }
0x403: {  	v62 =	vadd.s32 $0x1380, v8;
	_ =	sdelay $0x3  }
0x404: {  	[tilespmem:v61+s21+$0x0] =	vst.idx.msk vm1, v10  }
0x405: {  	v63 =	vor.u32 $0xF, v9;
	v10 =	vld.idx.msk [tilespmem:v62+s15+$0x0], vm1  }
0x406: {  	v16 =	vadd.s32 $0x2000, v8;
	_ =	sdelay $0x3  }
0x407: {  	[tilespmem:v63+s21+$0x0] =	vst.idx.msk vm1, v10  }
0x408: {  	v17 =	vor.u32 $0x10, v9;
	v10 =	vld.idx.msk [tilespmem:v16+s15+$0x0], vm1  }
0x409: {  	v18 =	vadd.s32 $0x2080, v8;
	_ =	sdelay $0x3  }
0x40a: {  	[tilespmem:v17+s21+$0x0] =	vst.idx.msk vm1, v10  }
0x40b: {  	v19 =	vor.u32 $0x11, v9;
	v10 =	vld.idx.msk [tilespmem:v18+s15+$0x0], vm1  }
0x40c: {  	v20 =	vadd.s32 $0x2100, v8;
	_ =	sdelay $0x3  }
0x40d: {  	[tilespmem:v19+s21+$0x0] =	vst.idx.msk vm1, v10  }
0x40e: {  	v21 =	vor.u32 $0x12, v9;
	v10 =	vld.idx.msk [tilespmem:v20+s15+$0x0], vm1  }
0x40f: {  	v22 =	vadd.s32 $0x2180, v8;
	_ =	sdelay $0x3  }
0x410: {  	[tilespmem:v21+s21+$0x0] =	vst.idx.msk vm1, v10  }
0x411: {  	v23 =	vor.u32 $0x13, v9;
	v10 =	vld.idx.msk [tilespmem:v22+s15+$0x0], vm1  }
0x412: {  	v24 =	vadd.s32 $0x2200, v8;
	_ =	sdelay $0x3  }
0x413: {  	[tilespmem:v23+s21+$0x0] =	vst.idx.msk vm1, v10  }
0x414: {  	v25 =	vor.u32 $0x14, v9;
	v10 =	vld.idx.msk [tilespmem:v24+s15+$0x0], vm1  }
0x415: {  	v26 =	vadd.s32 $0x2280, v8;
	_ =	sdelay $0x3  }
0x416: {  	[tilespmem:v25+s21+$0x0] =	vst.idx.msk vm1, v10  }
0x417: {  	v27 =	vor.u32 $0x15, v9;
	v10 =	vld.idx.msk [tilespmem:v26+s15+$0x0], vm1  }
0x418: {  	v28 =	vadd.s32 $0x2300, v8;
	_ =	sdelay $0x3  }
0x419: {  	[tilespmem:v27+s21+$0x0] =	vst.idx.msk vm1, v10  }
0x41a: {  	v29 =	vor.u32 $0x16, v9;
	v10 =	vld.idx.msk [tilespmem:v28+s15+$0x0], vm1  }
0x41b: {  	v30 =	vadd.s32 $0x2380, v8;
	_ =	sdelay $0x3  }
0x41c: {  	[tilespmem:v29+s21+$0x0] =	vst.idx.msk vm1, v10  }
0x41d: {  	v31 =	vor.u32 $0x17, v9;
	v10 =	vld.idx.msk [tilespmem:v30+s15+$0x0], vm1  }
0x41e: {  	v32 =	vadd.s32 $0x3000, v8;
	_ =	sdelay $0x3  }
0x41f: {  	[tilespmem:v31+s21+$0x0] =	vst.idx.msk vm1, v10  }
0x420: {  	v33 =	vor.u32 $0x18, v9;
	v10 =	vld.idx.msk [tilespmem:v32+s15+$0x0], vm1  }
0x421: {  	v34 =	vadd.s32 $0x3080, v8;
	_ =	sdelay $0x3  }
0x422: {  	[tilespmem:v33+s21+$0x0] =	vst.idx.msk vm1, v10  }
0x423: {  	v35 =	vor.u32 $0x19, v9;
	v10 =	vld.idx.msk [tilespmem:v34+s15+$0x0], vm1  }
0x424: {  	v36 =	vadd.s32 $0x3100, v8;
	_ =	sdelay $0x3  }
0x425: {  	[tilespmem:v35+s21+$0x0] =	vst.idx.msk vm1, v10  }
0x426: {  	v37 =	vor.u32 $0x1A, v9;
	v10 =	vld.idx.msk [tilespmem:v36+s15+$0x0], vm1  }
0x427: {  	v38 =	vadd.s32 $0x3180, v8;
	_ =	sdelay $0x3  }
0x428: {  	[tilespmem:v37+s21+$0x0] =	vst.idx.msk vm1, v10  }
0x429: {  	v39 =	vor.u32 $0x1B, v9;
	v10 =	vld.idx.msk [tilespmem:v38+s15+$0x0], vm1  }
0x42a: {  	v40 =	vadd.s32 $0x3200, v8;
	_ =	sdelay $0x3  }
0x42b: {  	[tilespmem:v39+s21+$0x0] =	vst.idx.msk vm1, v10  }
0x42c: {  	v41 =	vor.u32 $0x1C, v9;
	v10 =	vld.idx.msk [tilespmem:v40+s15+$0x0], vm1  }
0x42d: {  	v42 =	vadd.s32 $0x3280, v8;
	_ =	sdelay $0x3  }
0x42e: {  	[tilespmem:v41+s21+$0x0] =	vst.idx.msk vm1, v10  }
0x42f: {  	v43 =	vor.u32 $0x1D, v9;
	v10 =	vld.idx.msk [tilespmem:v42+s15+$0x0], vm1  }
0x430: {  	v44 =	vadd.s32 $0x3300, v8;
	_ =	sdelay $0x3  }
0x431: {  	[tilespmem:v43+s21+$0x0] =	vst.idx.msk vm1, v10  }
0x432: {  	v45 =	vor.u32 $0x1E, v9;
	v10 =	vld.idx.msk [tilespmem:v44+s15+$0x0], vm1  }
0x433: {  	v46 =	vadd.s32 $0x3380, v8;
	_ =	sdelay $0x3  }
0x434: {  	[tilespmem:v45+s21+$0x0] =	vst.idx.msk vm1, v10  }
0x435: {  	v47 =	vor.u32 $0x1F, v9;
	v10 =	vld.idx.msk [tilespmem:v46+s15+$0x0], vm1  }
0x436: {  	v48 =	vadd.s32 $0x4000, v8;
	_ =	sdelay $0x3  }
0x437: {  	[tilespmem:v47+s21+$0x0] =	vst.idx.msk vm1, v10  }
0x438: {  	v49 =	vor.u32 $0x20, v9;
	v10 =	vld.idx.msk [tilespmem:v48+s15+$0x0], vm1  }
0x439: {  	v50 =	vadd.s32 $0x4080, v8;
	_ =	sdelay $0x3  }
0x43a: {  	[tilespmem:v49+s21+$0x0] =	vst.idx.msk vm1, v10  }
0x43b: {  	v51 =	vor.u32 $0x21, v9;
	v10 =	vld.idx.msk [tilespmem:v50+s15+$0x0], vm1  }
0x43c: {  	v52 =	vadd.s32 $0x4100, v8;
	_ =	sdelay $0x3  }
0x43d: {  	[tilespmem:v51+s21+$0x0] =	vst.idx.msk vm1, v10  }
0x43e: {  	v53 =	vor.u32 $0x22, v9;
	v10 =	vld.idx.msk [tilespmem:v52+s15+$0x0], vm1  }
0x43f: {  	v54 =	vadd.s32 $0x4180, v8;
	_ =	sdelay $0x3  }
0x440: {  	[tilespmem:v53+s21+$0x0] =	vst.idx.msk vm1, v10  }
0x441: {  	v55 =	vor.u32 $0x23, v9;
	v10 =	vld.idx.msk [tilespmem:v54+s15+$0x0], vm1  }
0x442: {  	v56 =	vadd.s32 $0x4200, v8;
	_ =	sdelay $0x3  }
0x443: {  	[tilespmem:v55+s21+$0x0] =	vst.idx.msk vm1, v10  }
0x444: {  	v57 =	vor.u32 $0x24, v9;
	v10 =	vld.idx.msk [tilespmem:v56+s15+$0x0], vm1  }
0x445: {  	v58 =	vadd.s32 $0x4280, v8;
	_ =	sdelay $0x3  }
0x446: {  	[tilespmem:v57+s21+$0x0] =	vst.idx.msk vm1, v10  }
0x447: {  	v59 =	vor.u32 $0x25, v9;
	v10 =	vld.idx.msk [tilespmem:v58+s15+$0x0], vm1  }
0x448: {  	v60 =	vadd.s32 $0x4300, v8;
	_ =	sdelay $0x3  }
0x449: {  	[tilespmem:v59+s21+$0x0] =	vst.idx.msk vm1, v10  }
0x44a: {  	v61 =	vor.u32 $0x26, v9;
	v10 =	vld.idx.msk [tilespmem:v60+s15+$0x0], vm1  }
0x44b: {  	v62 =	vadd.s32 $0x4380, v8;
	_ =	sdelay $0x3  }
0x44c: {  	[tilespmem:v61+s21+$0x0] =	vst.idx.msk vm1, v10  }
0x44d: {  	v63 =	vor.u32 $0x27, v9;
	v10 =	vld.idx.msk [tilespmem:v62+s15+$0x0], vm1  }
0x44e: {  	v16 =	vadd.s32 $0x5000, v8;
	_ =	sdelay $0x3  }
0x44f: {  	[tilespmem:v63+s21+$0x0] =	vst.idx.msk vm1, v10  }
0x450: {  	v17 =	vor.u32 $0x28, v9;
	v10 =	vld.idx.msk [tilespmem:v16+s15+$0x0], vm1  }
0x451: {  	v18 =	vadd.s32 $0x5080, v8;
	_ =	sdelay $0x3  }
0x452: {  	[tilespmem:v17+s21+$0x0] =	vst.idx.msk vm1, v10  }
0x453: {  	v19 =	vor.u32 $0x29, v9;
	v10 =	vld.idx.msk [tilespmem:v18+s15+$0x0], vm1  }
0x454: {  	v20 =	vadd.s32 $0x5100, v8;
	_ =	sdelay $0x3  }
0x455: {  	[tilespmem:v19+s21+$0x0] =	vst.idx.msk vm1, v10  }
0x456: {  	v21 =	vor.u32 $0x2A, v9;
	v10 =	vld.idx.msk [tilespmem:v20+s15+$0x0], vm1  }
0x457: {  	v22 =	vadd.s32 $0x5180, v8;
	_ =	sdelay $0x3  }
0x458: {  	[tilespmem:v21+s21+$0x0] =	vst.idx.msk vm1, v10  }
0x459: {  	v23 =	vor.u32 $0x2B, v9;
	v10 =	vld.idx.msk [tilespmem:v22+s15+$0x0], vm1  }
0x45a: {  	v24 =	vadd.s32 $0x5200, v8;
	_ =	sdelay $0x3  }
0x45b: {  	[tilespmem:v23+s21+$0x0] =	vst.idx.msk vm1, v10  }
0x45c: {  	v25 =	vor.u32 $0x2C, v9;
	v10 =	vld.idx.msk [tilespmem:v24+s15+$0x0], vm1  }
0x45d: {  	v26 =	vadd.s32 $0x5280, v8;
	_ =	sdelay $0x3  }
0x45e: {  	[tilespmem:v25+s21+$0x0] =	vst.idx.msk vm1, v10  }
0x45f: {  	v27 =	vor.u32 $0x2D, v9;
	v10 =	vld.idx.msk [tilespmem:v26+s15+$0x0], vm1  }
0x460: {  	v28 =	vadd.s32 $0x5300, v8;
	_ =	sdelay $0x3  }
0x461: {  	[tilespmem:v27+s21+$0x0] =	vst.idx.msk vm1, v10  }
0x462: {  	v29 =	vor.u32 $0x2E, v9;
	v10 =	vld.idx.msk [tilespmem:v28+s15+$0x0], vm1  }
0x463: {  	v30 =	vadd.s32 $0x5380, v8;
	_ =	sdelay $0x3  }
0x464: {  	[tilespmem:v29+s21+$0x0] =	vst.idx.msk vm1, v10  }
0x465: {  	v31 =	vor.u32 $0x2F, v9;
	v10 =	vld.idx.msk [tilespmem:v30+s15+$0x0], vm1  }
0x466: {  	v32 =	vadd.s32 $0x6000, v8;
	_ =	sdelay $0x3  }
0x467: {  	[tilespmem:v31+s21+$0x0] =	vst.idx.msk vm1, v10  }
0x468: {  	v33 =	vor.u32 $0x30, v9;
	v10 =	vld.idx.msk [tilespmem:v32+s15+$0x0], vm1  }
0x469: {  	v34 =	vadd.s32 $0x6080, v8;
	_ =	sdelay $0x3  }
0x46a: {  	[tilespmem:v33+s21+$0x0] =	vst.idx.msk vm1, v10  }
0x46b: {  	v35 =	vor.u32 $0x31, v9;
	v10 =	vld.idx.msk [tilespmem:v34+s15+$0x0], vm1  }
0x46c: {  	v36 =	vadd.s32 $0x6100, v8;
	_ =	sdelay $0x3  }
0x46d: {  	[tilespmem:v35+s21+$0x0] =	vst.idx.msk vm1, v10  }
0x46e: {  	v37 =	vor.u32 $0x32, v9;
	v10 =	vld.idx.msk [tilespmem:v36+s15+$0x0], vm1  }
0x46f: {  	v38 =	vadd.s32 $0x6180, v8;
	_ =	sdelay $0x3  }
0x470: {  	[tilespmem:v37+s21+$0x0] =	vst.idx.msk vm1, v10  }
0x471: {  	v39 =	vor.u32 $0x33, v9;
	v10 =	vld.idx.msk [tilespmem:v38+s15+$0x0], vm1  }
0x472: {  	v40 =	vadd.s32 $0x6200, v8;
	_ =	sdelay $0x3  }
0x473: {  	[tilespmem:v39+s21+$0x0] =	vst.idx.msk vm1, v10  }
0x474: {  	v41 =	vor.u32 $0x34, v9;
	v10 =	vld.idx.msk [tilespmem:v40+s15+$0x0], vm1  }
0x475: {  	v42 =	vadd.s32 $0x6280, v8;
	_ =	sdelay $0x3  }
0x476: {  	[tilespmem:v41+s21+$0x0] =	vst.idx.msk vm1, v10  }
0x477: {  	v43 =	vor.u32 $0x35, v9;
	v10 =	vld.idx.msk [tilespmem:v42+s15+$0x0], vm1  }
0x478: {  	v44 =	vadd.s32 $0x6300, v8;
	_ =	sdelay $0x3  }
0x479: {  	[tilespmem:v43+s21+$0x0] =	vst.idx.msk vm1, v10  }
0x47a: {  	v45 =	vor.u32 $0x36, v9;
	v10 =	vld.idx.msk [tilespmem:v44+s15+$0x0], vm1  }
0x47b: {  	v46 =	vadd.s32 $0x6380, v8;
	_ =	sdelay $0x3  }
0x47c: {  	[tilespmem:v45+s21+$0x0] =	vst.idx.msk vm1, v10  }
0x47d: {  	v47 =	vor.u32 $0x37, v9;
	v10 =	vld.idx.msk [tilespmem:v46+s15+$0x0], vm1  }
0x47e: {  	v48 =	vadd.s32 $0x7000, v8;
	_ =	sdelay $0x3  }
0x47f: {  	[tilespmem:v47+s21+$0x0] =	vst.idx.msk vm1, v10  }
0x480: {  	v49 =	vor.u32 $0x38, v9;
	v10 =	vld.idx.msk [tilespmem:v48+s15+$0x0], vm1  }
0x481: {  	v50 =	vadd.s32 $0x7080, v8;
	_ =	sdelay $0x3  }
0x482: {  	[tilespmem:v49+s21+$0x0] =	vst.idx.msk vm1, v10  }
0x483: {  	v51 =	vor.u32 $0x39, v9;
	v10 =	vld.idx.msk [tilespmem:v50+s15+$0x0], vm1  }
0x484: {  	v52 =	vadd.s32 $0x7100, v8;
	_ =	sdelay $0x3  }
0x485: {  	[tilespmem:v51+s21+$0x0] =	vst.idx.msk vm1, v10  }
0x486: {  	v53 =	vor.u32 $0x3A, v9;
	v10 =	vld.idx.msk [tilespmem:v52+s15+$0x0], vm1  }
0x487: {  	v54 =	vadd.s32 $0x7180, v8;
	_ =	sdelay $0x3  }
0x488: {  	[tilespmem:v53+s21+$0x0] =	vst.idx.msk vm1, v10  }
0x489: {  	v55 =	vor.u32 $0x3B, v9;
	v10 =	vld.idx.msk [tilespmem:v54+s15+$0x0], vm1  }
0x48a: {  	v56 =	vadd.s32 $0x7200, v8  }
0x48b: {  	v13 =	vmpcnt.ones.xlane vm1;
	_ =	sdelay $0x1  }
0x48c: {  	v5 =	vadd.s32 v5, v13  }
0x48d: {  	v57 =	vxor.u32 $0x80000000, v5;
	[tilespmem:v55+s21+$0x0] =	vst.idx.msk vm1, v10  }
0x48e: {  	v58 =	vor.u32 $0x3C, v9;
	(xrf0) =	vmax.scan.msk.u32 $0xffff, v57;
	v11 =	vld.idx.msk [tilespmem:v56+s15+$0x0], vm1  }
0x48f: {  	v59 =	vadd.s32 $0x7280, v8;
	_ =	sdelay $0x3  }
0x490: {  	[tilespmem:v58+s21+$0x0] =	vst.idx.msk vm1, v11  }
0x491: {  	v60 =	vor.u32 $0x3D, v9;
	v61, _, _ =	vpop (xrf0);
	v10 =	vld.idx.msk [tilespmem:v59+s15+$0x0], vm1  }
0x492: {  	(v2sf) =	vpush v61, $0xF;
	v62 =	vadd.s32 $0x7300, v8;
	_ =	sdelay $0x3  }
0x493: {  	[tilespmem:v60+s21+$0x0] =	vst.idx.msk vm1, v10  }
0x494: {  	v63 =	vor.u32 $0x3E, v9;
	v10 =	vld.idx.msk [tilespmem:v62+s15+$0x0], vm1  }
0x495: {  	v8 =	vadd.s32 $0x7380, v8;
	_ =	sdelay $0x3  }
0x496: {  	[tilespmem:v63+s21+$0x0] =	vst.idx.msk vm1, v10  }
0x497: {  	v9 =	vor.u32 $0x3F, v9;
	v8 =	vld.idx.msk [tilespmem:v8+s15+$0x0], vm1;
	_ =	sdelay $0x3  }
0x498: {  	s0 =	spop (v2sf)  }
0x499: {  	p1 =	slt.u32 s0, $0x80000061;
	[tilespmem:v9+s21+$0x0] =	vst.idx.msk vm1, v8  }
0x49a: {  	s0 =	simm.s32 @!p1 $0x70;
	s2 =	simm.s32 @!p1 $0x1FE80;
	s31 =	simm.s32 @!p1 $0x1C680;
	[tilespmem:v7+s22+$0x0] =	vst.idx.msk vm1, v6  }
0x49b: {  	[hbm4b:s7+s0] =	stream.indirect.scatter @!p1 [tilespmem:s31], [sflag:$0x3], $0x80, s2, s0, $0xb8;
	[tilespmem:$0x1FF00] =	vst v63  }
0x49c: {  	s0 =	simm.s32 @!p1 $0x3  }
0x49d: {  	_ =	swait.ge @!p1 [sflag:s0], $0x3800  }
0x49e: {  	[sflag:s0] =	ssyncset.done @!p1 $0x0  }
0x49f: {  	v6 =	vimm.s32 @!p1 $0x4000;
	[sflag:s0] =	ssyncadd.s32 @!p1 $0xFFFFC800  }
0x4a0: {  	[tilespmem:$0x1FE80] =	vst @!p1 v6  }
0x4a1: {  	[tilespmem:$0x1FE90] =	vst @!p1 v6  }
0x4a2: {  	[tilespmem:$0x1FEA0] =	vst @!p1 v6  }
0x4a3: {  	[tilespmem:$0x1FEB0] =	vst @!p1 v6  }
0x4a4: {  	[tilespmem:$0x1FEC0] =	vst @!p1 v6  }
0x4a5: {  	[tilespmem:$0x1FED0] =	vst @!p1 v6  }
0x4a6: {  	v5 =	vpsel !p1, $0x0, v5;
	[tilespmem:$0x1FEE0] =	vst @!p1 v6  }
.LBB2_15:
.Ltmp9:
0x4a7: {  	(pc) =	sbr.rel @p0 .LBB2_17-.Ltmp9, $1  }
0x4a8: {  	_ =	sdelay $0x3  }
0x4a9: {  	s0 =	sadd.s32 $0x60, s30  }
0x4aa: {  	p0 =	slt.s32 s0, $0x7A1  }
.Ltmp10:
0x4ab: {  	s0 =	simm.s32 @!p0 $0x7A1;
	(pc) =	sbr.rel .LBB2_7-.Ltmp10, $4  }
0x4ac: {  	s0 =	sshll.u32 s0, $0x9  }
0x4ad: {  	s29 =	sadd.s32 $0x40, s29;
	s25 =	sadd.s32 $0x2, s25;
	s0 =	smin.u32 s0, $0xF4080  }
0x4ae: {  	s28 =	sadd.s32 $0x8000, s28;
	s26 =	sadd.s32 $0x30, s26;
	s0 =	sadd.s32 s3, s0  }
0x4af: {  	[tilespmem:s15], [sflag:$0x2] =	stream.strided.gather [hbm4b:s0+s13], $0x8000, s12, s13, $0x38;
	[tilespmem:$0x1FF00] =	vst v63  }
.LBB2_17:
0x4b0: {  	v6 =	vxor.u32 $0x80000000, v4  }
0x4b1: {  	v5 =	vxor.u32 $0x80000000, v5;
	(xrf0) =	vmax.scan.msk.u32 $0xffff, v6  }
0x4b2: {  	(xrf0) =	vmax.scan.msk.u32 $0xffff, v5;
	_ =	sdelay $0x4  }
0x4b3: {  	v5, _, _ =	vpop (xrf0)  }
0x4b4: {  	(v2sf) =	vpush v5, $0xF;
	v5, _, _ =	vpop (xrf0)  }
0x4b5: {  	(v2sf) =	vpush v5, $0xF;
	_ =	sdelay $0xd  }
0x4b6: {  	s25 =	spop (v2sf)  }
0x4b7: {  	s0 =	spop (v2sf)  }
0x4b8: {  	p0 =	slt.u32 s0, $0x80000001  }
0x4b9: {  	s0 =	simm.s32 @!p0 $0x70;
	s2 =	simm.s32 @!p0 $0x1FE80;
	s26 =	simm.s32 @!p0 $0x1C680  }
0x4ba: {  	[hbm4b:s7+s0] =	stream.indirect.scatter @!p0 [tilespmem:s26], [sflag:$0x3], $0x80, s2, s0, $0xb8;
	[tilespmem:$0x1FF00] =	vst v63  }
0x4bb: {  	s0 =	simm.s32 @!p0 $0x3  }
0x4bc: {  	_ =	swait.ge @!p0 [sflag:s0], $0x3800  }
0x4bd: {  	[sflag:s0] =	ssyncset.done @!p0 $0x0  }
0x4be: {  	v5 =	vimm.s32 @!p0 $0x4000;
	[sflag:s0] =	ssyncadd.s32 @!p0 $0xFFFFC800  }
0x4bf: {  	[tilespmem:$0x1FE80] =	vst @!p0 v5  }
0x4c0: {  	p1 =	slt.u32 s25, $0x80000001;
	[tilespmem:$0x1FE90] =	vst @!p0 v5  }
.Ltmp11:
0x4c1: {  	[tilespmem:$0x1FEA0] =	vst @!p0 v5;
	(pc) =	sbr.rel @p1 .LBB2_24-.Ltmp11, $4  }
0x4c2: {  	[tilespmem:$0x1FEB0] =	vst @!p0 v5  }
0x4c3: {  	[tilespmem:$0x1FEC0] =	vst @!p0 v5  }
0x4c4: {  	[tilespmem:$0x1FED0] =	vst @!p0 v5  }
0x4c5: {  	[tilespmem:$0x1FEE0] =	vst @!p0 v5  }
0x4c6: {  	s0 =	sadd.s32 $0x8000000F, s25  }
0x4c7: {  	s2 =	sand.u32 $0xF, s0  }
0x4c8: {  	s31 =	sshra.s32 s0, $0x1F;
	p1 =	slt.s32 s0, $0x0;
	p0 =	sne.s32 s2, $0x0  }
.Ltmp12:
0x4c9: {  	s2 =	sshrl.u32 s31, $0x1C;
	p0 =	por !p1, !p0;
	(pc) =	sbr.rel .LBB2_19-.Ltmp12, $4  }
0x4ca: {  	s0 =	sadd.s32 s2, s0;
	s2 =	simm.s32 $0x1;
	p0 =	por !p0, !p0  }
0x4cb: {  	s0 =	sshra.s32 s0, $0x4;
	s2 =	simm.s32 @!p0 $0x0  }
0x4cc: {  	s25 =	ssub.s32 s0, s2  }
0x4cd: {  	s26 =	simm.s32 $0x0;
	v7 =	vimm.s32 $0x0;
	p0 =	slt.s32 s25, $0x1  }
.LBB2_22:
0x4ce: {  	s26 =	sadd.s32 $0x1, s26  }
0x4cf: {  	p1 =	sne.s32 s26, $0x3E  }
.Ltmp13:
0x4d0: {  	_ = 	snop;
	(pc) =	sbr.rel @!p1 .LBB2_23-.Ltmp13, $1  }
0x4d1: {  	_ =	sdelay $0x3  }
.LBB2_19:
0x4d2: {  	s0 =	sshll.u32 s26, $0x5  }
0x4d3: {  	s0 =	sor.u32 s5, s0  }
0x4d4: {  	s0 =	smin.u32 s0, $0x7A1  }
0x4d5: {  	s0 =	sshll.u32 s0, $0x9  }
0x4d6: {  	s28 =	smin.u32 s0, $0xF4080  }
.Ltmp14:
0x4d7: {  	s0 =	sadd.s32 s3, s28;
	(pc) =	sbr.rel @p0 .LBB2_22-.Ltmp14, $4  }
0x4d8: {  	[tilespmem:s14], [sflag:$0x1] =	stream.strided.gather [hbm4b:s0+s13], $0x8000, s12, s13, $0x38;
	[tilespmem:$0x1FF00] =	vst v63  }
0x4d9: {  	_ =	swait.ge [sflag:s17], $0x8000  }
0x4da: {  	[sflag:s17] =	ssyncset.done $0x0  }
0x4db: {  	[sflag:s17] =	ssyncadd.s32 $0xFFFF8000  }
0x4dc: {  	v5 =	vmov s28  }
0x4dd: {  	s28 =	simm.s32 $0x8000;
	s29 =	simm.s32 $0x0;
	s30 =	smov.u32 s25;
	v6 =	vadd.s32 $0x200, v5  }
.LBB2_21:
0x4de: {  	v8 =	vld [tilespmem:s28+$0x0]  }
0x4df: {  	v9 =	vor.u32 s29, v2  }
0x4e0: {  	vm1 =	vlt.s32 v9, v4;
	_ =	sdelay $0x5  }
0x4e1: {  	v9 =	vld.idx.msk [tilespmem:v8+s4+$0x0], vm1;
	_ =	sdelay $0x4  }
0x4e2: {  	vm2 =	vlt.s32 v9, v6  }
0x4e3: {  	vm3 =	vge.s32 v9, v5;
	vm1 =	vmand vm2, vm1  }
0x4e4: {  	vm1 =	vmand vm1, vm3  }
0x4e5: {  	v9 =	vsub.s32 v9, v5;
	v10 =	vsel vm1, $0x1, v1  }
0x4e6: {  	v9 =	vnsel vm1, $0x0, v9;
	(xrf0) =	vadd.scan.msk.s32 $0xffff, v10  }
0x4e7: {  	v34 =	vshll.u32 v9, $0x3  }
0x4e8: {  	v9 =	vand.u32 $0x7F, v9;
	v10 =	vand.u32 $0xFFFFFC00, v34  }
0x4e9: {  	v10 =	vor.u32 v9, v10;
	_ =	sdelay $0x1  }
0x4ea: {  	v35 =	vsel vm1, $0xFFFFFFFF, v1  }
0x4eb: {  	v9 =	vadd.s32 v35, v7;
	v11, _, _ =	vpop (xrf0)  }
0x4ec: {  	v9 =	vadd.s32 v11, v9  }
0x4ed: {  	v12 =	vld.idx.msk [tilespmem:v10+s14+$0x0], vm1;
	v11 =	vshll.u32 v9, $0x7  }
0x4ee: {  	v13 =	vor.u32 $0x80, v10;
	_ =	sdelay $0x3  }
0x4ef: {  	[tilespmem:v11+s21+$0x0] =	vst.idx.msk vm1, v12  }
0x4f0: {  	v36 =	vor.u32 $0x1, v11;
	v12 =	vld.idx.msk [tilespmem:v13+s14+$0x0], vm1  }
0x4f1: {  	v14 =	vor.u32 $0x100, v10;
	_ =	sdelay $0x3  }
0x4f2: {  	[tilespmem:v36+s21+$0x0] =	vst.idx.msk vm1, v12  }
0x4f3: {  	v37 =	vor.u32 $0x2, v11;
	v12 =	vld.idx.msk [tilespmem:v14+s14+$0x0], vm1  }
0x4f4: {  	v38 =	vor.u32 $0x180, v10;
	_ =	sdelay $0x3  }
0x4f5: {  	[tilespmem:v37+s21+$0x0] =	vst.idx.msk vm1, v12  }
0x4f6: {  	v39 =	vor.u32 $0x3, v11;
	v12 =	vld.idx.msk [tilespmem:v38+s14+$0x0], vm1  }
0x4f7: {  	v40 =	vor.u32 $0x200, v10;
	_ =	sdelay $0x3  }
0x4f8: {  	[tilespmem:v39+s21+$0x0] =	vst.idx.msk vm1, v12  }
0x4f9: {  	v41 =	vor.u32 $0x4, v11;
	v12 =	vld.idx.msk [tilespmem:v40+s14+$0x0], vm1  }
0x4fa: {  	v42 =	vor.u32 $0x280, v10;
	_ =	sdelay $0x3  }
0x4fb: {  	[tilespmem:v41+s21+$0x0] =	vst.idx.msk vm1, v12  }
0x4fc: {  	v43 =	vor.u32 $0x5, v11;
	v12 =	vld.idx.msk [tilespmem:v42+s14+$0x0], vm1  }
0x4fd: {  	v44 =	vor.u32 $0x300, v10;
	_ =	sdelay $0x3  }
0x4fe: {  	[tilespmem:v43+s21+$0x0] =	vst.idx.msk vm1, v12  }
0x4ff: {  	v45 =	vor.u32 $0x6, v11;
	v12 =	vld.idx.msk [tilespmem:v44+s14+$0x0], vm1  }
0x500: {  	v46 =	vor.u32 $0x380, v10;
	_ =	sdelay $0x3  }
0x501: {  	[tilespmem:v45+s21+$0x0] =	vst.idx.msk vm1, v12  }
0x502: {  	v47 =	vor.u32 $0x7, v11;
	v12 =	vld.idx.msk [tilespmem:v46+s14+$0x0], vm1  }
0x503: {  	v48 =	vadd.s32 $0x1000, v10;
	_ =	sdelay $0x3  }
0x504: {  	[tilespmem:v47+s21+$0x0] =	vst.idx.msk vm1, v12  }
0x505: {  	v49 =	vor.u32 $0x8, v11;
	v12 =	vld.idx.msk [tilespmem:v48+s14+$0x0], vm1  }
0x506: {  	v50 =	vadd.s32 $0x1080, v10;
	_ =	sdelay $0x3  }
0x507: {  	[tilespmem:v49+s21+$0x0] =	vst.idx.msk vm1, v12  }
0x508: {  	v51 =	vor.u32 $0x9, v11;
	v12 =	vld.idx.msk [tilespmem:v50+s14+$0x0], vm1  }
0x509: {  	v52 =	vadd.s32 $0x1100, v10;
	_ =	sdelay $0x3  }
0x50a: {  	[tilespmem:v51+s21+$0x0] =	vst.idx.msk vm1, v12  }
0x50b: {  	v53 =	vor.u32 $0xA, v11;
	v12 =	vld.idx.msk [tilespmem:v52+s14+$0x0], vm1  }
0x50c: {  	v54 =	vadd.s32 $0x1180, v10;
	_ =	sdelay $0x3  }
0x50d: {  	[tilespmem:v53+s21+$0x0] =	vst.idx.msk vm1, v12  }
0x50e: {  	v55 =	vor.u32 $0xB, v11;
	v12 =	vld.idx.msk [tilespmem:v54+s14+$0x0], vm1  }
0x50f: {  	v56 =	vadd.s32 $0x1200, v10;
	_ =	sdelay $0x3  }
0x510: {  	[tilespmem:v55+s21+$0x0] =	vst.idx.msk vm1, v12  }
0x511: {  	v57 =	vor.u32 $0xC, v11;
	v12 =	vld.idx.msk [tilespmem:v56+s14+$0x0], vm1  }
0x512: {  	v58 =	vadd.s32 $0x1280, v10;
	_ =	sdelay $0x3  }
0x513: {  	[tilespmem:v57+s21+$0x0] =	vst.idx.msk vm1, v12  }
0x514: {  	v59 =	vor.u32 $0xD, v11;
	v12 =	vld.idx.msk [tilespmem:v58+s14+$0x0], vm1  }
0x515: {  	v60 =	vadd.s32 $0x1300, v10;
	_ =	sdelay $0x3  }
0x516: {  	[tilespmem:v59+s21+$0x0] =	vst.idx.msk vm1, v12  }
0x517: {  	v61 =	vor.u32 $0xE, v11;
	v12 =	vld.idx.msk [tilespmem:v60+s14+$0x0], vm1  }
0x518: {  	v62 =	vadd.s32 $0x1380, v10;
	_ =	sdelay $0x3  }
0x519: {  	[tilespmem:v61+s21+$0x0] =	vst.idx.msk vm1, v12  }
0x51a: {  	v63 =	vor.u32 $0xF, v11;
	v12 =	vld.idx.msk [tilespmem:v62+s14+$0x0], vm1  }
0x51b: {  	v16 =	vadd.s32 $0x2000, v10;
	_ =	sdelay $0x3  }
0x51c: {  	[tilespmem:v63+s21+$0x0] =	vst.idx.msk vm1, v12  }
0x51d: {  	v17 =	vor.u32 $0x10, v11;
	v12 =	vld.idx.msk [tilespmem:v16+s14+$0x0], vm1  }
0x51e: {  	v18 =	vadd.s32 $0x2080, v10;
	_ =	sdelay $0x3  }
0x51f: {  	[tilespmem:v17+s21+$0x0] =	vst.idx.msk vm1, v12  }
0x520: {  	v19 =	vor.u32 $0x11, v11;
	v12 =	vld.idx.msk [tilespmem:v18+s14+$0x0], vm1  }
0x521: {  	v20 =	vadd.s32 $0x2100, v10;
	_ =	sdelay $0x3  }
0x522: {  	[tilespmem:v19+s21+$0x0] =	vst.idx.msk vm1, v12  }
0x523: {  	v21 =	vor.u32 $0x12, v11;
	v12 =	vld.idx.msk [tilespmem:v20+s14+$0x0], vm1  }
0x524: {  	v22 =	vadd.s32 $0x2180, v10;
	_ =	sdelay $0x3  }
0x525: {  	[tilespmem:v21+s21+$0x0] =	vst.idx.msk vm1, v12  }
0x526: {  	v23 =	vor.u32 $0x13, v11;
	v12 =	vld.idx.msk [tilespmem:v22+s14+$0x0], vm1  }
0x527: {  	v24 =	vadd.s32 $0x2200, v10;
	_ =	sdelay $0x3  }
0x528: {  	[tilespmem:v23+s21+$0x0] =	vst.idx.msk vm1, v12  }
0x529: {  	v25 =	vor.u32 $0x14, v11;
	v12 =	vld.idx.msk [tilespmem:v24+s14+$0x0], vm1  }
0x52a: {  	v26 =	vadd.s32 $0x2280, v10;
	_ =	sdelay $0x3  }
0x52b: {  	[tilespmem:v25+s21+$0x0] =	vst.idx.msk vm1, v12  }
0x52c: {  	v27 =	vor.u32 $0x15, v11;
	v12 =	vld.idx.msk [tilespmem:v26+s14+$0x0], vm1  }
0x52d: {  	v28 =	vadd.s32 $0x2300, v10;
	_ =	sdelay $0x3  }
0x52e: {  	[tilespmem:v27+s21+$0x0] =	vst.idx.msk vm1, v12  }
0x52f: {  	v29 =	vor.u32 $0x16, v11;
	v12 =	vld.idx.msk [tilespmem:v28+s14+$0x0], vm1  }
0x530: {  	v30 =	vadd.s32 $0x2380, v10;
	_ =	sdelay $0x3  }
0x531: {  	[tilespmem:v29+s21+$0x0] =	vst.idx.msk vm1, v12  }
0x532: {  	v31 =	vor.u32 $0x17, v11;
	v12 =	vld.idx.msk [tilespmem:v30+s14+$0x0], vm1  }
0x533: {  	v32 =	vadd.s32 $0x3000, v10;
	_ =	sdelay $0x3  }
0x534: {  	[tilespmem:v31+s21+$0x0] =	vst.idx.msk vm1, v12  }
0x535: {  	v33 =	vor.u32 $0x18, v11;
	v12 =	vld.idx.msk [tilespmem:v32+s14+$0x0], vm1  }
0x536: {  	v34 =	vadd.s32 $0x3080, v10;
	_ =	sdelay $0x3  }
0x537: {  	[tilespmem:v33+s21+$0x0] =	vst.idx.msk vm1, v12  }
0x538: {  	v35 =	vor.u32 $0x19, v11;
	v12 =	vld.idx.msk [tilespmem:v34+s14+$0x0], vm1  }
0x539: {  	v36 =	vadd.s32 $0x3100, v10;
	_ =	sdelay $0x3  }
0x53a: {  	[tilespmem:v35+s21+$0x0] =	vst.idx.msk vm1, v12  }
0x53b: {  	v37 =	vor.u32 $0x1A, v11;
	v12 =	vld.idx.msk [tilespmem:v36+s14+$0x0], vm1  }
0x53c: {  	v38 =	vadd.s32 $0x3180, v10;
	_ =	sdelay $0x3  }
0x53d: {  	[tilespmem:v37+s21+$0x0] =	vst.idx.msk vm1, v12  }
0x53e: {  	v39 =	vor.u32 $0x1B, v11;
	v12 =	vld.idx.msk [tilespmem:v38+s14+$0x0], vm1  }
0x53f: {  	v40 =	vadd.s32 $0x3200, v10;
	_ =	sdelay $0x3  }
0x540: {  	[tilespmem:v39+s21+$0x0] =	vst.idx.msk vm1, v12  }
0x541: {  	v41 =	vor.u32 $0x1C, v11;
	v12 =	vld.idx.msk [tilespmem:v40+s14+$0x0], vm1  }
0x542: {  	v42 =	vadd.s32 $0x3280, v10;
	_ =	sdelay $0x3  }
0x543: {  	[tilespmem:v41+s21+$0x0] =	vst.idx.msk vm1, v12  }
0x544: {  	v43 =	vor.u32 $0x1D, v11;
	v12 =	vld.idx.msk [tilespmem:v42+s14+$0x0], vm1  }
0x545: {  	v44 =	vadd.s32 $0x3300, v10;
	_ =	sdelay $0x3  }
0x546: {  	[tilespmem:v43+s21+$0x0] =	vst.idx.msk vm1, v12  }
0x547: {  	v45 =	vor.u32 $0x1E, v11;
	v12 =	vld.idx.msk [tilespmem:v44+s14+$0x0], vm1  }
0x548: {  	v46 =	vadd.s32 $0x3380, v10;
	_ =	sdelay $0x3  }
0x549: {  	[tilespmem:v45+s21+$0x0] =	vst.idx.msk vm1, v12  }
0x54a: {  	v47 =	vor.u32 $0x1F, v11;
	v12 =	vld.idx.msk [tilespmem:v46+s14+$0x0], vm1  }
0x54b: {  	v48 =	vadd.s32 $0x4000, v10;
	_ =	sdelay $0x3  }
0x54c: {  	[tilespmem:v47+s21+$0x0] =	vst.idx.msk vm1, v12  }
0x54d: {  	v49 =	vor.u32 $0x20, v11;
	v12 =	vld.idx.msk [tilespmem:v48+s14+$0x0], vm1  }
0x54e: {  	v50 =	vadd.s32 $0x4080, v10;
	_ =	sdelay $0x3  }
0x54f: {  	[tilespmem:v49+s21+$0x0] =	vst.idx.msk vm1, v12  }
0x550: {  	v51 =	vor.u32 $0x21, v11;
	v12 =	vld.idx.msk [tilespmem:v50+s14+$0x0], vm1  }
0x551: {  	v52 =	vadd.s32 $0x4100, v10;
	_ =	sdelay $0x3  }
0x552: {  	[tilespmem:v51+s21+$0x0] =	vst.idx.msk vm1, v12  }
0x553: {  	v53 =	vor.u32 $0x22, v11;
	v12 =	vld.idx.msk [tilespmem:v52+s14+$0x0], vm1  }
0x554: {  	v54 =	vadd.s32 $0x4180, v10;
	_ =	sdelay $0x3  }
0x555: {  	[tilespmem:v53+s21+$0x0] =	vst.idx.msk vm1, v12  }
0x556: {  	v55 =	vor.u32 $0x23, v11;
	v12 =	vld.idx.msk [tilespmem:v54+s14+$0x0], vm1  }
0x557: {  	v56 =	vadd.s32 $0x4200, v10;
	_ =	sdelay $0x3  }
0x558: {  	[tilespmem:v55+s21+$0x0] =	vst.idx.msk vm1, v12  }
0x559: {  	v57 =	vor.u32 $0x24, v11;
	v12 =	vld.idx.msk [tilespmem:v56+s14+$0x0], vm1  }
0x55a: {  	v58 =	vadd.s32 $0x4280, v10;
	_ =	sdelay $0x3  }
0x55b: {  	[tilespmem:v57+s21+$0x0] =	vst.idx.msk vm1, v12  }
0x55c: {  	v59 =	vor.u32 $0x25, v11;
	v12 =	vld.idx.msk [tilespmem:v58+s14+$0x0], vm1  }
0x55d: {  	v60 =	vadd.s32 $0x4300, v10;
	_ =	sdelay $0x3  }
0x55e: {  	[tilespmem:v59+s21+$0x0] =	vst.idx.msk vm1, v12  }
0x55f: {  	v61 =	vor.u32 $0x26, v11;
	v12 =	vld.idx.msk [tilespmem:v60+s14+$0x0], vm1  }
0x560: {  	v62 =	vadd.s32 $0x4380, v10;
	_ =	sdelay $0x3  }
0x561: {  	[tilespmem:v61+s21+$0x0] =	vst.idx.msk vm1, v12  }
0x562: {  	v63 =	vor.u32 $0x27, v11;
	v12 =	vld.idx.msk [tilespmem:v62+s14+$0x0], vm1  }
0x563: {  	v16 =	vadd.s32 $0x5000, v10;
	_ =	sdelay $0x3  }
0x564: {  	[tilespmem:v63+s21+$0x0] =	vst.idx.msk vm1, v12  }
0x565: {  	v17 =	vor.u32 $0x28, v11;
	v12 =	vld.idx.msk [tilespmem:v16+s14+$0x0], vm1  }
0x566: {  	v18 =	vadd.s32 $0x5080, v10;
	_ =	sdelay $0x3  }
0x567: {  	[tilespmem:v17+s21+$0x0] =	vst.idx.msk vm1, v12  }
0x568: {  	v19 =	vor.u32 $0x29, v11;
	v12 =	vld.idx.msk [tilespmem:v18+s14+$0x0], vm1  }
0x569: {  	v20 =	vadd.s32 $0x5100, v10;
	_ =	sdelay $0x3  }
0x56a: {  	[tilespmem:v19+s21+$0x0] =	vst.idx.msk vm1, v12  }
0x56b: {  	v21 =	vor.u32 $0x2A, v11;
	v12 =	vld.idx.msk [tilespmem:v20+s14+$0x0], vm1  }
0x56c: {  	v22 =	vadd.s32 $0x5180, v10;
	_ =	sdelay $0x3  }
0x56d: {  	[tilespmem:v21+s21+$0x0] =	vst.idx.msk vm1, v12  }
0x56e: {  	v23 =	vor.u32 $0x2B, v11;
	v12 =	vld.idx.msk [tilespmem:v22+s14+$0x0], vm1  }
0x56f: {  	v24 =	vadd.s32 $0x5200, v10;
	_ =	sdelay $0x3  }
0x570: {  	[tilespmem:v23+s21+$0x0] =	vst.idx.msk vm1, v12  }
0x571: {  	v25 =	vor.u32 $0x2C, v11;
	v12 =	vld.idx.msk [tilespmem:v24+s14+$0x0], vm1  }
0x572: {  	v26 =	vadd.s32 $0x5280, v10;
	_ =	sdelay $0x3  }
0x573: {  	[tilespmem:v25+s21+$0x0] =	vst.idx.msk vm1, v12  }
0x574: {  	v27 =	vor.u32 $0x2D, v11;
	v12 =	vld.idx.msk [tilespmem:v26+s14+$0x0], vm1  }
0x575: {  	v28 =	vadd.s32 $0x5300, v10;
	_ =	sdelay $0x3  }
0x576: {  	[tilespmem:v27+s21+$0x0] =	vst.idx.msk vm1, v12  }
0x577: {  	v29 =	vor.u32 $0x2E, v11;
	v12 =	vld.idx.msk [tilespmem:v28+s14+$0x0], vm1  }
0x578: {  	v30 =	vadd.s32 $0x5380, v10;
	_ =	sdelay $0x3  }
0x579: {  	[tilespmem:v29+s21+$0x0] =	vst.idx.msk vm1, v12  }
0x57a: {  	v31 =	vor.u32 $0x2F, v11;
	v12 =	vld.idx.msk [tilespmem:v30+s14+$0x0], vm1  }
0x57b: {  	v32 =	vadd.s32 $0x6000, v10;
	_ =	sdelay $0x3  }
0x57c: {  	[tilespmem:v31+s21+$0x0] =	vst.idx.msk vm1, v12  }
0x57d: {  	v33 =	vor.u32 $0x30, v11;
	v12 =	vld.idx.msk [tilespmem:v32+s14+$0x0], vm1  }
0x57e: {  	v34 =	vadd.s32 $0x6080, v10;
	_ =	sdelay $0x3  }
0x57f: {  	[tilespmem:v33+s21+$0x0] =	vst.idx.msk vm1, v12  }
0x580: {  	v35 =	vor.u32 $0x31, v11;
	v12 =	vld.idx.msk [tilespmem:v34+s14+$0x0], vm1  }
0x581: {  	v36 =	vadd.s32 $0x6100, v10;
	_ =	sdelay $0x3  }
0x582: {  	[tilespmem:v35+s21+$0x0] =	vst.idx.msk vm1, v12  }
0x583: {  	v37 =	vor.u32 $0x32, v11;
	v12 =	vld.idx.msk [tilespmem:v36+s14+$0x0], vm1  }
0x584: {  	v38 =	vadd.s32 $0x6180, v10;
	_ =	sdelay $0x3  }
0x585: {  	[tilespmem:v37+s21+$0x0] =	vst.idx.msk vm1, v12  }
0x586: {  	v39 =	vor.u32 $0x33, v11;
	v12 =	vld.idx.msk [tilespmem:v38+s14+$0x0], vm1  }
0x587: {  	v40 =	vadd.s32 $0x6200, v10;
	_ =	sdelay $0x3  }
0x588: {  	[tilespmem:v39+s21+$0x0] =	vst.idx.msk vm1, v12  }
0x589: {  	v41 =	vor.u32 $0x34, v11;
	v12 =	vld.idx.msk [tilespmem:v40+s14+$0x0], vm1  }
0x58a: {  	v42 =	vadd.s32 $0x6280, v10;
	_ =	sdelay $0x3  }
0x58b: {  	[tilespmem:v41+s21+$0x0] =	vst.idx.msk vm1, v12  }
0x58c: {  	v43 =	vor.u32 $0x35, v11;
	v12 =	vld.idx.msk [tilespmem:v42+s14+$0x0], vm1  }
0x58d: {  	v44 =	vadd.s32 $0x6300, v10;
	_ =	sdelay $0x3  }
0x58e: {  	[tilespmem:v43+s21+$0x0] =	vst.idx.msk vm1, v12  }
0x58f: {  	v45 =	vor.u32 $0x36, v11;
	v12 =	vld.idx.msk [tilespmem:v44+s14+$0x0], vm1  }
0x590: {  	v46 =	vadd.s32 $0x6380, v10;
	_ =	sdelay $0x3  }
0x591: {  	[tilespmem:v45+s21+$0x0] =	vst.idx.msk vm1, v12  }
0x592: {  	v47 =	vor.u32 $0x37, v11;
	v12 =	vld.idx.msk [tilespmem:v46+s14+$0x0], vm1  }
0x593: {  	v48 =	vadd.s32 $0x7000, v10;
	_ =	sdelay $0x3  }
0x594: {  	[tilespmem:v47+s21+$0x0] =	vst.idx.msk vm1, v12  }
0x595: {  	v49 =	vor.u32 $0x38, v11;
	v12 =	vld.idx.msk [tilespmem:v48+s14+$0x0], vm1  }
0x596: {  	v50 =	vadd.s32 $0x7080, v10;
	_ =	sdelay $0x3  }
0x597: {  	[tilespmem:v49+s21+$0x0] =	vst.idx.msk vm1, v12  }
0x598: {  	v51 =	vor.u32 $0x39, v11;
	v12 =	vld.idx.msk [tilespmem:v50+s14+$0x0], vm1  }
0x599: {  	v52 =	vadd.s32 $0x7100, v10;
	_ =	sdelay $0x3  }
0x59a: {  	[tilespmem:v51+s21+$0x0] =	vst.idx.msk vm1, v12  }
0x59b: {  	v53 =	vor.u32 $0x3A, v11;
	v12 =	vld.idx.msk [tilespmem:v52+s14+$0x0], vm1  }
0x59c: {  	v54 =	vadd.s32 $0x7180, v10;
	_ =	sdelay $0x3  }
0x59d: {  	[tilespmem:v53+s21+$0x0] =	vst.idx.msk vm1, v12  }
0x59e: {  	v55 =	vor.u32 $0x3B, v11;
	v12 =	vld.idx.msk [tilespmem:v54+s14+$0x0], vm1  }
0x59f: {  	v56 =	vadd.s32 $0x7200, v10  }
0x5a0: {  	v15 =	vmpcnt.ones.xlane vm1;
	_ =	sdelay $0x1  }
0x5a1: {  	v7 =	vadd.s32 v7, v15  }
0x5a2: {  	v57 =	vxor.u32 $0x80000000, v7;
	[tilespmem:v55+s21+$0x0] =	vst.idx.msk vm1, v12  }
0x5a3: {  	v58 =	vor.u32 $0x3C, v11;
	(xrf0) =	vmax.scan.msk.u32 $0xffff, v57;
	v13 =	vld.idx.msk [tilespmem:v56+s14+$0x0], vm1  }
0x5a4: {  	v59 =	vadd.s32 $0x7280, v10;
	_ =	sdelay $0x3  }
0x5a5: {  	[tilespmem:v58+s21+$0x0] =	vst.idx.msk vm1, v13  }
0x5a6: {  	v60 =	vor.u32 $0x3D, v11;
	v61, _, _ =	vpop (xrf0);
	v12 =	vld.idx.msk [tilespmem:v59+s14+$0x0], vm1  }
0x5a7: {  	(v2sf) =	vpush v61, $0xF;
	v62 =	vadd.s32 $0x7300, v10;
	_ =	sdelay $0x3  }
0x5a8: {  	[tilespmem:v60+s21+$0x0] =	vst.idx.msk vm1, v12  }
0x5a9: {  	v63 =	vor.u32 $0x3E, v11;
	v12 =	vld.idx.msk [tilespmem:v62+s14+$0x0], vm1  }
0x5aa: {  	v10 =	vadd.s32 $0x7380, v10;
	_ =	sdelay $0x3  }
0x5ab: {  	[tilespmem:v63+s21+$0x0] =	vst.idx.msk vm1, v12  }
0x5ac: {  	v11 =	vor.u32 $0x3F, v11;
	v10 =	vld.idx.msk [tilespmem:v10+s14+$0x0], vm1;
	_ =	sdelay $0x3  }
0x5ad: {  	s0 =	spop (v2sf)  }
0x5ae: {  	p1 =	slt.u32 s0, $0x80000061;
	[tilespmem:v11+s21+$0x0] =	vst.idx.msk vm1, v10  }
0x5af: {  	s0 =	simm.s32 @!p1 $0x70;
	s2 =	simm.s32 @!p1 $0x1FE80;
	s31 =	simm.s32 @!p1 $0x1C680;
	[tilespmem:v9+s22+$0x0] =	vst.idx.msk vm1, v8  }
0x5b0: {  	[hbm4b:s7+s0] =	stream.indirect.scatter @!p1 [tilespmem:s31], [sflag:$0x3], $0x80, s2, s0, $0xb8;
	[tilespmem:$0x1FF00] =	vst v63  }
0x5b1: {  	s0 =	simm.s32 @!p1 $0x3  }
0x5b2: {  	_ =	swait.ge @!p1 [sflag:s0], $0x3800  }
0x5b3: {  	[sflag:s0] =	ssyncset.done @!p1 $0x0  }
0x5b4: {  	v8 =	vimm.s32 @!p1 $0x4000;
	[sflag:s0] =	ssyncadd.s32 @!p1 $0xFFFFC800  }
0x5b5: {  	s30 =	sadd.s32 $0xFFFFFFFF, s30;
	[tilespmem:$0x1FE80] =	vst @!p1 v8  }
0x5b6: {  	p2 =	sne.s32 s30, $0x0;
	[tilespmem:$0x1FE90] =	vst @!p1 v8  }
.Ltmp15:
0x5b7: {  	[tilespmem:$0x1FEA0] =	vst @!p1 v8;
	(pc) =	sbr.rel @p2 .LBB2_21-.Ltmp15, $4  }
0x5b8: {  	[tilespmem:$0x1FEB0] =	vst @!p1 v8  }
0x5b9: {  	[tilespmem:$0x1FEC0] =	vst @!p1 v8  }
0x5ba: {  	[tilespmem:$0x1FED0] =	vst @!p1 v8  }
0x5bb: {  	s28 =	sadd.s32 $0x10, s28;
	s29 =	sadd.s32 $0x10, s29;
	v7 =	vpsel !p1, $0x0, v7;
	[tilespmem:$0x1FEE0] =	vst @!p1 v8  }
.Ltmp16:
0x5bc: {  	_ = 	snop;
	(pc) =	sbr.rel .LBB2_22-.Ltmp16, $1  }
0x5bd: {  	_ =	sdelay $0x3  }
.LBB2_25:
0x5be: {  	_ =	sfence.sel $0x180000  }
0x5bf: {  	[bflag:$0x0] =	sbarrier.arrive $0xFFFF  }
0x5c0: {  	_ =	strace $0x90000047  }
0x5c1: {  	s0 =	stileid.u32;
	[bflag:$0x2] =	sbarrier.arrive $0xFFFF  }
0x5c2: {  	p0 =	sne.s32 s0, $0x0;
	s0 =	rddreg [dreg:$0x3]  }
0x5c3: {  	s0 =	sadd.s32 @!p0 $0x100000, s0  }
0x5c4: {  	[sflag:s0] =	ssyncadd.tile.s32 @!p0 $0x1;
	_ =	shalt  }
.Lfunc_end2:
_tile_overlayer_lowered:
.L_overlay_start_2:
0x5c5: {  	(tag) =	ssettag $0x2  }
0x5c6: {  	s0 =	rddreg [dreg:$0x0];
	s2 =	stileid.u32  }
0x5c7: {  	s1 =	rddreg [dreg:$0x1];
	p0 =	sne.s32 s2, $0x0  }
0x5c8: {  	s3 =	rddreg [dreg:$0x2];
	[bflag:$0x3] =	sbarrier.arrive $0xFFFF;
	s2 =	simm.s32 @!p0 $0x1C04  }
0x5c9: {  	[timem:s3], [sflag:s2] =	dma.local @!p0 [hbm:s0], s1  }
0x5ca: {  	s0 =	simm.s32 @!p0 $0x4  }
0x5cb: {  	_ =	swait.ge @!p0 [sflag:s0], s1  }
0x5cc: {  	s1 =	ssub.s32 @!p0 $0x0, s1;
	[sflag:s0] =	ssyncset.done @!p0 $0x0  }
0x5cd: {  	[sflag:s0] =	ssyncadd.s32 @!p0 s1  }
0x5ce: {  	[bflag:$0x3] =	sbarrier.arrive $0xFFFF  }
0x5cf: {  	_ =	shalt  }

</sc_bundles>
